<compile_context>
chip_gen: v7x
topology: tpu7x:2x2x1
jax: 0.10.2.dev20260603
libtpu: 0.0.44.dev20260713+nightly
codegen_flags: <defaults>
</compile_context>

<pallas_src>
import functools

import jax
import jax.numpy as jnp
from jax import lax
from jax.experimental import pallas as pl
from jax.experimental.pallas import tpu as pltpu
from jax.experimental.pallas import tpu_sc as plsc

L = 16
NC = 2
NS = 16
NW = NC * NS


def _normalize_body(x_ref, o_ref):
    x = x_ref[...]
    ss = jnp.sum(x * x, axis=1, keepdims=True)
    scale = jnp.minimum(1.0, 1.0 / jnp.maximum(jnp.sqrt(ss), 1e-7))
    o_ref[...] = x * scale


def _normalize_table(E):
    n, k = E.shape
    bs = 10000 if n % 10000 == 0 else (1000 if n % 1000 == 0 else 8)
    assert n % bs == 0 and bs % 8 == 0
    return pl.pallas_call(
        _normalize_body,
        grid=(n // bs,),
        in_specs=[pl.BlockSpec((bs, k), lambda g: (g, 0))],
        out_specs=pl.BlockSpec((bs, k), lambda g: (g, 0)),
        out_shape=jax.ShapeDtypeStruct((n, k), jnp.float32),
    )(E)


def _rsqrt_vec(x):
    ix = plsc.bitcast(x, jnp.int32)
    iy = jnp.int32(0x5F3759DF) - lax.shift_right_logical(ix, 1)
    y = plsc.bitcast(iy, jnp.float32)
    for _ in range(3):
        y = y * (1.5 - 0.5 * x * y * y)
    return y


def _make_sc_kernel(B, F, K):
    IPW = B // NW
    NCH = K // L
    RPI = F * F
    mesh = plsc.VectorSubcoreMesh(core_axis_name="c", subcore_axis_name="s")

    @functools.partial(
        pl.kernel,
        out_type=jax.ShapeDtypeStruct((B,), jnp.float32),
        mesh=mesh,
        scratch_types=[
            pltpu.VMEM((IPW * RPI,), jnp.int32),
            pltpu.VMEM((IPW * F,), jnp.int32),
            pltpu.VMEM((IPW,), jnp.int32),
            pltpu.VMEM((IPW,), jnp.int32),
            pltpu.VMEM((IPW, K), jnp.float32),
            pltpu.VMEM((IPW, K), jnp.float32),
            pltpu.VMEM((2, RPI, K), jnp.float32),
            pltpu.VMEM((2, F, K), jnp.float32),
            pltpu.VMEM((IPW,), jnp.float32),
            pltpu.VMEM((L,), jnp.float32),
            pltpu.SemaphoreType.DMA,
            pltpu.SemaphoreType.DMA,
            pltpu.SemaphoreType.DMA,
        ],
        compiler_params=pltpu.CompilerParams(needs_layout_passes=False),
    )
    def sc_kernel(en_hbm, u_tab_hbm, u_hbm, i_hbm, adj1_hbm, adj2_hbm,
                  out_hbm, idx2_v, idx1_v, i_idx, u_idx, irows_v, urows_v,
                  nb_v, tg_v, out_v, red_v, sem_pro, sem_g0, sem_g1):
        sems = (sem_g0, sem_g1)
        wid = lax.axis_index("s") * NC + lax.axis_index("c")
        ibase = wid * IPW

        pltpu.sync_copy(adj2_hbm.at[pl.ds(ibase * RPI, IPW * RPI)], idx2_v)
        pltpu.sync_copy(adj1_hbm.at[pl.ds(ibase * F, IPW * F)], idx1_v)
        pltpu.sync_copy(i_hbm.at[pl.ds(ibase, IPW)], i_idx)
        pltpu.sync_copy(u_hbm.at[pl.ds(ibase, IPW)], u_idx)
        cp_i = pltpu.async_copy(en_hbm.at[i_idx], irows_v, sem_pro)
        cp_u = pltpu.async_copy(u_tab_hbm.at[u_idx], urows_v, sem_pro)

        def issue(li, d):
            o2 = pl.multiple_of(li * RPI, 8)
            for h in range(RPI // 128):
                pltpu.async_copy(
                    en_hbm.at[idx2_v.at[pl.ds(o2 + h * 128, 128)]],
                    nb_v.at[d, pl.ds(h * 128, 128)], sems[d])
            o1 = pl.multiple_of(li * F, 8)
            pltpu.async_copy(en_hbm.at[idx1_v.at[pl.ds(o1, F)]],
                             tg_v.at[d], sems[d])

        def drain(d):
            for h in range(RPI // 128):
                pltpu.make_async_copy(
                    en_hbm.at[idx2_v.at[pl.ds(h * 128, 128)]],
                    nb_v.at[d, pl.ds(h * 128, 128)], sems[d]).wait()
            pltpu.make_async_copy(en_hbm.at[idx1_v.at[pl.ds(0, F)]],
                                  tg_v.at[d], sems[d]).wait()

        zero = jnp.zeros((L,), jnp.float32)
        lanes = lax.iota(jnp.int32, L)

        def reduce_tree(v):
            for sh in (8, 4, 2, 1):
                red_v[...] = v
                v = v + plsc.load_gather(red_v, [lanes ^ sh])
            return v

        def compute(li, d):
            def f_body(f, SQ):
                s = [zero] * NCH
                q = [zero] * NCH
                for j in range(F):
                    row = f * F + j
                    for c in range(NCH):
                        v = nb_v[d, row, pl.ds(c * L, L)]
                        s[c] = s[c] + v
                        q[c] = q[c] + v * v
                avals = []
                for c in range(NCH):
                    t = tg_v[d, f, pl.ds(c * L, L)]
                    avals.append(s[c] * s[c] - q[c] + t)
                res = []
                for c in range(NCH):
                    res.append(SQ[c] + avals[c])
                for c in range(NCH):
                    res.append(SQ[NCH + c] + avals[c] * avals[c])
                return tuple(res)

            SQ = lax.fori_loop(0, F, f_body, tuple([zero] * (2 * NCH)))

            acc_dot = zero
            acc_ss = zero
            for c in range(NCH):
                agg1 = SQ[c] * SQ[c] - SQ[NCH + c]
                itemv = agg1 + irows_v[li, pl.ds(c * L, L)]
                uv = urows_v[li, pl.ds(c * L, L)]
                acc_dot = acc_dot + itemv * uv
                acc_ss = acc_ss + uv * uv
            dotv = reduce_tree(acc_dot)
            ssv = jnp.maximum(reduce_tree(acc_ss), 1e-30)
            scale = jnp.minimum(1.0, _rsqrt_vec(ssv))
            x = dotv * scale
            sig = 1.0 / (1.0 + jnp.exp(-x))
            plsc.store_scatter(out_v, [jnp.full((L,), li, jnp.int32)],
                               sig, mask=lanes == 0)

        issue(0, 0)
        cp_i.wait()
        cp_u.wait()

        def body2(it2, carry):
            a = it2 * 2
            issue(a + 1, 1)
            drain(0)
            compute(a, 0)

            @pl.when(a + 2 < IPW)
            def _():
                issue(a + 2, 0)

            drain(1)
            compute(a + 1, 1)
            return carry

        lax.fori_loop(0, IPW // 2, body2, 0)

        pltpu.sync_copy(out_v, out_hbm.at[pl.ds(ibase, IPW)])

    return sc_kernel


def kernel(u, i, adj1, adj2, E, U, Wa, ba, Wh, bh):
    B, F = adj1.shape
    K = E.shape[1]
    En = _normalize_table(E)
    sck = _make_sc_kernel(B, F, K)

    def as_i32(x):
        return x if x.dtype == jnp.int32 else x.astype(jnp.int32)

    return sck(En, U, as_i32(u), as_i32(i),
               as_i32(adj1.reshape(-1)), as_i32(adj2.reshape(-1)))

# --- scband reference (transcript-rebuilt; emitter-appended) ---
"""Pipeline reference for scband-gafm-item-35381940584972 (READ-ONLY COPY).

The authoritative reference and input builder live on the scoring server;
editing this copy changes nothing except your own understanding.
"""

import jax, jax.numpy as jnp
import numpy as np

N_USERS = 100000
N_ENTITYS = 100000
K_DIM = 128
T_DIM = 64
B = 1024
FANOUT = 16

def max_norm_lookup(table, idx, max_norm=1.0):
    # emulate nn.Embedding(max_norm=1): renormalize looked-up rows whose L2 norm exceeds 1
    emb = jnp.take(table, idx, axis=0)
    norm = jnp.linalg.norm(emb, axis=-1, keepdims=True)
    scale = jnp.minimum(1.0, max_norm / jnp.maximum(norm, 1e-7))
    return emb * scale

def fm_aggregator(feature_embs):
    square_of_sum = jnp.sum(feature_embs, axis=1) ** 2
    sum_of_square = jnp.sum(feature_embs ** 2, axis=1)
    return square_of_sum - sum_of_square

def attention_item(target_embs, embs, Wa, ba, Wh, bh):
    h = jnp.dot(target_embs * embs, Wa) + ba
    h = jax.nn.relu(h)
    h = jnp.dot(h, Wh) + bh
    return jax.nn.softmax(h, axis=1)

def setup_inputs(seed: int = 0) -> dict:
    key = jax.random.key(seed)
    ks = jax.random.split(key, 10)
    u = jax.random.randint(ks[0], (B,), 0, N_USERS, dtype=jnp.int64 if jax.config.read('jax_enable_x64') else jnp.int32).astype(jnp.int32)
    i = jax.random.randint(ks[1], (B,), 0, N_ENTITYS).astype(jnp.int32)
    adj1 = jax.random.randint(ks[2], (B, FANOUT), 0, N_ENTITYS).astype(jnp.int32)
    adj2 = jax.random.randint(ks[3], (B * FANOUT, FANOUT), 0, N_ENTITYS).astype(jnp.int32)
    E = jax.random.normal(ks[4], (N_ENTITYS, K_DIM), dtype=jnp.float32) * 0.1
    U = jax.random.normal(ks[5], (N_USERS, K_DIM), dtype=jnp.float32) * 0.1
    Wa = jax.random.normal(ks[6], (K_DIM, T_DIM), dtype=jnp.float32) * (1.0 / np.sqrt(K_DIM))
    ba = jnp.zeros((T_DIM,), dtype=jnp.float32)
    Wh = jax.random.normal(ks[7], (T_DIM, 1), dtype=jnp.float32) * (1.0 / np.sqrt(T_DIM))
    bh = jnp.zeros((1,), dtype=jnp.float32)
    return {"u": u, "i": i, "adj1": adj1, "adj2": adj2, "E": E, "U": U, "Wa": Wa, "ba": ba, "Wh": Wh, "bh": bh}

def reference(u, i, adj1, adj2, E, U, Wa, ba, Wh, bh):
    Bn, F = adj1.shape
    hop0_targets = adj1.reshape(-1)  # [T] = hop-1 frontier node ids (adj_lists[0].index)
    # --- hop 0: deepest layer ---
    entity_embs0 = max_norm_lookup(E, adj2)          # [T, F, k]
    target_embs0 = max_norm_lookup(E, hop0_targets)  # [T, k]
    agg0 = fm_aggregator(entity_embs0)               # [T, k]
    atts0 = attention_item(target_embs0, agg0, Wa, ba, Wh, bh)  # [T, 1]
    agg0 = atts0 * agg0 + target_embs0               # [T, k]
    # --- hop 1: gather aggregated embeddings of each item's neighbors by position ---
    pos = jnp.arange(Bn * F).reshape(Bn, F)          # neighborIndexs lookup (rows of agg0)
    entity_embs1 = jnp.take(agg0, pos, axis=0)       # [B, F, k]
    target_embs1 = max_norm_lookup(E, i)             # [B, k]
    agg1 = fm_aggregator(entity_embs1)               # [B, k]
    atts1 = attention_item(target_embs1, agg1, Wa, ba, Wh, bh)
    items = atts1 * agg1 + target_embs1              # [B, k]
    # --- user/item interaction ---
    users = max_norm_lookup(U, u)                    # [B, k]
    uv = jnp.sum(users * items, axis=1)              # [B]
    return jax.nn.sigmoid(uv)

if False:  # reference __main__ guard neutralized (emitter)
    out = reference(**setup_inputs())
    print(out.shape, out.dtype)

if __name__ == "__main__":
    import jax
    _d = setup_inputs()
    print(jax.jit(kernel)(*tuple(_d.values())))

</pallas_src>

<mosaic_0001>
#map = affine_map<(d0, d1) -> (0, 0)>
#map1 = affine_map<(d0, d1) -> (0)>
module attributes {stable_mosaic.version = 14 : i64} {
  func.func @sc_kernel(%arg0: i32, %arg1: i32, %arg2: memref<100000x128xf32, #tpu.memory_space<hbm>>, %arg3: memref<100000x128xf32, #tpu.memory_space<hbm>>, %arg4: memref<1024xi32, #tpu.memory_space<hbm>>, %arg5: memref<1024xi32, #tpu.memory_space<hbm>>, %arg6: memref<16384xi32, #tpu.memory_space<hbm>>, %arg7: memref<262144xi32, #tpu.memory_space<hbm>>, %arg8: memref<1024xf32, #tpu.memory_space<hbm>>, %arg9: memref<8192xi32, #tpu.memory_space<vmem>>, %arg10: memref<512xi32, #tpu.memory_space<vmem>>, %arg11: memref<32xi32, #tpu.memory_space<vmem>>, %arg12: memref<32xi32, #tpu.memory_space<vmem>>, %arg13: memref<32x128xf32, #tpu.memory_space<vmem>>, %arg14: memref<32x128xf32, #tpu.memory_space<vmem>>, %arg15: memref<2x256x128xf32, #tpu.memory_space<vmem>>, %arg16: memref<2x16x128xf32, #tpu.memory_space<vmem>>, %arg17: memref<32xf32, #tpu.memory_space<vmem>>, %arg18: memref<16xf32, #tpu.memory_space<vmem>>, %arg19: memref<!tpu.dma_semaphore, #tpu.memory_space<semaphore_mem>>, %arg20: memref<!tpu.dma_semaphore, #tpu.memory_space<semaphore_mem>>, %arg21: memref<!tpu.dma_semaphore, #tpu.memory_space<semaphore_mem>>) attributes {dimension_semantics = [#tpu.dimension_semantics<core_parallel>, #tpu.dimension_semantics<subcore_parallel>], iteration_bounds = array<i64: 2, 16>, scalar_prefetch = 0 : i64, scratch_operands = 13 : i64, tpu.core_type = #tpu.core_type<sc_vector_subcore>, window_params = [{transform_indices = #map}, {transform_indices = #map}, {transform_indices = #map1}, {transform_indices = #map1}, {transform_indices = #map1}, {transform_indices = #map1}, {transform_indices = #map1}]} {
    %mul3A = arith.constant 2 : i32
    %mul3A_0 = arith.muli %arg1, %mul3A : i32
    %add3A = arith.addi %mul3A_0, %arg0 : i32
    %mul3A_1 = arith.constant 32 : i32
    %mul3A_2 = arith.muli %add3A, %mul3A_1 : i32
    %mul3A_3 = arith.constant 256 : i32
    %mul3A_4 = arith.muli %mul3A_2, %mul3A_3 : i32
    "tpu.region"() ({
      %run_scoped3A = tpu.sem_alloc : memref<!tpu.dma_semaphore, #tpu.memory_space<semaphore_mem>>
      %dma_start3A_57 = tpu.memref_slice %arg7[%mul3A_4] : memref<262144xi32, #tpu.memory_space<hbm>> -> memref<8192xi32, #tpu.memory_space<hbm>>
      %dma_start3A_58 = tpu.memref_slice %arg7[%mul3A_4] : memref<262144xi32, #tpu.memory_space<hbm>> -> memref<8192xi32, #tpu.memory_space<hbm>>
      tpu.enqueue_dma source(%dma_start3A_58 : memref<8192xi32, #tpu.memory_space<hbm>>) target(%arg9 : memref<8192xi32, #tpu.memory_space<vmem>>) target_semaphore(%run_scoped3A : memref<!tpu.dma_semaphore, #tpu.memory_space<semaphore_mem>>)
      %dma_wait3A_59 = tpu.memref_slice %arg7[%mul3A_4] : memref<262144xi32, #tpu.memory_space<hbm>> -> memref<8192xi32, #tpu.memory_space<hbm>>
      %dma_wait3A_60 = tpu.memref_slice %arg7[%mul3A_4] : memref<262144xi32, #tpu.memory_space<hbm>> -> memref<8192xi32, #tpu.memory_space<hbm>>
      tpu.wait_dma2 semaphore(%run_scoped3A : memref<!tpu.dma_semaphore, #tpu.memory_space<semaphore_mem>>) src(%dma_wait3A_60 : memref<8192xi32, #tpu.memory_space<hbm>>) dst(%arg9 : memref<8192xi32, #tpu.memory_space<vmem>>)
      tpu.yield
    }) : () -> ()
    %mul3A_5 = arith.constant 16 : i32
    %mul3A_6 = arith.muli %mul3A_2, %mul3A_5 : i32
    "tpu.region"() ({
      %run_scoped3A = tpu.sem_alloc : memref<!tpu.dma_semaphore, #tpu.memory_space<semaphore_mem>>
      %dma_start3A_57 = tpu.memref_slice %arg6[%mul3A_6] : memref<16384xi32, #tpu.memory_space<hbm>> -> memref<512xi32, #tpu.memory_space<hbm>>
      %dma_start3A_58 = tpu.memref_slice %arg6[%mul3A_6] : memref<16384xi32, #tpu.memory_space<hbm>> -> memref<512xi32, #tpu.memory_space<hbm>>
      tpu.enqueue_dma source(%dma_start3A_58 : memref<512xi32, #tpu.memory_space<hbm>>) target(%arg10 : memref<512xi32, #tpu.memory_space<vmem>>) target_semaphore(%run_scoped3A : memref<!tpu.dma_semaphore, #tpu.memory_space<semaphore_mem>>)
      %dma_wait3A_59 = tpu.memref_slice %arg6[%mul3A_6] : memref<16384xi32, #tpu.memory_space<hbm>> -> memref<512xi32, #tpu.memory_space<hbm>>
      %dma_wait3A_60 = tpu.memref_slice %arg6[%mul3A_6] : memref<16384xi32, #tpu.memory_space<hbm>> -> memref<512xi32, #tpu.memory_space<hbm>>
      tpu.wait_dma2 semaphore(%run_scoped3A : memref<!tpu.dma_semaphore, #tpu.memory_space<semaphore_mem>>) src(%dma_wait3A_60 : memref<512xi32, #tpu.memory_space<hbm>>) dst(%arg10 : memref<512xi32, #tpu.memory_space<vmem>>)
      tpu.yield
    }) : () -> ()
    "tpu.region"() ({
      %run_scoped3A = tpu.sem_alloc : memref<!tpu.dma_semaphore, #tpu.memory_space<semaphore_mem>>
      %dma_start3A_57 = tpu.memref_slice %arg5[%mul3A_2] : memref<1024xi32, #tpu.memory_space<hbm>> -> memref<32xi32, #tpu.memory_space<hbm>>
      %dma_start3A_58 = tpu.memref_slice %arg5[%mul3A_2] : memref<1024xi32, #tpu.memory_space<hbm>> -> memref<32xi32, #tpu.memory_space<hbm>>
      tpu.enqueue_dma source(%dma_start3A_58 : memref<32xi32, #tpu.memory_space<hbm>>) target(%arg11 : memref<32xi32, #tpu.memory_space<vmem>>) target_semaphore(%run_scoped3A : memref<!tpu.dma_semaphore, #tpu.memory_space<semaphore_mem>>)
      %dma_wait3A_59 = tpu.memref_slice %arg5[%mul3A_2] : memref<1024xi32, #tpu.memory_space<hbm>> -> memref<32xi32, #tpu.memory_space<hbm>>
      %dma_wait3A_60 = tpu.memref_slice %arg5[%mul3A_2] : memref<1024xi32, #tpu.memory_space<hbm>> -> memref<32xi32, #tpu.memory_space<hbm>>
      tpu.wait_dma2 semaphore(%run_scoped3A : memref<!tpu.dma_semaphore, #tpu.memory_space<semaphore_mem>>) src(%dma_wait3A_60 : memref<32xi32, #tpu.memory_space<hbm>>) dst(%arg11 : memref<32xi32, #tpu.memory_space<vmem>>)
      tpu.yield
    }) : () -> ()
    "tpu.region"() ({
      %run_scoped3A = tpu.sem_alloc : memref<!tpu.dma_semaphore, #tpu.memory_space<semaphore_mem>>
      %dma_start3A_57 = tpu.memref_slice %arg4[%mul3A_2] : memref<1024xi32, #tpu.memory_space<hbm>> -> memref<32xi32, #tpu.memory_space<hbm>>
      %dma_start3A_58 = tpu.memref_slice %arg4[%mul3A_2] : memref<1024xi32, #tpu.memory_space<hbm>> -> memref<32xi32, #tpu.memory_space<hbm>>
      tpu.enqueue_dma source(%dma_start3A_58 : memref<32xi32, #tpu.memory_space<hbm>>) target(%arg12 : memref<32xi32, #tpu.memory_space<vmem>>) target_semaphore(%run_scoped3A : memref<!tpu.dma_semaphore, #tpu.memory_space<semaphore_mem>>)
      %dma_wait3A_59 = tpu.memref_slice %arg4[%mul3A_2] : memref<1024xi32, #tpu.memory_space<hbm>> -> memref<32xi32, #tpu.memory_space<hbm>>
      %dma_wait3A_60 = tpu.memref_slice %arg4[%mul3A_2] : memref<1024xi32, #tpu.memory_space<hbm>> -> memref<32xi32, #tpu.memory_space<hbm>>
      tpu.wait_dma2 semaphore(%run_scoped3A : memref<!tpu.dma_semaphore, #tpu.memory_space<semaphore_mem>>) src(%dma_wait3A_60 : memref<32xi32, #tpu.memory_space<hbm>>) dst(%arg12 : memref<32xi32, #tpu.memory_space<vmem>>)
      tpu.yield
    }) : () -> ()
    %dma_start3A = arith.constant 0 : i32
    %dma_start3A_7 = arith.constant 0 : i32
    %dma_start3A_8 = tpu.memref_slice %arg2[%dma_start3A, %dma_start3A_7] : memref<100000x128xf32, #tpu.memory_space<hbm>> -> memref<100000x128xf32, #tpu.memory_space<hbm>>
    tpu.enqueue_indirect_dma source(%dma_start3A_8 : memref<100000x128xf32, #tpu.memory_space<hbm>>) target(%arg13 : memref<32x128xf32, #tpu.memory_space<vmem>>) offsets(%arg11 : memref<32xi32, #tpu.memory_space<vmem>>) semaphore(%arg19 : memref<!tpu.dma_semaphore, #tpu.memory_space<semaphore_mem>>)
    %dma_start3A_9 = arith.constant 0 : i32
    %dma_start3A_10 = arith.constant 0 : i32
    %dma_start3A_11 = tpu.memref_slice %arg3[%dma_start3A_9, %dma_start3A_10] : memref<100000x128xf32, #tpu.memory_space<hbm>> -> memref<100000x128xf32, #tpu.memory_space<hbm>>
    tpu.enqueue_indirect_dma source(%dma_start3A_11 : memref<100000x128xf32, #tpu.memory_space<hbm>>) target(%arg14 : memref<32x128xf32, #tpu.memory_space<vmem>>) offsets(%arg12 : memref<32xi32, #tpu.memory_space<vmem>>) semaphore(%arg19 : memref<!tpu.dma_semaphore, #tpu.memory_space<semaphore_mem>>)
    %broadcast_in_dim3A = arith.constant 0.000000e+00 : f32
    %broadcast_in_dim3A_12 = vector.broadcast %broadcast_in_dim3A : f32 to vector<16xf32>
    %iota3A = tpu.iota {dimensions = array<i32: 0>} : vector<16xi32>
    %multiple_of3A = arith.constant 0 : i32
    %multiple_of3A_13 = tpu.assume_multiple %multiple_of3A, 8 : i32
    %add3A_14 = arith.constant 0 : i32
    %add3A_15 = arith.addi %multiple_of3A_13, %add3A_14 : i32
    %dma_start3A_16 = arith.constant 0 : i32
    %dma_start3A_17 = arith.constant 0 : i32
    %dma_start3A_18 = arith.constant 0 : i32
    %dma_start3A_19 = tpu.memref_slice %arg15[%dma_start3A_16, %dma_start3A_17, %dma_start3A_18] : memref<2x256x128xf32, #tpu.memory_space<vmem>> -> memref<1x128x128xf32, #tpu.memory_space<vmem>>
    %dma_start3A_20 = tpu.memref_squeeze %dma_start3A_19 : memref<1x128x128xf32, #tpu.memory_space<vmem>> -> memref<128x128xf32, #tpu.memory_space<vmem>>
    %dma_start3A_21 = tpu.memref_slice %arg9[%add3A_15] : memref<8192xi32, #tpu.memory_space<vmem>> -> memref<128xi32, #tpu.memory_space<vmem>>
    %dma_start3A_22 = arith.constant 0 : i32
    %dma_start3A_23 = arith.constant 0 : i32
    %dma_start3A_24 = tpu.memref_slice %arg2[%dma_start3A_22, %dma_start3A_23] : memref<100000x128xf32, #tpu.memory_space<hbm>> -> memref<100000x128xf32, #tpu.memory_space<hbm>>
    tpu.enqueue_indirect_dma source(%dma_start3A_24 : memref<100000x128xf32, #tpu.memory_space<hbm>>) target(%dma_start3A_20 : memref<128x128xf32, #tpu.memory_space<vmem>>) offsets(%dma_start3A_21 : memref<128xi32, #tpu.memory_space<vmem>>) semaphore(%arg20 : memref<!tpu.dma_semaphore, #tpu.memory_space<semaphore_mem>>)
    %add3A_25 = arith.constant 128 : i32
    %add3A_26 = arith.addi %multiple_of3A_13, %add3A_25 : i32
    %dma_start3A_27 = arith.constant 0 : i32
    %dma_start3A_28 = arith.constant 128 : i32
    %dma_start3A_29 = arith.constant 0 : i32
    %dma_start3A_30 = tpu.memref_slice %arg15[%dma_start3A_27, %dma_start3A_28, %dma_start3A_29] : memref<2x256x128xf32, #tpu.memory_space<vmem>> -> memref<1x128x128xf32, #tpu.memory_space<vmem>>
    %dma_start3A_31 = tpu.memref_squeeze %dma_start3A_30 : memref<1x128x128xf32, #tpu.memory_space<vmem>> -> memref<128x128xf32, #tpu.memory_space<vmem>>
    %dma_start3A_32 = tpu.memref_slice %arg9[%add3A_26] : memref<8192xi32, #tpu.memory_space<vmem>> -> memref<128xi32, #tpu.memory_space<vmem>>
    %dma_start3A_33 = arith.constant 0 : i32
    %dma_start3A_34 = arith.constant 0 : i32
    %dma_start3A_35 = tpu.memref_slice %arg2[%dma_start3A_33, %dma_start3A_34] : memref<100000x128xf32, #tpu.memory_space<hbm>> -> memref<100000x128xf32, #tpu.memory_space<hbm>>
    tpu.enqueue_indirect_dma source(%dma_start3A_35 : memref<100000x128xf32, #tpu.memory_space<hbm>>) target(%dma_start3A_31 : memref<128x128xf32, #tpu.memory_space<vmem>>) offsets(%dma_start3A_32 : memref<128xi32, #tpu.memory_space<vmem>>) semaphore(%arg20 : memref<!tpu.dma_semaphore, #tpu.memory_space<semaphore_mem>>)
    %multiple_of3A_36 = arith.constant 0 : i32
    %multiple_of3A_37 = tpu.assume_multiple %multiple_of3A_36, 8 : i32
    %dma_start3A_38 = arith.constant 0 : i32
    %dma_start3A_39 = arith.constant 0 : i32
    %dma_start3A_40 = arith.constant 0 : i32
    %dma_start3A_41 = tpu.memref_slice %arg16[%dma_start3A_38, %dma_start3A_39, %dma_start3A_40] : memref<2x16x128xf32, #tpu.memory_space<vmem>> -> memref<1x16x128xf32, #tpu.memory_space<vmem>>
    %dma_start3A_42 = tpu.memref_squeeze %dma_start3A_41 : memref<1x16x128xf32, #tpu.memory_space<vmem>> -> memref<16x128xf32, #tpu.memory_space<vmem>>
    %dma_start3A_43 = tpu.memref_slice %arg10[%multiple_of3A_37] : memref<512xi32, #tpu.memory_space<vmem>> -> memref<16xi32, #tpu.memory_space<vmem>>
    %dma_start3A_44 = arith.constant 0 : i32
    %dma_start3A_45 = arith.constant 0 : i32
    %dma_start3A_46 = tpu.memref_slice %arg2[%dma_start3A_44, %dma_start3A_45] : memref<100000x128xf32, #tpu.memory_space<hbm>> -> memref<100000x128xf32, #tpu.memory_space<hbm>>
    tpu.enqueue_indirect_dma source(%dma_start3A_46 : memref<100000x128xf32, #tpu.memory_space<hbm>>) target(%dma_start3A_42 : memref<16x128xf32, #tpu.memory_space<vmem>>) offsets(%dma_start3A_43 : memref<16xi32, #tpu.memory_space<vmem>>) semaphore(%arg20 : memref<!tpu.dma_semaphore, #tpu.memory_space<semaphore_mem>>)
    %dma_wait3A = arith.constant 0 : i32
    %dma_wait3A_47 = arith.constant 0 : i32
    %dma_wait3A_48 = tpu.memref_slice %arg2[%dma_wait3A, %dma_wait3A_47] : memref<100000x128xf32, #tpu.memory_space<hbm>> -> memref<100000x128xf32, #tpu.memory_space<hbm>>
    tpu.wait_indirect_dma semaphore(%arg19 : memref<!tpu.dma_semaphore, #tpu.memory_space<semaphore_mem>>) src(%dma_wait3A_48 : memref<100000x128xf32, #tpu.memory_space<hbm>>) dst(%arg13 : memref<32x128xf32, #tpu.memory_space<vmem>>)
    %dma_wait3A_49 = arith.constant 0 : i32
    %dma_wait3A_50 = arith.constant 0 : i32
    %dma_wait3A_51 = tpu.memref_slice %arg3[%dma_wait3A_49, %dma_wait3A_50] : memref<100000x128xf32, #tpu.memory_space<hbm>> -> memref<100000x128xf32, #tpu.memory_space<hbm>>
    tpu.wait_indirect_dma semaphore(%arg19 : memref<!tpu.dma_semaphore, #tpu.memory_space<semaphore_mem>>) src(%dma_wait3A_51 : memref<100000x128xf32, #tpu.memory_space<hbm>>) dst(%arg14 : memref<32x128xf32, #tpu.memory_space<vmem>>)
    %scan3A = arith.constant 0 : i32
    %scan3A_52 = arith.constant 0 : i32
    %scan3A_53 = arith.constant 16 : i32
    %scan3A_54 = arith.addi %scan3A_52, %scan3A_53 : i32
    %scan3A_55 = arith.constant 1 : i32
    scf.for %scan3A_57 = %scan3A_52 to %scan3A_54 step %scan3A_55  : i32 {
      %mul3A_58 = arith.constant 2 : i32
      %mul3A_59 = arith.muli %scan3A_57, %mul3A_58 : i32
      %add3A_60 = arith.constant 1 : i32
      %add3A_61 = arith.addi %mul3A_59, %add3A_60 : i32
      %mul3A_62 = arith.constant 256 : i32
      %mul3A_63 = arith.muli %add3A_61, %mul3A_62 : i32
      %multiple_of3A_64 = tpu.assume_multiple %mul3A_63, 8 : i32
      %add3A_65 = arith.constant 0 : i32
      %add3A_66 = arith.addi %multiple_of3A_64, %add3A_65 : i32
      %dma_start3A_67 = arith.constant 1 : i32
      %dma_start3A_68 = arith.constant 0 : i32
      %dma_start3A_69 = arith.constant 0 : i32
      %dma_start3A_70 = tpu.memref_slice %arg15[%dma_start3A_67, %dma_start3A_68, %dma_start3A_69] : memref<2x256x128xf32, #tpu.memory_space<vmem>> -> memref<1x128x128xf32, #tpu.memory_space<vmem>>
      %dma_start3A_71 = tpu.memref_squeeze %dma_start3A_70 : memref<1x128x128xf32, #tpu.memory_space<vmem>> -> memref<128x128xf32, #tpu.memory_space<vmem>>
      %dma_start3A_72 = tpu.memref_slice %arg9[%add3A_66] : memref<8192xi32, #tpu.memory_space<vmem>> -> memref<128xi32, #tpu.memory_space<vmem>>
      %dma_start3A_73 = arith.constant 0 : i32
      %dma_start3A_74 = arith.constant 0 : i32
      %dma_start3A_75 = tpu.memref_slice %arg2[%dma_start3A_73, %dma_start3A_74] : memref<100000x128xf32, #tpu.memory_space<hbm>> -> memref<100000x128xf32, #tpu.memory_space<hbm>>
      tpu.enqueue_indirect_dma source(%dma_start3A_75 : memref<100000x128xf32, #tpu.memory_space<hbm>>) target(%dma_start3A_71 : memref<128x128xf32, #tpu.memory_space<vmem>>) offsets(%dma_start3A_72 : memref<128xi32, #tpu.memory_space<vmem>>) semaphore(%arg21 : memref<!tpu.dma_semaphore, #tpu.memory_space<semaphore_mem>>)
      %add3A_76 = arith.constant 128 : i32
      %add3A_77 = arith.addi %multiple_of3A_64, %add3A_76 : i32
      %dma_start3A_78 = arith.constant 1 : i32
      %dma_start3A_79 = arith.constant 128 : i32
      %dma_start3A_80 = arith.constant 0 : i32
      %dma_start3A_81 = tpu.memref_slice %arg15[%dma_start3A_78, %dma_start3A_79, %dma_start3A_80] : memref<2x256x128xf32, #tpu.memory_space<vmem>> -> memref<1x128x128xf32, #tpu.memory_space<vmem>>
      %dma_start3A_82 = tpu.memref_squeeze %dma_start3A_81 : memref<1x128x128xf32, #tpu.memory_space<vmem>> -> memref<128x128xf32, #tpu.memory_space<vmem>>
      %dma_start3A_83 = tpu.memref_slice %arg9[%add3A_77] : memref<8192xi32, #tpu.memory_space<vmem>> -> memref<128xi32, #tpu.memory_space<vmem>>
      %dma_start3A_84 = arith.constant 0 : i32
      %dma_start3A_85 = arith.constant 0 : i32
      %dma_start3A_86 = tpu.memref_slice %arg2[%dma_start3A_84, %dma_start3A_85] : memref<100000x128xf32, #tpu.memory_space<hbm>> -> memref<100000x128xf32, #tpu.memory_space<hbm>>
      tpu.enqueue_indirect_dma source(%dma_start3A_86 : memref<100000x128xf32, #tpu.memory_space<hbm>>) target(%dma_start3A_82 : memref<128x128xf32, #tpu.memory_space<vmem>>) offsets(%dma_start3A_83 : memref<128xi32, #tpu.memory_space<vmem>>) semaphore(%arg21 : memref<!tpu.dma_semaphore, #tpu.memory_space<semaphore_mem>>)
      %mul3A_87 = arith.constant 16 : i32
      %mul3A_88 = arith.muli %add3A_61, %mul3A_87 : i32
      %multiple_of3A_89 = tpu.assume_multiple %mul3A_88, 8 : i32
      %dma_start3A_90 = arith.constant 1 : i32
      %dma_start3A_91 = arith.constant 0 : i32
      %dma_start3A_92 = arith.constant 0 : i32
      %dma_start3A_93 = tpu.memref_slice %arg16[%dma_start3A_90, %dma_start3A_91, %dma_start3A_92] : memref<2x16x128xf32, #tpu.memory_space<vmem>> -> memref<1x16x128xf32, #tpu.memory_space<vmem>>
      %dma_start3A_94 = tpu.memref_squeeze %dma_start3A_93 : memref<1x16x128xf32, #tpu.memory_space<vmem>> -> memref<16x128xf32, #tpu.memory_space<vmem>>
      %dma_start3A_95 = tpu.memref_slice %arg10[%multiple_of3A_89] : memref<512xi32, #tpu.memory_space<vmem>> -> memref<16xi32, #tpu.memory_space<vmem>>
      %dma_start3A_96 = arith.constant 0 : i32
      %dma_start3A_97 = arith.constant 0 : i32
      %dma_start3A_98 = tpu.memref_slice %arg2[%dma_start3A_96, %dma_start3A_97] : memref<100000x128xf32, #tpu.memory_space<hbm>> -> memref<100000x128xf32, #tpu.memory_space<hbm>>
      tpu.enqueue_indirect_dma source(%dma_start3A_98 : memref<100000x128xf32, #tpu.memory_space<hbm>>) target(%dma_start3A_94 : memref<16x128xf32, #tpu.memory_space<vmem>>) offsets(%dma_start3A_95 : memref<16xi32, #tpu.memory_space<vmem>>) semaphore(%arg21 : memref<!tpu.dma_semaphore, #tpu.memory_space<semaphore_mem>>)
      %dma_wait3A_99 = arith.constant 0 : i32
      %dma_wait3A_100 = arith.constant 0 : i32
      %dma_wait3A_101 = arith.constant 0 : i32
      %dma_wait3A_102 = tpu.memref_slice %arg15[%dma_wait3A_99, %dma_wait3A_100, %dma_wait3A_101] : memref<2x256x128xf32, #tpu.memory_space<vmem>> -> memref<1x128x128xf32, #tpu.memory_space<vmem>>
      %dma_wait3A_103 = tpu.memref_squeeze %dma_wait3A_102 : memref<1x128x128xf32, #tpu.memory_space<vmem>> -> memref<128x128xf32, #tpu.memory_space<vmem>>
      %dma_wait3A_104 = arith.constant 0 : i32
      %dma_wait3A_105 = tpu.memref_slice %arg9[%dma_wait3A_104] : memref<8192xi32, #tpu.memory_space<vmem>> -> memref<128xi32, #tpu.memory_space<vmem>>
      %dma_wait3A_106 = arith.constant 0 : i32
      %dma_wait3A_107 = arith.constant 0 : i32
      %dma_wait3A_108 = tpu.memref_slice %arg2[%dma_wait3A_106, %dma_wait3A_107] : memref<100000x128xf32, #tpu.memory_space<hbm>> -> memref<100000x128xf32, #tpu.memory_space<hbm>>
      tpu.wait_indirect_dma semaphore(%arg20 : memref<!tpu.dma_semaphore, #tpu.memory_space<semaphore_mem>>) src(%dma_wait3A_108 : memref<100000x128xf32, #tpu.memory_space<hbm>>) dst(%dma_wait3A_103 : memref<128x128xf32, #tpu.memory_space<vmem>>)
      %dma_wait3A_109 = arith.constant 0 : i32
      %dma_wait3A_110 = arith.constant 128 : i32
      %dma_wait3A_111 = arith.constant 0 : i32
      %dma_wait3A_112 = tpu.memref_slice %arg15[%dma_wait3A_109, %dma_wait3A_110, %dma_wait3A_111] : memref<2x256x128xf32, #tpu.memory_space<vmem>> -> memref<1x128x128xf32, #tpu.memory_space<vmem>>
      %dma_wait3A_113 = tpu.memref_squeeze %dma_wait3A_112 : memref<1x128x128xf32, #tpu.memory_space<vmem>> -> memref<128x128xf32, #tpu.memory_space<vmem>>
      %dma_wait3A_114 = arith.constant 128 : i32
      %dma_wait3A_115 = tpu.memref_slice %arg9[%dma_wait3A_114] : memref<8192xi32, #tpu.memory_space<vmem>> -> memref<128xi32, #tpu.memory_space<vmem>>
      %dma_wait3A_116 = arith.constant 0 : i32
      %dma_wait3A_117 = arith.constant 0 : i32
      %dma_wait3A_118 = tpu.memref_slice %arg2[%dma_wait3A_116, %dma_wait3A_117] : memref<100000x128xf32, #tpu.memory_space<hbm>> -> memref<100000x128xf32, #tpu.memory_space<hbm>>
      tpu.wait_indirect_dma semaphore(%arg20 : memref<!tpu.dma_semaphore, #tpu.memory_space<semaphore_mem>>) src(%dma_wait3A_118 : memref<100000x128xf32, #tpu.memory_space<hbm>>) dst(%dma_wait3A_113 : memref<128x128xf32, #tpu.memory_space<vmem>>)
      %dma_wait3A_119 = arith.constant 0 : i32
      %dma_wait3A_120 = arith.constant 0 : i32
      %dma_wait3A_121 = arith.constant 0 : i32
      %dma_wait3A_122 = tpu.memref_slice %arg16[%dma_wait3A_119, %dma_wait3A_120, %dma_wait3A_121] : memref<2x16x128xf32, #tpu.memory_space<vmem>> -> memref<1x16x128xf32, #tpu.memory_space<vmem>>
      %dma_wait3A_123 = tpu.memref_squeeze %dma_wait3A_122 : memref<1x16x128xf32, #tpu.memory_space<vmem>> -> memref<16x128xf32, #tpu.memory_space<vmem>>
      %dma_wait3A_124 = arith.constant 0 : i32
      %dma_wait3A_125 = tpu.memref_slice %arg10[%dma_wait3A_124] : memref<512xi32, #tpu.memory_space<vmem>> -> memref<16xi32, #tpu.memory_space<vmem>>
      %dma_wait3A_126 = arith.constant 0 : i32
      %dma_wait3A_127 = arith.constant 0 : i32
      %dma_wait3A_128 = tpu.memref_slice %arg2[%dma_wait3A_126, %dma_wait3A_127] : memref<100000x128xf32, #tpu.memory_space<hbm>> -> memref<100000x128xf32, #tpu.memory_space<hbm>>
      tpu.wait_indirect_dma semaphore(%arg20 : memref<!tpu.dma_semaphore, #tpu.memory_space<semaphore_mem>>) src(%dma_wait3A_128 : memref<100000x128xf32, #tpu.memory_space<hbm>>) dst(%dma_wait3A_123 : memref<16x128xf32, #tpu.memory_space<vmem>>)
      %scan3A_129 = arith.constant 0 : i32
      %scan3A_130 = arith.constant 16 : i32
      %scan3A_131 = arith.addi %scan3A_129, %scan3A_130 : i32
      %scan3A_132 = arith.constant 1 : i32
      %scan3A_133:16 = scf.for %scan3A_596 = %scan3A_129 to %scan3A_131 step %scan3A_132 iter_args(%scan3A_597 = %broadcast_in_dim3A_12, %scan3A_598 = %broadcast_in_dim3A_12, %scan3A_599 = %broadcast_in_dim3A_12, %scan3A_600 = %broadcast_in_dim3A_12, %scan3A_601 = %broadcast_in_dim3A_12, %scan3A_602 = %broadcast_in_dim3A_12, %scan3A_603 = %broadcast_in_dim3A_12, %scan3A_604 = %broadcast_in_dim3A_12, %scan3A_605 = %broadcast_in_dim3A_12, %scan3A_606 = %broadcast_in_dim3A_12, %scan3A_607 = %broadcast_in_dim3A_12, %scan3A_608 = %broadcast_in_dim3A_12, %scan3A_609 = %broadcast_in_dim3A_12, %scan3A_610 = %broadcast_in_dim3A_12, %scan3A_611 = %broadcast_in_dim3A_12, %scan3A_612 = %broadcast_in_dim3A_12) -> (vector<16xf32>, vector<16xf32>, vector<16xf32>, vector<16xf32>, vector<16xf32>, vector<16xf32>, vector<16xf32>, vector<16xf32>, vector<16xf32>, vector<16xf32>, vector<16xf32>, vector<16xf32>, vector<16xf32>, vector<16xf32>, vector<16xf32>, vector<16xf32>)  : i32 {
        %mul3A_613 = arith.constant 16 : i32
        %mul3A_614 = arith.muli %scan3A_596, %mul3A_613 : i32
        %add3A_615 = arith.constant 0 : i32
        %add3A_616 = arith.addi %mul3A_614, %add3A_615 : i32
        %get3A_617 = arith.constant 0 : i32
        %get3A_618 = arith.index_cast %get3A_617 : i32 to index
        %get3A_619 = arith.index_cast %add3A_616 : i32 to index
        %get3A_620 = arith.constant 0 : index
        %get3A_621 = tpu.vector_load %arg15[%get3A_618, %get3A_619, %get3A_620] {strides = array<i32>} : memref<2x256x128xf32, #tpu.memory_space<vmem>>, vector<16xf32>,
        %add3A_622 = arith.addf %broadcast_in_dim3A_12, %get3A_621 : vector<16xf32>
        %mul3A_623 = arith.mulf %get3A_621, %get3A_621 : vector<16xf32>
        %add3A_624 = arith.addf %broadcast_in_dim3A_12, %mul3A_623 : vector<16xf32>
        %get3A_625 = arith.constant 0 : i32
        %get3A_626 = arith.index_cast %get3A_625 : i32 to index
        %get3A_627 = arith.index_cast %add3A_616 : i32 to index
        %get3A_628 = arith.constant 16 : index
        %get3A_629 = tpu.vector_load %arg15[%get3A_626, %get3A_627, %get3A_628] {strides = array<i32>} : memref<2x256x128xf32, #tpu.memory_space<vmem>>, vector<16xf32>,
        %add3A_630 = arith.addf %broadcast_in_dim3A_12, %get3A_629 : vector<16xf32>
        %mul3A_631 = arith.mulf %get3A_629, %get3A_629 : vector<16xf32>
        %add3A_632 = arith.addf %broadcast_in_dim3A_12, %mul3A_631 : vector<16xf32>
        %get3A_633 = arith.constant 0 : i32
        %get3A_634 = arith.index_cast %get3A_633 : i32 to index
        %get3A_635 = arith.index_cast %add3A_616 : i32 to index
        %get3A_636 = arith.constant 32 : index
        %get3A_637 = tpu.vector_load %arg15[%get3A_634, %get3A_635, %get3A_636] {strides = array<i32>} : memref<2x256x128xf32, #tpu.memory_space<vmem>>, vector<16xf32>,
        %add3A_638 = arith.addf %broadcast_in_dim3A_12, %get3A_637 : vector<16xf32>
        %mul3A_639 = arith.mulf %get3A_637, %get3A_637 : vector<16xf32>
        %add3A_640 = arith.addf %broadcast_in_dim3A_12, %mul3A_639 : vector<16xf32>
        %get3A_641 = arith.constant 0 : i32
        %get3A_642 = arith.index_cast %get3A_641 : i32 to index
        %get3A_643 = arith.index_cast %add3A_616 : i32 to index
        %get3A_644 = arith.constant 48 : index
        %get3A_645 = tpu.vector_load %arg15[%get3A_642, %get3A_643, %get3A_644] {strides = array<i32>} : memref<2x256x128xf32, #tpu.memory_space<vmem>>, vector<16xf32>,
        %add3A_646 = arith.addf %broadcast_in_dim3A_12, %get3A_645 : vector<16xf32>
        %mul3A_647 = arith.mulf %get3A_645, %get3A_645 : vector<16xf32>
        %add3A_648 = arith.addf %broadcast_in_dim3A_12, %mul3A_647 : vector<16xf32>
        %get3A_649 = arith.constant 0 : i32
        %get3A_650 = arith.index_cast %get3A_649 : i32 to index
        %get3A_651 = arith.index_cast %add3A_616 : i32 to index
        %get3A_652 = arith.constant 64 : index
        %get3A_653 = tpu.vector_load %arg15[%get3A_650, %get3A_651, %get3A_652] {strides = array<i32>} : memref<2x256x128xf32, #tpu.memory_space<vmem>>, vector<16xf32>,
        %add3A_654 = arith.addf %broadcast_in_dim3A_12, %get3A_653 : vector<16xf32>
        %mul3A_655 = arith.mulf %get3A_653, %get3A_653 : vector<16xf32>
        %add3A_656 = arith.addf %broadcast_in_dim3A_12, %mul3A_655 : vector<16xf32>
        %get3A_657 = arith.constant 0 : i32
        %get3A_658 = arith.index_cast %get3A_657 : i32 to index
        %get3A_659 = arith.index_cast %add3A_616 : i32 to index
        %get3A_660 = arith.constant 80 : index
        %get3A_661 = tpu.vector_load %arg15[%get3A_658, %get3A_659, %get3A_660] {strides = array<i32>} : memref<2x256x128xf32, #tpu.memory_space<vmem>>, vector<16xf32>,
        %add3A_662 = arith.addf %broadcast_in_dim3A_12, %get3A_661 : vector<16xf32>
        %mul3A_663 = arith.mulf %get3A_661, %get3A_661 : vector<16xf32>
        %add3A_664 = arith.addf %broadcast_in_dim3A_12, %mul3A_663 : vector<16xf32>
        %get3A_665 = arith.constant 0 : i32
        %get3A_666 = arith.index_cast %get3A_665 : i32 to index
        %get3A_667 = arith.index_cast %add3A_616 : i32 to index
        %get3A_668 = arith.constant 96 : index
        %get3A_669 = tpu.vector_load %arg15[%get3A_666, %get3A_667, %get3A_668] {strides = array<i32>} : memref<2x256x128xf32, #tpu.memory_space<vmem>>, vector<16xf32>,
        %add3A_670 = arith.addf %broadcast_in_dim3A_12, %get3A_669 : vector<16xf32>
        %mul3A_671 = arith.mulf %get3A_669, %get3A_669 : vector<16xf32>
        %add3A_672 = arith.addf %broadcast_in_dim3A_12, %mul3A_671 : vector<16xf32>
        %get3A_673 = arith.constant 0 : i32
        %get3A_674 = arith.index_cast %get3A_673 : i32 to index
        %get3A_675 = arith.index_cast %add3A_616 : i32 to index
        %get3A_676 = arith.constant 112 : index
        %get3A_677 = tpu.vector_load %arg15[%get3A_674, %get3A_675, %get3A_676] {strides = array<i32>} : memref<2x256x128xf32, #tpu.memory_space<vmem>>, vector<16xf32>,
        %add3A_678 = arith.addf %broadcast_in_dim3A_12, %get3A_677 : vector<16xf32>
        %mul3A_679 = arith.mulf %get3A_677, %get3A_677 : vector<16xf32>
        %add3A_680 = arith.addf %broadcast_in_dim3A_12, %mul3A_679 : vector<16xf32>
        %mul3A_681 = arith.constant 16 : i32
        %mul3A_682 = arith.muli %scan3A_596, %mul3A_681 : i32
        %add3A_683 = arith.constant 1 : i32
        %add3A_684 = arith.addi %mul3A_682, %add3A_683 : i32
        %get3A_685 = arith.constant 0 : i32
        %get3A_686 = arith.index_cast %get3A_685 : i32 to index
        %get3A_687 = arith.index_cast %add3A_684 : i32 to index
        %get3A_688 = arith.constant 0 : index
        %get3A_689 = tpu.vector_load %arg15[%get3A_686, %get3A_687, %get3A_688] {strides = array<i32>} : memref<2x256x128xf32, #tpu.memory_space<vmem>>, vector<16xf32>,
        %add3A_690 = arith.addf %add3A_622, %get3A_689 : vector<16xf32>
        %mul3A_691 = arith.mulf %get3A_689, %get3A_689 : vector<16xf32>
        %add3A_692 = arith.addf %add3A_624, %mul3A_691 : vector<16xf32>
        %get3A_693 = arith.constant 0 : i32
        %get3A_694 = arith.index_cast %get3A_693 : i32 to index
        %get3A_695 = arith.index_cast %add3A_684 : i32 to index
        %get3A_696 = arith.constant 16 : index
        %get3A_697 = tpu.vector_load %arg15[%get3A_694, %get3A_695, %get3A_696] {strides = array<i32>} : memref<2x256x128xf32, #tpu.memory_space<vmem>>, vector<16xf32>,
        %add3A_698 = arith.addf %add3A_630, %get3A_697 : vector<16xf32>
        %mul3A_699 = arith.mulf %get3A_697, %get3A_697 : vector<16xf32>
        %add3A_700 = arith.addf %add3A_632, %mul3A_699 : vector<16xf32>
        %get3A_701 = arith.constant 0 : i32
        %get3A_702 = arith.index_cast %get3A_701 : i32 to index
        %get3A_703 = arith.index_cast %add3A_684 : i32 to index
        %get3A_704 = arith.constant 32 : index
        %get3A_705 = tpu.vector_load %arg15[%get3A_702, %get3A_703, %get3A_704] {strides = array<i32>} : memref<2x256x128xf32, #tpu.memory_space<vmem>>, vector<16xf32>,
        %add3A_706 = arith.addf %add3A_638, %get3A_705 : vector<16xf32>
        %mul3A_707 = arith.mulf %get3A_705, %get3A_705 : vector<16xf32>
        %add3A_708 = arith.addf %add3A_640, %mul3A_707 : vector<16xf32>
        %get3A_709 = arith.constant 0 : i32
        %get3A_710 = arith.index_cast %get3A_709 : i32 to index
        %get3A_711 = arith.index_cast %add3A_684 : i32 to index
        %get3A_712 = arith.constant 48 : index
        %get3A_713 = tpu.vector_load %arg15[%get3A_710, %get3A_711, %get3A_712] {strides = array<i32>} : memref<2x256x128xf32, #tpu.memory_space<vmem>>, vector<16xf32>,
        %add3A_714 = arith.addf %add3A_646, %get3A_713 : vector<16xf32>
        %mul3A_715 = arith.mulf %get3A_713, %get3A_713 : vector<16xf32>
        %add3A_716 = arith.addf %add3A_648, %mul3A_715 : vector<16xf32>
        %get3A_717 = arith.constant 0 : i32
        %get3A_718 = arith.index_cast %get3A_717 : i32 to index
        %get3A_719 = arith.index_cast %add3A_684 : i32 to index
        %get3A_720 = arith.constant 64 : index
        %get3A_721 = tpu.vector_load %arg15[%get3A_718, %get3A_719, %get3A_720] {strides = array<i32>} : memref<2x256x128xf32, #tpu.memory_space<vmem>>, vector<16xf32>,
        %add3A_722 = arith.addf %add3A_654, %get3A_721 : vector<16xf32>
        %mul3A_723 = arith.mulf %get3A_721, %get3A_721 : vector<16xf32>
        %add3A_724 = arith.addf %add3A_656, %mul3A_723 : vector<16xf32>
        %get3A_725 = arith.constant 0 : i32
        %get3A_726 = arith.index_cast %get3A_725 : i32 to index
        %get3A_727 = arith.index_cast %add3A_684 : i32 to index
        %get3A_728 = arith.constant 80 : index
        %get3A_729 = tpu.vector_load %arg15[%get3A_726, %get3A_727, %get3A_728] {strides = array<i32>} : memref<2x256x128xf32, #tpu.memory_space<vmem>>, vector<16xf32>,
        %add3A_730 = arith.addf %add3A_662, %get3A_729 : vector<16xf32>
        %mul3A_731 = arith.mulf %get3A_729, %get3A_729 : vector<16xf32>
        %add3A_732 = arith.addf %add3A_664, %mul3A_731 : vector<16xf32>
        %get3A_733 = arith.constant 0 : i32
        %get3A_734 = arith.index_cast %get3A_733 : i32 to index
        %get3A_735 = arith.index_cast %add3A_684 : i32 to index
        %get3A_736 = arith.constant 96 : index
        %get3A_737 = tpu.vector_load %arg15[%get3A_734, %get3A_735, %get3A_736] {strides = array<i32>} : memref<2x256x128xf32, #tpu.memory_space<vmem>>, vector<16xf32>,
        %add3A_738 = arith.addf %add3A_670, %get3A_737 : vector<16xf32>
        %mul3A_739 = arith.mulf %get3A_737, %get3A_737 : vector<16xf32>
        %add3A_740 = arith.addf %add3A_672, %mul3A_739 : vector<16xf32>
        %get3A_741 = arith.constant 0 : i32
        %get3A_742 = arith.index_cast %get3A_741 : i32 to index
        %get3A_743 = arith.index_cast %add3A_684 : i32 to index
        %get3A_744 = arith.constant 112 : index
        %get3A_745 = tpu.vector_load %arg15[%get3A_742, %get3A_743, %get3A_744] {strides = array<i32>} : memref<2x256x128xf32, #tpu.memory_space<vmem>>, vector<16xf32>,
        %add3A_746 = arith.addf %add3A_678, %get3A_745 : vector<16xf32>
        %mul3A_747 = arith.mulf %get3A_745, %get3A_745 : vector<16xf32>
        %add3A_748 = arith.addf %add3A_680, %mul3A_747 : vector<16xf32>
        %mul3A_749 = arith.constant 16 : i32
        %mul3A_750 = arith.muli %scan3A_596, %mul3A_749 : i32
        %add3A_751 = arith.constant 2 : i32
        %add3A_752 = arith.addi %mul3A_750, %add3A_751 : i32
        %get3A_753 = arith.constant 0 : i32
        %get3A_754 = arith.index_cast %get3A_753 : i32 to index
        %get3A_755 = arith.index_cast %add3A_752 : i32 to index
        %get3A_756 = arith.constant 0 : index
        %get3A_757 = tpu.vector_load %arg15[%get3A_754, %get3A_755, %get3A_756] {strides = array<i32>} : memref<2x256x128xf32, #tpu.memory_space<vmem>>, vector<16xf32>,
        %add3A_758 = arith.addf %add3A_690, %get3A_757 : vector<16xf32>
        %mul3A_759 = arith.mulf %get3A_757, %get3A_757 : vector<16xf32>
        %add3A_760 = arith.addf %add3A_692, %mul3A_759 : vector<16xf32>
        %get3A_761 = arith.constant 0 : i32
        %get3A_762 = arith.index_cast %get3A_761 : i32 to index
        %get3A_763 = arith.index_cast %add3A_752 : i32 to index
        %get3A_764 = arith.constant 16 : index
        %get3A_765 = tpu.vector_load %arg15[%get3A_762, %get3A_763, %get3A_764] {strides = array<i32>} : memref<2x256x128xf32, #tpu.memory_space<vmem>>, vector<16xf32>,
        %add3A_766 = arith.addf %add3A_698, %get3A_765 : vector<16xf32>
        %mul3A_767 = arith.mulf %get3A_765, %get3A_765 : vector<16xf32>
        %add3A_768 = arith.addf %add3A_700, %mul3A_767 : vector<16xf32>
        %get3A_769 = arith.constant 0 : i32
        %get3A_770 = arith.index_cast %get3A_769 : i32 to index
        %get3A_771 = arith.index_cast %add3A_752 : i32 to index
        %get3A_772 = arith.constant 32 : index
        %get3A_773 = tpu.vector_load %arg15[%get3A_770, %get3A_771, %get3A_772] {strides = array<i32>} : memref<2x256x128xf32, #tpu.memory_space<vmem>>, vector<16xf32>,
        %add3A_774 = arith.addf %add3A_706, %get3A_773 : vector<16xf32>
        %mul3A_775 = arith.mulf %get3A_773, %get3A_773 : vector<16xf32>
        %add3A_776 = arith.addf %add3A_708, %mul3A_775 : vector<16xf32>
        %get3A_777 = arith.constant 0 : i32
        %get3A_778 = arith.index_cast %get3A_777 : i32 to index
        %get3A_779 = arith.index_cast %add3A_752 : i32 to index
        %get3A_780 = arith.constant 48 : index
        %get3A_781 = tpu.vector_load %arg15[%get3A_778, %get3A_779, %get3A_780] {strides = array<i32>} : memref<2x256x128xf32, #tpu.memory_space<vmem>>, vector<16xf32>,
        %add3A_782 = arith.addf %add3A_714, %get3A_781 : vector<16xf32>
        %mul3A_783 = arith.mulf %get3A_781, %get3A_781 : vector<16xf32>
        %add3A_784 = arith.addf %add3A_716, %mul3A_783 : vector<16xf32>
        %get3A_785 = arith.constant 0 : i32
        %get3A_786 = arith.index_cast %get3A_785 : i32 to index
        %get3A_787 = arith.index_cast %add3A_752 : i32 to index
        %get3A_788 = arith.constant 64 : index
        %get3A_789 = tpu.vector_load %arg15[%get3A_786, %get3A_787, %get3A_788] {strides = array<i32>} : memref<2x256x128xf32, #tpu.memory_space<vmem>>, vector<16xf32>,
        %add3A_790 = arith.addf %add3A_722, %get3A_789 : vector<16xf32>
        %mul3A_791 = arith.mulf %get3A_789, %get3A_789 : vector<16xf32>
        %add3A_792 = arith.addf %add3A_724, %mul3A_791 : vector<16xf32>
        %get3A_793 = arith.constant 0 : i32
        %get3A_794 = arith.index_cast %get3A_793 : i32 to index
        %get3A_795 = arith.index_cast %add3A_752 : i32 to index
        %get3A_796 = arith.constant 80 : index
        %get3A_797 = tpu.vector_load %arg15[%get3A_794, %get3A_795, %get3A_796] {strides = array<i32>} : memref<2x256x128xf32, #tpu.memory_space<vmem>>, vector<16xf32>,
        %add3A_798 = arith.addf %add3A_730, %get3A_797 : vector<16xf32>
        %mul3A_799 = arith.mulf %get3A_797, %get3A_797 : vector<16xf32>
        %add3A_800 = arith.addf %add3A_732, %mul3A_799 : vector<16xf32>
        %get3A_801 = arith.constant 0 : i32
        %get3A_802 = arith.index_cast %get3A_801 : i32 to index
        %get3A_803 = arith.index_cast %add3A_752 : i32 to index
        %get3A_804 = arith.constant 96 : index
        %get3A_805 = tpu.vector_load %arg15[%get3A_802, %get3A_803, %get3A_804] {strides = array<i32>} : memref<2x256x128xf32, #tpu.memory_space<vmem>>, vector<16xf32>,
        %add3A_806 = arith.addf %add3A_738, %get3A_805 : vector<16xf32>
        %mul3A_807 = arith.mulf %get3A_805, %get3A_805 : vector<16xf32>
        %add3A_808 = arith.addf %add3A_740, %mul3A_807 : vector<16xf32>
        %get3A_809 = arith.constant 0 : i32
        %get3A_810 = arith.index_cast %get3A_809 : i32 to index
        %get3A_811 = arith.index_cast %add3A_752 : i32 to index
        %get3A_812 = arith.constant 112 : index
        %get3A_813 = tpu.vector_load %arg15[%get3A_810, %get3A_811, %get3A_812] {strides = array<i32>} : memref<2x256x128xf32, #tpu.memory_space<vmem>>, vector<16xf32>,
        %add3A_814 = arith.addf %add3A_746, %get3A_813 : vector<16xf32>
        %mul3A_815 = arith.mulf %get3A_813, %get3A_813 : vector<16xf32>
        %add3A_816 = arith.addf %add3A_748, %mul3A_815 : vector<16xf32>
        %mul3A_817 = arith.constant 16 : i32
        %mul3A_818 = arith.muli %scan3A_596, %mul3A_817 : i32
        %add3A_819 = arith.constant 3 : i32
        %add3A_820 = arith.addi %mul3A_818, %add3A_819 : i32
        %get3A_821 = arith.constant 0 : i32
        %get3A_822 = arith.index_cast %get3A_821 : i32 to index
        %get3A_823 = arith.index_cast %add3A_820 : i32 to index
        %get3A_824 = arith.constant 0 : index
        %get3A_825 = tpu.vector_load %arg15[%get3A_822, %get3A_823, %get3A_824] {strides = array<i32>} : memref<2x256x128xf32, #tpu.memory_space<vmem>>, vector<16xf32>,
        %add3A_826 = arith.addf %add3A_758, %get3A_825 : vector<16xf32>
        %mul3A_827 = arith.mulf %get3A_825, %get3A_825 : vector<16xf32>
        %add3A_828 = arith.addf %add3A_760, %mul3A_827 : vector<16xf32>
        %get3A_829 = arith.constant 0 : i32
        %get3A_830 = arith.index_cast %get3A_829 : i32 to index
        %get3A_831 = arith.index_cast %add3A_820 : i32 to index
        %get3A_832 = arith.constant 16 : index
        %get3A_833 = tpu.vector_load %arg15[%get3A_830, %get3A_831, %get3A_832] {strides = array<i32>} : memref<2x256x128xf32, #tpu.memory_space<vmem>>, vector<16xf32>,
        %add3A_834 = arith.addf %add3A_766, %get3A_833 : vector<16xf32>
        %mul3A_835 = arith.mulf %get3A_833, %get3A_833 : vector<16xf32>
        %add3A_836 = arith.addf %add3A_768, %mul3A_835 : vector<16xf32>
        %get3A_837 = arith.constant 0 : i32
        %get3A_838 = arith.index_cast %get3A_837 : i32 to index
        %get3A_839 = arith.index_cast %add3A_820 : i32 to index
        %get3A_840 = arith.constant 32 : index
        %get3A_841 = tpu.vector_load %arg15[%get3A_838, %get3A_839, %get3A_840] {strides = array<i32>} : memref<2x256x128xf32, #tpu.memory_space<vmem>>, vector<16xf32>,
        %add3A_842 = arith.addf %add3A_774, %get3A_841 : vector<16xf32>
        %mul3A_843 = arith.mulf %get3A_841, %get3A_841 : vector<16xf32>
        %add3A_844 = arith.addf %add3A_776, %mul3A_843 : vector<16xf32>
        %get3A_845 = arith.constant 0 : i32
        %get3A_846 = arith.index_cast %get3A_845 : i32 to index
        %get3A_847 = arith.index_cast %add3A_820 : i32 to index
        %get3A_848 = arith.constant 48 : index
        %get3A_849 = tpu.vector_load %arg15[%get3A_846, %get3A_847, %get3A_848] {strides = array<i32>} : memref<2x256x128xf32, #tpu.memory_space<vmem>>, vector<16xf32>,
        %add3A_850 = arith.addf %add3A_782, %get3A_849 : vector<16xf32>
        %mul3A_851 = arith.mulf %get3A_849, %get3A_849 : vector<16xf32>
        %add3A_852 = arith.addf %add3A_784, %mul3A_851 : vector<16xf32>
        %get3A_853 = arith.constant 0 : i32
        %get3A_854 = arith.index_cast %get3A_853 : i32 to index
        %get3A_855 = arith.index_cast %add3A_820 : i32 to index
        %get3A_856 = arith.constant 64 : index
        %get3A_857 = tpu.vector_load %arg15[%get3A_854, %get3A_855, %get3A_856] {strides = array<i32>} : memref<2x256x128xf32, #tpu.memory_space<vmem>>, vector<16xf32>,
        %add3A_858 = arith.addf %add3A_790, %get3A_857 : vector<16xf32>
        %mul3A_859 = arith.mulf %get3A_857, %get3A_857 : vector<16xf32>
        %add3A_860 = arith.addf %add3A_792, %mul3A_859 : vector<16xf32>
        %get3A_861 = arith.constant 0 : i32
        %get3A_862 = arith.index_cast %get3A_861 : i32 to index
        %get3A_863 = arith.index_cast %add3A_820 : i32 to index
        %get3A_864 = arith.constant 80 : index
        %get3A_865 = tpu.vector_load %arg15[%get3A_862, %get3A_863, %get3A_864] {strides = array<i32>} : memref<2x256x128xf32, #tpu.memory_space<vmem>>, vector<16xf32>,
        %add3A_866 = arith.addf %add3A_798, %get3A_865 : vector<16xf32>
        %mul3A_867 = arith.mulf %get3A_865, %get3A_865 : vector<16xf32>
        %add3A_868 = arith.addf %add3A_800, %mul3A_867 : vector<16xf32>
        %get3A_869 = arith.constant 0 : i32
        %get3A_870 = arith.index_cast %get3A_869 : i32 to index
        %get3A_871 = arith.index_cast %add3A_820 : i32 to index
        %get3A_872 = arith.constant 96 : index
        %get3A_873 = tpu.vector_load %arg15[%get3A_870, %get3A_871, %get3A_872] {strides = array<i32>} : memref<2x256x128xf32, #tpu.memory_space<vmem>>, vector<16xf32>,
        %add3A_874 = arith.addf %add3A_806, %get3A_873 : vector<16xf32>
        %mul3A_875 = arith.mulf %get3A_873, %get3A_873 : vector<16xf32>
        %add3A_876 = arith.addf %add3A_808, %mul3A_875 : vector<16xf32>
        %get3A_877 = arith.constant 0 : i32
        %get3A_878 = arith.index_cast %get3A_877 : i32 to index
        %get3A_879 = arith.index_cast %add3A_820 : i32 to index
        %get3A_880 = arith.constant 112 : index
        %get3A_881 = tpu.vector_load %arg15[%get3A_878, %get3A_879, %get3A_880] {strides = array<i32>} : memref<2x256x128xf32, #tpu.memory_space<vmem>>, vector<16xf32>,
        %add3A_882 = arith.addf %add3A_814, %get3A_881 : vector<16xf32>
        %mul3A_883 = arith.mulf %get3A_881, %get3A_881 : vector<16xf32>
        %add3A_884 = arith.addf %add3A_816, %mul3A_883 : vector<16xf32>
        %mul3A_885 = arith.constant 16 : i32
        %mul3A_886 = arith.muli %scan3A_596, %mul3A_885 : i32
        %add3A_887 = arith.constant 4 : i32
        %add3A_888 = arith.addi %mul3A_886, %add3A_887 : i32
        %get3A_889 = arith.constant 0 : i32
        %get3A_890 = arith.index_cast %get3A_889 : i32 to index
        %get3A_891 = arith.index_cast %add3A_888 : i32 to index
        %get3A_892 = arith.constant 0 : index
        %get3A_893 = tpu.vector_load %arg15[%get3A_890, %get3A_891, %get3A_892] {strides = array<i32>} : memref<2x256x128xf32, #tpu.memory_space<vmem>>, vector<16xf32>,
        %add3A_894 = arith.addf %add3A_826, %get3A_893 : vector<16xf32>
        %mul3A_895 = arith.mulf %get3A_893, %get3A_893 : vector<16xf32>
        %add3A_896 = arith.addf %add3A_828, %mul3A_895 : vector<16xf32>
        %get3A_897 = arith.constant 0 : i32
        %get3A_898 = arith.index_cast %get3A_897 : i32 to index
        %get3A_899 = arith.index_cast %add3A_888 : i32 to index
        %get3A_900 = arith.constant 16 : index
        %get3A_901 = tpu.vector_load %arg15[%get3A_898, %get3A_899, %get3A_900] {strides = array<i32>} : memref<2x256x128xf32, #tpu.memory_space<vmem>>, vector<16xf32>,
        %add3A_902 = arith.addf %add3A_834, %get3A_901 : vector<16xf32>
        %mul3A_903 = arith.mulf %get3A_901, %get3A_901 : vector<16xf32>
        %add3A_904 = arith.addf %add3A_836, %mul3A_903 : vector<16xf32>
        %get3A_905 = arith.constant 0 : i32
        %get3A_906 = arith.index_cast %get3A_905 : i32 to index
        %get3A_907 = arith.index_cast %add3A_888 : i32 to index
        %get3A_908 = arith.constant 32 : index
        %get3A_909 = tpu.vector_load %arg15[%get3A_906, %get3A_907, %get3A_908] {strides = array<i32>} : memref<2x256x128xf32, #tpu.memory_space<vmem>>, vector<16xf32>,
        %add3A_910 = arith.addf %add3A_842, %get3A_909 : vector<16xf32>
        %mul3A_911 = arith.mulf %get3A_909, %get3A_909 : vector<16xf32>
        %add3A_912 = arith.addf %add3A_844, %mul3A_911 : vector<16xf32>
        %get3A_913 = arith.constant 0 : i32
        %get3A_914 = arith.index_cast %get3A_913 : i32 to index
        %get3A_915 = arith.index_cast %add3A_888 : i32 to index
        %get3A_916 = arith.constant 48 : index
        %get3A_917 = tpu.vector_load %arg15[%get3A_914, %get3A_915, %get3A_916] {strides = array<i32>} : memref<2x256x128xf32, #tpu.memory_space<vmem>>, vector<16xf32>,
        %add3A_918 = arith.addf %add3A_850, %get3A_917 : vector<16xf32>
        %mul3A_919 = arith.mulf %get3A_917, %get3A_917 : vector<16xf32>
        %add3A_920 = arith.addf %add3A_852, %mul3A_919 : vector<16xf32>
        %get3A_921 = arith.constant 0 : i32
        %get3A_922 = arith.index_cast %get3A_921 : i32 to index
        %get3A_923 = arith.index_cast %add3A_888 : i32 to index
        %get3A_924 = arith.constant 64 : index
        %get3A_925 = tpu.vector_load %arg15[%get3A_922, %get3A_923, %get3A_924] {strides = array<i32>} : memref<2x256x128xf32, #tpu.memory_space<vmem>>, vector<16xf32>,
        %add3A_926 = arith.addf %add3A_858, %get3A_925 : vector<16xf32>
        %mul3A_927 = arith.mulf %get3A_925, %get3A_925 : vector<16xf32>
        %add3A_928 = arith.addf %add3A_860, %mul3A_927 : vector<16xf32>
        %get3A_929 = arith.constant 0 : i32
        %get3A_930 = arith.index_cast %get3A_929 : i32 to index
        %get3A_931 = arith.index_cast %add3A_888 : i32 to index
        %get3A_932 = arith.constant 80 : index
        %get3A_933 = tpu.vector_load %arg15[%get3A_930, %get3A_931, %get3A_932] {strides = array<i32>} : memref<2x256x128xf32, #tpu.memory_space<vmem>>, vector<16xf32>,
        %add3A_934 = arith.addf %add3A_866, %get3A_933 : vector<16xf32>
        %mul3A_935 = arith.mulf %get3A_933, %get3A_933 : vector<16xf32>
        %add3A_936 = arith.addf %add3A_868, %mul3A_935 : vector<16xf32>
        %get3A_937 = arith.constant 0 : i32
        %get3A_938 = arith.index_cast %get3A_937 : i32 to index
        %get3A_939 = arith.index_cast %add3A_888 : i32 to index
        %get3A_940 = arith.constant 96 : index
        %get3A_941 = tpu.vector_load %arg15[%get3A_938, %get3A_939, %get3A_940] {strides = array<i32>} : memref<2x256x128xf32, #tpu.memory_space<vmem>>, vector<16xf32>,
        %add3A_942 = arith.addf %add3A_874, %get3A_941 : vector<16xf32>
        %mul3A_943 = arith.mulf %get3A_941, %get3A_941 : vector<16xf32>
        %add3A_944 = arith.addf %add3A_876, %mul3A_943 : vector<16xf32>
        %get3A_945 = arith.constant 0 : i32
        %get3A_946 = arith.index_cast %get3A_945 : i32 to index
        %get3A_947 = arith.index_cast %add3A_888 : i32 to index
        %get3A_948 = arith.constant 112 : index
        %get3A_949 = tpu.vector_load %arg15[%get3A_946, %get3A_947, %get3A_948] {strides = array<i32>} : memref<2x256x128xf32, #tpu.memory_space<vmem>>, vector<16xf32>,
        %add3A_950 = arith.addf %add3A_882, %get3A_949 : vector<16xf32>
        %mul3A_951 = arith.mulf %get3A_949, %get3A_949 : vector<16xf32>
        %add3A_952 = arith.addf %add3A_884, %mul3A_951 : vector<16xf32>
        %mul3A_953 = arith.constant 16 : i32
        %mul3A_954 = arith.muli %scan3A_596, %mul3A_953 : i32
        %add3A_955 = arith.constant 5 : i32
        %add3A_956 = arith.addi %mul3A_954, %add3A_955 : i32
        %get3A_957 = arith.constant 0 : i32
        %get3A_958 = arith.index_cast %get3A_957 : i32 to index
        %get3A_959 = arith.index_cast %add3A_956 : i32 to index
        %get3A_960 = arith.constant 0 : index
        %get3A_961 = tpu.vector_load %arg15[%get3A_958, %get3A_959, %get3A_960] {strides = array<i32>} : memref<2x256x128xf32, #tpu.memory_space<vmem>>, vector<16xf32>,
        %add3A_962 = arith.addf %add3A_894, %get3A_961 : vector<16xf32>
        %mul3A_963 = arith.mulf %get3A_961, %get3A_961 : vector<16xf32>
        %add3A_964 = arith.addf %add3A_896, %mul3A_963 : vector<16xf32>
        %get3A_965 = arith.constant 0 : i32
        %get3A_966 = arith.index_cast %get3A_965 : i32 to index
        %get3A_967 = arith.index_cast %add3A_956 : i32 to index
        %get3A_968 = arith.constant 16 : index
        %get3A_969 = tpu.vector_load %arg15[%get3A_966, %get3A_967, %get3A_968] {strides = array<i32>} : memref<2x256x128xf32, #tpu.memory_space<vmem>>, vector<16xf32>,
        %add3A_970 = arith.addf %add3A_902, %get3A_969 : vector<16xf32>
        %mul3A_971 = arith.mulf %get3A_969, %get3A_969 : vector<16xf32>
        %add3A_972 = arith.addf %add3A_904, %mul3A_971 : vector<16xf32>
        %get3A_973 = arith.constant 0 : i32
        %get3A_974 = arith.index_cast %get3A_973 : i32 to index
        %get3A_975 = arith.index_cast %add3A_956 : i32 to index
        %get3A_976 = arith.constant 32 : index
        %get3A_977 = tpu.vector_load %arg15[%get3A_974, %get3A_975, %get3A_976] {strides = array<i32>} : memref<2x256x128xf32, #tpu.memory_space<vmem>>, vector<16xf32>,
        %add3A_978 = arith.addf %add3A_910, %get3A_977 : vector<16xf32>
        %mul3A_979 = arith.mulf %get3A_977, %get3A_977 : vector<16xf32>
        %add3A_980 = arith.addf %add3A_912, %mul3A_979 : vector<16xf32>
        %get3A_981 = arith.constant 0 : i32
        %get3A_982 = arith.index_cast %get3A_981 : i32 to index
        %get3A_983 = arith.index_cast %add3A_956 : i32 to index
        %get3A_984 = arith.constant 48 : index
        %get3A_985 = tpu.vector_load %arg15[%get3A_982, %get3A_983, %get3A_984] {strides = array<i32>} : memref<2x256x128xf32, #tpu.memory_space<vmem>>, vector<16xf32>,
        %add3A_986 = arith.addf %add3A_918, %get3A_985 : vector<16xf32>
        %mul3A_987 = arith.mulf %get3A_985, %get3A_985 : vector<16xf32>
        %add3A_988 = arith.addf %add3A_920, %mul3A_987 : vector<16xf32>
        %get3A_989 = arith.constant 0 : i32
        %get3A_990 = arith.index_cast %get3A_989 : i32 to index
        %get3A_991 = arith.index_cast %add3A_956 : i32 to index
        %get3A_992 = arith.constant 64 : index
        %get3A_993 = tpu.vector_load %arg15[%get3A_990, %get3A_991, %get3A_992] {strides = array<i32>} : memref<2x256x128xf32, #tpu.memory_space<vmem>>, vector<16xf32>,
        %add3A_994 = arith.addf %add3A_926, %get3A_993 : vector<16xf32>
        %mul3A_995 = arith.mulf %get3A_993, %get3A_993 : vector<16xf32>
        %add3A_996 = arith.addf %add3A_928, %mul3A_995 : vector<16xf32>
        %get3A_997 = arith.constant 0 : i32
        %get3A_998 = arith.index_cast %get3A_997 : i32 to index
        %get3A_999 = arith.index_cast %add3A_956 : i32 to index
        %get3A_1000 = arith.constant 80 : index
        %get3A_1001 = tpu.vector_load %arg15[%get3A_998, %get3A_999, %get3A_1000] {strides = array<i32>} : memref<2x256x128xf32, #tpu.memory_space<vmem>>, vector<16xf32>,
        %add3A_1002 = arith.addf %add3A_934, %get3A_1001 : vector<16xf32>
        %mul3A_1003 = arith.mulf %get3A_1001, %get3A_1001 : vector<16xf32>
        %add3A_1004 = arith.addf %add3A_936, %mul3A_1003 : vector<16xf32>
        %get3A_1005 = arith.constant 0 : i32
        %get3A_1006 = arith.index_cast %get3A_1005 : i32 to index
        %get3A_1007 = arith.index_cast %add3A_956 : i32 to index
        %get3A_1008 = arith.constant 96 : index
        %get3A_1009 = tpu.vector_load %arg15[%get3A_1006, %get3A_1007, %get3A_1008] {strides = array<i32>} : memref<2x256x128xf32, #tpu.memory_space<vmem>>, vector<16xf32>,
        %add3A_1010 = arith.addf %add3A_942, %get3A_1009 : vector<16xf32>
        %mul3A_1011 = arith.mulf %get3A_1009, %get3A_1009 : vector<16xf32>
        %add3A_1012 = arith.addf %add3A_944, %mul3A_1011 : vector<16xf32>
        %get3A_1013 = arith.constant 0 : i32
        %get3A_1014 = arith.index_cast %get3A_1013 : i32 to index
        %get3A_1015 = arith.index_cast %add3A_956 : i32 to index
        %get3A_1016 = arith.constant 112 : index
        %get3A_1017 = tpu.vector_load %arg15[%get3A_1014, %get3A_1015, %get3A_1016] {strides = array<i32>} : memref<2x256x128xf32, #tpu.memory_space<vmem>>, vector<16xf32>,
        %add3A_1018 = arith.addf %add3A_950, %get3A_1017 : vector<16xf32>
        %mul3A_1019 = arith.mulf %get3A_1017, %get3A_1017 : vector<16xf32>
        %add3A_1020 = arith.addf %add3A_952, %mul3A_1019 : vector<16xf32>
        %mul3A_1021 = arith.constant 16 : i32
        %mul3A_1022 = arith.muli %scan3A_596, %mul3A_1021 : i32
        %add3A_1023 = arith.constant 6 : i32
        %add3A_1024 = arith.addi %mul3A_1022, %add3A_1023 : i32
        %get3A_1025 = arith.constant 0 : i32
        %get3A_1026 = arith.index_cast %get3A_1025 : i32 to index
        %get3A_1027 = arith.index_cast %add3A_1024 : i32 to index
        %get3A_1028 = arith.constant 0 : index
        %get3A_1029 = tpu.vector_load %arg15[%get3A_1026, %get3A_1027, %get3A_1028] {strides = array<i32>} : memref<2x256x128xf32, #tpu.memory_space<vmem>>, vector<16xf32>,
        %add3A_1030 = arith.addf %add3A_962, %get3A_1029 : vector<16xf32>
        %mul3A_1031 = arith.mulf %get3A_1029, %get3A_1029 : vector<16xf32>
        %add3A_1032 = arith.addf %add3A_964, %mul3A_1031 : vector<16xf32>
        %get3A_1033 = arith.constant 0 : i32
        %get3A_1034 = arith.index_cast %get3A_1033 : i32 to index
        %get3A_1035 = arith.index_cast %add3A_1024 : i32 to index
        %get3A_1036 = arith.constant 16 : index
        %get3A_1037 = tpu.vector_load %arg15[%get3A_1034, %get3A_1035, %get3A_1036] {strides = array<i32>} : memref<2x256x128xf32, #tpu.memory_space<vmem>>, vector<16xf32>,
        %add3A_1038 = arith.addf %add3A_970, %get3A_1037 : vector<16xf32>
        %mul3A_1039 = arith.mulf %get3A_1037, %get3A_1037 : vector<16xf32>
        %add3A_1040 = arith.addf %add3A_972, %mul3A_1039 : vector<16xf32>
        %get3A_1041 = arith.constant 0 : i32
        %get3A_1042 = arith.index_cast %get3A_1041 : i32 to index
        %get3A_1043 = arith.index_cast %add3A_1024 : i32 to index
        %get3A_1044 = arith.constant 32 : index
        %get3A_1045 = tpu.vector_load %arg15[%get3A_1042, %get3A_1043, %get3A_1044] {strides = array<i32>} : memref<2x256x128xf32, #tpu.memory_space<vmem>>, vector<16xf32>,
        %add3A_1046 = arith.addf %add3A_978, %get3A_1045 : vector<16xf32>
        %mul3A_1047 = arith.mulf %get3A_1045, %get3A_1045 : vector<16xf32>
        %add3A_1048 = arith.addf %add3A_980, %mul3A_1047 : vector<16xf32>
        %get3A_1049 = arith.constant 0 : i32
        %get3A_1050 = arith.index_cast %get3A_1049 : i32 to index
        %get3A_1051 = arith.index_cast %add3A_1024 : i32 to index
        %get3A_1052 = arith.constant 48 : index
        %get3A_1053 = tpu.vector_load %arg15[%get3A_1050, %get3A_1051, %get3A_1052] {strides = array<i32>} : memref<2x256x128xf32, #tpu.memory_space<vmem>>, vector<16xf32>,
        %add3A_1054 = arith.addf %add3A_986, %get3A_1053 : vector<16xf32>
        %mul3A_1055 = arith.mulf %get3A_1053, %get3A_1053 : vector<16xf32>
        %add3A_1056 = arith.addf %add3A_988, %mul3A_1055 : vector<16xf32>
        %get3A_1057 = arith.constant 0 : i32
        %get3A_1058 = arith.index_cast %get3A_1057 : i32 to index
        %get3A_1059 = arith.index_cast %add3A_1024 : i32 to index
        %get3A_1060 = arith.constant 64 : index
        %get3A_1061 = tpu.vector_load %arg15[%get3A_1058, %get3A_1059, %get3A_1060] {strides = array<i32>} : memref<2x256x128xf32, #tpu.memory_space<vmem>>, vector<16xf32>,
        %add3A_1062 = arith.addf %add3A_994, %get3A_1061 : vector<16xf32>
        %mul3A_1063 = arith.mulf %get3A_1061, %get3A_1061 : vector<16xf32>
        %add3A_1064 = arith.addf %add3A_996, %mul3A_1063 : vector<16xf32>
        %get3A_1065 = arith.constant 0 : i32
        %get3A_1066 = arith.index_cast %get3A_1065 : i32 to index
        %get3A_1067 = arith.index_cast %add3A_1024 : i32 to index
        %get3A_1068 = arith.constant 80 : index
        %get3A_1069 = tpu.vector_load %arg15[%get3A_1066, %get3A_1067, %get3A_1068] {strides = array<i32>} : memref<2x256x128xf32, #tpu.memory_space<vmem>>, vector<16xf32>,
        %add3A_1070 = arith.addf %add3A_1002, %get3A_1069 : vector<16xf32>
        %mul3A_1071 = arith.mulf %get3A_1069, %get3A_1069 : vector<16xf32>
        %add3A_1072 = arith.addf %add3A_1004, %mul3A_1071 : vector<16xf32>
        %get3A_1073 = arith.constant 0 : i32
        %get3A_1074 = arith.index_cast %get3A_1073 : i32 to index
        %get3A_1075 = arith.index_cast %add3A_1024 : i32 to index
        %get3A_1076 = arith.constant 96 : index
        %get3A_1077 = tpu.vector_load %arg15[%get3A_1074, %get3A_1075, %get3A_1076] {strides = array<i32>} : memref<2x256x128xf32, #tpu.memory_space<vmem>>, vector<16xf32>,
        %add3A_1078 = arith.addf %add3A_1010, %get3A_1077 : vector<16xf32>
        %mul3A_1079 = arith.mulf %get3A_1077, %get3A_1077 : vector<16xf32>
        %add3A_1080 = arith.addf %add3A_1012, %mul3A_1079 : vector<16xf32>
        %get3A_1081 = arith.constant 0 : i32
        %get3A_1082 = arith.index_cast %get3A_1081 : i32 to index
        %get3A_1083 = arith.index_cast %add3A_1024 : i32 to index
        %get3A_1084 = arith.constant 112 : index
        %get3A_1085 = tpu.vector_load %arg15[%get3A_1082, %get3A_1083, %get3A_1084] {strides = array<i32>} : memref<2x256x128xf32, #tpu.memory_space<vmem>>, vector<16xf32>,
        %add3A_1086 = arith.addf %add3A_1018, %get3A_1085 : vector<16xf32>
        %mul3A_1087 = arith.mulf %get3A_1085, %get3A_1085 : vector<16xf32>
        %add3A_1088 = arith.addf %add3A_1020, %mul3A_1087 : vector<16xf32>
        %mul3A_1089 = arith.constant 16 : i32
        %mul3A_1090 = arith.muli %scan3A_596, %mul3A_1089 : i32
        %add3A_1091 = arith.constant 7 : i32
        %add3A_1092 = arith.addi %mul3A_1090, %add3A_1091 : i32
        %get3A_1093 = arith.constant 0 : i32
        %get3A_1094 = arith.index_cast %get3A_1093 : i32 to index
        %get3A_1095 = arith.index_cast %add3A_1092 : i32 to index
        %get3A_1096 = arith.constant 0 : index
        %get3A_1097 = tpu.vector_load %arg15[%get3A_1094, %get3A_1095, %get3A_1096] {strides = array<i32>} : memref<2x256x128xf32, #tpu.memory_space<vmem>>, vector<16xf32>,
        %add3A_1098 = arith.addf %add3A_1030, %get3A_1097 : vector<16xf32>
        %mul3A_1099 = arith.mulf %get3A_1097, %get3A_1097 : vector<16xf32>
        %add3A_1100 = arith.addf %add3A_1032, %mul3A_1099 : vector<16xf32>
        %get3A_1101 = arith.constant 0 : i32
        %get3A_1102 = arith.index_cast %get3A_1101 : i32 to index
        %get3A_1103 = arith.index_cast %add3A_1092 : i32 to index
        %get3A_1104 = arith.constant 16 : index
        %get3A_1105 = tpu.vector_load %arg15[%get3A_1102, %get3A_1103, %get3A_1104] {strides = array<i32>} : memref<2x256x128xf32, #tpu.memory_space<vmem>>, vector<16xf32>,
        %add3A_1106 = arith.addf %add3A_1038, %get3A_1105 : vector<16xf32>
        %mul3A_1107 = arith.mulf %get3A_1105, %get3A_1105 : vector<16xf32>
        %add3A_1108 = arith.addf %add3A_1040, %mul3A_1107 : vector<16xf32>
        %get3A_1109 = arith.constant 0 : i32
        %get3A_1110 = arith.index_cast %get3A_1109 : i32 to index
        %get3A_1111 = arith.index_cast %add3A_1092 : i32 to index
        %get3A_1112 = arith.constant 32 : index
        %get3A_1113 = tpu.vector_load %arg15[%get3A_1110, %get3A_1111, %get3A_1112] {strides = array<i32>} : memref<2x256x128xf32, #tpu.memory_space<vmem>>, vector<16xf32>,
        %add3A_1114 = arith.addf %add3A_1046, %get3A_1113 : vector<16xf32>
        %mul3A_1115 = arith.mulf %get3A_1113, %get3A_1113 : vector<16xf32>
        %add3A_1116 = arith.addf %add3A_1048, %mul3A_1115 : vector<16xf32>
        %get3A_1117 = arith.constant 0 : i32
        %get3A_1118 = arith.index_cast %get3A_1117 : i32 to index
        %get3A_1119 = arith.index_cast %add3A_1092 : i32 to index
        %get3A_1120 = arith.constant 48 : index
        %get3A_1121 = tpu.vector_load %arg15[%get3A_1118, %get3A_1119, %get3A_1120] {strides = array<i32>} : memref<2x256x128xf32, #tpu.memory_space<vmem>>, vector<16xf32>,
        %add3A_1122 = arith.addf %add3A_1054, %get3A_1121 : vector<16xf32>
        %mul3A_1123 = arith.mulf %get3A_1121, %get3A_1121 : vector<16xf32>
        %add3A_1124 = arith.addf %add3A_1056, %mul3A_1123 : vector<16xf32>
        %get3A_1125 = arith.constant 0 : i32
        %get3A_1126 = arith.index_cast %get3A_1125 : i32 to index
        %get3A_1127 = arith.index_cast %add3A_1092 : i32 to index
        %get3A_1128 = arith.constant 64 : index
        %get3A_1129 = tpu.vector_load %arg15[%get3A_1126, %get3A_1127, %get3A_1128] {strides = array<i32>} : memref<2x256x128xf32, #tpu.memory_space<vmem>>, vector<16xf32>,
        %add3A_1130 = arith.addf %add3A_1062, %get3A_1129 : vector<16xf32>
        %mul3A_1131 = arith.mulf %get3A_1129, %get3A_1129 : vector<16xf32>
        %add3A_1132 = arith.addf %add3A_1064, %mul3A_1131 : vector<16xf32>
        %get3A_1133 = arith.constant 0 : i32
        %get3A_1134 = arith.index_cast %get3A_1133 : i32 to index
        %get3A_1135 = arith.index_cast %add3A_1092 : i32 to index
        %get3A_1136 = arith.constant 80 : index
        %get3A_1137 = tpu.vector_load %arg15[%get3A_1134, %get3A_1135, %get3A_1136] {strides = array<i32>} : memref<2x256x128xf32, #tpu.memory_space<vmem>>, vector<16xf32>,
        %add3A_1138 = arith.addf %add3A_1070, %get3A_1137 : vector<16xf32>
        %mul3A_1139 = arith.mulf %get3A_1137, %get3A_1137 : vector<16xf32>
        %add3A_1140 = arith.addf %add3A_1072, %mul3A_1139 : vector<16xf32>
        %get3A_1141 = arith.constant 0 : i32
        %get3A_1142 = arith.index_cast %get3A_1141 : i32 to index
        %get3A_1143 = arith.index_cast %add3A_1092 : i32 to index
        %get3A_1144 = arith.constant 96 : index
        %get3A_1145 = tpu.vector_load %arg15[%get3A_1142, %get3A_1143, %get3A_1144] {strides = array<i32>} : memref<2x256x128xf32, #tpu.memory_space<vmem>>, vector<16xf32>,
        %add3A_1146 = arith.addf %add3A_1078, %get3A_1145 : vector<16xf32>
        %mul3A_1147 = arith.mulf %get3A_1145, %get3A_1145 : vector<16xf32>
        %add3A_1148 = arith.addf %add3A_1080, %mul3A_1147 : vector<16xf32>
        %get3A_1149 = arith.constant 0 : i32
        %get3A_1150 = arith.index_cast %get3A_1149 : i32 to index
        %get3A_1151 = arith.index_cast %add3A_1092 : i32 to index
        %get3A_1152 = arith.constant 112 : index
        %get3A_1153 = tpu.vector_load %arg15[%get3A_1150, %get3A_1151, %get3A_1152] {strides = array<i32>} : memref<2x256x128xf32, #tpu.memory_space<vmem>>, vector<16xf32>,
        %add3A_1154 = arith.addf %add3A_1086, %get3A_1153 : vector<16xf32>
        %mul3A_1155 = arith.mulf %get3A_1153, %get3A_1153 : vector<16xf32>
        %add3A_1156 = arith.addf %add3A_1088, %mul3A_1155 : vector<16xf32>
        %mul3A_1157 = arith.constant 16 : i32
        %mul3A_1158 = arith.muli %scan3A_596, %mul3A_1157 : i32
        %add3A_1159 = arith.constant 8 : i32
        %add3A_1160 = arith.addi %mul3A_1158, %add3A_1159 : i32
        %get3A_1161 = arith.constant 0 : i32
        %get3A_1162 = arith.index_cast %get3A_1161 : i32 to index
        %get3A_1163 = arith.index_cast %add3A_1160 : i32 to index
        %get3A_1164 = arith.constant 0 : index
        %get3A_1165 = tpu.vector_load %arg15[%get3A_1162, %get3A_1163, %get3A_1164] {strides = array<i32>} : memref<2x256x128xf32, #tpu.memory_space<vmem>>, vector<16xf32>,
        %add3A_1166 = arith.addf %add3A_1098, %get3A_1165 : vector<16xf32>
        %mul3A_1167 = arith.mulf %get3A_1165, %get3A_1165 : vector<16xf32>
        %add3A_1168 = arith.addf %add3A_1100, %mul3A_1167 : vector<16xf32>
        %get3A_1169 = arith.constant 0 : i32
        %get3A_1170 = arith.index_cast %get3A_1169 : i32 to index
        %get3A_1171 = arith.index_cast %add3A_1160 : i32 to index
        %get3A_1172 = arith.constant 16 : index
        %get3A_1173 = tpu.vector_load %arg15[%get3A_1170, %get3A_1171, %get3A_1172] {strides = array<i32>} : memref<2x256x128xf32, #tpu.memory_space<vmem>>, vector<16xf32>,
        %add3A_1174 = arith.addf %add3A_1106, %get3A_1173 : vector<16xf32>
        %mul3A_1175 = arith.mulf %get3A_1173, %get3A_1173 : vector<16xf32>
        %add3A_1176 = arith.addf %add3A_1108, %mul3A_1175 : vector<16xf32>
        %get3A_1177 = arith.constant 0 : i32
        %get3A_1178 = arith.index_cast %get3A_1177 : i32 to index
        %get3A_1179 = arith.index_cast %add3A_1160 : i32 to index
        %get3A_1180 = arith.constant 32 : index
        %get3A_1181 = tpu.vector_load %arg15[%get3A_1178, %get3A_1179, %get3A_1180] {strides = array<i32>} : memref<2x256x128xf32, #tpu.memory_space<vmem>>, vector<16xf32>,
        %add3A_1182 = arith.addf %add3A_1114, %get3A_1181 : vector<16xf32>
        %mul3A_1183 = arith.mulf %get3A_1181, %get3A_1181 : vector<16xf32>
        %add3A_1184 = arith.addf %add3A_1116, %mul3A_1183 : vector<16xf32>
        %get3A_1185 = arith.constant 0 : i32
        %get3A_1186 = arith.index_cast %get3A_1185 : i32 to index
        %get3A_1187 = arith.index_cast %add3A_1160 : i32 to index
        %get3A_1188 = arith.constant 48 : index
        %get3A_1189 = tpu.vector_load %arg15[%get3A_1186, %get3A_1187, %get3A_1188] {strides = array<i32>} : memref<2x256x128xf32, #tpu.memory_space<vmem>>, vector<16xf32>,
        %add3A_1190 = arith.addf %add3A_1122, %get3A_1189 : vector<16xf32>
        %mul3A_1191 = arith.mulf %get3A_1189, %get3A_1189 : vector<16xf32>
        %add3A_1192 = arith.addf %add3A_1124, %mul3A_1191 : vector<16xf32>
        %get3A_1193 = arith.constant 0 : i32
        %get3A_1194 = arith.index_cast %get3A_1193 : i32 to index
        %get3A_1195 = arith.index_cast %add3A_1160 : i32 to index
        %get3A_1196 = arith.constant 64 : index
        %get3A_1197 = tpu.vector_load %arg15[%get3A_1194, %get3A_1195, %get3A_1196] {strides = array<i32>} : memref<2x256x128xf32, #tpu.memory_space<vmem>>, vector<16xf32>,
        %add3A_1198 = arith.addf %add3A_1130, %get3A_1197 : vector<16xf32>
        %mul3A_1199 = arith.mulf %get3A_1197, %get3A_1197 : vector<16xf32>
        %add3A_1200 = arith.addf %add3A_1132, %mul3A_1199 : vector<16xf32>
        %get3A_1201 = arith.constant 0 : i32
        %get3A_1202 = arith.index_cast %get3A_1201 : i32 to index
        %get3A_1203 = arith.index_cast %add3A_1160 : i32 to index
        %get3A_1204 = arith.constant 80 : index
        %get3A_1205 = tpu.vector_load %arg15[%get3A_1202, %get3A_1203, %get3A_1204] {strides = array<i32>} : memref<2x256x128xf32, #tpu.memory_space<vmem>>, vector<16xf32>,
        %add3A_1206 = arith.addf %add3A_1138, %get3A_1205 : vector<16xf32>
        %mul3A_1207 = arith.mulf %get3A_1205, %get3A_1205 : vector<16xf32>
        %add3A_1208 = arith.addf %add3A_1140, %mul3A_1207 : vector<16xf32>
        %get3A_1209 = arith.constant 0 : i32
        %get3A_1210 = arith.index_cast %get3A_1209 : i32 to index
        %get3A_1211 = arith.index_cast %add3A_1160 : i32 to index
        %get3A_1212 = arith.constant 96 : index
        %get3A_1213 = tpu.vector_load %arg15[%get3A_1210, %get3A_1211, %get3A_1212] {strides = array<i32>} : memref<2x256x128xf32, #tpu.memory_space<vmem>>, vector<16xf32>,
        %add3A_1214 = arith.addf %add3A_1146, %get3A_1213 : vector<16xf32>
        %mul3A_1215 = arith.mulf %get3A_1213, %get3A_1213 : vector<16xf32>
        %add3A_1216 = arith.addf %add3A_1148, %mul3A_1215 : vector<16xf32>
        %get3A_1217 = arith.constant 0 : i32
        %get3A_1218 = arith.index_cast %get3A_1217 : i32 to index
        %get3A_1219 = arith.index_cast %add3A_1160 : i32 to index
        %get3A_1220 = arith.constant 112 : index
        %get3A_1221 = tpu.vector_load %arg15[%get3A_1218, %get3A_1219, %get3A_1220] {strides = array<i32>} : memref<2x256x128xf32, #tpu.memory_space<vmem>>, vector<16xf32>,
        %add3A_1222 = arith.addf %add3A_1154, %get3A_1221 : vector<16xf32>
        %mul3A_1223 = arith.mulf %get3A_1221, %get3A_1221 : vector<16xf32>
        %add3A_1224 = arith.addf %add3A_1156, %mul3A_1223 : vector<16xf32>
        %mul3A_1225 = arith.constant 16 : i32
        %mul3A_1226 = arith.muli %scan3A_596, %mul3A_1225 : i32
        %add3A_1227 = arith.constant 9 : i32
        %add3A_1228 = arith.addi %mul3A_1226, %add3A_1227 : i32
        %get3A_1229 = arith.constant 0 : i32
        %get3A_1230 = arith.index_cast %get3A_1229 : i32 to index
        %get3A_1231 = arith.index_cast %add3A_1228 : i32 to index
        %get3A_1232 = arith.constant 0 : index
        %get3A_1233 = tpu.vector_load %arg15[%get3A_1230, %get3A_1231, %get3A_1232] {strides = array<i32>} : memref<2x256x128xf32, #tpu.memory_space<vmem>>, vector<16xf32>,
        %add3A_1234 = arith.addf %add3A_1166, %get3A_1233 : vector<16xf32>
        %mul3A_1235 = arith.mulf %get3A_1233, %get3A_1233 : vector<16xf32>
        %add3A_1236 = arith.addf %add3A_1168, %mul3A_1235 : vector<16xf32>
        %get3A_1237 = arith.constant 0 : i32
        %get3A_1238 = arith.index_cast %get3A_1237 : i32 to index
        %get3A_1239 = arith.index_cast %add3A_1228 : i32 to index
        %get3A_1240 = arith.constant 16 : index
        %get3A_1241 = tpu.vector_load %arg15[%get3A_1238, %get3A_1239, %get3A_1240] {strides = array<i32>} : memref<2x256x128xf32, #tpu.memory_space<vmem>>, vector<16xf32>,
        %add3A_1242 = arith.addf %add3A_1174, %get3A_1241 : vector<16xf32>
        %mul3A_1243 = arith.mulf %get3A_1241, %get3A_1241 : vector<16xf32>
        %add3A_1244 = arith.addf %add3A_1176, %mul3A_1243 : vector<16xf32>
        %get3A_1245 = arith.constant 0 : i32
        %get3A_1246 = arith.index_cast %get3A_1245 : i32 to index
        %get3A_1247 = arith.index_cast %add3A_1228 : i32 to index
        %get3A_1248 = arith.constant 32 : index
        %get3A_1249 = tpu.vector_load %arg15[%get3A_1246, %get3A_1247, %get3A_1248] {strides = array<i32>} : memref<2x256x128xf32, #tpu.memory_space<vmem>>, vector<16xf32>,
        %add3A_1250 = arith.addf %add3A_1182, %get3A_1249 : vector<16xf32>
        %mul3A_1251 = arith.mulf %get3A_1249, %get3A_1249 : vector<16xf32>
        %add3A_1252 = arith.addf %add3A_1184, %mul3A_1251 : vector<16xf32>
        %get3A_1253 = arith.constant 0 : i32
        %get3A_1254 = arith.index_cast %get3A_1253 : i32 to index
        %get3A_1255 = arith.index_cast %add3A_1228 : i32 to index
        %get3A_1256 = arith.constant 48 : index
        %get3A_1257 = tpu.vector_load %arg15[%get3A_1254, %get3A_1255, %get3A_1256] {strides = array<i32>} : memref<2x256x128xf32, #tpu.memory_space<vmem>>, vector<16xf32>,
        %add3A_1258 = arith.addf %add3A_1190, %get3A_1257 : vector<16xf32>
        %mul3A_1259 = arith.mulf %get3A_1257, %get3A_1257 : vector<16xf32>
        %add3A_1260 = arith.addf %add3A_1192, %mul3A_1259 : vector<16xf32>
        %get3A_1261 = arith.constant 0 : i32
        %get3A_1262 = arith.index_cast %get3A_1261 : i32 to index
        %get3A_1263 = arith.index_cast %add3A_1228 : i32 to index
        %get3A_1264 = arith.constant 64 : index
        %get3A_1265 = tpu.vector_load %arg15[%get3A_1262, %get3A_1263, %get3A_1264] {strides = array<i32>} : memref<2x256x128xf32, #tpu.memory_space<vmem>>, vector<16xf32>,
        %add3A_1266 = arith.addf %add3A_1198, %get3A_1265 : vector<16xf32>
        %mul3A_1267 = arith.mulf %get3A_1265, %get3A_1265 : vector<16xf32>
        %add3A_1268 = arith.addf %add3A_1200, %mul3A_1267 : vector<16xf32>
        %get3A_1269 = arith.constant 0 : i32
        %get3A_1270 = arith.index_cast %get3A_1269 : i32 to index
        %get3A_1271 = arith.index_cast %add3A_1228 : i32 to index
        %get3A_1272 = arith.constant 80 : index
        %get3A_1273 = tpu.vector_load %arg15[%get3A_1270, %get3A_1271, %get3A_1272] {strides = array<i32>} : memref<2x256x128xf32, #tpu.memory_space<vmem>>, vector<16xf32>,
        %add3A_1274 = arith.addf %add3A_1206, %get3A_1273 : vector<16xf32>
        %mul3A_1275 = arith.mulf %get3A_1273, %get3A_1273 : vector<16xf32>
        %add3A_1276 = arith.addf %add3A_1208, %mul3A_1275 : vector<16xf32>
        %get3A_1277 = arith.constant 0 : i32
        %get3A_1278 = arith.index_cast %get3A_1277 : i32 to index
        %get3A_1279 = arith.index_cast %add3A_1228 : i32 to index
        %get3A_1280 = arith.constant 96 : index
        %get3A_1281 = tpu.vector_load %arg15[%get3A_1278, %get3A_1279, %get3A_1280] {strides = array<i32>} : memref<2x256x128xf32, #tpu.memory_space<vmem>>, vector<16xf32>,
        %add3A_1282 = arith.addf %add3A_1214, %get3A_1281 : vector<16xf32>
        %mul3A_1283 = arith.mulf %get3A_1281, %get3A_1281 : vector<16xf32>
        %add3A_1284 = arith.addf %add3A_1216, %mul3A_1283 : vector<16xf32>
        %get3A_1285 = arith.constant 0 : i32
        %get3A_1286 = arith.index_cast %get3A_1285 : i32 to index
        %get3A_1287 = arith.index_cast %add3A_1228 : i32 to index
        %get3A_1288 = arith.constant 112 : index
        %get3A_1289 = tpu.vector_load %arg15[%get3A_1286, %get3A_1287, %get3A_1288] {strides = array<i32>} : memref<2x256x128xf32, #tpu.memory_space<vmem>>, vector<16xf32>,
        %add3A_1290 = arith.addf %add3A_1222, %get3A_1289 : vector<16xf32>
        %mul3A_1291 = arith.mulf %get3A_1289, %get3A_1289 : vector<16xf32>
        %add3A_1292 = arith.addf %add3A_1224, %mul3A_1291 : vector<16xf32>
        %mul3A_1293 = arith.constant 16 : i32
        %mul3A_1294 = arith.muli %scan3A_596, %mul3A_1293 : i32
        %add3A_1295 = arith.constant 10 : i32
        %add3A_1296 = arith.addi %mul3A_1294, %add3A_1295 : i32
        %get3A_1297 = arith.constant 0 : i32
        %get3A_1298 = arith.index_cast %get3A_1297 : i32 to index
        %get3A_1299 = arith.index_cast %add3A_1296 : i32 to index
        %get3A_1300 = arith.constant 0 : index
        %get3A_1301 = tpu.vector_load %arg15[%get3A_1298, %get3A_1299, %get3A_1300] {strides = array<i32>} : memref<2x256x128xf32, #tpu.memory_space<vmem>>, vector<16xf32>,
        %add3A_1302 = arith.addf %add3A_1234, %get3A_1301 : vector<16xf32>
        %mul3A_1303 = arith.mulf %get3A_1301, %get3A_1301 : vector<16xf32>
        %add3A_1304 = arith.addf %add3A_1236, %mul3A_1303 : vector<16xf32>
        %get3A_1305 = arith.constant 0 : i32
        %get3A_1306 = arith.index_cast %get3A_1305 : i32 to index
        %get3A_1307 = arith.index_cast %add3A_1296 : i32 to index
        %get3A_1308 = arith.constant 16 : index
        %get3A_1309 = tpu.vector_load %arg15[%get3A_1306, %get3A_1307, %get3A_1308] {strides = array<i32>} : memref<2x256x128xf32, #tpu.memory_space<vmem>>, vector<16xf32>,
        %add3A_1310 = arith.addf %add3A_1242, %get3A_1309 : vector<16xf32>
        %mul3A_1311 = arith.mulf %get3A_1309, %get3A_1309 : vector<16xf32>
        %add3A_1312 = arith.addf %add3A_1244, %mul3A_1311 : vector<16xf32>
        %get3A_1313 = arith.constant 0 : i32
        %get3A_1314 = arith.index_cast %get3A_1313 : i32 to index
        %get3A_1315 = arith.index_cast %add3A_1296 : i32 to index
        %get3A_1316 = arith.constant 32 : index
        %get3A_1317 = tpu.vector_load %arg15[%get3A_1314, %get3A_1315, %get3A_1316] {strides = array<i32>} : memref<2x256x128xf32, #tpu.memory_space<vmem>>, vector<16xf32>,
        %add3A_1318 = arith.addf %add3A_1250, %get3A_1317 : vector<16xf32>
        %mul3A_1319 = arith.mulf %get3A_1317, %get3A_1317 : vector<16xf32>
        %add3A_1320 = arith.addf %add3A_1252, %mul3A_1319 : vector<16xf32>
        %get3A_1321 = arith.constant 0 : i32
        %get3A_1322 = arith.index_cast %get3A_1321 : i32 to index
        %get3A_1323 = arith.index_cast %add3A_1296 : i32 to index
        %get3A_1324 = arith.constant 48 : index
        %get3A_1325 = tpu.vector_load %arg15[%get3A_1322, %get3A_1323, %get3A_1324] {strides = array<i32>} : memref<2x256x128xf32, #tpu.memory_space<vmem>>, vector<16xf32>,
        %add3A_1326 = arith.addf %add3A_1258, %get3A_1325 : vector<16xf32>
        %mul3A_1327 = arith.mulf %get3A_1325, %get3A_1325 : vector<16xf32>
        %add3A_1328 = arith.addf %add3A_1260, %mul3A_1327 : vector<16xf32>
        %get3A_1329 = arith.constant 0 : i32
        %get3A_1330 = arith.index_cast %get3A_1329 : i32 to index
        %get3A_1331 = arith.index_cast %add3A_1296 : i32 to index
        %get3A_1332 = arith.constant 64 : index
        %get3A_1333 = tpu.vector_load %arg15[%get3A_1330, %get3A_1331, %get3A_1332] {strides = array<i32>} : memref<2x256x128xf32, #tpu.memory_space<vmem>>, vector<16xf32>,
        %add3A_1334 = arith.addf %add3A_1266, %get3A_1333 : vector<16xf32>
        %mul3A_1335 = arith.mulf %get3A_1333, %get3A_1333 : vector<16xf32>
        %add3A_1336 = arith.addf %add3A_1268, %mul3A_1335 : vector<16xf32>
        %get3A_1337 = arith.constant 0 : i32
        %get3A_1338 = arith.index_cast %get3A_1337 : i32 to index
        %get3A_1339 = arith.index_cast %add3A_1296 : i32 to index
        %get3A_1340 = arith.constant 80 : index
        %get3A_1341 = tpu.vector_load %arg15[%get3A_1338, %get3A_1339, %get3A_1340] {strides = array<i32>} : memref<2x256x128xf32, #tpu.memory_space<vmem>>, vector<16xf32>,
        %add3A_1342 = arith.addf %add3A_1274, %get3A_1341 : vector<16xf32>
        %mul3A_1343 = arith.mulf %get3A_1341, %get3A_1341 : vector<16xf32>
        %add3A_1344 = arith.addf %add3A_1276, %mul3A_1343 : vector<16xf32>
        %get3A_1345 = arith.constant 0 : i32
        %get3A_1346 = arith.index_cast %get3A_1345 : i32 to index
        %get3A_1347 = arith.index_cast %add3A_1296 : i32 to index
        %get3A_1348 = arith.constant 96 : index
        %get3A_1349 = tpu.vector_load %arg15[%get3A_1346, %get3A_1347, %get3A_1348] {strides = array<i32>} : memref<2x256x128xf32, #tpu.memory_space<vmem>>, vector<16xf32>,
        %add3A_1350 = arith.addf %add3A_1282, %get3A_1349 : vector<16xf32>
        %mul3A_1351 = arith.mulf %get3A_1349, %get3A_1349 : vector<16xf32>
        %add3A_1352 = arith.addf %add3A_1284, %mul3A_1351 : vector<16xf32>
        %get3A_1353 = arith.constant 0 : i32
        %get3A_1354 = arith.index_cast %get3A_1353 : i32 to index
        %get3A_1355 = arith.index_cast %add3A_1296 : i32 to index
        %get3A_1356 = arith.constant 112 : index
        %get3A_1357 = tpu.vector_load %arg15[%get3A_1354, %get3A_1355, %get3A_1356] {strides = array<i32>} : memref<2x256x128xf32, #tpu.memory_space<vmem>>, vector<16xf32>,
        %add3A_1358 = arith.addf %add3A_1290, %get3A_1357 : vector<16xf32>
        %mul3A_1359 = arith.mulf %get3A_1357, %get3A_1357 : vector<16xf32>
        %add3A_1360 = arith.addf %add3A_1292, %mul3A_1359 : vector<16xf32>
        %mul3A_1361 = arith.constant 16 : i32
        %mul3A_1362 = arith.muli %scan3A_596, %mul3A_1361 : i32
        %add3A_1363 = arith.constant 11 : i32
        %add3A_1364 = arith.addi %mul3A_1362, %add3A_1363 : i32
        %get3A_1365 = arith.constant 0 : i32
        %get3A_1366 = arith.index_cast %get3A_1365 : i32 to index
        %get3A_1367 = arith.index_cast %add3A_1364 : i32 to index
        %get3A_1368 = arith.constant 0 : index
        %get3A_1369 = tpu.vector_load %arg15[%get3A_1366, %get3A_1367, %get3A_1368] {strides = array<i32>} : memref<2x256x128xf32, #tpu.memory_space<vmem>>, vector<16xf32>,
        %add3A_1370 = arith.addf %add3A_1302, %get3A_1369 : vector<16xf32>
        %mul3A_1371 = arith.mulf %get3A_1369, %get3A_1369 : vector<16xf32>
        %add3A_1372 = arith.addf %add3A_1304, %mul3A_1371 : vector<16xf32>
        %get3A_1373 = arith.constant 0 : i32
        %get3A_1374 = arith.index_cast %get3A_1373 : i32 to index
        %get3A_1375 = arith.index_cast %add3A_1364 : i32 to index
        %get3A_1376 = arith.constant 16 : index
        %get3A_1377 = tpu.vector_load %arg15[%get3A_1374, %get3A_1375, %get3A_1376] {strides = array<i32>} : memref<2x256x128xf32, #tpu.memory_space<vmem>>, vector<16xf32>,
        %add3A_1378 = arith.addf %add3A_1310, %get3A_1377 : vector<16xf32>
        %mul3A_1379 = arith.mulf %get3A_1377, %get3A_1377 : vector<16xf32>
        %add3A_1380 = arith.addf %add3A_1312, %mul3A_1379 : vector<16xf32>
        %get3A_1381 = arith.constant 0 : i32
        %get3A_1382 = arith.index_cast %get3A_1381 : i32 to index
        %get3A_1383 = arith.index_cast %add3A_1364 : i32 to index
        %get3A_1384 = arith.constant 32 : index
        %get3A_1385 = tpu.vector_load %arg15[%get3A_1382, %get3A_1383, %get3A_1384] {strides = array<i32>} : memref<2x256x128xf32, #tpu.memory_space<vmem>>, vector<16xf32>,
        %add3A_1386 = arith.addf %add3A_1318, %get3A_1385 : vector<16xf32>
        %mul3A_1387 = arith.mulf %get3A_1385, %get3A_1385 : vector<16xf32>
        %add3A_1388 = arith.addf %add3A_1320, %mul3A_1387 : vector<16xf32>
        %get3A_1389 = arith.constant 0 : i32
        %get3A_1390 = arith.index_cast %get3A_1389 : i32 to index
        %get3A_1391 = arith.index_cast %add3A_1364 : i32 to index
        %get3A_1392 = arith.constant 48 : index
        %get3A_1393 = tpu.vector_load %arg15[%get3A_1390, %get3A_1391, %get3A_1392] {strides = array<i32>} : memref<2x256x128xf32, #tpu.memory_space<vmem>>, vector<16xf32>,
        %add3A_1394 = arith.addf %add3A_1326, %get3A_1393 : vector<16xf32>
        %mul3A_1395 = arith.mulf %get3A_1393, %get3A_1393 : vector<16xf32>
        %add3A_1396 = arith.addf %add3A_1328, %mul3A_1395 : vector<16xf32>
        %get3A_1397 = arith.constant 0 : i32
        %get3A_1398 = arith.index_cast %get3A_1397 : i32 to index
        %get3A_1399 = arith.index_cast %add3A_1364 : i32 to index
        %get3A_1400 = arith.constant 64 : index
        %get3A_1401 = tpu.vector_load %arg15[%get3A_1398, %get3A_1399, %get3A_1400] {strides = array<i32>} : memref<2x256x128xf32, #tpu.memory_space<vmem>>, vector<16xf32>,
        %add3A_1402 = arith.addf %add3A_1334, %get3A_1401 : vector<16xf32>
        %mul3A_1403 = arith.mulf %get3A_1401, %get3A_1401 : vector<16xf32>
        %add3A_1404 = arith.addf %add3A_1336, %mul3A_1403 : vector<16xf32>
        %get3A_1405 = arith.constant 0 : i32
        %get3A_1406 = arith.index_cast %get3A_1405 : i32 to index
        %get3A_1407 = arith.index_cast %add3A_1364 : i32 to index
        %get3A_1408 = arith.constant 80 : index
        %get3A_1409 = tpu.vector_load %arg15[%get3A_1406, %get3A_1407, %get3A_1408] {strides = array<i32>} : memref<2x256x128xf32, #tpu.memory_space<vmem>>, vector<16xf32>,
        %add3A_1410 = arith.addf %add3A_1342, %get3A_1409 : vector<16xf32>
        %mul3A_1411 = arith.mulf %get3A_1409, %get3A_1409 : vector<16xf32>
        %add3A_1412 = arith.addf %add3A_1344, %mul3A_1411 : vector<16xf32>
        %get3A_1413 = arith.constant 0 : i32
        %get3A_1414 = arith.index_cast %get3A_1413 : i32 to index
        %get3A_1415 = arith.index_cast %add3A_1364 : i32 to index
        %get3A_1416 = arith.constant 96 : index
        %get3A_1417 = tpu.vector_load %arg15[%get3A_1414, %get3A_1415, %get3A_1416] {strides = array<i32>} : memref<2x256x128xf32, #tpu.memory_space<vmem>>, vector<16xf32>,
        %add3A_1418 = arith.addf %add3A_1350, %get3A_1417 : vector<16xf32>
        %mul3A_1419 = arith.mulf %get3A_1417, %get3A_1417 : vector<16xf32>
        %add3A_1420 = arith.addf %add3A_1352, %mul3A_1419 : vector<16xf32>
        %get3A_1421 = arith.constant 0 : i32
        %get3A_1422 = arith.index_cast %get3A_1421 : i32 to index
        %get3A_1423 = arith.index_cast %add3A_1364 : i32 to index
        %get3A_1424 = arith.constant 112 : index
        %get3A_1425 = tpu.vector_load %arg15[%get3A_1422, %get3A_1423, %get3A_1424] {strides = array<i32>} : memref<2x256x128xf32, #tpu.memory_space<vmem>>, vector<16xf32>,
        %add3A_1426 = arith.addf %add3A_1358, %get3A_1425 : vector<16xf32>
        %mul3A_1427 = arith.mulf %get3A_1425, %get3A_1425 : vector<16xf32>
        %add3A_1428 = arith.addf %add3A_1360, %mul3A_1427 : vector<16xf32>
        %mul3A_1429 = arith.constant 16 : i32
        %mul3A_1430 = arith.muli %scan3A_596, %mul3A_1429 : i32
        %add3A_1431 = arith.constant 12 : i32
        %add3A_1432 = arith.addi %mul3A_1430, %add3A_1431 : i32
        %get3A_1433 = arith.constant 0 : i32
        %get3A_1434 = arith.index_cast %get3A_1433 : i32 to index
        %get3A_1435 = arith.index_cast %add3A_1432 : i32 to index
        %get3A_1436 = arith.constant 0 : index
        %get3A_1437 = tpu.vector_load %arg15[%get3A_1434, %get3A_1435, %get3A_1436] {strides = array<i32>} : memref<2x256x128xf32, #tpu.memory_space<vmem>>, vector<16xf32>,
        %add3A_1438 = arith.addf %add3A_1370, %get3A_1437 : vector<16xf32>
        %mul3A_1439 = arith.mulf %get3A_1437, %get3A_1437 : vector<16xf32>
        %add3A_1440 = arith.addf %add3A_1372, %mul3A_1439 : vector<16xf32>
        %get3A_1441 = arith.constant 0 : i32
        %get3A_1442 = arith.index_cast %get3A_1441 : i32 to index
        %get3A_1443 = arith.index_cast %add3A_1432 : i32 to index
        %get3A_1444 = arith.constant 16 : index
        %get3A_1445 = tpu.vector_load %arg15[%get3A_1442, %get3A_1443, %get3A_1444] {strides = array<i32>} : memref<2x256x128xf32, #tpu.memory_space<vmem>>, vector<16xf32>,
        %add3A_1446 = arith.addf %add3A_1378, %get3A_1445 : vector<16xf32>
        %mul3A_1447 = arith.mulf %get3A_1445, %get3A_1445 : vector<16xf32>
        %add3A_1448 = arith.addf %add3A_1380, %mul3A_1447 : vector<16xf32>
        %get3A_1449 = arith.constant 0 : i32
        %get3A_1450 = arith.index_cast %get3A_1449 : i32 to index
        %get3A_1451 = arith.index_cast %add3A_1432 : i32 to index
        %get3A_1452 = arith.constant 32 : index
        %get3A_1453 = tpu.vector_load %arg15[%get3A_1450, %get3A_1451, %get3A_1452] {strides = array<i32>} : memref<2x256x128xf32, #tpu.memory_space<vmem>>, vector<16xf32>,
        %add3A_1454 = arith.addf %add3A_1386, %get3A_1453 : vector<16xf32>
        %mul3A_1455 = arith.mulf %get3A_1453, %get3A_1453 : vector<16xf32>
        %add3A_1456 = arith.addf %add3A_1388, %mul3A_1455 : vector<16xf32>
        %get3A_1457 = arith.constant 0 : i32
        %get3A_1458 = arith.index_cast %get3A_1457 : i32 to index
        %get3A_1459 = arith.index_cast %add3A_1432 : i32 to index
        %get3A_1460 = arith.constant 48 : index
        %get3A_1461 = tpu.vector_load %arg15[%get3A_1458, %get3A_1459, %get3A_1460] {strides = array<i32>} : memref<2x256x128xf32, #tpu.memory_space<vmem>>, vector<16xf32>,
        %add3A_1462 = arith.addf %add3A_1394, %get3A_1461 : vector<16xf32>
        %mul3A_1463 = arith.mulf %get3A_1461, %get3A_1461 : vector<16xf32>
        %add3A_1464 = arith.addf %add3A_1396, %mul3A_1463 : vector<16xf32>
        %get3A_1465 = arith.constant 0 : i32
        %get3A_1466 = arith.index_cast %get3A_1465 : i32 to index
        %get3A_1467 = arith.index_cast %add3A_1432 : i32 to index
        %get3A_1468 = arith.constant 64 : index
        %get3A_1469 = tpu.vector_load %arg15[%get3A_1466, %get3A_1467, %get3A_1468] {strides = array<i32>} : memref<2x256x128xf32, #tpu.memory_space<vmem>>, vector<16xf32>,
        %add3A_1470 = arith.addf %add3A_1402, %get3A_1469 : vector<16xf32>
        %mul3A_1471 = arith.mulf %get3A_1469, %get3A_1469 : vector<16xf32>
        %add3A_1472 = arith.addf %add3A_1404, %mul3A_1471 : vector<16xf32>
        %get3A_1473 = arith.constant 0 : i32
        %get3A_1474 = arith.index_cast %get3A_1473 : i32 to index
        %get3A_1475 = arith.index_cast %add3A_1432 : i32 to index
        %get3A_1476 = arith.constant 80 : index
        %get3A_1477 = tpu.vector_load %arg15[%get3A_1474, %get3A_1475, %get3A_1476] {strides = array<i32>} : memref<2x256x128xf32, #tpu.memory_space<vmem>>, vector<16xf32>,
        %add3A_1478 = arith.addf %add3A_1410, %get3A_1477 : vector<16xf32>
        %mul3A_1479 = arith.mulf %get3A_1477, %get3A_1477 : vector<16xf32>
        %add3A_1480 = arith.addf %add3A_1412, %mul3A_1479 : vector<16xf32>
        %get3A_1481 = arith.constant 0 : i32
        %get3A_1482 = arith.index_cast %get3A_1481 : i32 to index
        %get3A_1483 = arith.index_cast %add3A_1432 : i32 to index
        %get3A_1484 = arith.constant 96 : index
        %get3A_1485 = tpu.vector_load %arg15[%get3A_1482, %get3A_1483, %get3A_1484] {strides = array<i32>} : memref<2x256x128xf32, #tpu.memory_space<vmem>>, vector<16xf32>,
        %add3A_1486 = arith.addf %add3A_1418, %get3A_1485 : vector<16xf32>
        %mul3A_1487 = arith.mulf %get3A_1485, %get3A_1485 : vector<16xf32>
        %add3A_1488 = arith.addf %add3A_1420, %mul3A_1487 : vector<16xf32>
        %get3A_1489 = arith.constant 0 : i32
        %get3A_1490 = arith.index_cast %get3A_1489 : i32 to index
        %get3A_1491 = arith.index_cast %add3A_1432 : i32 to index
        %get3A_1492 = arith.constant 112 : index
        %get3A_1493 = tpu.vector_load %arg15[%get3A_1490, %get3A_1491, %get3A_1492] {strides = array<i32>} : memref<2x256x128xf32, #tpu.memory_space<vmem>>, vector<16xf32>,
        %add3A_1494 = arith.addf %add3A_1426, %get3A_1493 : vector<16xf32>
        %mul3A_1495 = arith.mulf %get3A_1493, %get3A_1493 : vector<16xf32>
        %add3A_1496 = arith.addf %add3A_1428, %mul3A_1495 : vector<16xf32>
        %mul3A_1497 = arith.constant 16 : i32
        %mul3A_1498 = arith.muli %scan3A_596, %mul3A_1497 : i32
        %add3A_1499 = arith.constant 13 : i32
        %add3A_1500 = arith.addi %mul3A_1498, %add3A_1499 : i32
        %get3A_1501 = arith.constant 0 : i32
        %get3A_1502 = arith.index_cast %get3A_1501 : i32 to index
        %get3A_1503 = arith.index_cast %add3A_1500 : i32 to index
        %get3A_1504 = arith.constant 0 : index
        %get3A_1505 = tpu.vector_load %arg15[%get3A_1502, %get3A_1503, %get3A_1504] {strides = array<i32>} : memref<2x256x128xf32, #tpu.memory_space<vmem>>, vector<16xf32>,
        %add3A_1506 = arith.addf %add3A_1438, %get3A_1505 : vector<16xf32>
        %mul3A_1507 = arith.mulf %get3A_1505, %get3A_1505 : vector<16xf32>
        %add3A_1508 = arith.addf %add3A_1440, %mul3A_1507 : vector<16xf32>
        %get3A_1509 = arith.constant 0 : i32
        %get3A_1510 = arith.index_cast %get3A_1509 : i32 to index
        %get3A_1511 = arith.index_cast %add3A_1500 : i32 to index
        %get3A_1512 = arith.constant 16 : index
        %get3A_1513 = tpu.vector_load %arg15[%get3A_1510, %get3A_1511, %get3A_1512] {strides = array<i32>} : memref<2x256x128xf32, #tpu.memory_space<vmem>>, vector<16xf32>,
        %add3A_1514 = arith.addf %add3A_1446, %get3A_1513 : vector<16xf32>
        %mul3A_1515 = arith.mulf %get3A_1513, %get3A_1513 : vector<16xf32>
        %add3A_1516 = arith.addf %add3A_1448, %mul3A_1515 : vector<16xf32>
        %get3A_1517 = arith.constant 0 : i32
        %get3A_1518 = arith.index_cast %get3A_1517 : i32 to index
        %get3A_1519 = arith.index_cast %add3A_1500 : i32 to index
        %get3A_1520 = arith.constant 32 : index
        %get3A_1521 = tpu.vector_load %arg15[%get3A_1518, %get3A_1519, %get3A_1520] {strides = array<i32>} : memref<2x256x128xf32, #tpu.memory_space<vmem>>, vector<16xf32>,
        %add3A_1522 = arith.addf %add3A_1454, %get3A_1521 : vector<16xf32>
        %mul3A_1523 = arith.mulf %get3A_1521, %get3A_1521 : vector<16xf32>
        %add3A_1524 = arith.addf %add3A_1456, %mul3A_1523 : vector<16xf32>
        %get3A_1525 = arith.constant 0 : i32
        %get3A_1526 = arith.index_cast %get3A_1525 : i32 to index
        %get3A_1527 = arith.index_cast %add3A_1500 : i32 to index
        %get3A_1528 = arith.constant 48 : index
        %get3A_1529 = tpu.vector_load %arg15[%get3A_1526, %get3A_1527, %get3A_1528] {strides = array<i32>} : memref<2x256x128xf32, #tpu.memory_space<vmem>>, vector<16xf32>,
        %add3A_1530 = arith.addf %add3A_1462, %get3A_1529 : vector<16xf32>
        %mul3A_1531 = arith.mulf %get3A_1529, %get3A_1529 : vector<16xf32>
        %add3A_1532 = arith.addf %add3A_1464, %mul3A_1531 : vector<16xf32>
        %get3A_1533 = arith.constant 0 : i32
        %get3A_1534 = arith.index_cast %get3A_1533 : i32 to index
        %get3A_1535 = arith.index_cast %add3A_1500 : i32 to index
        %get3A_1536 = arith.constant 64 : index
        %get3A_1537 = tpu.vector_load %arg15[%get3A_1534, %get3A_1535, %get3A_1536] {strides = array<i32>} : memref<2x256x128xf32, #tpu.memory_space<vmem>>, vector<16xf32>,
        %add3A_1538 = arith.addf %add3A_1470, %get3A_1537 : vector<16xf32>
        %mul3A_1539 = arith.mulf %get3A_1537, %get3A_1537 : vector<16xf32>
        %add3A_1540 = arith.addf %add3A_1472, %mul3A_1539 : vector<16xf32>
        %get3A_1541 = arith.constant 0 : i32
        %get3A_1542 = arith.index_cast %get3A_1541 : i32 to index
        %get3A_1543 = arith.index_cast %add3A_1500 : i32 to index
        %get3A_1544 = arith.constant 80 : index
        %get3A_1545 = tpu.vector_load %arg15[%get3A_1542, %get3A_1543, %get3A_1544] {strides = array<i32>} : memref<2x256x128xf32, #tpu.memory_space<vmem>>, vector<16xf32>,
        %add3A_1546 = arith.addf %add3A_1478, %get3A_1545 : vector<16xf32>
        %mul3A_1547 = arith.mulf %get3A_1545, %get3A_1545 : vector<16xf32>
        %add3A_1548 = arith.addf %add3A_1480, %mul3A_1547 : vector<16xf32>
        %get3A_1549 = arith.constant 0 : i32
        %get3A_1550 = arith.index_cast %get3A_1549 : i32 to index
        %get3A_1551 = arith.index_cast %add3A_1500 : i32 to index
        %get3A_1552 = arith.constant 96 : index
        %get3A_1553 = tpu.vector_load %arg15[%get3A_1550, %get3A_1551, %get3A_1552] {strides = array<i32>} : memref<2x256x128xf32, #tpu.memory_space<vmem>>, vector<16xf32>,
        %add3A_1554 = arith.addf %add3A_1486, %get3A_1553 : vector<16xf32>
        %mul3A_1555 = arith.mulf %get3A_1553, %get3A_1553 : vector<16xf32>
        %add3A_1556 = arith.addf %add3A_1488, %mul3A_1555 : vector<16xf32>
        %get3A_1557 = arith.constant 0 : i32
        %get3A_1558 = arith.index_cast %get3A_1557 : i32 to index
        %get3A_1559 = arith.index_cast %add3A_1500 : i32 to index
        %get3A_1560 = arith.constant 112 : index
        %get3A_1561 = tpu.vector_load %arg15[%get3A_1558, %get3A_1559, %get3A_1560] {strides = array<i32>} : memref<2x256x128xf32, #tpu.memory_space<vmem>>, vector<16xf32>,
        %add3A_1562 = arith.addf %add3A_1494, %get3A_1561 : vector<16xf32>
        %mul3A_1563 = arith.mulf %get3A_1561, %get3A_1561 : vector<16xf32>
        %add3A_1564 = arith.addf %add3A_1496, %mul3A_1563 : vector<16xf32>
        %mul3A_1565 = arith.constant 16 : i32
        %mul3A_1566 = arith.muli %scan3A_596, %mul3A_1565 : i32
        %add3A_1567 = arith.constant 14 : i32
        %add3A_1568 = arith.addi %mul3A_1566, %add3A_1567 : i32
        %get3A_1569 = arith.constant 0 : i32
        %get3A_1570 = arith.index_cast %get3A_1569 : i32 to index
        %get3A_1571 = arith.index_cast %add3A_1568 : i32 to index
        %get3A_1572 = arith.constant 0 : index
        %get3A_1573 = tpu.vector_load %arg15[%get3A_1570, %get3A_1571, %get3A_1572] {strides = array<i32>} : memref<2x256x128xf32, #tpu.memory_space<vmem>>, vector<16xf32>,
        %add3A_1574 = arith.addf %add3A_1506, %get3A_1573 : vector<16xf32>
        %mul3A_1575 = arith.mulf %get3A_1573, %get3A_1573 : vector<16xf32>
        %add3A_1576 = arith.addf %add3A_1508, %mul3A_1575 : vector<16xf32>
        %get3A_1577 = arith.constant 0 : i32
        %get3A_1578 = arith.index_cast %get3A_1577 : i32 to index
        %get3A_1579 = arith.index_cast %add3A_1568 : i32 to index
        %get3A_1580 = arith.constant 16 : index
        %get3A_1581 = tpu.vector_load %arg15[%get3A_1578, %get3A_1579, %get3A_1580] {strides = array<i32>} : memref<2x256x128xf32, #tpu.memory_space<vmem>>, vector<16xf32>,
        %add3A_1582 = arith.addf %add3A_1514, %get3A_1581 : vector<16xf32>
        %mul3A_1583 = arith.mulf %get3A_1581, %get3A_1581 : vector<16xf32>
        %add3A_1584 = arith.addf %add3A_1516, %mul3A_1583 : vector<16xf32>
        %get3A_1585 = arith.constant 0 : i32
        %get3A_1586 = arith.index_cast %get3A_1585 : i32 to index
        %get3A_1587 = arith.index_cast %add3A_1568 : i32 to index
        %get3A_1588 = arith.constant 32 : index
        %get3A_1589 = tpu.vector_load %arg15[%get3A_1586, %get3A_1587, %get3A_1588] {strides = array<i32>} : memref<2x256x128xf32, #tpu.memory_space<vmem>>, vector<16xf32>,
        %add3A_1590 = arith.addf %add3A_1522, %get3A_1589 : vector<16xf32>
        %mul3A_1591 = arith.mulf %get3A_1589, %get3A_1589 : vector<16xf32>
        %add3A_1592 = arith.addf %add3A_1524, %mul3A_1591 : vector<16xf32>
        %get3A_1593 = arith.constant 0 : i32
        %get3A_1594 = arith.index_cast %get3A_1593 : i32 to index
        %get3A_1595 = arith.index_cast %add3A_1568 : i32 to index
        %get3A_1596 = arith.constant 48 : index
        %get3A_1597 = tpu.vector_load %arg15[%get3A_1594, %get3A_1595, %get3A_1596] {strides = array<i32>} : memref<2x256x128xf32, #tpu.memory_space<vmem>>, vector<16xf32>,
        %add3A_1598 = arith.addf %add3A_1530, %get3A_1597 : vector<16xf32>
        %mul3A_1599 = arith.mulf %get3A_1597, %get3A_1597 : vector<16xf32>
        %add3A_1600 = arith.addf %add3A_1532, %mul3A_1599 : vector<16xf32>
        %get3A_1601 = arith.constant 0 : i32
        %get3A_1602 = arith.index_cast %get3A_1601 : i32 to index
        %get3A_1603 = arith.index_cast %add3A_1568 : i32 to index
        %get3A_1604 = arith.constant 64 : index
        %get3A_1605 = tpu.vector_load %arg15[%get3A_1602, %get3A_1603, %get3A_1604] {strides = array<i32>} : memref<2x256x128xf32, #tpu.memory_space<vmem>>, vector<16xf32>,
        %add3A_1606 = arith.addf %add3A_1538, %get3A_1605 : vector<16xf32>
        %mul3A_1607 = arith.mulf %get3A_1605, %get3A_1605 : vector<16xf32>
        %add3A_1608 = arith.addf %add3A_1540, %mul3A_1607 : vector<16xf32>
        %get3A_1609 = arith.constant 0 : i32
        %get3A_1610 = arith.index_cast %get3A_1609 : i32 to index
        %get3A_1611 = arith.index_cast %add3A_1568 : i32 to index
        %get3A_1612 = arith.constant 80 : index
        %get3A_1613 = tpu.vector_load %arg15[%get3A_1610, %get3A_1611, %get3A_1612] {strides = array<i32>} : memref<2x256x128xf32, #tpu.memory_space<vmem>>, vector<16xf32>,
        %add3A_1614 = arith.addf %add3A_1546, %get3A_1613 : vector<16xf32>
        %mul3A_1615 = arith.mulf %get3A_1613, %get3A_1613 : vector<16xf32>
        %add3A_1616 = arith.addf %add3A_1548, %mul3A_1615 : vector<16xf32>
        %get3A_1617 = arith.constant 0 : i32
        %get3A_1618 = arith.index_cast %get3A_1617 : i32 to index
        %get3A_1619 = arith.index_cast %add3A_1568 : i32 to index
        %get3A_1620 = arith.constant 96 : index
        %get3A_1621 = tpu.vector_load %arg15[%get3A_1618, %get3A_1619, %get3A_1620] {strides = array<i32>} : memref<2x256x128xf32, #tpu.memory_space<vmem>>, vector<16xf32>,
        %add3A_1622 = arith.addf %add3A_1554, %get3A_1621 : vector<16xf32>
        %mul3A_1623 = arith.mulf %get3A_1621, %get3A_1621 : vector<16xf32>
        %add3A_1624 = arith.addf %add3A_1556, %mul3A_1623 : vector<16xf32>
        %get3A_1625 = arith.constant 0 : i32
        %get3A_1626 = arith.index_cast %get3A_1625 : i32 to index
        %get3A_1627 = arith.index_cast %add3A_1568 : i32 to index
        %get3A_1628 = arith.constant 112 : index
        %get3A_1629 = tpu.vector_load %arg15[%get3A_1626, %get3A_1627, %get3A_1628] {strides = array<i32>} : memref<2x256x128xf32, #tpu.memory_space<vmem>>, vector<16xf32>,
        %add3A_1630 = arith.addf %add3A_1562, %get3A_1629 : vector<16xf32>
        %mul3A_1631 = arith.mulf %get3A_1629, %get3A_1629 : vector<16xf32>
        %add3A_1632 = arith.addf %add3A_1564, %mul3A_1631 : vector<16xf32>
        %mul3A_1633 = arith.constant 16 : i32
        %mul3A_1634 = arith.muli %scan3A_596, %mul3A_1633 : i32
        %add3A_1635 = arith.constant 15 : i32
        %add3A_1636 = arith.addi %mul3A_1634, %add3A_1635 : i32
        %get3A_1637 = arith.constant 0 : i32
        %get3A_1638 = arith.index_cast %get3A_1637 : i32 to index
        %get3A_1639 = arith.index_cast %add3A_1636 : i32 to index
        %get3A_1640 = arith.constant 0 : index
        %get3A_1641 = tpu.vector_load %arg15[%get3A_1638, %get3A_1639, %get3A_1640] {strides = array<i32>} : memref<2x256x128xf32, #tpu.memory_space<vmem>>, vector<16xf32>,
        %add3A_1642 = arith.addf %add3A_1574, %get3A_1641 : vector<16xf32>
        %mul3A_1643 = arith.mulf %get3A_1641, %get3A_1641 : vector<16xf32>
        %add3A_1644 = arith.addf %add3A_1576, %mul3A_1643 : vector<16xf32>
        %get3A_1645 = arith.constant 0 : i32
        %get3A_1646 = arith.index_cast %get3A_1645 : i32 to index
        %get3A_1647 = arith.index_cast %add3A_1636 : i32 to index
        %get3A_1648 = arith.constant 16 : index
        %get3A_1649 = tpu.vector_load %arg15[%get3A_1646, %get3A_1647, %get3A_1648] {strides = array<i32>} : memref<2x256x128xf32, #tpu.memory_space<vmem>>, vector<16xf32>,
        %add3A_1650 = arith.addf %add3A_1582, %get3A_1649 : vector<16xf32>
        %mul3A_1651 = arith.mulf %get3A_1649, %get3A_1649 : vector<16xf32>
        %add3A_1652 = arith.addf %add3A_1584, %mul3A_1651 : vector<16xf32>
        %get3A_1653 = arith.constant 0 : i32
        %get3A_1654 = arith.index_cast %get3A_1653 : i32 to index
        %get3A_1655 = arith.index_cast %add3A_1636 : i32 to index
        %get3A_1656 = arith.constant 32 : index
        %get3A_1657 = tpu.vector_load %arg15[%get3A_1654, %get3A_1655, %get3A_1656] {strides = array<i32>} : memref<2x256x128xf32, #tpu.memory_space<vmem>>, vector<16xf32>,
        %add3A_1658 = arith.addf %add3A_1590, %get3A_1657 : vector<16xf32>
        %mul3A_1659 = arith.mulf %get3A_1657, %get3A_1657 : vector<16xf32>
        %add3A_1660 = arith.addf %add3A_1592, %mul3A_1659 : vector<16xf32>
        %get3A_1661 = arith.constant 0 : i32
        %get3A_1662 = arith.index_cast %get3A_1661 : i32 to index
        %get3A_1663 = arith.index_cast %add3A_1636 : i32 to index
        %get3A_1664 = arith.constant 48 : index
        %get3A_1665 = tpu.vector_load %arg15[%get3A_1662, %get3A_1663, %get3A_1664] {strides = array<i32>} : memref<2x256x128xf32, #tpu.memory_space<vmem>>, vector<16xf32>,
        %add3A_1666 = arith.addf %add3A_1598, %get3A_1665 : vector<16xf32>
        %mul3A_1667 = arith.mulf %get3A_1665, %get3A_1665 : vector<16xf32>
        %add3A_1668 = arith.addf %add3A_1600, %mul3A_1667 : vector<16xf32>
        %get3A_1669 = arith.constant 0 : i32
        %get3A_1670 = arith.index_cast %get3A_1669 : i32 to index
        %get3A_1671 = arith.index_cast %add3A_1636 : i32 to index
        %get3A_1672 = arith.constant 64 : index
        %get3A_1673 = tpu.vector_load %arg15[%get3A_1670, %get3A_1671, %get3A_1672] {strides = array<i32>} : memref<2x256x128xf32, #tpu.memory_space<vmem>>, vector<16xf32>,
        %add3A_1674 = arith.addf %add3A_1606, %get3A_1673 : vector<16xf32>
        %mul3A_1675 = arith.mulf %get3A_1673, %get3A_1673 : vector<16xf32>
        %add3A_1676 = arith.addf %add3A_1608, %mul3A_1675 : vector<16xf32>
        %get3A_1677 = arith.constant 0 : i32
        %get3A_1678 = arith.index_cast %get3A_1677 : i32 to index
        %get3A_1679 = arith.index_cast %add3A_1636 : i32 to index
        %get3A_1680 = arith.constant 80 : index
        %get3A_1681 = tpu.vector_load %arg15[%get3A_1678, %get3A_1679, %get3A_1680] {strides = array<i32>} : memref<2x256x128xf32, #tpu.memory_space<vmem>>, vector<16xf32>,
        %add3A_1682 = arith.addf %add3A_1614, %get3A_1681 : vector<16xf32>
        %mul3A_1683 = arith.mulf %get3A_1681, %get3A_1681 : vector<16xf32>
        %add3A_1684 = arith.addf %add3A_1616, %mul3A_1683 : vector<16xf32>
        %get3A_1685 = arith.constant 0 : i32
        %get3A_1686 = arith.index_cast %get3A_1685 : i32 to index
        %get3A_1687 = arith.index_cast %add3A_1636 : i32 to index
        %get3A_1688 = arith.constant 96 : index
        %get3A_1689 = tpu.vector_load %arg15[%get3A_1686, %get3A_1687, %get3A_1688] {strides = array<i32>} : memref<2x256x128xf32, #tpu.memory_space<vmem>>, vector<16xf32>,
        %add3A_1690 = arith.addf %add3A_1622, %get3A_1689 : vector<16xf32>
        %mul3A_1691 = arith.mulf %get3A_1689, %get3A_1689 : vector<16xf32>
        %add3A_1692 = arith.addf %add3A_1624, %mul3A_1691 : vector<16xf32>
        %get3A_1693 = arith.constant 0 : i32
        %get3A_1694 = arith.index_cast %get3A_1693 : i32 to index
        %get3A_1695 = arith.index_cast %add3A_1636 : i32 to index
        %get3A_1696 = arith.constant 112 : index
        %get3A_1697 = tpu.vector_load %arg15[%get3A_1694, %get3A_1695, %get3A_1696] {strides = array<i32>} : memref<2x256x128xf32, #tpu.memory_space<vmem>>, vector<16xf32>,
        %add3A_1698 = arith.addf %add3A_1630, %get3A_1697 : vector<16xf32>
        %mul3A_1699 = arith.mulf %get3A_1697, %get3A_1697 : vector<16xf32>
        %add3A_1700 = arith.addf %add3A_1632, %mul3A_1699 : vector<16xf32>
        %get3A_1701 = arith.constant 0 : i32
        %get3A_1702 = arith.index_cast %get3A_1701 : i32 to index
        %get3A_1703 = arith.index_cast %scan3A_596 : i32 to index
        %get3A_1704 = arith.constant 0 : index
        %get3A_1705 = tpu.vector_load %arg16[%get3A_1702, %get3A_1703, %get3A_1704] {strides = array<i32>} : memref<2x16x128xf32, #tpu.memory_space<vmem>>, vector<16xf32>,
        %mul3A_1706 = arith.mulf %add3A_1642, %add3A_1642 : vector<16xf32>
        %sub3A_1707 = arith.subf %mul3A_1706, %add3A_1644 : vector<16xf32>
        %add3A_1708 = arith.addf %sub3A_1707, %get3A_1705 : vector<16xf32>
        %get3A_1709 = arith.constant 0 : i32
        %get3A_1710 = arith.index_cast %get3A_1709 : i32 to index
        %get3A_1711 = arith.index_cast %scan3A_596 : i32 to index
        %get3A_1712 = arith.constant 16 : index
        %get3A_1713 = tpu.vector_load %arg16[%get3A_1710, %get3A_1711, %get3A_1712] {strides = array<i32>} : memref<2x16x128xf32, #tpu.memory_space<vmem>>, vector<16xf32>,
        %mul3A_1714 = arith.mulf %add3A_1650, %add3A_1650 : vector<16xf32>
        %sub3A_1715 = arith.subf %mul3A_1714, %add3A_1652 : vector<16xf32>
        %add3A_1716 = arith.addf %sub3A_1715, %get3A_1713 : vector<16xf32>
        %get3A_1717 = arith.constant 0 : i32
        %get3A_1718 = arith.index_cast %get3A_1717 : i32 to index
        %get3A_1719 = arith.index_cast %scan3A_596 : i32 to index
        %get3A_1720 = arith.constant 32 : index
        %get3A_1721 = tpu.vector_load %arg16[%get3A_1718, %get3A_1719, %get3A_1720] {strides = array<i32>} : memref<2x16x128xf32, #tpu.memory_space<vmem>>, vector<16xf32>,
        %mul3A_1722 = arith.mulf %add3A_1658, %add3A_1658 : vector<16xf32>
        %sub3A_1723 = arith.subf %mul3A_1722, %add3A_1660 : vector<16xf32>
        %add3A_1724 = arith.addf %sub3A_1723, %get3A_1721 : vector<16xf32>
        %get3A_1725 = arith.constant 0 : i32
        %get3A_1726 = arith.index_cast %get3A_1725 : i32 to index
        %get3A_1727 = arith.index_cast %scan3A_596 : i32 to index
        %get3A_1728 = arith.constant 48 : index
        %get3A_1729 = tpu.vector_load %arg16[%get3A_1726, %get3A_1727, %get3A_1728] {strides = array<i32>} : memref<2x16x128xf32, #tpu.memory_space<vmem>>, vector<16xf32>,
        %mul3A_1730 = arith.mulf %add3A_1666, %add3A_1666 : vector<16xf32>
        %sub3A_1731 = arith.subf %mul3A_1730, %add3A_1668 : vector<16xf32>
        %add3A_1732 = arith.addf %sub3A_1731, %get3A_1729 : vector<16xf32>
        %get3A_1733 = arith.constant 0 : i32
        %get3A_1734 = arith.index_cast %get3A_1733 : i32 to index
        %get3A_1735 = arith.index_cast %scan3A_596 : i32 to index
        %get3A_1736 = arith.constant 64 : index
        %get3A_1737 = tpu.vector_load %arg16[%get3A_1734, %get3A_1735, %get3A_1736] {strides = array<i32>} : memref<2x16x128xf32, #tpu.memory_space<vmem>>, vector<16xf32>,
        %mul3A_1738 = arith.mulf %add3A_1674, %add3A_1674 : vector<16xf32>
        %sub3A_1739 = arith.subf %mul3A_1738, %add3A_1676 : vector<16xf32>
        %add3A_1740 = arith.addf %sub3A_1739, %get3A_1737 : vector<16xf32>
        %get3A_1741 = arith.constant 0 : i32
        %get3A_1742 = arith.index_cast %get3A_1741 : i32 to index
        %get3A_1743 = arith.index_cast %scan3A_596 : i32 to index
        %get3A_1744 = arith.constant 80 : index
        %get3A_1745 = tpu.vector_load %arg16[%get3A_1742, %get3A_1743, %get3A_1744] {strides = array<i32>} : memref<2x16x128xf32, #tpu.memory_space<vmem>>, vector<16xf32>,
        %mul3A_1746 = arith.mulf %add3A_1682, %add3A_1682 : vector<16xf32>
        %sub3A_1747 = arith.subf %mul3A_1746, %add3A_1684 : vector<16xf32>
        %add3A_1748 = arith.addf %sub3A_1747, %get3A_1745 : vector<16xf32>
        %get3A_1749 = arith.constant 0 : i32
        %get3A_1750 = arith.index_cast %get3A_1749 : i32 to index
        %get3A_1751 = arith.index_cast %scan3A_596 : i32 to index
        %get3A_1752 = arith.constant 96 : index
        %get3A_1753 = tpu.vector_load %arg16[%get3A_1750, %get3A_1751, %get3A_1752] {strides = array<i32>} : memref<2x16x128xf32, #tpu.memory_space<vmem>>, vector<16xf32>,
        %mul3A_1754 = arith.mulf %add3A_1690, %add3A_1690 : vector<16xf32>
        %sub3A_1755 = arith.subf %mul3A_1754, %add3A_1692 : vector<16xf32>
        %add3A_1756 = arith.addf %sub3A_1755, %get3A_1753 : vector<16xf32>
        %get3A_1757 = arith.constant 0 : i32
        %get3A_1758 = arith.index_cast %get3A_1757 : i32 to index
        %get3A_1759 = arith.index_cast %scan3A_596 : i32 to index
        %get3A_1760 = arith.constant 112 : index
        %get3A_1761 = tpu.vector_load %arg16[%get3A_1758, %get3A_1759, %get3A_1760] {strides = array<i32>} : memref<2x16x128xf32, #tpu.memory_space<vmem>>, vector<16xf32>,
        %mul3A_1762 = arith.mulf %add3A_1698, %add3A_1698 : vector<16xf32>
        %sub3A_1763 = arith.subf %mul3A_1762, %add3A_1700 : vector<16xf32>
        %add3A_1764 = arith.addf %sub3A_1763, %get3A_1761 : vector<16xf32>
        %add3A_1765 = arith.addf %scan3A_597, %add3A_1708 : vector<16xf32>
        %add3A_1766 = arith.addf %scan3A_598, %add3A_1716 : vector<16xf32>
        %add3A_1767 = arith.addf %scan3A_599, %add3A_1724 : vector<16xf32>
        %add3A_1768 = arith.addf %scan3A_600, %add3A_1732 : vector<16xf32>
        %add3A_1769 = arith.addf %scan3A_601, %add3A_1740 : vector<16xf32>
        %add3A_1770 = arith.addf %scan3A_602, %add3A_1748 : vector<16xf32>
        %add3A_1771 = arith.addf %scan3A_603, %add3A_1756 : vector<16xf32>
        %add3A_1772 = arith.addf %scan3A_604, %add3A_1764 : vector<16xf32>
        %mul3A_1773 = arith.mulf %add3A_1708, %add3A_1708 : vector<16xf32>
        %add3A_1774 = arith.addf %scan3A_605, %mul3A_1773 : vector<16xf32>
        %mul3A_1775 = arith.mulf %add3A_1716, %add3A_1716 : vector<16xf32>
        %add3A_1776 = arith.addf %scan3A_606, %mul3A_1775 : vector<16xf32>
        %mul3A_1777 = arith.mulf %add3A_1724, %add3A_1724 : vector<16xf32>
        %add3A_1778 = arith.addf %scan3A_607, %mul3A_1777 : vector<16xf32>
        %mul3A_1779 = arith.mulf %add3A_1732, %add3A_1732 : vector<16xf32>
        %add3A_1780 = arith.addf %scan3A_608, %mul3A_1779 : vector<16xf32>
        %mul3A_1781 = arith.mulf %add3A_1740, %add3A_1740 : vector<16xf32>
        %add3A_1782 = arith.addf %scan3A_609, %mul3A_1781 : vector<16xf32>
        %mul3A_1783 = arith.mulf %add3A_1748, %add3A_1748 : vector<16xf32>
        %add3A_1784 = arith.addf %scan3A_610, %mul3A_1783 : vector<16xf32>
        %mul3A_1785 = arith.mulf %add3A_1756, %add3A_1756 : vector<16xf32>
        %add3A_1786 = arith.addf %scan3A_611, %mul3A_1785 : vector<16xf32>
        %mul3A_1787 = arith.mulf %add3A_1764, %add3A_1764 : vector<16xf32>
        %add3A_1788 = arith.addf %scan3A_612, %mul3A_1787 : vector<16xf32>
        scf.yield %add3A_1765, %add3A_1766, %add3A_1767, %add3A_1768, %add3A_1769, %add3A_1770, %add3A_1771, %add3A_1772, %add3A_1774, %add3A_1776, %add3A_1778, %add3A_1780, %add3A_1782, %add3A_1784, %add3A_1786, %add3A_1788 : vector<16xf32>, vector<16xf32>, vector<16xf32>, vector<16xf32>, vector<16xf32>, vector<16xf32>, vector<16xf32>, vector<16xf32>, vector<16xf32>, vector<16xf32>, vector<16xf32>, vector<16xf32>, vector<16xf32>, vector<16xf32>, vector<16xf32>, vector<16xf32>
      }
      %scan3A_134 = arith.constant 16 : i32
      %mul3A_135 = arith.mulf %scan3A_133#0, %scan3A_133#0 : vector<16xf32>
      %sub3A = arith.subf %mul3A_135, %scan3A_133#8 : vector<16xf32>
      %get3A = arith.index_cast %mul3A_59 : i32 to index
      %get3A_136 = arith.constant 0 : index
      %get3A_137 = tpu.vector_load %arg13[%get3A, %get3A_136] {strides = array<i32>} : memref<32x128xf32, #tpu.memory_space<vmem>>, vector<16xf32>,
      %add3A_138 = arith.addf %sub3A, %get3A_137 : vector<16xf32>
      %get3A_139 = arith.index_cast %mul3A_59 : i32 to index
      %get3A_140 = arith.constant 0 : index
      %get3A_141 = tpu.vector_load %arg14[%get3A_139, %get3A_140] {strides = array<i32>} : memref<32x128xf32, #tpu.memory_space<vmem>>, vector<16xf32>,
      %mul3A_142 = arith.mulf %add3A_138, %get3A_141 : vector<16xf32>
      %add3A_143 = arith.addf %broadcast_in_dim3A_12, %mul3A_142 : vector<16xf32>
      %mul3A_144 = arith.mulf %get3A_141, %get3A_141 : vector<16xf32>
      %add3A_145 = arith.addf %broadcast_in_dim3A_12, %mul3A_144 : vector<16xf32>
      %mul3A_146 = arith.mulf %scan3A_133#1, %scan3A_133#1 : vector<16xf32>
      %sub3A_147 = arith.subf %mul3A_146, %scan3A_133#9 : vector<16xf32>
      %get3A_148 = arith.index_cast %mul3A_59 : i32 to index
      %get3A_149 = arith.constant 16 : index
      %get3A_150 = tpu.vector_load %arg13[%get3A_148, %get3A_149] {strides = array<i32>} : memref<32x128xf32, #tpu.memory_space<vmem>>, vector<16xf32>,
      %add3A_151 = arith.addf %sub3A_147, %get3A_150 : vector<16xf32>
      %get3A_152 = arith.index_cast %mul3A_59 : i32 to index
      %get3A_153 = arith.constant 16 : index
      %get3A_154 = tpu.vector_load %arg14[%get3A_152, %get3A_153] {strides = array<i32>} : memref<32x128xf32, #tpu.memory_space<vmem>>, vector<16xf32>,
      %mul3A_155 = arith.mulf %add3A_151, %get3A_154 : vector<16xf32>
      %add3A_156 = arith.addf %add3A_143, %mul3A_155 : vector<16xf32>
      %mul3A_157 = arith.mulf %get3A_154, %get3A_154 : vector<16xf32>
      %add3A_158 = arith.addf %add3A_145, %mul3A_157 : vector<16xf32>
      %mul3A_159 = arith.mulf %scan3A_133#2, %scan3A_133#2 : vector<16xf32>
      %sub3A_160 = arith.subf %mul3A_159, %scan3A_133#10 : vector<16xf32>
      %get3A_161 = arith.index_cast %mul3A_59 : i32 to index
      %get3A_162 = arith.constant 32 : index
      %get3A_163 = tpu.vector_load %arg13[%get3A_161, %get3A_162] {strides = array<i32>} : memref<32x128xf32, #tpu.memory_space<vmem>>, vector<16xf32>,
      %add3A_164 = arith.addf %sub3A_160, %get3A_163 : vector<16xf32>
      %get3A_165 = arith.index_cast %mul3A_59 : i32 to index
      %get3A_166 = arith.constant 32 : index
      %get3A_167 = tpu.vector_load %arg14[%get3A_165, %get3A_166] {strides = array<i32>} : memref<32x128xf32, #tpu.memory_space<vmem>>, vector<16xf32>,
      %mul3A_168 = arith.mulf %add3A_164, %get3A_167 : vector<16xf32>
      %add3A_169 = arith.addf %add3A_156, %mul3A_168 : vector<16xf32>
      %mul3A_170 = arith.mulf %get3A_167, %get3A_167 : vector<16xf32>
      %add3A_171 = arith.addf %add3A_158, %mul3A_170 : vector<16xf32>
      %mul3A_172 = arith.mulf %scan3A_133#3, %scan3A_133#3 : vector<16xf32>
      %sub3A_173 = arith.subf %mul3A_172, %scan3A_133#11 : vector<16xf32>
      %get3A_174 = arith.index_cast %mul3A_59 : i32 to index
      %get3A_175 = arith.constant 48 : index
      %get3A_176 = tpu.vector_load %arg13[%get3A_174, %get3A_175] {strides = array<i32>} : memref<32x128xf32, #tpu.memory_space<vmem>>, vector<16xf32>,
      %add3A_177 = arith.addf %sub3A_173, %get3A_176 : vector<16xf32>
      %get3A_178 = arith.index_cast %mul3A_59 : i32 to index
      %get3A_179 = arith.constant 48 : index
      %get3A_180 = tpu.vector_load %arg14[%get3A_178, %get3A_179] {strides = array<i32>} : memref<32x128xf32, #tpu.memory_space<vmem>>, vector<16xf32>,
      %mul3A_181 = arith.mulf %add3A_177, %get3A_180 : vector<16xf32>
      %add3A_182 = arith.addf %add3A_169, %mul3A_181 : vector<16xf32>
      %mul3A_183 = arith.mulf %get3A_180, %get3A_180 : vector<16xf32>
      %add3A_184 = arith.addf %add3A_171, %mul3A_183 : vector<16xf32>
      %mul3A_185 = arith.mulf %scan3A_133#4, %scan3A_133#4 : vector<16xf32>
      %sub3A_186 = arith.subf %mul3A_185, %scan3A_133#12 : vector<16xf32>
      %get3A_187 = arith.index_cast %mul3A_59 : i32 to index
      %get3A_188 = arith.constant 64 : index
      %get3A_189 = tpu.vector_load %arg13[%get3A_187, %get3A_188] {strides = array<i32>} : memref<32x128xf32, #tpu.memory_space<vmem>>, vector<16xf32>,
      %add3A_190 = arith.addf %sub3A_186, %get3A_189 : vector<16xf32>
      %get3A_191 = arith.index_cast %mul3A_59 : i32 to index
      %get3A_192 = arith.constant 64 : index
      %get3A_193 = tpu.vector_load %arg14[%get3A_191, %get3A_192] {strides = array<i32>} : memref<32x128xf32, #tpu.memory_space<vmem>>, vector<16xf32>,
      %mul3A_194 = arith.mulf %add3A_190, %get3A_193 : vector<16xf32>
      %add3A_195 = arith.addf %add3A_182, %mul3A_194 : vector<16xf32>
      %mul3A_196 = arith.mulf %get3A_193, %get3A_193 : vector<16xf32>
      %add3A_197 = arith.addf %add3A_184, %mul3A_196 : vector<16xf32>
      %mul3A_198 = arith.mulf %scan3A_133#5, %scan3A_133#5 : vector<16xf32>
      %sub3A_199 = arith.subf %mul3A_198, %scan3A_133#13 : vector<16xf32>
      %get3A_200 = arith.index_cast %mul3A_59 : i32 to index
      %get3A_201 = arith.constant 80 : index
      %get3A_202 = tpu.vector_load %arg13[%get3A_200, %get3A_201] {strides = array<i32>} : memref<32x128xf32, #tpu.memory_space<vmem>>, vector<16xf32>,
      %add3A_203 = arith.addf %sub3A_199, %get3A_202 : vector<16xf32>
      %get3A_204 = arith.index_cast %mul3A_59 : i32 to index
      %get3A_205 = arith.constant 80 : index
      %get3A_206 = tpu.vector_load %arg14[%get3A_204, %get3A_205] {strides = array<i32>} : memref<32x128xf32, #tpu.memory_space<vmem>>, vector<16xf32>,
      %mul3A_207 = arith.mulf %add3A_203, %get3A_206 : vector<16xf32>
      %add3A_208 = arith.addf %add3A_195, %mul3A_207 : vector<16xf32>
      %mul3A_209 = arith.mulf %get3A_206, %get3A_206 : vector<16xf32>
      %add3A_210 = arith.addf %add3A_197, %mul3A_209 : vector<16xf32>
      %mul3A_211 = arith.mulf %scan3A_133#6, %scan3A_133#6 : vector<16xf32>
      %sub3A_212 = arith.subf %mul3A_211, %scan3A_133#14 : vector<16xf32>
      %get3A_213 = arith.index_cast %mul3A_59 : i32 to index
      %get3A_214 = arith.constant 96 : index
      %get3A_215 = tpu.vector_load %arg13[%get3A_213, %get3A_214] {strides = array<i32>} : memref<32x128xf32, #tpu.memory_space<vmem>>, vector<16xf32>,
      %add3A_216 = arith.addf %sub3A_212, %get3A_215 : vector<16xf32>
      %get3A_217 = arith.index_cast %mul3A_59 : i32 to index
      %get3A_218 = arith.constant 96 : index
      %get3A_219 = tpu.vector_load %arg14[%get3A_217, %get3A_218] {strides = array<i32>} : memref<32x128xf32, #tpu.memory_space<vmem>>, vector<16xf32>,
      %mul3A_220 = arith.mulf %add3A_216, %get3A_219 : vector<16xf32>
      %add3A_221 = arith.addf %add3A_208, %mul3A_220 : vector<16xf32>
      %mul3A_222 = arith.mulf %get3A_219, %get3A_219 : vector<16xf32>
      %add3A_223 = arith.addf %add3A_210, %mul3A_222 : vector<16xf32>
      %mul3A_224 = arith.mulf %scan3A_133#7, %scan3A_133#7 : vector<16xf32>
      %sub3A_225 = arith.subf %mul3A_224, %scan3A_133#15 : vector<16xf32>
      %get3A_226 = arith.index_cast %mul3A_59 : i32 to index
      %get3A_227 = arith.constant 112 : index
      %get3A_228 = tpu.vector_load %arg13[%get3A_226, %get3A_227] {strides = array<i32>} : memref<32x128xf32, #tpu.memory_space<vmem>>, vector<16xf32>,
      %add3A_229 = arith.addf %sub3A_225, %get3A_228 : vector<16xf32>
      %get3A_230 = arith.index_cast %mul3A_59 : i32 to index
      %get3A_231 = arith.constant 112 : index
      %get3A_232 = tpu.vector_load %arg14[%get3A_230, %get3A_231] {strides = array<i32>} : memref<32x128xf32, #tpu.memory_space<vmem>>, vector<16xf32>,
      %mul3A_233 = arith.mulf %add3A_229, %get3A_232 : vector<16xf32>
      %add3A_234 = arith.addf %add3A_221, %mul3A_233 : vector<16xf32>
      %mul3A_235 = arith.mulf %get3A_232, %get3A_232 : vector<16xf32>
      %add3A_236 = arith.addf %add3A_223, %mul3A_235 : vector<16xf32>
      %swap3A = arith.constant 0 : index
      %swap3A_237 = tpu.vector_load %arg18[%swap3A] {strides = array<i32>} : memref<16xf32, #tpu.memory_space<vmem>>, vector<16xf32>,
      tpu.vector_store %arg18[%swap3A], %add3A_234 {strides = array<i32>} : memref<16xf32, #tpu.memory_space<vmem>>, vector<16xf32>,
      %xor3A = arith.constant 8 : i32
      %xor3A_238 = vector.broadcast %xor3A : i32 to vector<16xi32>
      %xor3A_239 = arith.xori %iota3A, %xor3A_238 : vector<16xi32>
      %gather3A = tpu.vector_load_idx %arg18[%xor3A_239] : memref<16xf32, #tpu.memory_space<vmem>>[vector<16xi32>], vector<16xf32>,
      %add3A_240 = arith.addf %add3A_234, %gather3A : vector<16xf32>
      %swap3A_241 = arith.constant 0 : index
      %swap3A_242 = tpu.vector_load %arg18[%swap3A_241] {strides = array<i32>} : memref<16xf32, #tpu.memory_space<vmem>>, vector<16xf32>,
      tpu.vector_store %arg18[%swap3A_241], %add3A_240 {strides = array<i32>} : memref<16xf32, #tpu.memory_space<vmem>>, vector<16xf32>,
      %xor3A_243 = arith.constant 4 : i32
      %xor3A_244 = vector.broadcast %xor3A_243 : i32 to vector<16xi32>
      %xor3A_245 = arith.xori %iota3A, %xor3A_244 : vector<16xi32>
      %gather3A_246 = tpu.vector_load_idx %arg18[%xor3A_245] : memref<16xf32, #tpu.memory_space<vmem>>[vector<16xi32>], vector<16xf32>,
      %add3A_247 = arith.addf %add3A_240, %gather3A_246 : vector<16xf32>
      %swap3A_248 = arith.constant 0 : index
      %swap3A_249 = tpu.vector_load %arg18[%swap3A_248] {strides = array<i32>} : memref<16xf32, #tpu.memory_space<vmem>>, vector<16xf32>,
      tpu.vector_store %arg18[%swap3A_248], %add3A_247 {strides = array<i32>} : memref<16xf32, #tpu.memory_space<vmem>>, vector<16xf32>,
      %xor3A_250 = arith.constant 2 : i32
      %xor3A_251 = vector.broadcast %xor3A_250 : i32 to vector<16xi32>
      %xor3A_252 = arith.xori %iota3A, %xor3A_251 : vector<16xi32>
      %gather3A_253 = tpu.vector_load_idx %arg18[%xor3A_252] : memref<16xf32, #tpu.memory_space<vmem>>[vector<16xi32>], vector<16xf32>,
      %add3A_254 = arith.addf %add3A_247, %gather3A_253 : vector<16xf32>
      %swap3A_255 = arith.constant 0 : index
      %swap3A_256 = tpu.vector_load %arg18[%swap3A_255] {strides = array<i32>} : memref<16xf32, #tpu.memory_space<vmem>>, vector<16xf32>,
      tpu.vector_store %arg18[%swap3A_255], %add3A_254 {strides = array<i32>} : memref<16xf32, #tpu.memory_space<vmem>>, vector<16xf32>,
      %xor3A_257 = arith.constant 1 : i32
      %xor3A_258 = vector.broadcast %xor3A_257 : i32 to vector<16xi32>
      %xor3A_259 = arith.xori %iota3A, %xor3A_258 : vector<16xi32>
      %gather3A_260 = tpu.vector_load_idx %arg18[%xor3A_259] : memref<16xf32, #tpu.memory_space<vmem>>[vector<16xi32>], vector<16xf32>,
      %add3A_261 = arith.addf %add3A_254, %gather3A_260 : vector<16xf32>
      %swap3A_262 = arith.constant 0 : index
      %swap3A_263 = tpu.vector_load %arg18[%swap3A_262] {strides = array<i32>} : memref<16xf32, #tpu.memory_space<vmem>>, vector<16xf32>,
      tpu.vector_store %arg18[%swap3A_262], %add3A_236 {strides = array<i32>} : memref<16xf32, #tpu.memory_space<vmem>>, vector<16xf32>,
      %xor3A_264 = arith.constant 8 : i32
      %xor3A_265 = vector.broadcast %xor3A_264 : i32 to vector<16xi32>
      %xor3A_266 = arith.xori %iota3A, %xor3A_265 : vector<16xi32>
      %gather3A_267 = tpu.vector_load_idx %arg18[%xor3A_266] : memref<16xf32, #tpu.memory_space<vmem>>[vector<16xi32>], vector<16xf32>,
      %add3A_268 = arith.addf %add3A_236, %gather3A_267 : vector<16xf32>
      %swap3A_269 = arith.constant 0 : index
      %swap3A_270 = tpu.vector_load %arg18[%swap3A_269] {strides = array<i32>} : memref<16xf32, #tpu.memory_space<vmem>>, vector<16xf32>,
      tpu.vector_store %arg18[%swap3A_269], %add3A_268 {strides = array<i32>} : memref<16xf32, #tpu.memory_space<vmem>>, vector<16xf32>,
      %xor3A_271 = arith.constant 4 : i32
      %xor3A_272 = vector.broadcast %xor3A_271 : i32 to vector<16xi32>
      %xor3A_273 = arith.xori %iota3A, %xor3A_272 : vector<16xi32>
      %gather3A_274 = tpu.vector_load_idx %arg18[%xor3A_273] : memref<16xf32, #tpu.memory_space<vmem>>[vector<16xi32>], vector<16xf32>,
      %add3A_275 = arith.addf %add3A_268, %gather3A_274 : vector<16xf32>
      %swap3A_276 = arith.constant 0 : index
      %swap3A_277 = tpu.vector_load %arg18[%swap3A_276] {strides = array<i32>} : memref<16xf32, #tpu.memory_space<vmem>>, vector<16xf32>,
      tpu.vector_store %arg18[%swap3A_276], %add3A_275 {strides = array<i32>} : memref<16xf32, #tpu.memory_space<vmem>>, vector<16xf32>,
      %xor3A_278 = arith.constant 2 : i32
      %xor3A_279 = vector.broadcast %xor3A_278 : i32 to vector<16xi32>
      %xor3A_280 = arith.xori %iota3A, %xor3A_279 : vector<16xi32>
      %gather3A_281 = tpu.vector_load_idx %arg18[%xor3A_280] : memref<16xf32, #tpu.memory_space<vmem>>[vector<16xi32>], vector<16xf32>,
      %add3A_282 = arith.addf %add3A_275, %gather3A_281 : vector<16xf32>
      %swap3A_283 = arith.constant 0 : index
      %swap3A_284 = tpu.vector_load %arg18[%swap3A_283] {strides = array<i32>} : memref<16xf32, #tpu.memory_space<vmem>>, vector<16xf32>,
      tpu.vector_store %arg18[%swap3A_283], %add3A_282 {strides = array<i32>} : memref<16xf32, #tpu.memory_space<vmem>>, vector<16xf32>,
      %xor3A_285 = arith.constant 1 : i32
      %xor3A_286 = vector.broadcast %xor3A_285 : i32 to vector<16xi32>
      %xor3A_287 = arith.xori %iota3A, %xor3A_286 : vector<16xi32>
      %gather3A_288 = tpu.vector_load_idx %arg18[%xor3A_287] : memref<16xf32, #tpu.memory_space<vmem>>[vector<16xi32>], vector<16xf32>,
      %add3A_289 = arith.addf %add3A_282, %gather3A_288 : vector<16xf32>
      %max3A = arith.constant 1.000000e-30 : f32
      %max3A_290 = vector.broadcast %max3A : f32 to vector<16xf32>
      %max3A_291 = arith.maximumf %add3A_289, %max3A_290 : vector<16xf32>
      %bitcast3A = vector.bitcast %max3A_291 : vector<16xf32> to vector<16xi32>
      %shift_right_logical3A = arith.constant 1 : i32
      %shift_right_logical3A_292 = vector.broadcast %shift_right_logical3A : i32 to vector<16xi32>
      %shift_right_logical3A_293 = arith.shrui %bitcast3A, %shift_right_logical3A_292 : vector<16xi32>
      %sub3A_294 = arith.constant 1597463007 : i32
      %sub3A_295 = vector.broadcast %sub3A_294 : i32 to vector<16xi32>
      %sub3A_296 = arith.subi %sub3A_295, %shift_right_logical3A_293 : vector<16xi32>
      %bitcast3A_297 = vector.bitcast %sub3A_296 : vector<16xi32> to vector<16xf32>
      %mul3A_298 = arith.constant 5.000000e-01 : f32
      %mul3A_299 = vector.broadcast %mul3A_298 : f32 to vector<16xf32>
      %mul3A_300 = arith.mulf %mul3A_299, %max3A_291 : vector<16xf32>
      %mul3A_301 = arith.mulf %mul3A_300, %bitcast3A_297 : vector<16xf32>
      %mul3A_302 = arith.mulf %mul3A_301, %bitcast3A_297 : vector<16xf32>
      %sub3A_303 = arith.constant 1.500000e+00 : f32
      %sub3A_304 = vector.broadcast %sub3A_303 : f32 to vector<16xf32>
      %sub3A_305 = arith.subf %sub3A_304, %mul3A_302 : vector<16xf32>
      %mul3A_306 = arith.mulf %bitcast3A_297, %sub3A_305 : vector<16xf32>
      %mul3A_307 = arith.constant 5.000000e-01 : f32
      %mul3A_308 = vector.broadcast %mul3A_307 : f32 to vector<16xf32>
      %mul3A_309 = arith.mulf %mul3A_308, %max3A_291 : vector<16xf32>
      %mul3A_310 = arith.mulf %mul3A_309, %mul3A_306 : vector<16xf32>
      %mul3A_311 = arith.mulf %mul3A_310, %mul3A_306 : vector<16xf32>
      %sub3A_312 = arith.constant 1.500000e+00 : f32
      %sub3A_313 = vector.broadcast %sub3A_312 : f32 to vector<16xf32>
      %sub3A_314 = arith.subf %sub3A_313, %mul3A_311 : vector<16xf32>
      %mul3A_315 = arith.mulf %mul3A_306, %sub3A_314 : vector<16xf32>
      %mul3A_316 = arith.constant 5.000000e-01 : f32
      %mul3A_317 = vector.broadcast %mul3A_316 : f32 to vector<16xf32>
      %mul3A_318 = arith.mulf %mul3A_317, %max3A_291 : vector<16xf32>
      %mul3A_319 = arith.mulf %mul3A_318, %mul3A_315 : vector<16xf32>
      %mul3A_320 = arith.mulf %mul3A_319, %mul3A_315 : vector<16xf32>
      %sub3A_321 = arith.constant 1.500000e+00 : f32
      %sub3A_322 = vector.broadcast %sub3A_321 : f32 to vector<16xf32>
      %sub3A_323 = arith.subf %sub3A_322, %mul3A_320 : vector<16xf32>
      %mul3A_324 = arith.mulf %mul3A_315, %sub3A_323 : vector<16xf32>
      %min3A = arith.constant 1.000000e+00 : f32
      %min3A_325 = vector.broadcast %min3A : f32 to vector<16xf32>
      %min3A_326 = arith.minimumf %min3A_325, %mul3A_324 : vector<16xf32>
      %mul3A_327 = arith.mulf %add3A_261, %min3A_326 : vector<16xf32>
      %neg3A = arith.constant 0.000000e+00 : f32
      %neg3A_328 = vector.broadcast %neg3A : f32 to vector<16xf32>
      %neg3A_329 = arith.subf %neg3A_328, %mul3A_327 : vector<16xf32>
      %exp3A = math.exp %neg3A_329 : vector<16xf32>
      %add3A_330 = arith.constant 1.000000e+00 : f32
      %add3A_331 = vector.broadcast %add3A_330 : f32 to vector<16xf32>
      %add3A_332 = arith.addf %add3A_331, %exp3A : vector<16xf32>
      %div3A = arith.constant 1.000000e+00 : f32
      %div3A_333 = vector.broadcast %div3A : f32 to vector<16xf32>
      %div3A_334 = arith.divf %div3A_333, %add3A_332 : vector<16xf32>
      %broadcast_in_dim3A_335 = vector.broadcast %mul3A_59 : i32 to vector<16xi32>
      %eq3A = arith.constant 0 : i32
      %eq3A_336 = vector.broadcast %eq3A : i32 to vector<16xi32>
      %eq3A_337 = arith.cmpi eq, %iota3A, %eq3A_336 : vector<16xi32>
      tpu.vector_store_idx %arg17[%broadcast_in_dim3A_335], %div3A_334 masked %eq3A_337 : memref<32xf32, #tpu.memory_space<vmem>>[vector<16xi32>], vector<16xf32>, vector<16xi1>
      %add3A_338 = arith.constant 2 : i32
      %add3A_339 = arith.addi %mul3A_59, %add3A_338 : i32
      %lt3A = arith.constant 32 : i32
      %lt3A_340 = arith.cmpi slt, %add3A_339, %lt3A : i32
      %convert_element_type3A = arith.extui %lt3A_340 : i1 to i32
      %cond3A = arith.constant 0 : i32
      %cond3A_341 = arith.cmpi ne, %convert_element_type3A, %cond3A : i32
      scf.if %cond3A_341 {
        %add3A_596 = arith.constant 2 : i32
        %add3A_597 = arith.addi %mul3A_59, %add3A_596 : i32
        %mul3A_598 = arith.constant 256 : i32
        %mul3A_599 = arith.muli %add3A_597, %mul3A_598 : i32
        %multiple_of3A_600 = tpu.assume_multiple %mul3A_599, 8 : i32
        %add3A_601 = arith.constant 0 : i32
        %add3A_602 = arith.addi %multiple_of3A_600, %add3A_601 : i32
        %dma_start3A_603 = arith.constant 0 : i32
        %dma_start3A_604 = arith.constant 0 : i32
        %dma_start3A_605 = arith.constant 0 : i32
        %dma_start3A_606 = tpu.memref_slice %arg15[%dma_start3A_603, %dma_start3A_604, %dma_start3A_605] : memref<2x256x128xf32, #tpu.memory_space<vmem>> -> memref<1x128x128xf32, #tpu.memory_space<vmem>>
        %dma_start3A_607 = tpu.memref_squeeze %dma_start3A_606 : memref<1x128x128xf32, #tpu.memory_space<vmem>> -> memref<128x128xf32, #tpu.memory_space<vmem>>
        %dma_start3A_608 = tpu.memref_slice %arg9[%add3A_602] : memref<8192xi32, #tpu.memory_space<vmem>> -> memref<128xi32, #tpu.memory_space<vmem>>
        %dma_start3A_609 = arith.constant 0 : i32
        %dma_start3A_610 = arith.constant 0 : i32
        %dma_start3A_611 = tpu.memref_slice %arg2[%dma_start3A_609, %dma_start3A_610] : memref<100000x128xf32, #tpu.memory_space<hbm>> -> memref<100000x128xf32, #tpu.memory_space<hbm>>
        tpu.enqueue_indirect_dma source(%dma_start3A_611 : memref<100000x128xf32, #tpu.memory_space<hbm>>) target(%dma_start3A_607 : memref<128x128xf32, #tpu.memory_space<vmem>>) offsets(%dma_start3A_608 : memref<128xi32, #tpu.memory_space<vmem>>) semaphore(%arg20 : memref<!tpu.dma_semaphore, #tpu.memory_space<semaphore_mem>>)
        %add3A_612 = arith.constant 128 : i32
        %add3A_613 = arith.addi %multiple_of3A_600, %add3A_612 : i32
        %dma_start3A_614 = arith.constant 0 : i32
        %dma_start3A_615 = arith.constant 128 : i32
        %dma_start3A_616 = arith.constant 0 : i32
        %dma_start3A_617 = tpu.memref_slice %arg15[%dma_start3A_614, %dma_start3A_615, %dma_start3A_616] : memref<2x256x128xf32, #tpu.memory_space<vmem>> -> memref<1x128x128xf32, #tpu.memory_space<vmem>>
        %dma_start3A_618 = tpu.memref_squeeze %dma_start3A_617 : memref<1x128x128xf32, #tpu.memory_space<vmem>> -> memref<128x128xf32, #tpu.memory_space<vmem>>
        %dma_start3A_619 = tpu.memref_slice %arg9[%add3A_613] : memref<8192xi32, #tpu.memory_space<vmem>> -> memref<128xi32, #tpu.memory_space<vmem>>
        %dma_start3A_620 = arith.constant 0 : i32
        %dma_start3A_621 = arith.constant 0 : i32
        %dma_start3A_622 = tpu.memref_slice %arg2[%dma_start3A_620, %dma_start3A_621] : memref<100000x128xf32, #tpu.memory_space<hbm>> -> memref<100000x128xf32, #tpu.memory_space<hbm>>
        tpu.enqueue_indirect_dma source(%dma_start3A_622 : memref<100000x128xf32, #tpu.memory_space<hbm>>) target(%dma_start3A_618 : memref<128x128xf32, #tpu.memory_space<vmem>>) offsets(%dma_start3A_619 : memref<128xi32, #tpu.memory_space<vmem>>) semaphore(%arg20 : memref<!tpu.dma_semaphore, #tpu.memory_space<semaphore_mem>>)
        %mul3A_623 = arith.constant 16 : i32
        %mul3A_624 = arith.muli %add3A_597, %mul3A_623 : i32
        %multiple_of3A_625 = tpu.assume_multiple %mul3A_624, 8 : i32
        %dma_start3A_626 = arith.constant 0 : i32
        %dma_start3A_627 = arith.constant 0 : i32
        %dma_start3A_628 = arith.constant 0 : i32
        %dma_start3A_629 = tpu.memref_slice %arg16[%dma_start3A_626, %dma_start3A_627, %dma_start3A_628] : memref<2x16x128xf32, #tpu.memory_space<vmem>> -> memref<1x16x128xf32, #tpu.memory_space<vmem>>
        %dma_start3A_630 = tpu.memref_squeeze %dma_start3A_629 : memref<1x16x128xf32, #tpu.memory_space<vmem>> -> memref<16x128xf32, #tpu.memory_space<vmem>>
        %dma_start3A_631 = tpu.memref_slice %arg10[%multiple_of3A_625] : memref<512xi32, #tpu.memory_space<vmem>> -> memref<16xi32, #tpu.memory_space<vmem>>
        %dma_start3A_632 = arith.constant 0 : i32
        %dma_start3A_633 = arith.constant 0 : i32
        %dma_start3A_634 = tpu.memref_slice %arg2[%dma_start3A_632, %dma_start3A_633] : memref<100000x128xf32, #tpu.memory_space<hbm>> -> memref<100000x128xf32, #tpu.memory_space<hbm>>
        tpu.enqueue_indirect_dma source(%dma_start3A_634 : memref<100000x128xf32, #tpu.memory_space<hbm>>) target(%dma_start3A_630 : memref<16x128xf32, #tpu.memory_space<vmem>>) offsets(%dma_start3A_631 : memref<16xi32, #tpu.memory_space<vmem>>) semaphore(%arg20 : memref<!tpu.dma_semaphore, #tpu.memory_space<semaphore_mem>>)
      } else {
      }
      %dma_wait3A_342 = arith.constant 1 : i32
      %dma_wait3A_343 = arith.constant 0 : i32
      %dma_wait3A_344 = arith.constant 0 : i32
      %dma_wait3A_345 = tpu.memref_slice %arg15[%dma_wait3A_342, %dma_wait3A_343, %dma_wait3A_344] : memref<2x256x128xf32, #tpu.memory_space<vmem>> -> memref<1x128x128xf32, #tpu.memory_space<vmem>>
      %dma_wait3A_346 = tpu.memref_squeeze %dma_wait3A_345 : memref<1x128x128xf32, #tpu.memory_space<vmem>> -> memref<128x128xf32, #tpu.memory_space<vmem>>
      %dma_wait3A_347 = arith.constant 0 : i32
      %dma_wait3A_348 = tpu.memref_slice %arg9[%dma_wait3A_347] : memref<8192xi32, #tpu.memory_space<vmem>> -> memref<128xi32, #tpu.memory_space<vmem>>
      %dma_wait3A_349 = arith.constant 0 : i32
      %dma_wait3A_350 = arith.constant 0 : i32
      %dma_wait3A_351 = tpu.memref_slice %arg2[%dma_wait3A_349, %dma_wait3A_350] : memref<100000x128xf32, #tpu.memory_space<hbm>> -> memref<100000x128xf32, #tpu.memory_space<hbm>>
      tpu.wait_indirect_dma semaphore(%arg21 : memref<!tpu.dma_semaphore, #tpu.memory_space<semaphore_mem>>) src(%dma_wait3A_351 : memref<100000x128xf32, #tpu.memory_space<hbm>>) dst(%dma_wait3A_346 : memref<128x128xf32, #tpu.memory_space<vmem>>)
      %dma_wait3A_352 = arith.constant 1 : i32
      %dma_wait3A_353 = arith.constant 128 : i32
      %dma_wait3A_354 = arith.constant 0 : i32
      %dma_wait3A_355 = tpu.memref_slice %arg15[%dma_wait3A_352, %dma_wait3A_353, %dma_wait3A_354] : memref<2x256x128xf32, #tpu.memory_space<vmem>> -> memref<1x128x128xf32, #tpu.memory_space<vmem>>
      %dma_wait3A_356 = tpu.memref_squeeze %dma_wait3A_355 : memref<1x128x128xf32, #tpu.memory_space<vmem>> -> memref<128x128xf32, #tpu.memory_space<vmem>>
      %dma_wait3A_357 = arith.constant 128 : i32
      %dma_wait3A_358 = tpu.memref_slice %arg9[%dma_wait3A_357] : memref<8192xi32, #tpu.memory_space<vmem>> -> memref<128xi32, #tpu.memory_space<vmem>>
      %dma_wait3A_359 = arith.constant 0 : i32
      %dma_wait3A_360 = arith.constant 0 : i32
      %dma_wait3A_361 = tpu.memref_slice %arg2[%dma_wait3A_359, %dma_wait3A_360] : memref<100000x128xf32, #tpu.memory_space<hbm>> -> memref<100000x128xf32, #tpu.memory_space<hbm>>
      tpu.wait_indirect_dma semaphore(%arg21 : memref<!tpu.dma_semaphore, #tpu.memory_space<semaphore_mem>>) src(%dma_wait3A_361 : memref<100000x128xf32, #tpu.memory_space<hbm>>) dst(%dma_wait3A_356 : memref<128x128xf32, #tpu.memory_space<vmem>>)
      %dma_wait3A_362 = arith.constant 1 : i32
      %dma_wait3A_363 = arith.constant 0 : i32
      %dma_wait3A_364 = arith.constant 0 : i32
      %dma_wait3A_365 = tpu.memref_slice %arg16[%dma_wait3A_362, %dma_wait3A_363, %dma_wait3A_364] : memref<2x16x128xf32, #tpu.memory_space<vmem>> -> memref<1x16x128xf32, #tpu.memory_space<vmem>>
      %dma_wait3A_366 = tpu.memref_squeeze %dma_wait3A_365 : memref<1x16x128xf32, #tpu.memory_space<vmem>> -> memref<16x128xf32, #tpu.memory_space<vmem>>
      %dma_wait3A_367 = arith.constant 0 : i32
      %dma_wait3A_368 = tpu.memref_slice %arg10[%dma_wait3A_367] : memref<512xi32, #tpu.memory_space<vmem>> -> memref<16xi32, #tpu.memory_space<vmem>>
      %dma_wait3A_369 = arith.constant 0 : i32
      %dma_wait3A_370 = arith.constant 0 : i32
      %dma_wait3A_371 = tpu.memref_slice %arg2[%dma_wait3A_369, %dma_wait3A_370] : memref<100000x128xf32, #tpu.memory_space<hbm>> -> memref<100000x128xf32, #tpu.memory_space<hbm>>
      tpu.wait_indirect_dma semaphore(%arg21 : memref<!tpu.dma_semaphore, #tpu.memory_space<semaphore_mem>>) src(%dma_wait3A_371 : memref<100000x128xf32, #tpu.memory_space<hbm>>) dst(%dma_wait3A_366 : memref<16x128xf32, #tpu.memory_space<vmem>>)
      %add3A_372 = arith.constant 1 : i32
      %add3A_373 = arith.addi %mul3A_59, %add3A_372 : i32
      %scan3A_374 = arith.constant 0 : i32
      %scan3A_375 = arith.constant 16 : i32
      %scan3A_376 = arith.addi %scan3A_374, %scan3A_375 : i32
      %scan3A_377 = arith.constant 1 : i32
      %scan3A_378:16 = scf.for %scan3A_596 = %scan3A_374 to %scan3A_376 step %scan3A_377 iter_args(%scan3A_597 = %broadcast_in_dim3A_12, %scan3A_598 = %broadcast_in_dim3A_12, %scan3A_599 = %broadcast_in_dim3A_12, %scan3A_600 = %broadcast_in_dim3A_12, %scan3A_601 = %broadcast_in_dim3A_12, %scan3A_602 = %broadcast_in_dim3A_12, %scan3A_603 = %broadcast_in_dim3A_12, %scan3A_604 = %broadcast_in_dim3A_12, %scan3A_605 = %broadcast_in_dim3A_12, %scan3A_606 = %broadcast_in_dim3A_12, %scan3A_607 = %broadcast_in_dim3A_12, %scan3A_608 = %broadcast_in_dim3A_12, %scan3A_609 = %broadcast_in_dim3A_12, %scan3A_610 = %broadcast_in_dim3A_12, %scan3A_611 = %broadcast_in_dim3A_12, %scan3A_612 = %broadcast_in_dim3A_12) -> (vector<16xf32>, vector<16xf32>, vector<16xf32>, vector<16xf32>, vector<16xf32>, vector<16xf32>, vector<16xf32>, vector<16xf32>, vector<16xf32>, vector<16xf32>, vector<16xf32>, vector<16xf32>, vector<16xf32>, vector<16xf32>, vector<16xf32>, vector<16xf32>)  : i32 {
        %mul3A_613 = arith.constant 16 : i32
        %mul3A_614 = arith.muli %scan3A_596, %mul3A_613 : i32
        %add3A_615 = arith.constant 0 : i32
        %add3A_616 = arith.addi %mul3A_614, %add3A_615 : i32
        %get3A_617 = arith.constant 1 : i32
        %get3A_618 = arith.index_cast %get3A_617 : i32 to index
        %get3A_619 = arith.index_cast %add3A_616 : i32 to index
        %get3A_620 = arith.constant 0 : index
        %get3A_621 = tpu.vector_load %arg15[%get3A_618, %get3A_619, %get3A_620] {strides = array<i32>} : memref<2x256x128xf32, #tpu.memory_space<vmem>>, vector<16xf32>,
        %add3A_622 = arith.addf %broadcast_in_dim3A_12, %get3A_621 : vector<16xf32>
        %mul3A_623 = arith.mulf %get3A_621, %get3A_621 : vector<16xf32>
        %add3A_624 = arith.addf %broadcast_in_dim3A_12, %mul3A_623 : vector<16xf32>
        %get3A_625 = arith.constant 1 : i32
        %get3A_626 = arith.index_cast %get3A_625 : i32 to index
        %get3A_627 = arith.index_cast %add3A_616 : i32 to index
        %get3A_628 = arith.constant 16 : index
        %get3A_629 = tpu.vector_load %arg15[%get3A_626, %get3A_627, %get3A_628] {strides = array<i32>} : memref<2x256x128xf32, #tpu.memory_space<vmem>>, vector<16xf32>,
        %add3A_630 = arith.addf %broadcast_in_dim3A_12, %get3A_629 : vector<16xf32>
        %mul3A_631 = arith.mulf %get3A_629, %get3A_629 : vector<16xf32>
        %add3A_632 = arith.addf %broadcast_in_dim3A_12, %mul3A_631 : vector<16xf32>
        %get3A_633 = arith.constant 1 : i32
        %get3A_634 = arith.index_cast %get3A_633 : i32 to index
        %get3A_635 = arith.index_cast %add3A_616 : i32 to index
        %get3A_636 = arith.constant 32 : index
        %get3A_637 = tpu.vector_load %arg15[%get3A_634, %get3A_635, %get3A_636] {strides = array<i32>} : memref<2x256x128xf32, #tpu.memory_space<vmem>>, vector<16xf32>,
        %add3A_638 = arith.addf %broadcast_in_dim3A_12, %get3A_637 : vector<16xf32>
        %mul3A_639 = arith.mulf %get3A_637, %get3A_637 : vector<16xf32>
        %add3A_640 = arith.addf %broadcast_in_dim3A_12, %mul3A_639 : vector<16xf32>
        %get3A_641 = arith.constant 1 : i32
        %get3A_642 = arith.index_cast %get3A_641 : i32 to index
        %get3A_643 = arith.index_cast %add3A_616 : i32 to index
        %get3A_644 = arith.constant 48 : index
        %get3A_645 = tpu.vector_load %arg15[%get3A_642, %get3A_643, %get3A_644] {strides = array<i32>} : memref<2x256x128xf32, #tpu.memory_space<vmem>>, vector<16xf32>,
        %add3A_646 = arith.addf %broadcast_in_dim3A_12, %get3A_645 : vector<16xf32>
        %mul3A_647 = arith.mulf %get3A_645, %get3A_645 : vector<16xf32>
        %add3A_648 = arith.addf %broadcast_in_dim3A_12, %mul3A_647 : vector<16xf32>
        %get3A_649 = arith.constant 1 : i32
        %get3A_650 = arith.index_cast %get3A_649 : i32 to index
        %get3A_651 = arith.index_cast %add3A_616 : i32 to index
        %get3A_652 = arith.constant 64 : index
        %get3A_653 = tpu.vector_load %arg15[%get3A_650, %get3A_651, %get3A_652] {strides = array<i32>} : memref<2x256x128xf32, #tpu.memory_space<vmem>>, vector<16xf32>,
        %add3A_654 = arith.addf %broadcast_in_dim3A_12, %get3A_653 : vector<16xf32>
        %mul3A_655 = arith.mulf %get3A_653, %get3A_653 : vector<16xf32>
        %add3A_656 = arith.addf %broadcast_in_dim3A_12, %mul3A_655 : vector<16xf32>
        %get3A_657 = arith.constant 1 : i32
        %get3A_658 = arith.index_cast %get3A_657 : i32 to index
        %get3A_659 = arith.index_cast %add3A_616 : i32 to index
        %get3A_660 = arith.constant 80 : index
        %get3A_661 = tpu.vector_load %arg15[%get3A_658, %get3A_659, %get3A_660] {strides = array<i32>} : memref<2x256x128xf32, #tpu.memory_space<vmem>>, vector<16xf32>,
        %add3A_662 = arith.addf %broadcast_in_dim3A_12, %get3A_661 : vector<16xf32>
        %mul3A_663 = arith.mulf %get3A_661, %get3A_661 : vector<16xf32>
        %add3A_664 = arith.addf %broadcast_in_dim3A_12, %mul3A_663 : vector<16xf32>
        %get3A_665 = arith.constant 1 : i32
        %get3A_666 = arith.index_cast %get3A_665 : i32 to index
        %get3A_667 = arith.index_cast %add3A_616 : i32 to index
        %get3A_668 = arith.constant 96 : index
        %get3A_669 = tpu.vector_load %arg15[%get3A_666, %get3A_667, %get3A_668] {strides = array<i32>} : memref<2x256x128xf32, #tpu.memory_space<vmem>>, vector<16xf32>,
        %add3A_670 = arith.addf %broadcast_in_dim3A_12, %get3A_669 : vector<16xf32>
        %mul3A_671 = arith.mulf %get3A_669, %get3A_669 : vector<16xf32>
        %add3A_672 = arith.addf %broadcast_in_dim3A_12, %mul3A_671 : vector<16xf32>
        %get3A_673 = arith.constant 1 : i32
        %get3A_674 = arith.index_cast %get3A_673 : i32 to index
        %get3A_675 = arith.index_cast %add3A_616 : i32 to index
        %get3A_676 = arith.constant 112 : index
        %get3A_677 = tpu.vector_load %arg15[%get3A_674, %get3A_675, %get3A_676] {strides = array<i32>} : memref<2x256x128xf32, #tpu.memory_space<vmem>>, vector<16xf32>,
        %add3A_678 = arith.addf %broadcast_in_dim3A_12, %get3A_677 : vector<16xf32>
        %mul3A_679 = arith.mulf %get3A_677, %get3A_677 : vector<16xf32>
        %add3A_680 = arith.addf %broadcast_in_dim3A_12, %mul3A_679 : vector<16xf32>
        %mul3A_681 = arith.constant 16 : i32
        %mul3A_682 = arith.muli %scan3A_596, %mul3A_681 : i32
        %add3A_683 = arith.constant 1 : i32
        %add3A_684 = arith.addi %mul3A_682, %add3A_683 : i32
        %get3A_685 = arith.constant 1 : i32
        %get3A_686 = arith.index_cast %get3A_685 : i32 to index
        %get3A_687 = arith.index_cast %add3A_684 : i32 to index
        %get3A_688 = arith.constant 0 : index
        %get3A_689 = tpu.vector_load %arg15[%get3A_686, %get3A_687, %get3A_688] {strides = array<i32>} : memref<2x256x128xf32, #tpu.memory_space<vmem>>, vector<16xf32>,
        %add3A_690 = arith.addf %add3A_622, %get3A_689 : vector<16xf32>
        %mul3A_691 = arith.mulf %get3A_689, %get3A_689 : vector<16xf32>
        %add3A_692 = arith.addf %add3A_624, %mul3A_691 : vector<16xf32>
        %get3A_693 = arith.constant 1 : i32
        %get3A_694 = arith.index_cast %get3A_693 : i32 to index
        %get3A_695 = arith.index_cast %add3A_684 : i32 to index
        %get3A_696 = arith.constant 16 : index
        %get3A_697 = tpu.vector_load %arg15[%get3A_694, %get3A_695, %get3A_696] {strides = array<i32>} : memref<2x256x128xf32, #tpu.memory_space<vmem>>, vector<16xf32>,
        %add3A_698 = arith.addf %add3A_630, %get3A_697 : vector<16xf32>
        %mul3A_699 = arith.mulf %get3A_697, %get3A_697 : vector<16xf32>
        %add3A_700 = arith.addf %add3A_632, %mul3A_699 : vector<16xf32>
        %get3A_701 = arith.constant 1 : i32
        %get3A_702 = arith.index_cast %get3A_701 : i32 to index
        %get3A_703 = arith.index_cast %add3A_684 : i32 to index
        %get3A_704 = arith.constant 32 : index
        %get3A_705 = tpu.vector_load %arg15[%get3A_702, %get3A_703, %get3A_704] {strides = array<i32>} : memref<2x256x128xf32, #tpu.memory_space<vmem>>, vector<16xf32>,
        %add3A_706 = arith.addf %add3A_638, %get3A_705 : vector<16xf32>
        %mul3A_707 = arith.mulf %get3A_705, %get3A_705 : vector<16xf32>
        %add3A_708 = arith.addf %add3A_640, %mul3A_707 : vector<16xf32>
        %get3A_709 = arith.constant 1 : i32
        %get3A_710 = arith.index_cast %get3A_709 : i32 to index
        %get3A_711 = arith.index_cast %add3A_684 : i32 to index
        %get3A_712 = arith.constant 48 : index
        %get3A_713 = tpu.vector_load %arg15[%get3A_710, %get3A_711, %get3A_712] {strides = array<i32>} : memref<2x256x128xf32, #tpu.memory_space<vmem>>, vector<16xf32>,
        %add3A_714 = arith.addf %add3A_646, %get3A_713 : vector<16xf32>
        %mul3A_715 = arith.mulf %get3A_713, %get3A_713 : vector<16xf32>
        %add3A_716 = arith.addf %add3A_648, %mul3A_715 : vector<16xf32>
        %get3A_717 = arith.constant 1 : i32
        %get3A_718 = arith.index_cast %get3A_717 : i32 to index
        %get3A_719 = arith.index_cast %add3A_684 : i32 to index
        %get3A_720 = arith.constant 64 : index
        %get3A_721 = tpu.vector_load %arg15[%get3A_718, %get3A_719, %get3A_720] {strides = array<i32>} : memref<2x256x128xf32, #tpu.memory_space<vmem>>, vector<16xf32>,
        %add3A_722 = arith.addf %add3A_654, %get3A_721 : vector<16xf32>
        %mul3A_723 = arith.mulf %get3A_721, %get3A_721 : vector<16xf32>
        %add3A_724 = arith.addf %add3A_656, %mul3A_723 : vector<16xf32>
        %get3A_725 = arith.constant 1 : i32
        %get3A_726 = arith.index_cast %get3A_725 : i32 to index
        %get3A_727 = arith.index_cast %add3A_684 : i32 to index
        %get3A_728 = arith.constant 80 : index
        %get3A_729 = tpu.vector_load %arg15[%get3A_726, %get3A_727, %get3A_728] {strides = array<i32>} : memref<2x256x128xf32, #tpu.memory_space<vmem>>, vector<16xf32>,
        %add3A_730 = arith.addf %add3A_662, %get3A_729 : vector<16xf32>
        %mul3A_731 = arith.mulf %get3A_729, %get3A_729 : vector<16xf32>
        %add3A_732 = arith.addf %add3A_664, %mul3A_731 : vector<16xf32>
        %get3A_733 = arith.constant 1 : i32
        %get3A_734 = arith.index_cast %get3A_733 : i32 to index
        %get3A_735 = arith.index_cast %add3A_684 : i32 to index
        %get3A_736 = arith.constant 96 : index
        %get3A_737 = tpu.vector_load %arg15[%get3A_734, %get3A_735, %get3A_736] {strides = array<i32>} : memref<2x256x128xf32, #tpu.memory_space<vmem>>, vector<16xf32>,
        %add3A_738 = arith.addf %add3A_670, %get3A_737 : vector<16xf32>
        %mul3A_739 = arith.mulf %get3A_737, %get3A_737 : vector<16xf32>
        %add3A_740 = arith.addf %add3A_672, %mul3A_739 : vector<16xf32>
        %get3A_741 = arith.constant 1 : i32
        %get3A_742 = arith.index_cast %get3A_741 : i32 to index
        %get3A_743 = arith.index_cast %add3A_684 : i32 to index
        %get3A_744 = arith.constant 112 : index
        %get3A_745 = tpu.vector_load %arg15[%get3A_742, %get3A_743, %get3A_744] {strides = array<i32>} : memref<2x256x128xf32, #tpu.memory_space<vmem>>, vector<16xf32>,
        %add3A_746 = arith.addf %add3A_678, %get3A_745 : vector<16xf32>
        %mul3A_747 = arith.mulf %get3A_745, %get3A_745 : vector<16xf32>
        %add3A_748 = arith.addf %add3A_680, %mul3A_747 : vector<16xf32>
        %mul3A_749 = arith.constant 16 : i32
        %mul3A_750 = arith.muli %scan3A_596, %mul3A_749 : i32
        %add3A_751 = arith.constant 2 : i32
        %add3A_752 = arith.addi %mul3A_750, %add3A_751 : i32
        %get3A_753 = arith.constant 1 : i32
        %get3A_754 = arith.index_cast %get3A_753 : i32 to index
        %get3A_755 = arith.index_cast %add3A_752 : i32 to index
        %get3A_756 = arith.constant 0 : index
        %get3A_757 = tpu.vector_load %arg15[%get3A_754, %get3A_755, %get3A_756] {strides = array<i32>} : memref<2x256x128xf32, #tpu.memory_space<vmem>>, vector<16xf32>,
        %add3A_758 = arith.addf %add3A_690, %get3A_757 : vector<16xf32>
        %mul3A_759 = arith.mulf %get3A_757, %get3A_757 : vector<16xf32>
        %add3A_760 = arith.addf %add3A_692, %mul3A_759 : vector<16xf32>
        %get3A_761 = arith.constant 1 : i32
        %get3A_762 = arith.index_cast %get3A_761 : i32 to index
        %get3A_763 = arith.index_cast %add3A_752 : i32 to index
        %get3A_764 = arith.constant 16 : index
        %get3A_765 = tpu.vector_load %arg15[%get3A_762, %get3A_763, %get3A_764] {strides = array<i32>} : memref<2x256x128xf32, #tpu.memory_space<vmem>>, vector<16xf32>,
        %add3A_766 = arith.addf %add3A_698, %get3A_765 : vector<16xf32>
        %mul3A_767 = arith.mulf %get3A_765, %get3A_765 : vector<16xf32>
        %add3A_768 = arith.addf %add3A_700, %mul3A_767 : vector<16xf32>
        %get3A_769 = arith.constant 1 : i32
        %get3A_770 = arith.index_cast %get3A_769 : i32 to index
        %get3A_771 = arith.index_cast %add3A_752 : i32 to index
        %get3A_772 = arith.constant 32 : index
        %get3A_773 = tpu.vector_load %arg15[%get3A_770, %get3A_771, %get3A_772] {strides = array<i32>} : memref<2x256x128xf32, #tpu.memory_space<vmem>>, vector<16xf32>,
        %add3A_774 = arith.addf %add3A_706, %get3A_773 : vector<16xf32>
        %mul3A_775 = arith.mulf %get3A_773, %get3A_773 : vector<16xf32>
        %add3A_776 = arith.addf %add3A_708, %mul3A_775 : vector<16xf32>
        %get3A_777 = arith.constant 1 : i32
        %get3A_778 = arith.index_cast %get3A_777 : i32 to index
        %get3A_779 = arith.index_cast %add3A_752 : i32 to index
        %get3A_780 = arith.constant 48 : index
        %get3A_781 = tpu.vector_load %arg15[%get3A_778, %get3A_779, %get3A_780] {strides = array<i32>} : memref<2x256x128xf32, #tpu.memory_space<vmem>>, vector<16xf32>,
        %add3A_782 = arith.addf %add3A_714, %get3A_781 : vector<16xf32>
        %mul3A_783 = arith.mulf %get3A_781, %get3A_781 : vector<16xf32>
        %add3A_784 = arith.addf %add3A_716, %mul3A_783 : vector<16xf32>
        %get3A_785 = arith.constant 1 : i32
        %get3A_786 = arith.index_cast %get3A_785 : i32 to index
        %get3A_787 = arith.index_cast %add3A_752 : i32 to index
        %get3A_788 = arith.constant 64 : index
        %get3A_789 = tpu.vector_load %arg15[%get3A_786, %get3A_787, %get3A_788] {strides = array<i32>} : memref<2x256x128xf32, #tpu.memory_space<vmem>>, vector<16xf32>,
        %add3A_790 = arith.addf %add3A_722, %get3A_789 : vector<16xf32>
        %mul3A_791 = arith.mulf %get3A_789, %get3A_789 : vector<16xf32>
        %add3A_792 = arith.addf %add3A_724, %mul3A_791 : vector<16xf32>
        %get3A_793 = arith.constant 1 : i32
        %get3A_794 = arith.index_cast %get3A_793 : i32 to index
        %get3A_795 = arith.index_cast %add3A_752 : i32 to index
        %get3A_796 = arith.constant 80 : index
        %get3A_797 = tpu.vector_load %arg15[%get3A_794, %get3A_795, %get3A_796] {strides = array<i32>} : memref<2x256x128xf32, #tpu.memory_space<vmem>>, vector<16xf32>,
        %add3A_798 = arith.addf %add3A_730, %get3A_797 : vector<16xf32>
        %mul3A_799 = arith.mulf %get3A_797, %get3A_797 : vector<16xf32>
        %add3A_800 = arith.addf %add3A_732, %mul3A_799 : vector<16xf32>
        %get3A_801 = arith.constant 1 : i32
        %get3A_802 = arith.index_cast %get3A_801 : i32 to index
        %get3A_803 = arith.index_cast %add3A_752 : i32 to index
        %get3A_804 = arith.constant 96 : index
        %get3A_805 = tpu.vector_load %arg15[%get3A_802, %get3A_803, %get3A_804] {strides = array<i32>} : memref<2x256x128xf32, #tpu.memory_space<vmem>>, vector<16xf32>,
        %add3A_806 = arith.addf %add3A_738, %get3A_805 : vector<16xf32>
        %mul3A_807 = arith.mulf %get3A_805, %get3A_805 : vector<16xf32>
        %add3A_808 = arith.addf %add3A_740, %mul3A_807 : vector<16xf32>
        %get3A_809 = arith.constant 1 : i32
        %get3A_810 = arith.index_cast %get3A_809 : i32 to index
        %get3A_811 = arith.index_cast %add3A_752 : i32 to index
        %get3A_812 = arith.constant 112 : index
        %get3A_813 = tpu.vector_load %arg15[%get3A_810, %get3A_811, %get3A_812] {strides = array<i32>} : memref<2x256x128xf32, #tpu.memory_space<vmem>>, vector<16xf32>,
        %add3A_814 = arith.addf %add3A_746, %get3A_813 : vector<16xf32>
        %mul3A_815 = arith.mulf %get3A_813, %get3A_813 : vector<16xf32>
        %add3A_816 = arith.addf %add3A_748, %mul3A_815 : vector<16xf32>
        %mul3A_817 = arith.constant 16 : i32
        %mul3A_818 = arith.muli %scan3A_596, %mul3A_817 : i32
        %add3A_819 = arith.constant 3 : i32
        %add3A_820 = arith.addi %mul3A_818, %add3A_819 : i32
        %get3A_821 = arith.constant 1 : i32
        %get3A_822 = arith.index_cast %get3A_821 : i32 to index
        %get3A_823 = arith.index_cast %add3A_820 : i32 to index
        %get3A_824 = arith.constant 0 : index
        %get3A_825 = tpu.vector_load %arg15[%get3A_822, %get3A_823, %get3A_824] {strides = array<i32>} : memref<2x256x128xf32, #tpu.memory_space<vmem>>, vector<16xf32>,
        %add3A_826 = arith.addf %add3A_758, %get3A_825 : vector<16xf32>
        %mul3A_827 = arith.mulf %get3A_825, %get3A_825 : vector<16xf32>
        %add3A_828 = arith.addf %add3A_760, %mul3A_827 : vector<16xf32>
        %get3A_829 = arith.constant 1 : i32
        %get3A_830 = arith.index_cast %get3A_829 : i32 to index
        %get3A_831 = arith.index_cast %add3A_820 : i32 to index
        %get3A_832 = arith.constant 16 : index
        %get3A_833 = tpu.vector_load %arg15[%get3A_830, %get3A_831, %get3A_832] {strides = array<i32>} : memref<2x256x128xf32, #tpu.memory_space<vmem>>, vector<16xf32>,
        %add3A_834 = arith.addf %add3A_766, %get3A_833 : vector<16xf32>
        %mul3A_835 = arith.mulf %get3A_833, %get3A_833 : vector<16xf32>
        %add3A_836 = arith.addf %add3A_768, %mul3A_835 : vector<16xf32>
        %get3A_837 = arith.constant 1 : i32
        %get3A_838 = arith.index_cast %get3A_837 : i32 to index
        %get3A_839 = arith.index_cast %add3A_820 : i32 to index
        %get3A_840 = arith.constant 32 : index
        %get3A_841 = tpu.vector_load %arg15[%get3A_838, %get3A_839, %get3A_840] {strides = array<i32>} : memref<2x256x128xf32, #tpu.memory_space<vmem>>, vector<16xf32>,
        %add3A_842 = arith.addf %add3A_774, %get3A_841 : vector<16xf32>
        %mul3A_843 = arith.mulf %get3A_841, %get3A_841 : vector<16xf32>
        %add3A_844 = arith.addf %add3A_776, %mul3A_843 : vector<16xf32>
        %get3A_845 = arith.constant 1 : i32
        %get3A_846 = arith.index_cast %get3A_845 : i32 to index
        %get3A_847 = arith.index_cast %add3A_820 : i32 to index
        %get3A_848 = arith.constant 48 : index
        %get3A_849 = tpu.vector_load %arg15[%get3A_846, %get3A_847, %get3A_848] {strides = array<i32>} : memref<2x256x128xf32, #tpu.memory_space<vmem>>, vector<16xf32>,
        %add3A_850 = arith.addf %add3A_782, %get3A_849 : vector<16xf32>
        %mul3A_851 = arith.mulf %get3A_849, %get3A_849 : vector<16xf32>
        %add3A_852 = arith.addf %add3A_784, %mul3A_851 : vector<16xf32>
        %get3A_853 = arith.constant 1 : i32
        %get3A_854 = arith.index_cast %get3A_853 : i32 to index
        %get3A_855 = arith.index_cast %add3A_820 : i32 to index
        %get3A_856 = arith.constant 64 : index
        %get3A_857 = tpu.vector_load %arg15[%get3A_854, %get3A_855, %get3A_856] {strides = array<i32>} : memref<2x256x128xf32, #tpu.memory_space<vmem>>, vector<16xf32>,
        %add3A_858 = arith.addf %add3A_790, %get3A_857 : vector<16xf32>
        %mul3A_859 = arith.mulf %get3A_857, %get3A_857 : vector<16xf32>
        %add3A_860 = arith.addf %add3A_792, %mul3A_859 : vector<16xf32>
        %get3A_861 = arith.constant 1 : i32
        %get3A_862 = arith.index_cast %get3A_861 : i32 to index
        %get3A_863 = arith.index_cast %add3A_820 : i32 to index
        %get3A_864 = arith.constant 80 : index
        %get3A_865 = tpu.vector_load %arg15[%get3A_862, %get3A_863, %get3A_864] {strides = array<i32>} : memref<2x256x128xf32, #tpu.memory_space<vmem>>, vector<16xf32>,
        %add3A_866 = arith.addf %add3A_798, %get3A_865 : vector<16xf32>
        %mul3A_867 = arith.mulf %get3A_865, %get3A_865 : vector<16xf32>
        %add3A_868 = arith.addf %add3A_800, %mul3A_867 : vector<16xf32>
        %get3A_869 = arith.constant 1 : i32
        %get3A_870 = arith.index_cast %get3A_869 : i32 to index
        %get3A_871 = arith.index_cast %add3A_820 : i32 to index
        %get3A_872 = arith.constant 96 : index
        %get3A_873 = tpu.vector_load %arg15[%get3A_870, %get3A_871, %get3A_872] {strides = array<i32>} : memref<2x256x128xf32, #tpu.memory_space<vmem>>, vector<16xf32>,
        %add3A_874 = arith.addf %add3A_806, %get3A_873 : vector<16xf32>
        %mul3A_875 = arith.mulf %get3A_873, %get3A_873 : vector<16xf32>
        %add3A_876 = arith.addf %add3A_808, %mul3A_875 : vector<16xf32>
        %get3A_877 = arith.constant 1 : i32
        %get3A_878 = arith.index_cast %get3A_877 : i32 to index
        %get3A_879 = arith.index_cast %add3A_820 : i32 to index
        %get3A_880 = arith.constant 112 : index
        %get3A_881 = tpu.vector_load %arg15[%get3A_878, %get3A_879, %get3A_880] {strides = array<i32>} : memref<2x256x128xf32, #tpu.memory_space<vmem>>, vector<16xf32>,
        %add3A_882 = arith.addf %add3A_814, %get3A_881 : vector<16xf32>
        %mul3A_883 = arith.mulf %get3A_881, %get3A_881 : vector<16xf32>
        %add3A_884 = arith.addf %add3A_816, %mul3A_883 : vector<16xf32>
        %mul3A_885 = arith.constant 16 : i32
        %mul3A_886 = arith.muli %scan3A_596, %mul3A_885 : i32
        %add3A_887 = arith.constant 4 : i32
        %add3A_888 = arith.addi %mul3A_886, %add3A_887 : i32
        %get3A_889 = arith.constant 1 : i32
        %get3A_890 = arith.index_cast %get3A_889 : i32 to index
        %get3A_891 = arith.index_cast %add3A_888 : i32 to index
        %get3A_892 = arith.constant 0 : index
        %get3A_893 = tpu.vector_load %arg15[%get3A_890, %get3A_891, %get3A_892] {strides = array<i32>} : memref<2x256x128xf32, #tpu.memory_space<vmem>>, vector<16xf32>,
        %add3A_894 = arith.addf %add3A_826, %get3A_893 : vector<16xf32>
        %mul3A_895 = arith.mulf %get3A_893, %get3A_893 : vector<16xf32>
        %add3A_896 = arith.addf %add3A_828, %mul3A_895 : vector<16xf32>
        %get3A_897 = arith.constant 1 : i32
        %get3A_898 = arith.index_cast %get3A_897 : i32 to index
        %get3A_899 = arith.index_cast %add3A_888 : i32 to index
        %get3A_900 = arith.constant 16 : index
        %get3A_901 = tpu.vector_load %arg15[%get3A_898, %get3A_899, %get3A_900] {strides = array<i32>} : memref<2x256x128xf32, #tpu.memory_space<vmem>>, vector<16xf32>,
        %add3A_902 = arith.addf %add3A_834, %get3A_901 : vector<16xf32>
        %mul3A_903 = arith.mulf %get3A_901, %get3A_901 : vector<16xf32>
        %add3A_904 = arith.addf %add3A_836, %mul3A_903 : vector<16xf32>
        %get3A_905 = arith.constant 1 : i32
        %get3A_906 = arith.index_cast %get3A_905 : i32 to index
        %get3A_907 = arith.index_cast %add3A_888 : i32 to index
        %get3A_908 = arith.constant 32 : index
        %get3A_909 = tpu.vector_load %arg15[%get3A_906, %get3A_907, %get3A_908] {strides = array<i32>} : memref<2x256x128xf32, #tpu.memory_space<vmem>>, vector<16xf32>,
        %add3A_910 = arith.addf %add3A_842, %get3A_909 : vector<16xf32>
        %mul3A_911 = arith.mulf %get3A_909, %get3A_909 : vector<16xf32>
        %add3A_912 = arith.addf %add3A_844, %mul3A_911 : vector<16xf32>
        %get3A_913 = arith.constant 1 : i32
        %get3A_914 = arith.index_cast %get3A_913 : i32 to index
        %get3A_915 = arith.index_cast %add3A_888 : i32 to index
        %get3A_916 = arith.constant 48 : index
        %get3A_917 = tpu.vector_load %arg15[%get3A_914, %get3A_915, %get3A_916] {strides = array<i32>} : memref<2x256x128xf32, #tpu.memory_space<vmem>>, vector<16xf32>,
        %add3A_918 = arith.addf %add3A_850, %get3A_917 : vector<16xf32>
        %mul3A_919 = arith.mulf %get3A_917, %get3A_917 : vector<16xf32>
        %add3A_920 = arith.addf %add3A_852, %mul3A_919 : vector<16xf32>
        %get3A_921 = arith.constant 1 : i32
        %get3A_922 = arith.index_cast %get3A_921 : i32 to index
        %get3A_923 = arith.index_cast %add3A_888 : i32 to index
        %get3A_924 = arith.constant 64 : index
        %get3A_925 = tpu.vector_load %arg15[%get3A_922, %get3A_923, %get3A_924] {strides = array<i32>} : memref<2x256x128xf32, #tpu.memory_space<vmem>>, vector<16xf32>,
        %add3A_926 = arith.addf %add3A_858, %get3A_925 : vector<16xf32>
        %mul3A_927 = arith.mulf %get3A_925, %get3A_925 : vector<16xf32>
        %add3A_928 = arith.addf %add3A_860, %mul3A_927 : vector<16xf32>
        %get3A_929 = arith.constant 1 : i32
        %get3A_930 = arith.index_cast %get3A_929 : i32 to index
        %get3A_931 = arith.index_cast %add3A_888 : i32 to index
        %get3A_932 = arith.constant 80 : index
        %get3A_933 = tpu.vector_load %arg15[%get3A_930, %get3A_931, %get3A_932] {strides = array<i32>} : memref<2x256x128xf32, #tpu.memory_space<vmem>>, vector<16xf32>,
        %add3A_934 = arith.addf %add3A_866, %get3A_933 : vector<16xf32>
        %mul3A_935 = arith.mulf %get3A_933, %get3A_933 : vector<16xf32>
        %add3A_936 = arith.addf %add3A_868, %mul3A_935 : vector<16xf32>
        %get3A_937 = arith.constant 1 : i32
        %get3A_938 = arith.index_cast %get3A_937 : i32 to index
        %get3A_939 = arith.index_cast %add3A_888 : i32 to index
        %get3A_940 = arith.constant 96 : index
        %get3A_941 = tpu.vector_load %arg15[%get3A_938, %get3A_939, %get3A_940] {strides = array<i32>} : memref<2x256x128xf32, #tpu.memory_space<vmem>>, vector<16xf32>,
        %add3A_942 = arith.addf %add3A_874, %get3A_941 : vector<16xf32>
        %mul3A_943 = arith.mulf %get3A_941, %get3A_941 : vector<16xf32>
        %add3A_944 = arith.addf %add3A_876, %mul3A_943 : vector<16xf32>
        %get3A_945 = arith.constant 1 : i32
        %get3A_946 = arith.index_cast %get3A_945 : i32 to index
        %get3A_947 = arith.index_cast %add3A_888 : i32 to index
        %get3A_948 = arith.constant 112 : index
        %get3A_949 = tpu.vector_load %arg15[%get3A_946, %get3A_947, %get3A_948] {strides = array<i32>} : memref<2x256x128xf32, #tpu.memory_space<vmem>>, vector<16xf32>,
        %add3A_950 = arith.addf %add3A_882, %get3A_949 : vector<16xf32>
        %mul3A_951 = arith.mulf %get3A_949, %get3A_949 : vector<16xf32>
        %add3A_952 = arith.addf %add3A_884, %mul3A_951 : vector<16xf32>
        %mul3A_953 = arith.constant 16 : i32
        %mul3A_954 = arith.muli %scan3A_596, %mul3A_953 : i32
        %add3A_955 = arith.constant 5 : i32
        %add3A_956 = arith.addi %mul3A_954, %add3A_955 : i32
        %get3A_957 = arith.constant 1 : i32
        %get3A_958 = arith.index_cast %get3A_957 : i32 to index
        %get3A_959 = arith.index_cast %add3A_956 : i32 to index
        %get3A_960 = arith.constant 0 : index
        %get3A_961 = tpu.vector_load %arg15[%get3A_958, %get3A_959, %get3A_960] {strides = array<i32>} : memref<2x256x128xf32, #tpu.memory_space<vmem>>, vector<16xf32>,
        %add3A_962 = arith.addf %add3A_894, %get3A_961 : vector<16xf32>
        %mul3A_963 = arith.mulf %get3A_961, %get3A_961 : vector<16xf32>
        %add3A_964 = arith.addf %add3A_896, %mul3A_963 : vector<16xf32>
        %get3A_965 = arith.constant 1 : i32
        %get3A_966 = arith.index_cast %get3A_965 : i32 to index
        %get3A_967 = arith.index_cast %add3A_956 : i32 to index
        %get3A_968 = arith.constant 16 : index
        %get3A_969 = tpu.vector_load %arg15[%get3A_966, %get3A_967, %get3A_968] {strides = array<i32>} : memref<2x256x128xf32, #tpu.memory_space<vmem>>, vector<16xf32>,
        %add3A_970 = arith.addf %add3A_902, %get3A_969 : vector<16xf32>
        %mul3A_971 = arith.mulf %get3A_969, %get3A_969 : vector<16xf32>
        %add3A_972 = arith.addf %add3A_904, %mul3A_971 : vector<16xf32>
        %get3A_973 = arith.constant 1 : i32
        %get3A_974 = arith.index_cast %get3A_973 : i32 to index
        %get3A_975 = arith.index_cast %add3A_956 : i32 to index
        %get3A_976 = arith.constant 32 : index
        %get3A_977 = tpu.vector_load %arg15[%get3A_974, %get3A_975, %get3A_976] {strides = array<i32>} : memref<2x256x128xf32, #tpu.memory_space<vmem>>, vector<16xf32>,
        %add3A_978 = arith.addf %add3A_910, %get3A_977 : vector<16xf32>
        %mul3A_979 = arith.mulf %get3A_977, %get3A_977 : vector<16xf32>
        %add3A_980 = arith.addf %add3A_912, %mul3A_979 : vector<16xf32>
        %get3A_981 = arith.constant 1 : i32
        %get3A_982 = arith.index_cast %get3A_981 : i32 to index
        %get3A_983 = arith.index_cast %add3A_956 : i32 to index
        %get3A_984 = arith.constant 48 : index
        %get3A_985 = tpu.vector_load %arg15[%get3A_982, %get3A_983, %get3A_984] {strides = array<i32>} : memref<2x256x128xf32, #tpu.memory_space<vmem>>, vector<16xf32>,
        %add3A_986 = arith.addf %add3A_918, %get3A_985 : vector<16xf32>
        %mul3A_987 = arith.mulf %get3A_985, %get3A_985 : vector<16xf32>
        %add3A_988 = arith.addf %add3A_920, %mul3A_987 : vector<16xf32>
        %get3A_989 = arith.constant 1 : i32
        %get3A_990 = arith.index_cast %get3A_989 : i32 to index
        %get3A_991 = arith.index_cast %add3A_956 : i32 to index
        %get3A_992 = arith.constant 64 : index
        %get3A_993 = tpu.vector_load %arg15[%get3A_990, %get3A_991, %get3A_992] {strides = array<i32>} : memref<2x256x128xf32, #tpu.memory_space<vmem>>, vector<16xf32>,
        %add3A_994 = arith.addf %add3A_926, %get3A_993 : vector<16xf32>
        %mul3A_995 = arith.mulf %get3A_993, %get3A_993 : vector<16xf32>
        %add3A_996 = arith.addf %add3A_928, %mul3A_995 : vector<16xf32>
        %get3A_997 = arith.constant 1 : i32
        %get3A_998 = arith.index_cast %get3A_997 : i32 to index
        %get3A_999 = arith.index_cast %add3A_956 : i32 to index
        %get3A_1000 = arith.constant 80 : index
        %get3A_1001 = tpu.vector_load %arg15[%get3A_998, %get3A_999, %get3A_1000] {strides = array<i32>} : memref<2x256x128xf32, #tpu.memory_space<vmem>>, vector<16xf32>,
        %add3A_1002 = arith.addf %add3A_934, %get3A_1001 : vector<16xf32>
        %mul3A_1003 = arith.mulf %get3A_1001, %get3A_1001 : vector<16xf32>
        %add3A_1004 = arith.addf %add3A_936, %mul3A_1003 : vector<16xf32>
        %get3A_1005 = arith.constant 1 : i32
        %get3A_1006 = arith.index_cast %get3A_1005 : i32 to index
        %get3A_1007 = arith.index_cast %add3A_956 : i32 to index
        %get3A_1008 = arith.constant 96 : index
        %get3A_1009 = tpu.vector_load %arg15[%get3A_1006, %get3A_1007, %get3A_1008] {strides = array<i32>} : memref<2x256x128xf32, #tpu.memory_space<vmem>>, vector<16xf32>,
        %add3A_1010 = arith.addf %add3A_942, %get3A_1009 : vector<16xf32>
        %mul3A_1011 = arith.mulf %get3A_1009, %get3A_1009 : vector<16xf32>
        %add3A_1012 = arith.addf %add3A_944, %mul3A_1011 : vector<16xf32>
        %get3A_1013 = arith.constant 1 : i32
        %get3A_1014 = arith.index_cast %get3A_1013 : i32 to index
        %get3A_1015 = arith.index_cast %add3A_956 : i32 to index
        %get3A_1016 = arith.constant 112 : index
        %get3A_1017 = tpu.vector_load %arg15[%get3A_1014, %get3A_1015, %get3A_1016] {strides = array<i32>} : memref<2x256x128xf32, #tpu.memory_space<vmem>>, vector<16xf32>,
        %add3A_1018 = arith.addf %add3A_950, %get3A_1017 : vector<16xf32>
        %mul3A_1019 = arith.mulf %get3A_1017, %get3A_1017 : vector<16xf32>
        %add3A_1020 = arith.addf %add3A_952, %mul3A_1019 : vector<16xf32>
        %mul3A_1021 = arith.constant 16 : i32
        %mul3A_1022 = arith.muli %scan3A_596, %mul3A_1021 : i32
        %add3A_1023 = arith.constant 6 : i32
        %add3A_1024 = arith.addi %mul3A_1022, %add3A_1023 : i32
        %get3A_1025 = arith.constant 1 : i32
        %get3A_1026 = arith.index_cast %get3A_1025 : i32 to index
        %get3A_1027 = arith.index_cast %add3A_1024 : i32 to index
        %get3A_1028 = arith.constant 0 : index
        %get3A_1029 = tpu.vector_load %arg15[%get3A_1026, %get3A_1027, %get3A_1028] {strides = array<i32>} : memref<2x256x128xf32, #tpu.memory_space<vmem>>, vector<16xf32>,
        %add3A_1030 = arith.addf %add3A_962, %get3A_1029 : vector<16xf32>
        %mul3A_1031 = arith.mulf %get3A_1029, %get3A_1029 : vector<16xf32>
        %add3A_1032 = arith.addf %add3A_964, %mul3A_1031 : vector<16xf32>
        %get3A_1033 = arith.constant 1 : i32
        %get3A_1034 = arith.index_cast %get3A_1033 : i32 to index
        %get3A_1035 = arith.index_cast %add3A_1024 : i32 to index
        %get3A_1036 = arith.constant 16 : index
        %get3A_1037 = tpu.vector_load %arg15[%get3A_1034, %get3A_1035, %get3A_1036] {strides = array<i32>} : memref<2x256x128xf32, #tpu.memory_space<vmem>>, vector<16xf32>,
        %add3A_1038 = arith.addf %add3A_970, %get3A_1037 : vector<16xf32>
        %mul3A_1039 = arith.mulf %get3A_1037, %get3A_1037 : vector<16xf32>
        %add3A_1040 = arith.addf %add3A_972, %mul3A_1039 : vector<16xf32>
        %get3A_1041 = arith.constant 1 : i32
        %get3A_1042 = arith.index_cast %get3A_1041 : i32 to index
        %get3A_1043 = arith.index_cast %add3A_1024 : i32 to index
        %get3A_1044 = arith.constant 32 : index
        %get3A_1045 = tpu.vector_load %arg15[%get3A_1042, %get3A_1043, %get3A_1044] {strides = array<i32>} : memref<2x256x128xf32, #tpu.memory_space<vmem>>, vector<16xf32>,
        %add3A_1046 = arith.addf %add3A_978, %get3A_1045 : vector<16xf32>
        %mul3A_1047 = arith.mulf %get3A_1045, %get3A_1045 : vector<16xf32>
        %add3A_1048 = arith.addf %add3A_980, %mul3A_1047 : vector<16xf32>
        %get3A_1049 = arith.constant 1 : i32
        %get3A_1050 = arith.index_cast %get3A_1049 : i32 to index
        %get3A_1051 = arith.index_cast %add3A_1024 : i32 to index
        %get3A_1052 = arith.constant 48 : index
        %get3A_1053 = tpu.vector_load %arg15[%get3A_1050, %get3A_1051, %get3A_1052] {strides = array<i32>} : memref<2x256x128xf32, #tpu.memory_space<vmem>>, vector<16xf32>,
        %add3A_1054 = arith.addf %add3A_986, %get3A_1053 : vector<16xf32>
        %mul3A_1055 = arith.mulf %get3A_1053, %get3A_1053 : vector<16xf32>
        %add3A_1056 = arith.addf %add3A_988, %mul3A_1055 : vector<16xf32>
        %get3A_1057 = arith.constant 1 : i32
        %get3A_1058 = arith.index_cast %get3A_1057 : i32 to index
        %get3A_1059 = arith.index_cast %add3A_1024 : i32 to index
        %get3A_1060 = arith.constant 64 : index
        %get3A_1061 = tpu.vector_load %arg15[%get3A_1058, %get3A_1059, %get3A_1060] {strides = array<i32>} : memref<2x256x128xf32, #tpu.memory_space<vmem>>, vector<16xf32>,
        %add3A_1062 = arith.addf %add3A_994, %get3A_1061 : vector<16xf32>
        %mul3A_1063 = arith.mulf %get3A_1061, %get3A_1061 : vector<16xf32>
        %add3A_1064 = arith.addf %add3A_996, %mul3A_1063 : vector<16xf32>
        %get3A_1065 = arith.constant 1 : i32
        %get3A_1066 = arith.index_cast %get3A_1065 : i32 to index
        %get3A_1067 = arith.index_cast %add3A_1024 : i32 to index
        %get3A_1068 = arith.constant 80 : index
        %get3A_1069 = tpu.vector_load %arg15[%get3A_1066, %get3A_1067, %get3A_1068] {strides = array<i32>} : memref<2x256x128xf32, #tpu.memory_space<vmem>>, vector<16xf32>,
        %add3A_1070 = arith.addf %add3A_1002, %get3A_1069 : vector<16xf32>
        %mul3A_1071 = arith.mulf %get3A_1069, %get3A_1069 : vector<16xf32>
        %add3A_1072 = arith.addf %add3A_1004, %mul3A_1071 : vector<16xf32>
        %get3A_1073 = arith.constant 1 : i32
        %get3A_1074 = arith.index_cast %get3A_1073 : i32 to index
        %get3A_1075 = arith.index_cast %add3A_1024 : i32 to index
        %get3A_1076 = arith.constant 96 : index
        %get3A_1077 = tpu.vector_load %arg15[%get3A_1074, %get3A_1075, %get3A_1076] {strides = array<i32>} : memref<2x256x128xf32, #tpu.memory_space<vmem>>, vector<16xf32>,
        %add3A_1078 = arith.addf %add3A_1010, %get3A_1077 : vector<16xf32>
        %mul3A_1079 = arith.mulf %get3A_1077, %get3A_1077 : vector<16xf32>
        %add3A_1080 = arith.addf %add3A_1012, %mul3A_1079 : vector<16xf32>
        %get3A_1081 = arith.constant 1 : i32
        %get3A_1082 = arith.index_cast %get3A_1081 : i32 to index
        %get3A_1083 = arith.index_cast %add3A_1024 : i32 to index
        %get3A_1084 = arith.constant 112 : index
        %get3A_1085 = tpu.vector_load %arg15[%get3A_1082, %get3A_1083, %get3A_1084] {strides = array<i32>} : memref<2x256x128xf32, #tpu.memory_space<vmem>>, vector<16xf32>,
        %add3A_1086 = arith.addf %add3A_1018, %get3A_1085 : vector<16xf32>
        %mul3A_1087 = arith.mulf %get3A_1085, %get3A_1085 : vector<16xf32>
        %add3A_1088 = arith.addf %add3A_1020, %mul3A_1087 : vector<16xf32>
        %mul3A_1089 = arith.constant 16 : i32
        %mul3A_1090 = arith.muli %scan3A_596, %mul3A_1089 : i32
        %add3A_1091 = arith.constant 7 : i32
        %add3A_1092 = arith.addi %mul3A_1090, %add3A_1091 : i32
        %get3A_1093 = arith.constant 1 : i32
        %get3A_1094 = arith.index_cast %get3A_1093 : i32 to index
        %get3A_1095 = arith.index_cast %add3A_1092 : i32 to index
        %get3A_1096 = arith.constant 0 : index
        %get3A_1097 = tpu.vector_load %arg15[%get3A_1094, %get3A_1095, %get3A_1096] {strides = array<i32>} : memref<2x256x128xf32, #tpu.memory_space<vmem>>, vector<16xf32>,
        %add3A_1098 = arith.addf %add3A_1030, %get3A_1097 : vector<16xf32>
        %mul3A_1099 = arith.mulf %get3A_1097, %get3A_1097 : vector<16xf32>
        %add3A_1100 = arith.addf %add3A_1032, %mul3A_1099 : vector<16xf32>
        %get3A_1101 = arith.constant 1 : i32
        %get3A_1102 = arith.index_cast %get3A_1101 : i32 to index
        %get3A_1103 = arith.index_cast %add3A_1092 : i32 to index
        %get3A_1104 = arith.constant 16 : index
        %get3A_1105 = tpu.vector_load %arg15[%get3A_1102, %get3A_1103, %get3A_1104] {strides = array<i32>} : memref<2x256x128xf32, #tpu.memory_space<vmem>>, vector<16xf32>,
        %add3A_1106 = arith.addf %add3A_1038, %get3A_1105 : vector<16xf32>
        %mul3A_1107 = arith.mulf %get3A_1105, %get3A_1105 : vector<16xf32>
        %add3A_1108 = arith.addf %add3A_1040, %mul3A_1107 : vector<16xf32>
        %get3A_1109 = arith.constant 1 : i32
        %get3A_1110 = arith.index_cast %get3A_1109 : i32 to index
        %get3A_1111 = arith.index_cast %add3A_1092 : i32 to index
        %get3A_1112 = arith.constant 32 : index
        %get3A_1113 = tpu.vector_load %arg15[%get3A_1110, %get3A_1111, %get3A_1112] {strides = array<i32>} : memref<2x256x128xf32, #tpu.memory_space<vmem>>, vector<16xf32>,
        %add3A_1114 = arith.addf %add3A_1046, %get3A_1113 : vector<16xf32>
        %mul3A_1115 = arith.mulf %get3A_1113, %get3A_1113 : vector<16xf32>
        %add3A_1116 = arith.addf %add3A_1048, %mul3A_1115 : vector<16xf32>
        %get3A_1117 = arith.constant 1 : i32
        %get3A_1118 = arith.index_cast %get3A_1117 : i32 to index
        %get3A_1119 = arith.index_cast %add3A_1092 : i32 to index
        %get3A_1120 = arith.constant 48 : index
        %get3A_1121 = tpu.vector_load %arg15[%get3A_1118, %get3A_1119, %get3A_1120] {strides = array<i32>} : memref<2x256x128xf32, #tpu.memory_space<vmem>>, vector<16xf32>,
        %add3A_1122 = arith.addf %add3A_1054, %get3A_1121 : vector<16xf32>
        %mul3A_1123 = arith.mulf %get3A_1121, %get3A_1121 : vector<16xf32>
        %add3A_1124 = arith.addf %add3A_1056, %mul3A_1123 : vector<16xf32>
        %get3A_1125 = arith.constant 1 : i32
        %get3A_1126 = arith.index_cast %get3A_1125 : i32 to index
        %get3A_1127 = arith.index_cast %add3A_1092 : i32 to index
        %get3A_1128 = arith.constant 64 : index
        %get3A_1129 = tpu.vector_load %arg15[%get3A_1126, %get3A_1127, %get3A_1128] {strides = array<i32>} : memref<2x256x128xf32, #tpu.memory_space<vmem>>, vector<16xf32>,
        %add3A_1130 = arith.addf %add3A_1062, %get3A_1129 : vector<16xf32>
        %mul3A_1131 = arith.mulf %get3A_1129, %get3A_1129 : vector<16xf32>
        %add3A_1132 = arith.addf %add3A_1064, %mul3A_1131 : vector<16xf32>
        %get3A_1133 = arith.constant 1 : i32
        %get3A_1134 = arith.index_cast %get3A_1133 : i32 to index
        %get3A_1135 = arith.index_cast %add3A_1092 : i32 to index
        %get3A_1136 = arith.constant 80 : index
        %get3A_1137 = tpu.vector_load %arg15[%get3A_1134, %get3A_1135, %get3A_1136] {strides = array<i32>} : memref<2x256x128xf32, #tpu.memory_space<vmem>>, vector<16xf32>,
        %add3A_1138 = arith.addf %add3A_1070, %get3A_1137 : vector<16xf32>
        %mul3A_1139 = arith.mulf %get3A_1137, %get3A_1137 : vector<16xf32>
        %add3A_1140 = arith.addf %add3A_1072, %mul3A_1139 : vector<16xf32>
        %get3A_1141 = arith.constant 1 : i32
        %get3A_1142 = arith.index_cast %get3A_1141 : i32 to index
        %get3A_1143 = arith.index_cast %add3A_1092 : i32 to index
        %get3A_1144 = arith.constant 96 : index
        %get3A_1145 = tpu.vector_load %arg15[%get3A_1142, %get3A_1143, %get3A_1144] {strides = array<i32>} : memref<2x256x128xf32, #tpu.memory_space<vmem>>, vector<16xf32>,
        %add3A_1146 = arith.addf %add3A_1078, %get3A_1145 : vector<16xf32>
        %mul3A_1147 = arith.mulf %get3A_1145, %get3A_1145 : vector<16xf32>
        %add3A_1148 = arith.addf %add3A_1080, %mul3A_1147 : vector<16xf32>
        %get3A_1149 = arith.constant 1 : i32
        %get3A_1150 = arith.index_cast %get3A_1149 : i32 to index
        %get3A_1151 = arith.index_cast %add3A_1092 : i32 to index
        %get3A_1152 = arith.constant 112 : index
        %get3A_1153 = tpu.vector_load %arg15[%get3A_1150, %get3A_1151, %get3A_1152] {strides = array<i32>} : memref<2x256x128xf32, #tpu.memory_space<vmem>>, vector<16xf32>,
        %add3A_1154 = arith.addf %add3A_1086, %get3A_1153 : vector<16xf32>
        %mul3A_1155 = arith.mulf %get3A_1153, %get3A_1153 : vector<16xf32>
        %add3A_1156 = arith.addf %add3A_1088, %mul3A_1155 : vector<16xf32>
        %mul3A_1157 = arith.constant 16 : i32
        %mul3A_1158 = arith.muli %scan3A_596, %mul3A_1157 : i32
        %add3A_1159 = arith.constant 8 : i32
        %add3A_1160 = arith.addi %mul3A_1158, %add3A_1159 : i32
        %get3A_1161 = arith.constant 1 : i32
        %get3A_1162 = arith.index_cast %get3A_1161 : i32 to index
        %get3A_1163 = arith.index_cast %add3A_1160 : i32 to index
        %get3A_1164 = arith.constant 0 : index
        %get3A_1165 = tpu.vector_load %arg15[%get3A_1162, %get3A_1163, %get3A_1164] {strides = array<i32>} : memref<2x256x128xf32, #tpu.memory_space<vmem>>, vector<16xf32>,
        %add3A_1166 = arith.addf %add3A_1098, %get3A_1165 : vector<16xf32>
        %mul3A_1167 = arith.mulf %get3A_1165, %get3A_1165 : vector<16xf32>
        %add3A_1168 = arith.addf %add3A_1100, %mul3A_1167 : vector<16xf32>
        %get3A_1169 = arith.constant 1 : i32
        %get3A_1170 = arith.index_cast %get3A_1169 : i32 to index
        %get3A_1171 = arith.index_cast %add3A_1160 : i32 to index
        %get3A_1172 = arith.constant 16 : index
        %get3A_1173 = tpu.vector_load %arg15[%get3A_1170, %get3A_1171, %get3A_1172] {strides = array<i32>} : memref<2x256x128xf32, #tpu.memory_space<vmem>>, vector<16xf32>,
        %add3A_1174 = arith.addf %add3A_1106, %get3A_1173 : vector<16xf32>
        %mul3A_1175 = arith.mulf %get3A_1173, %get3A_1173 : vector<16xf32>
        %add3A_1176 = arith.addf %add3A_1108, %mul3A_1175 : vector<16xf32>
        %get3A_1177 = arith.constant 1 : i32
        %get3A_1178 = arith.index_cast %get3A_1177 : i32 to index
        %get3A_1179 = arith.index_cast %add3A_1160 : i32 to index
        %get3A_1180 = arith.constant 32 : index
        %get3A_1181 = tpu.vector_load %arg15[%get3A_1178, %get3A_1179, %get3A_1180] {strides = array<i32>} : memref<2x256x128xf32, #tpu.memory_space<vmem>>, vector<16xf32>,
        %add3A_1182 = arith.addf %add3A_1114, %get3A_1181 : vector<16xf32>
        %mul3A_1183 = arith.mulf %get3A_1181, %get3A_1181 : vector<16xf32>
        %add3A_1184 = arith.addf %add3A_1116, %mul3A_1183 : vector<16xf32>
        %get3A_1185 = arith.constant 1 : i32
        %get3A_1186 = arith.index_cast %get3A_1185 : i32 to index
        %get3A_1187 = arith.index_cast %add3A_1160 : i32 to index
        %get3A_1188 = arith.constant 48 : index
        %get3A_1189 = tpu.vector_load %arg15[%get3A_1186, %get3A_1187, %get3A_1188] {strides = array<i32>} : memref<2x256x128xf32, #tpu.memory_space<vmem>>, vector<16xf32>,
        %add3A_1190 = arith.addf %add3A_1122, %get3A_1189 : vector<16xf32>
        %mul3A_1191 = arith.mulf %get3A_1189, %get3A_1189 : vector<16xf32>
        %add3A_1192 = arith.addf %add3A_1124, %mul3A_1191 : vector<16xf32>
        %get3A_1193 = arith.constant 1 : i32
        %get3A_1194 = arith.index_cast %get3A_1193 : i32 to index
        %get3A_1195 = arith.index_cast %add3A_1160 : i32 to index
        %get3A_1196 = arith.constant 64 : index
        %get3A_1197 = tpu.vector_load %arg15[%get3A_1194, %get3A_1195, %get3A_1196] {strides = array<i32>} : memref<2x256x128xf32, #tpu.memory_space<vmem>>, vector<16xf32>,
        %add3A_1198 = arith.addf %add3A_1130, %get3A_1197 : vector<16xf32>
        %mul3A_1199 = arith.mulf %get3A_1197, %get3A_1197 : vector<16xf32>
        %add3A_1200 = arith.addf %add3A_1132, %mul3A_1199 : vector<16xf32>
        %get3A_1201 = arith.constant 1 : i32
        %get3A_1202 = arith.index_cast %get3A_1201 : i32 to index
        %get3A_1203 = arith.index_cast %add3A_1160 : i32 to index
        %get3A_1204 = arith.constant 80 : index
        %get3A_1205 = tpu.vector_load %arg15[%get3A_1202, %get3A_1203, %get3A_1204] {strides = array<i32>} : memref<2x256x128xf32, #tpu.memory_space<vmem>>, vector<16xf32>,
        %add3A_1206 = arith.addf %add3A_1138, %get3A_1205 : vector<16xf32>
        %mul3A_1207 = arith.mulf %get3A_1205, %get3A_1205 : vector<16xf32>
        %add3A_1208 = arith.addf %add3A_1140, %mul3A_1207 : vector<16xf32>
        %get3A_1209 = arith.constant 1 : i32
        %get3A_1210 = arith.index_cast %get3A_1209 : i32 to index
        %get3A_1211 = arith.index_cast %add3A_1160 : i32 to index
        %get3A_1212 = arith.constant 96 : index
        %get3A_1213 = tpu.vector_load %arg15[%get3A_1210, %get3A_1211, %get3A_1212] {strides = array<i32>} : memref<2x256x128xf32, #tpu.memory_space<vmem>>, vector<16xf32>,
        %add3A_1214 = arith.addf %add3A_1146, %get3A_1213 : vector<16xf32>
        %mul3A_1215 = arith.mulf %get3A_1213, %get3A_1213 : vector<16xf32>
        %add3A_1216 = arith.addf %add3A_1148, %mul3A_1215 : vector<16xf32>
        %get3A_1217 = arith.constant 1 : i32
        %get3A_1218 = arith.index_cast %get3A_1217 : i32 to index
        %get3A_1219 = arith.index_cast %add3A_1160 : i32 to index
        %get3A_1220 = arith.constant 112 : index
        %get3A_1221 = tpu.vector_load %arg15[%get3A_1218, %get3A_1219, %get3A_1220] {strides = array<i32>} : memref<2x256x128xf32, #tpu.memory_space<vmem>>, vector<16xf32>,
        %add3A_1222 = arith.addf %add3A_1154, %get3A_1221 : vector<16xf32>
        %mul3A_1223 = arith.mulf %get3A_1221, %get3A_1221 : vector<16xf32>
        %add3A_1224 = arith.addf %add3A_1156, %mul3A_1223 : vector<16xf32>
        %mul3A_1225 = arith.constant 16 : i32
        %mul3A_1226 = arith.muli %scan3A_596, %mul3A_1225 : i32
        %add3A_1227 = arith.constant 9 : i32
        %add3A_1228 = arith.addi %mul3A_1226, %add3A_1227 : i32
        %get3A_1229 = arith.constant 1 : i32
        %get3A_1230 = arith.index_cast %get3A_1229 : i32 to index
        %get3A_1231 = arith.index_cast %add3A_1228 : i32 to index
        %get3A_1232 = arith.constant 0 : index
        %get3A_1233 = tpu.vector_load %arg15[%get3A_1230, %get3A_1231, %get3A_1232] {strides = array<i32>} : memref<2x256x128xf32, #tpu.memory_space<vmem>>, vector<16xf32>,
        %add3A_1234 = arith.addf %add3A_1166, %get3A_1233 : vector<16xf32>
        %mul3A_1235 = arith.mulf %get3A_1233, %get3A_1233 : vector<16xf32>
        %add3A_1236 = arith.addf %add3A_1168, %mul3A_1235 : vector<16xf32>
        %get3A_1237 = arith.constant 1 : i32
        %get3A_1238 = arith.index_cast %get3A_1237 : i32 to index
        %get3A_1239 = arith.index_cast %add3A_1228 : i32 to index
        %get3A_1240 = arith.constant 16 : index
        %get3A_1241 = tpu.vector_load %arg15[%get3A_1238, %get3A_1239, %get3A_1240] {strides = array<i32>} : memref<2x256x128xf32, #tpu.memory_space<vmem>>, vector<16xf32>,
        %add3A_1242 = arith.addf %add3A_1174, %get3A_1241 : vector<16xf32>
        %mul3A_1243 = arith.mulf %get3A_1241, %get3A_1241 : vector<16xf32>
        %add3A_1244 = arith.addf %add3A_1176, %mul3A_1243 : vector<16xf32>
        %get3A_1245 = arith.constant 1 : i32
        %get3A_1246 = arith.index_cast %get3A_1245 : i32 to index
        %get3A_1247 = arith.index_cast %add3A_1228 : i32 to index
        %get3A_1248 = arith.constant 32 : index
        %get3A_1249 = tpu.vector_load %arg15[%get3A_1246, %get3A_1247, %get3A_1248] {strides = array<i32>} : memref<2x256x128xf32, #tpu.memory_space<vmem>>, vector<16xf32>,
        %add3A_1250 = arith.addf %add3A_1182, %get3A_1249 : vector<16xf32>
        %mul3A_1251 = arith.mulf %get3A_1249, %get3A_1249 : vector<16xf32>
        %add3A_1252 = arith.addf %add3A_1184, %mul3A_1251 : vector<16xf32>
        %get3A_1253 = arith.constant 1 : i32
        %get3A_1254 = arith.index_cast %get3A_1253 : i32 to index
        %get3A_1255 = arith.index_cast %add3A_1228 : i32 to index
        %get3A_1256 = arith.constant 48 : index
        %get3A_1257 = tpu.vector_load %arg15[%get3A_1254, %get3A_1255, %get3A_1256] {strides = array<i32>} : memref<2x256x128xf32, #tpu.memory_space<vmem>>, vector<16xf32>,
        %add3A_1258 = arith.addf %add3A_1190, %get3A_1257 : vector<16xf32>
        %mul3A_1259 = arith.mulf %get3A_1257, %get3A_1257 : vector<16xf32>
        %add3A_1260 = arith.addf %add3A_1192, %mul3A_1259 : vector<16xf32>
        %get3A_1261 = arith.constant 1 : i32
        %get3A_1262 = arith.index_cast %get3A_1261 : i32 to index
        %get3A_1263 = arith.index_cast %add3A_1228 : i32 to index
        %get3A_1264 = arith.constant 64 : index
        %get3A_1265 = tpu.vector_load %arg15[%get3A_1262, %get3A_1263, %get3A_1264] {strides = array<i32>} : memref<2x256x128xf32, #tpu.memory_space<vmem>>, vector<16xf32>,
        %add3A_1266 = arith.addf %add3A_1198, %get3A_1265 : vector<16xf32>
        %mul3A_1267 = arith.mulf %get3A_1265, %get3A_1265 : vector<16xf32>
        %add3A_1268 = arith.addf %add3A_1200, %mul3A_1267 : vector<16xf32>
        %get3A_1269 = arith.constant 1 : i32
        %get3A_1270 = arith.index_cast %get3A_1269 : i32 to index
        %get3A_1271 = arith.index_cast %add3A_1228 : i32 to index
        %get3A_1272 = arith.constant 80 : index
        %get3A_1273 = tpu.vector_load %arg15[%get3A_1270, %get3A_1271, %get3A_1272] {strides = array<i32>} : memref<2x256x128xf32, #tpu.memory_space<vmem>>, vector<16xf32>,
        %add3A_1274 = arith.addf %add3A_1206, %get3A_1273 : vector<16xf32>
        %mul3A_1275 = arith.mulf %get3A_1273, %get3A_1273 : vector<16xf32>
        %add3A_1276 = arith.addf %add3A_1208, %mul3A_1275 : vector<16xf32>
        %get3A_1277 = arith.constant 1 : i32
        %get3A_1278 = arith.index_cast %get3A_1277 : i32 to index
        %get3A_1279 = arith.index_cast %add3A_1228 : i32 to index
        %get3A_1280 = arith.constant 96 : index
        %get3A_1281 = tpu.vector_load %arg15[%get3A_1278, %get3A_1279, %get3A_1280] {strides = array<i32>} : memref<2x256x128xf32, #tpu.memory_space<vmem>>, vector<16xf32>,
        %add3A_1282 = arith.addf %add3A_1214, %get3A_1281 : vector<16xf32>
        %mul3A_1283 = arith.mulf %get3A_1281, %get3A_1281 : vector<16xf32>
        %add3A_1284 = arith.addf %add3A_1216, %mul3A_1283 : vector<16xf32>
        %get3A_1285 = arith.constant 1 : i32
        %get3A_1286 = arith.index_cast %get3A_1285 : i32 to index
        %get3A_1287 = arith.index_cast %add3A_1228 : i32 to index
        %get3A_1288 = arith.constant 112 : index
        %get3A_1289 = tpu.vector_load %arg15[%get3A_1286, %get3A_1287, %get3A_1288] {strides = array<i32>} : memref<2x256x128xf32, #tpu.memory_space<vmem>>, vector<16xf32>,
        %add3A_1290 = arith.addf %add3A_1222, %get3A_1289 : vector<16xf32>
        %mul3A_1291 = arith.mulf %get3A_1289, %get3A_1289 : vector<16xf32>
        %add3A_1292 = arith.addf %add3A_1224, %mul3A_1291 : vector<16xf32>
        %mul3A_1293 = arith.constant 16 : i32
        %mul3A_1294 = arith.muli %scan3A_596, %mul3A_1293 : i32
        %add3A_1295 = arith.constant 10 : i32
        %add3A_1296 = arith.addi %mul3A_1294, %add3A_1295 : i32
        %get3A_1297 = arith.constant 1 : i32
        %get3A_1298 = arith.index_cast %get3A_1297 : i32 to index
        %get3A_1299 = arith.index_cast %add3A_1296 : i32 to index
        %get3A_1300 = arith.constant 0 : index
        %get3A_1301 = tpu.vector_load %arg15[%get3A_1298, %get3A_1299, %get3A_1300] {strides = array<i32>} : memref<2x256x128xf32, #tpu.memory_space<vmem>>, vector<16xf32>,
        %add3A_1302 = arith.addf %add3A_1234, %get3A_1301 : vector<16xf32>
        %mul3A_1303 = arith.mulf %get3A_1301, %get3A_1301 : vector<16xf32>
        %add3A_1304 = arith.addf %add3A_1236, %mul3A_1303 : vector<16xf32>
        %get3A_1305 = arith.constant 1 : i32
        %get3A_1306 = arith.index_cast %get3A_1305 : i32 to index
        %get3A_1307 = arith.index_cast %add3A_1296 : i32 to index
        %get3A_1308 = arith.constant 16 : index
        %get3A_1309 = tpu.vector_load %arg15[%get3A_1306, %get3A_1307, %get3A_1308] {strides = array<i32>} : memref<2x256x128xf32, #tpu.memory_space<vmem>>, vector<16xf32>,
        %add3A_1310 = arith.addf %add3A_1242, %get3A_1309 : vector<16xf32>
        %mul3A_1311 = arith.mulf %get3A_1309, %get3A_1309 : vector<16xf32>
        %add3A_1312 = arith.addf %add3A_1244, %mul3A_1311 : vector<16xf32>
        %get3A_1313 = arith.constant 1 : i32
        %get3A_1314 = arith.index_cast %get3A_1313 : i32 to index
        %get3A_1315 = arith.index_cast %add3A_1296 : i32 to index
        %get3A_1316 = arith.constant 32 : index
        %get3A_1317 = tpu.vector_load %arg15[%get3A_1314, %get3A_1315, %get3A_1316] {strides = array<i32>} : memref<2x256x128xf32, #tpu.memory_space<vmem>>, vector<16xf32>,
        %add3A_1318 = arith.addf %add3A_1250, %get3A_1317 : vector<16xf32>
        %mul3A_1319 = arith.mulf %get3A_1317, %get3A_1317 : vector<16xf32>
        %add3A_1320 = arith.addf %add3A_1252, %mul3A_1319 : vector<16xf32>
        %get3A_1321 = arith.constant 1 : i32
        %get3A_1322 = arith.index_cast %get3A_1321 : i32 to index
        %get3A_1323 = arith.index_cast %add3A_1296 : i32 to index
        %get3A_1324 = arith.constant 48 : index
        %get3A_1325 = tpu.vector_load %arg15[%get3A_1322, %get3A_1323, %get3A_1324] {strides = array<i32>} : memref<2x256x128xf32, #tpu.memory_space<vmem>>, vector<16xf32>,
        %add3A_1326 = arith.addf %add3A_1258, %get3A_1325 : vector<16xf32>
        %mul3A_1327 = arith.mulf %get3A_1325, %get3A_1325 : vector<16xf32>
        %add3A_1328 = arith.addf %add3A_1260, %mul3A_1327 : vector<16xf32>
        %get3A_1329 = arith.constant 1 : i32
        %get3A_1330 = arith.index_cast %get3A_1329 : i32 to index
        %get3A_1331 = arith.index_cast %add3A_1296 : i32 to index
        %get3A_1332 = arith.constant 64 : index
        %get3A_1333 = tpu.vector_load %arg15[%get3A_1330, %get3A_1331, %get3A_1332] {strides = array<i32>} : memref<2x256x128xf32, #tpu.memory_space<vmem>>, vector<16xf32>,
        %add3A_1334 = arith.addf %add3A_1266, %get3A_1333 : vector<16xf32>
        %mul3A_1335 = arith.mulf %get3A_1333, %get3A_1333 : vector<16xf32>
        %add3A_1336 = arith.addf %add3A_1268, %mul3A_1335 : vector<16xf32>
        %get3A_1337 = arith.constant 1 : i32
        %get3A_1338 = arith.index_cast %get3A_1337 : i32 to index
        %get3A_1339 = arith.index_cast %add3A_1296 : i32 to index
        %get3A_1340 = arith.constant 80 : index
        %get3A_1341 = tpu.vector_load %arg15[%get3A_1338, %get3A_1339, %get3A_1340] {strides = array<i32>} : memref<2x256x128xf32, #tpu.memory_space<vmem>>, vector<16xf32>,
        %add3A_1342 = arith.addf %add3A_1274, %get3A_1341 : vector<16xf32>
        %mul3A_1343 = arith.mulf %get3A_1341, %get3A_1341 : vector<16xf32>
        %add3A_1344 = arith.addf %add3A_1276, %mul3A_1343 : vector<16xf32>
        %get3A_1345 = arith.constant 1 : i32
        %get3A_1346 = arith.index_cast %get3A_1345 : i32 to index
        %get3A_1347 = arith.index_cast %add3A_1296 : i32 to index
        %get3A_1348 = arith.constant 96 : index
        %get3A_1349 = tpu.vector_load %arg15[%get3A_1346, %get3A_1347, %get3A_1348] {strides = array<i32>} : memref<2x256x128xf32, #tpu.memory_space<vmem>>, vector<16xf32>,
        %add3A_1350 = arith.addf %add3A_1282, %get3A_1349 : vector<16xf32>
        %mul3A_1351 = arith.mulf %get3A_1349, %get3A_1349 : vector<16xf32>
        %add3A_1352 = arith.addf %add3A_1284, %mul3A_1351 : vector<16xf32>
        %get3A_1353 = arith.constant 1 : i32
        %get3A_1354 = arith.index_cast %get3A_1353 : i32 to index
        %get3A_1355 = arith.index_cast %add3A_1296 : i32 to index
        %get3A_1356 = arith.constant 112 : index
        %get3A_1357 = tpu.vector_load %arg15[%get3A_1354, %get3A_1355, %get3A_1356] {strides = array<i32>} : memref<2x256x128xf32, #tpu.memory_space<vmem>>, vector<16xf32>,
        %add3A_1358 = arith.addf %add3A_1290, %get3A_1357 : vector<16xf32>
        %mul3A_1359 = arith.mulf %get3A_1357, %get3A_1357 : vector<16xf32>
        %add3A_1360 = arith.addf %add3A_1292, %mul3A_1359 : vector<16xf32>
        %mul3A_1361 = arith.constant 16 : i32
        %mul3A_1362 = arith.muli %scan3A_596, %mul3A_1361 : i32
        %add3A_1363 = arith.constant 11 : i32
        %add3A_1364 = arith.addi %mul3A_1362, %add3A_1363 : i32
        %get3A_1365 = arith.constant 1 : i32
        %get3A_1366 = arith.index_cast %get3A_1365 : i32 to index
        %get3A_1367 = arith.index_cast %add3A_1364 : i32 to index
        %get3A_1368 = arith.constant 0 : index
        %get3A_1369 = tpu.vector_load %arg15[%get3A_1366, %get3A_1367, %get3A_1368] {strides = array<i32>} : memref<2x256x128xf32, #tpu.memory_space<vmem>>, vector<16xf32>,
        %add3A_1370 = arith.addf %add3A_1302, %get3A_1369 : vector<16xf32>
        %mul3A_1371 = arith.mulf %get3A_1369, %get3A_1369 : vector<16xf32>
        %add3A_1372 = arith.addf %add3A_1304, %mul3A_1371 : vector<16xf32>
        %get3A_1373 = arith.constant 1 : i32
        %get3A_1374 = arith.index_cast %get3A_1373 : i32 to index
        %get3A_1375 = arith.index_cast %add3A_1364 : i32 to index
        %get3A_1376 = arith.constant 16 : index
        %get3A_1377 = tpu.vector_load %arg15[%get3A_1374, %get3A_1375, %get3A_1376] {strides = array<i32>} : memref<2x256x128xf32, #tpu.memory_space<vmem>>, vector<16xf32>,
        %add3A_1378 = arith.addf %add3A_1310, %get3A_1377 : vector<16xf32>
        %mul3A_1379 = arith.mulf %get3A_1377, %get3A_1377 : vector<16xf32>
        %add3A_1380 = arith.addf %add3A_1312, %mul3A_1379 : vector<16xf32>
        %get3A_1381 = arith.constant 1 : i32
        %get3A_1382 = arith.index_cast %get3A_1381 : i32 to index
        %get3A_1383 = arith.index_cast %add3A_1364 : i32 to index
        %get3A_1384 = arith.constant 32 : index
        %get3A_1385 = tpu.vector_load %arg15[%get3A_1382, %get3A_1383, %get3A_1384] {strides = array<i32>} : memref<2x256x128xf32, #tpu.memory_space<vmem>>, vector<16xf32>,
        %add3A_1386 = arith.addf %add3A_1318, %get3A_1385 : vector<16xf32>
        %mul3A_1387 = arith.mulf %get3A_1385, %get3A_1385 : vector<16xf32>
        %add3A_1388 = arith.addf %add3A_1320, %mul3A_1387 : vector<16xf32>
        %get3A_1389 = arith.constant 1 : i32
        %get3A_1390 = arith.index_cast %get3A_1389 : i32 to index
        %get3A_1391 = arith.index_cast %add3A_1364 : i32 to index
        %get3A_1392 = arith.constant 48 : index
        %get3A_1393 = tpu.vector_load %arg15[%get3A_1390, %get3A_1391, %get3A_1392] {strides = array<i32>} : memref<2x256x128xf32, #tpu.memory_space<vmem>>, vector<16xf32>,
        %add3A_1394 = arith.addf %add3A_1326, %get3A_1393 : vector<16xf32>
        %mul3A_1395 = arith.mulf %get3A_1393, %get3A_1393 : vector<16xf32>
        %add3A_1396 = arith.addf %add3A_1328, %mul3A_1395 : vector<16xf32>
        %get3A_1397 = arith.constant 1 : i32
        %get3A_1398 = arith.index_cast %get3A_1397 : i32 to index
        %get3A_1399 = arith.index_cast %add3A_1364 : i32 to index
        %get3A_1400 = arith.constant 64 : index
        %get3A_1401 = tpu.vector_load %arg15[%get3A_1398, %get3A_1399, %get3A_1400] {strides = array<i32>} : memref<2x256x128xf32, #tpu.memory_space<vmem>>, vector<16xf32>,
        %add3A_1402 = arith.addf %add3A_1334, %get3A_1401 : vector<16xf32>
        %mul3A_1403 = arith.mulf %get3A_1401, %get3A_1401 : vector<16xf32>
        %add3A_1404 = arith.addf %add3A_1336, %mul3A_1403 : vector<16xf32>
        %get3A_1405 = arith.constant 1 : i32
        %get3A_1406 = arith.index_cast %get3A_1405 : i32 to index
        %get3A_1407 = arith.index_cast %add3A_1364 : i32 to index
        %get3A_1408 = arith.constant 80 : index
        %get3A_1409 = tpu.vector_load %arg15[%get3A_1406, %get3A_1407, %get3A_1408] {strides = array<i32>} : memref<2x256x128xf32, #tpu.memory_space<vmem>>, vector<16xf32>,
        %add3A_1410 = arith.addf %add3A_1342, %get3A_1409 : vector<16xf32>
        %mul3A_1411 = arith.mulf %get3A_1409, %get3A_1409 : vector<16xf32>
        %add3A_1412 = arith.addf %add3A_1344, %mul3A_1411 : vector<16xf32>
        %get3A_1413 = arith.constant 1 : i32
        %get3A_1414 = arith.index_cast %get3A_1413 : i32 to index
        %get3A_1415 = arith.index_cast %add3A_1364 : i32 to index
        %get3A_1416 = arith.constant 96 : index
        %get3A_1417 = tpu.vector_load %arg15[%get3A_1414, %get3A_1415, %get3A_1416] {strides = array<i32>} : memref<2x256x128xf32, #tpu.memory_space<vmem>>, vector<16xf32>,
        %add3A_1418 = arith.addf %add3A_1350, %get3A_1417 : vector<16xf32>
        %mul3A_1419 = arith.mulf %get3A_1417, %get3A_1417 : vector<16xf32>
        %add3A_1420 = arith.addf %add3A_1352, %mul3A_1419 : vector<16xf32>
        %get3A_1421 = arith.constant 1 : i32
        %get3A_1422 = arith.index_cast %get3A_1421 : i32 to index
        %get3A_1423 = arith.index_cast %add3A_1364 : i32 to index
        %get3A_1424 = arith.constant 112 : index
        %get3A_1425 = tpu.vector_load %arg15[%get3A_1422, %get3A_1423, %get3A_1424] {strides = array<i32>} : memref<2x256x128xf32, #tpu.memory_space<vmem>>, vector<16xf32>,
        %add3A_1426 = arith.addf %add3A_1358, %get3A_1425 : vector<16xf32>
        %mul3A_1427 = arith.mulf %get3A_1425, %get3A_1425 : vector<16xf32>
        %add3A_1428 = arith.addf %add3A_1360, %mul3A_1427 : vector<16xf32>
        %mul3A_1429 = arith.constant 16 : i32
        %mul3A_1430 = arith.muli %scan3A_596, %mul3A_1429 : i32
        %add3A_1431 = arith.constant 12 : i32
        %add3A_1432 = arith.addi %mul3A_1430, %add3A_1431 : i32
        %get3A_1433 = arith.constant 1 : i32
        %get3A_1434 = arith.index_cast %get3A_1433 : i32 to index
        %get3A_1435 = arith.index_cast %add3A_1432 : i32 to index
        %get3A_1436 = arith.constant 0 : index
        %get3A_1437 = tpu.vector_load %arg15[%get3A_1434, %get3A_1435, %get3A_1436] {strides = array<i32>} : memref<2x256x128xf32, #tpu.memory_space<vmem>>, vector<16xf32>,
        %add3A_1438 = arith.addf %add3A_1370, %get3A_1437 : vector<16xf32>
        %mul3A_1439 = arith.mulf %get3A_1437, %get3A_1437 : vector<16xf32>
        %add3A_1440 = arith.addf %add3A_1372, %mul3A_1439 : vector<16xf32>
        %get3A_1441 = arith.constant 1 : i32
        %get3A_1442 = arith.index_cast %get3A_1441 : i32 to index
        %get3A_1443 = arith.index_cast %add3A_1432 : i32 to index
        %get3A_1444 = arith.constant 16 : index
        %get3A_1445 = tpu.vector_load %arg15[%get3A_1442, %get3A_1443, %get3A_1444] {strides = array<i32>} : memref<2x256x128xf32, #tpu.memory_space<vmem>>, vector<16xf32>,
        %add3A_1446 = arith.addf %add3A_1378, %get3A_1445 : vector<16xf32>
        %mul3A_1447 = arith.mulf %get3A_1445, %get3A_1445 : vector<16xf32>
        %add3A_1448 = arith.addf %add3A_1380, %mul3A_1447 : vector<16xf32>
        %get3A_1449 = arith.constant 1 : i32
        %get3A_1450 = arith.index_cast %get3A_1449 : i32 to index
        %get3A_1451 = arith.index_cast %add3A_1432 : i32 to index
        %get3A_1452 = arith.constant 32 : index
        %get3A_1453 = tpu.vector_load %arg15[%get3A_1450, %get3A_1451, %get3A_1452] {strides = array<i32>} : memref<2x256x128xf32, #tpu.memory_space<vmem>>, vector<16xf32>,
        %add3A_1454 = arith.addf %add3A_1386, %get3A_1453 : vector<16xf32>
        %mul3A_1455 = arith.mulf %get3A_1453, %get3A_1453 : vector<16xf32>
        %add3A_1456 = arith.addf %add3A_1388, %mul3A_1455 : vector<16xf32>
        %get3A_1457 = arith.constant 1 : i32
        %get3A_1458 = arith.index_cast %get3A_1457 : i32 to index
        %get3A_1459 = arith.index_cast %add3A_1432 : i32 to index
        %get3A_1460 = arith.constant 48 : index
        %get3A_1461 = tpu.vector_load %arg15[%get3A_1458, %get3A_1459, %get3A_1460] {strides = array<i32>} : memref<2x256x128xf32, #tpu.memory_space<vmem>>, vector<16xf32>,
        %add3A_1462 = arith.addf %add3A_1394, %get3A_1461 : vector<16xf32>
        %mul3A_1463 = arith.mulf %get3A_1461, %get3A_1461 : vector<16xf32>
        %add3A_1464 = arith.addf %add3A_1396, %mul3A_1463 : vector<16xf32>
        %get3A_1465 = arith.constant 1 : i32
        %get3A_1466 = arith.index_cast %get3A_1465 : i32 to index
        %get3A_1467 = arith.index_cast %add3A_1432 : i32 to index
        %get3A_1468 = arith.constant 64 : index
        %get3A_1469 = tpu.vector_load %arg15[%get3A_1466, %get3A_1467, %get3A_1468] {strides = array<i32>} : memref<2x256x128xf32, #tpu.memory_space<vmem>>, vector<16xf32>,
        %add3A_1470 = arith.addf %add3A_1402, %get3A_1469 : vector<16xf32>
        %mul3A_1471 = arith.mulf %get3A_1469, %get3A_1469 : vector<16xf32>
        %add3A_1472 = arith.addf %add3A_1404, %mul3A_1471 : vector<16xf32>
        %get3A_1473 = arith.constant 1 : i32
        %get3A_1474 = arith.index_cast %get3A_1473 : i32 to index
        %get3A_1475 = arith.index_cast %add3A_1432 : i32 to index
        %get3A_1476 = arith.constant 80 : index
        %get3A_1477 = tpu.vector_load %arg15[%get3A_1474, %get3A_1475, %get3A_1476] {strides = array<i32>} : memref<2x256x128xf32, #tpu.memory_space<vmem>>, vector<16xf32>,
        %add3A_1478 = arith.addf %add3A_1410, %get3A_1477 : vector<16xf32>
        %mul3A_1479 = arith.mulf %get3A_1477, %get3A_1477 : vector<16xf32>
        %add3A_1480 = arith.addf %add3A_1412, %mul3A_1479 : vector<16xf32>
        %get3A_1481 = arith.constant 1 : i32
        %get3A_1482 = arith.index_cast %get3A_1481 : i32 to index
        %get3A_1483 = arith.index_cast %add3A_1432 : i32 to index
        %get3A_1484 = arith.constant 96 : index
        %get3A_1485 = tpu.vector_load %arg15[%get3A_1482, %get3A_1483, %get3A_1484] {strides = array<i32>} : memref<2x256x128xf32, #tpu.memory_space<vmem>>, vector<16xf32>,
        %add3A_1486 = arith.addf %add3A_1418, %get3A_1485 : vector<16xf32>
        %mul3A_1487 = arith.mulf %get3A_1485, %get3A_1485 : vector<16xf32>
        %add3A_1488 = arith.addf %add3A_1420, %mul3A_1487 : vector<16xf32>
        %get3A_1489 = arith.constant 1 : i32
        %get3A_1490 = arith.index_cast %get3A_1489 : i32 to index
        %get3A_1491 = arith.index_cast %add3A_1432 : i32 to index
        %get3A_1492 = arith.constant 112 : index
        %get3A_1493 = tpu.vector_load %arg15[%get3A_1490, %get3A_1491, %get3A_1492] {strides = array<i32>} : memref<2x256x128xf32, #tpu.memory_space<vmem>>, vector<16xf32>,
        %add3A_1494 = arith.addf %add3A_1426, %get3A_1493 : vector<16xf32>
        %mul3A_1495 = arith.mulf %get3A_1493, %get3A_1493 : vector<16xf32>
        %add3A_1496 = arith.addf %add3A_1428, %mul3A_1495 : vector<16xf32>
        %mul3A_1497 = arith.constant 16 : i32
        %mul3A_1498 = arith.muli %scan3A_596, %mul3A_1497 : i32
        %add3A_1499 = arith.constant 13 : i32
        %add3A_1500 = arith.addi %mul3A_1498, %add3A_1499 : i32
        %get3A_1501 = arith.constant 1 : i32
        %get3A_1502 = arith.index_cast %get3A_1501 : i32 to index
        %get3A_1503 = arith.index_cast %add3A_1500 : i32 to index
        %get3A_1504 = arith.constant 0 : index
        %get3A_1505 = tpu.vector_load %arg15[%get3A_1502, %get3A_1503, %get3A_1504] {strides = array<i32>} : memref<2x256x128xf32, #tpu.memory_space<vmem>>, vector<16xf32>,
        %add3A_1506 = arith.addf %add3A_1438, %get3A_1505 : vector<16xf32>
        %mul3A_1507 = arith.mulf %get3A_1505, %get3A_1505 : vector<16xf32>
        %add3A_1508 = arith.addf %add3A_1440, %mul3A_1507 : vector<16xf32>
        %get3A_1509 = arith.constant 1 : i32
        %get3A_1510 = arith.index_cast %get3A_1509 : i32 to index
        %get3A_1511 = arith.index_cast %add3A_1500 : i32 to index
        %get3A_1512 = arith.constant 16 : index
        %get3A_1513 = tpu.vector_load %arg15[%get3A_1510, %get3A_1511, %get3A_1512] {strides = array<i32>} : memref<2x256x128xf32, #tpu.memory_space<vmem>>, vector<16xf32>,
        %add3A_1514 = arith.addf %add3A_1446, %get3A_1513 : vector<16xf32>
        %mul3A_1515 = arith.mulf %get3A_1513, %get3A_1513 : vector<16xf32>
        %add3A_1516 = arith.addf %add3A_1448, %mul3A_1515 : vector<16xf32>
        %get3A_1517 = arith.constant 1 : i32
        %get3A_1518 = arith.index_cast %get3A_1517 : i32 to index
        %get3A_1519 = arith.index_cast %add3A_1500 : i32 to index
        %get3A_1520 = arith.constant 32 : index
        %get3A_1521 = tpu.vector_load %arg15[%get3A_1518, %get3A_1519, %get3A_1520] {strides = array<i32>} : memref<2x256x128xf32, #tpu.memory_space<vmem>>, vector<16xf32>,
        %add3A_1522 = arith.addf %add3A_1454, %get3A_1521 : vector<16xf32>
        %mul3A_1523 = arith.mulf %get3A_1521, %get3A_1521 : vector<16xf32>
        %add3A_1524 = arith.addf %add3A_1456, %mul3A_1523 : vector<16xf32>
        %get3A_1525 = arith.constant 1 : i32
        %get3A_1526 = arith.index_cast %get3A_1525 : i32 to index
        %get3A_1527 = arith.index_cast %add3A_1500 : i32 to index
        %get3A_1528 = arith.constant 48 : index
        %get3A_1529 = tpu.vector_load %arg15[%get3A_1526, %get3A_1527, %get3A_1528] {strides = array<i32>} : memref<2x256x128xf32, #tpu.memory_space<vmem>>, vector<16xf32>,
        %add3A_1530 = arith.addf %add3A_1462, %get3A_1529 : vector<16xf32>
        %mul3A_1531 = arith.mulf %get3A_1529, %get3A_1529 : vector<16xf32>
        %add3A_1532 = arith.addf %add3A_1464, %mul3A_1531 : vector<16xf32>
        %get3A_1533 = arith.constant 1 : i32
        %get3A_1534 = arith.index_cast %get3A_1533 : i32 to index
        %get3A_1535 = arith.index_cast %add3A_1500 : i32 to index
        %get3A_1536 = arith.constant 64 : index
        %get3A_1537 = tpu.vector_load %arg15[%get3A_1534, %get3A_1535, %get3A_1536] {strides = array<i32>} : memref<2x256x128xf32, #tpu.memory_space<vmem>>, vector<16xf32>,
        %add3A_1538 = arith.addf %add3A_1470, %get3A_1537 : vector<16xf32>
        %mul3A_1539 = arith.mulf %get3A_1537, %get3A_1537 : vector<16xf32>
        %add3A_1540 = arith.addf %add3A_1472, %mul3A_1539 : vector<16xf32>
        %get3A_1541 = arith.constant 1 : i32
        %get3A_1542 = arith.index_cast %get3A_1541 : i32 to index
        %get3A_1543 = arith.index_cast %add3A_1500 : i32 to index
        %get3A_1544 = arith.constant 80 : index
        %get3A_1545 = tpu.vector_load %arg15[%get3A_1542, %get3A_1543, %get3A_1544] {strides = array<i32>} : memref<2x256x128xf32, #tpu.memory_space<vmem>>, vector<16xf32>,
        %add3A_1546 = arith.addf %add3A_1478, %get3A_1545 : vector<16xf32>
        %mul3A_1547 = arith.mulf %get3A_1545, %get3A_1545 : vector<16xf32>
        %add3A_1548 = arith.addf %add3A_1480, %mul3A_1547 : vector<16xf32>
        %get3A_1549 = arith.constant 1 : i32
        %get3A_1550 = arith.index_cast %get3A_1549 : i32 to index
        %get3A_1551 = arith.index_cast %add3A_1500 : i32 to index
        %get3A_1552 = arith.constant 96 : index
        %get3A_1553 = tpu.vector_load %arg15[%get3A_1550, %get3A_1551, %get3A_1552] {strides = array<i32>} : memref<2x256x128xf32, #tpu.memory_space<vmem>>, vector<16xf32>,
        %add3A_1554 = arith.addf %add3A_1486, %get3A_1553 : vector<16xf32>
        %mul3A_1555 = arith.mulf %get3A_1553, %get3A_1553 : vector<16xf32>
        %add3A_1556 = arith.addf %add3A_1488, %mul3A_1555 : vector<16xf32>
        %get3A_1557 = arith.constant 1 : i32
        %get3A_1558 = arith.index_cast %get3A_1557 : i32 to index
        %get3A_1559 = arith.index_cast %add3A_1500 : i32 to index
        %get3A_1560 = arith.constant 112 : index
        %get3A_1561 = tpu.vector_load %arg15[%get3A_1558, %get3A_1559, %get3A_1560] {strides = array<i32>} : memref<2x256x128xf32, #tpu.memory_space<vmem>>, vector<16xf32>,
        %add3A_1562 = arith.addf %add3A_1494, %get3A_1561 : vector<16xf32>
        %mul3A_1563 = arith.mulf %get3A_1561, %get3A_1561 : vector<16xf32>
        %add3A_1564 = arith.addf %add3A_1496, %mul3A_1563 : vector<16xf32>
        %mul3A_1565 = arith.constant 16 : i32
        %mul3A_1566 = arith.muli %scan3A_596, %mul3A_1565 : i32
        %add3A_1567 = arith.constant 14 : i32
        %add3A_1568 = arith.addi %mul3A_1566, %add3A_1567 : i32
        %get3A_1569 = arith.constant 1 : i32
        %get3A_1570 = arith.index_cast %get3A_1569 : i32 to index
        %get3A_1571 = arith.index_cast %add3A_1568 : i32 to index
        %get3A_1572 = arith.constant 0 : index
        %get3A_1573 = tpu.vector_load %arg15[%get3A_1570, %get3A_1571, %get3A_1572] {strides = array<i32>} : memref<2x256x128xf32, #tpu.memory_space<vmem>>, vector<16xf32>,
        %add3A_1574 = arith.addf %add3A_1506, %get3A_1573 : vector<16xf32>
        %mul3A_1575 = arith.mulf %get3A_1573, %get3A_1573 : vector<16xf32>
        %add3A_1576 = arith.addf %add3A_1508, %mul3A_1575 : vector<16xf32>
        %get3A_1577 = arith.constant 1 : i32
        %get3A_1578 = arith.index_cast %get3A_1577 : i32 to index
        %get3A_1579 = arith.index_cast %add3A_1568 : i32 to index
        %get3A_1580 = arith.constant 16 : index
        %get3A_1581 = tpu.vector_load %arg15[%get3A_1578, %get3A_1579, %get3A_1580] {strides = array<i32>} : memref<2x256x128xf32, #tpu.memory_space<vmem>>, vector<16xf32>,
        %add3A_1582 = arith.addf %add3A_1514, %get3A_1581 : vector<16xf32>
        %mul3A_1583 = arith.mulf %get3A_1581, %get3A_1581 : vector<16xf32>
        %add3A_1584 = arith.addf %add3A_1516, %mul3A_1583 : vector<16xf32>
        %get3A_1585 = arith.constant 1 : i32
        %get3A_1586 = arith.index_cast %get3A_1585 : i32 to index
        %get3A_1587 = arith.index_cast %add3A_1568 : i32 to index
        %get3A_1588 = arith.constant 32 : index
        %get3A_1589 = tpu.vector_load %arg15[%get3A_1586, %get3A_1587, %get3A_1588] {strides = array<i32>} : memref<2x256x128xf32, #tpu.memory_space<vmem>>, vector<16xf32>,
        %add3A_1590 = arith.addf %add3A_1522, %get3A_1589 : vector<16xf32>
        %mul3A_1591 = arith.mulf %get3A_1589, %get3A_1589 : vector<16xf32>
        %add3A_1592 = arith.addf %add3A_1524, %mul3A_1591 : vector<16xf32>
        %get3A_1593 = arith.constant 1 : i32
        %get3A_1594 = arith.index_cast %get3A_1593 : i32 to index
        %get3A_1595 = arith.index_cast %add3A_1568 : i32 to index
        %get3A_1596 = arith.constant 48 : index
        %get3A_1597 = tpu.vector_load %arg15[%get3A_1594, %get3A_1595, %get3A_1596] {strides = array<i32>} : memref<2x256x128xf32, #tpu.memory_space<vmem>>, vector<16xf32>,
        %add3A_1598 = arith.addf %add3A_1530, %get3A_1597 : vector<16xf32>
        %mul3A_1599 = arith.mulf %get3A_1597, %get3A_1597 : vector<16xf32>
        %add3A_1600 = arith.addf %add3A_1532, %mul3A_1599 : vector<16xf32>
        %get3A_1601 = arith.constant 1 : i32
        %get3A_1602 = arith.index_cast %get3A_1601 : i32 to index
        %get3A_1603 = arith.index_cast %add3A_1568 : i32 to index
        %get3A_1604 = arith.constant 64 : index
        %get3A_1605 = tpu.vector_load %arg15[%get3A_1602, %get3A_1603, %get3A_1604] {strides = array<i32>} : memref<2x256x128xf32, #tpu.memory_space<vmem>>, vector<16xf32>,
        %add3A_1606 = arith.addf %add3A_1538, %get3A_1605 : vector<16xf32>
        %mul3A_1607 = arith.mulf %get3A_1605, %get3A_1605 : vector<16xf32>
        %add3A_1608 = arith.addf %add3A_1540, %mul3A_1607 : vector<16xf32>
        %get3A_1609 = arith.constant 1 : i32
        %get3A_1610 = arith.index_cast %get3A_1609 : i32 to index
        %get3A_1611 = arith.index_cast %add3A_1568 : i32 to index
        %get3A_1612 = arith.constant 80 : index
        %get3A_1613 = tpu.vector_load %arg15[%get3A_1610, %get3A_1611, %get3A_1612] {strides = array<i32>} : memref<2x256x128xf32, #tpu.memory_space<vmem>>, vector<16xf32>,
        %add3A_1614 = arith.addf %add3A_1546, %get3A_1613 : vector<16xf32>
        %mul3A_1615 = arith.mulf %get3A_1613, %get3A_1613 : vector<16xf32>
        %add3A_1616 = arith.addf %add3A_1548, %mul3A_1615 : vector<16xf32>
        %get3A_1617 = arith.constant 1 : i32
        %get3A_1618 = arith.index_cast %get3A_1617 : i32 to index
        %get3A_1619 = arith.index_cast %add3A_1568 : i32 to index
        %get3A_1620 = arith.constant 96 : index
        %get3A_1621 = tpu.vector_load %arg15[%get3A_1618, %get3A_1619, %get3A_1620] {strides = array<i32>} : memref<2x256x128xf32, #tpu.memory_space<vmem>>, vector<16xf32>,
        %add3A_1622 = arith.addf %add3A_1554, %get3A_1621 : vector<16xf32>
        %mul3A_1623 = arith.mulf %get3A_1621, %get3A_1621 : vector<16xf32>
        %add3A_1624 = arith.addf %add3A_1556, %mul3A_1623 : vector<16xf32>
        %get3A_1625 = arith.constant 1 : i32
        %get3A_1626 = arith.index_cast %get3A_1625 : i32 to index
        %get3A_1627 = arith.index_cast %add3A_1568 : i32 to index
        %get3A_1628 = arith.constant 112 : index
        %get3A_1629 = tpu.vector_load %arg15[%get3A_1626, %get3A_1627, %get3A_1628] {strides = array<i32>} : memref<2x256x128xf32, #tpu.memory_space<vmem>>, vector<16xf32>,
        %add3A_1630 = arith.addf %add3A_1562, %get3A_1629 : vector<16xf32>
        %mul3A_1631 = arith.mulf %get3A_1629, %get3A_1629 : vector<16xf32>
        %add3A_1632 = arith.addf %add3A_1564, %mul3A_1631 : vector<16xf32>
        %mul3A_1633 = arith.constant 16 : i32
        %mul3A_1634 = arith.muli %scan3A_596, %mul3A_1633 : i32
        %add3A_1635 = arith.constant 15 : i32
        %add3A_1636 = arith.addi %mul3A_1634, %add3A_1635 : i32
        %get3A_1637 = arith.constant 1 : i32
        %get3A_1638 = arith.index_cast %get3A_1637 : i32 to index
        %get3A_1639 = arith.index_cast %add3A_1636 : i32 to index
        %get3A_1640 = arith.constant 0 : index
        %get3A_1641 = tpu.vector_load %arg15[%get3A_1638, %get3A_1639, %get3A_1640] {strides = array<i32>} : memref<2x256x128xf32, #tpu.memory_space<vmem>>, vector<16xf32>,
        %add3A_1642 = arith.addf %add3A_1574, %get3A_1641 : vector<16xf32>
        %mul3A_1643 = arith.mulf %get3A_1641, %get3A_1641 : vector<16xf32>
        %add3A_1644 = arith.addf %add3A_1576, %mul3A_1643 : vector<16xf32>
        %get3A_1645 = arith.constant 1 : i32
        %get3A_1646 = arith.index_cast %get3A_1645 : i32 to index
        %get3A_1647 = arith.index_cast %add3A_1636 : i32 to index
        %get3A_1648 = arith.constant 16 : index
        %get3A_1649 = tpu.vector_load %arg15[%get3A_1646, %get3A_1647, %get3A_1648] {strides = array<i32>} : memref<2x256x128xf32, #tpu.memory_space<vmem>>, vector<16xf32>,
        %add3A_1650 = arith.addf %add3A_1582, %get3A_1649 : vector<16xf32>
        %mul3A_1651 = arith.mulf %get3A_1649, %get3A_1649 : vector<16xf32>
        %add3A_1652 = arith.addf %add3A_1584, %mul3A_1651 : vector<16xf32>
        %get3A_1653 = arith.constant 1 : i32
        %get3A_1654 = arith.index_cast %get3A_1653 : i32 to index
        %get3A_1655 = arith.index_cast %add3A_1636 : i32 to index
        %get3A_1656 = arith.constant 32 : index
        %get3A_1657 = tpu.vector_load %arg15[%get3A_1654, %get3A_1655, %get3A_1656] {strides = array<i32>} : memref<2x256x128xf32, #tpu.memory_space<vmem>>, vector<16xf32>,
        %add3A_1658 = arith.addf %add3A_1590, %get3A_1657 : vector<16xf32>
        %mul3A_1659 = arith.mulf %get3A_1657, %get3A_1657 : vector<16xf32>
        %add3A_1660 = arith.addf %add3A_1592, %mul3A_1659 : vector<16xf32>
        %get3A_1661 = arith.constant 1 : i32
        %get3A_1662 = arith.index_cast %get3A_1661 : i32 to index
        %get3A_1663 = arith.index_cast %add3A_1636 : i32 to index
        %get3A_1664 = arith.constant 48 : index
        %get3A_1665 = tpu.vector_load %arg15[%get3A_1662, %get3A_1663, %get3A_1664] {strides = array<i32>} : memref<2x256x128xf32, #tpu.memory_space<vmem>>, vector<16xf32>,
        %add3A_1666 = arith.addf %add3A_1598, %get3A_1665 : vector<16xf32>
        %mul3A_1667 = arith.mulf %get3A_1665, %get3A_1665 : vector<16xf32>
        %add3A_1668 = arith.addf %add3A_1600, %mul3A_1667 : vector<16xf32>
        %get3A_1669 = arith.constant 1 : i32
        %get3A_1670 = arith.index_cast %get3A_1669 : i32 to index
        %get3A_1671 = arith.index_cast %add3A_1636 : i32 to index
        %get3A_1672 = arith.constant 64 : index
        %get3A_1673 = tpu.vector_load %arg15[%get3A_1670, %get3A_1671, %get3A_1672] {strides = array<i32>} : memref<2x256x128xf32, #tpu.memory_space<vmem>>, vector<16xf32>,
        %add3A_1674 = arith.addf %add3A_1606, %get3A_1673 : vector<16xf32>
        %mul3A_1675 = arith.mulf %get3A_1673, %get3A_1673 : vector<16xf32>
        %add3A_1676 = arith.addf %add3A_1608, %mul3A_1675 : vector<16xf32>
        %get3A_1677 = arith.constant 1 : i32
        %get3A_1678 = arith.index_cast %get3A_1677 : i32 to index
        %get3A_1679 = arith.index_cast %add3A_1636 : i32 to index
        %get3A_1680 = arith.constant 80 : index
        %get3A_1681 = tpu.vector_load %arg15[%get3A_1678, %get3A_1679, %get3A_1680] {strides = array<i32>} : memref<2x256x128xf32, #tpu.memory_space<vmem>>, vector<16xf32>,
        %add3A_1682 = arith.addf %add3A_1614, %get3A_1681 : vector<16xf32>
        %mul3A_1683 = arith.mulf %get3A_1681, %get3A_1681 : vector<16xf32>
        %add3A_1684 = arith.addf %add3A_1616, %mul3A_1683 : vector<16xf32>
        %get3A_1685 = arith.constant 1 : i32
        %get3A_1686 = arith.index_cast %get3A_1685 : i32 to index
        %get3A_1687 = arith.index_cast %add3A_1636 : i32 to index
        %get3A_1688 = arith.constant 96 : index
        %get3A_1689 = tpu.vector_load %arg15[%get3A_1686, %get3A_1687, %get3A_1688] {strides = array<i32>} : memref<2x256x128xf32, #tpu.memory_space<vmem>>, vector<16xf32>,
        %add3A_1690 = arith.addf %add3A_1622, %get3A_1689 : vector<16xf32>
        %mul3A_1691 = arith.mulf %get3A_1689, %get3A_1689 : vector<16xf32>
        %add3A_1692 = arith.addf %add3A_1624, %mul3A_1691 : vector<16xf32>
        %get3A_1693 = arith.constant 1 : i32
        %get3A_1694 = arith.index_cast %get3A_1693 : i32 to index
        %get3A_1695 = arith.index_cast %add3A_1636 : i32 to index
        %get3A_1696 = arith.constant 112 : index
        %get3A_1697 = tpu.vector_load %arg15[%get3A_1694, %get3A_1695, %get3A_1696] {strides = array<i32>} : memref<2x256x128xf32, #tpu.memory_space<vmem>>, vector<16xf32>,
        %add3A_1698 = arith.addf %add3A_1630, %get3A_1697 : vector<16xf32>
        %mul3A_1699 = arith.mulf %get3A_1697, %get3A_1697 : vector<16xf32>
        %add3A_1700 = arith.addf %add3A_1632, %mul3A_1699 : vector<16xf32>
        %get3A_1701 = arith.constant 1 : i32
        %get3A_1702 = arith.index_cast %get3A_1701 : i32 to index
        %get3A_1703 = arith.index_cast %scan3A_596 : i32 to index
        %get3A_1704 = arith.constant 0 : index
        %get3A_1705 = tpu.vector_load %arg16[%get3A_1702, %get3A_1703, %get3A_1704] {strides = array<i32>} : memref<2x16x128xf32, #tpu.memory_space<vmem>>, vector<16xf32>,
        %mul3A_1706 = arith.mulf %add3A_1642, %add3A_1642 : vector<16xf32>
        %sub3A_1707 = arith.subf %mul3A_1706, %add3A_1644 : vector<16xf32>
        %add3A_1708 = arith.addf %sub3A_1707, %get3A_1705 : vector<16xf32>
        %get3A_1709 = arith.constant 1 : i32
        %get3A_1710 = arith.index_cast %get3A_1709 : i32 to index
        %get3A_1711 = arith.index_cast %scan3A_596 : i32 to index
        %get3A_1712 = arith.constant 16 : index
        %get3A_1713 = tpu.vector_load %arg16[%get3A_1710, %get3A_1711, %get3A_1712] {strides = array<i32>} : memref<2x16x128xf32, #tpu.memory_space<vmem>>, vector<16xf32>,
        %mul3A_1714 = arith.mulf %add3A_1650, %add3A_1650 : vector<16xf32>
        %sub3A_1715 = arith.subf %mul3A_1714, %add3A_1652 : vector<16xf32>
        %add3A_1716 = arith.addf %sub3A_1715, %get3A_1713 : vector<16xf32>
        %get3A_1717 = arith.constant 1 : i32
        %get3A_1718 = arith.index_cast %get3A_1717 : i32 to index
        %get3A_1719 = arith.index_cast %scan3A_596 : i32 to index
        %get3A_1720 = arith.constant 32 : index
        %get3A_1721 = tpu.vector_load %arg16[%get3A_1718, %get3A_1719, %get3A_1720] {strides = array<i32>} : memref<2x16x128xf32, #tpu.memory_space<vmem>>, vector<16xf32>,
        %mul3A_1722 = arith.mulf %add3A_1658, %add3A_1658 : vector<16xf32>
        %sub3A_1723 = arith.subf %mul3A_1722, %add3A_1660 : vector<16xf32>
        %add3A_1724 = arith.addf %sub3A_1723, %get3A_1721 : vector<16xf32>
        %get3A_1725 = arith.constant 1 : i32
        %get3A_1726 = arith.index_cast %get3A_1725 : i32 to index
        %get3A_1727 = arith.index_cast %scan3A_596 : i32 to index
        %get3A_1728 = arith.constant 48 : index
        %get3A_1729 = tpu.vector_load %arg16[%get3A_1726, %get3A_1727, %get3A_1728] {strides = array<i32>} : memref<2x16x128xf32, #tpu.memory_space<vmem>>, vector<16xf32>,
        %mul3A_1730 = arith.mulf %add3A_1666, %add3A_1666 : vector<16xf32>
        %sub3A_1731 = arith.subf %mul3A_1730, %add3A_1668 : vector<16xf32>
        %add3A_1732 = arith.addf %sub3A_1731, %get3A_1729 : vector<16xf32>
        %get3A_1733 = arith.constant 1 : i32
        %get3A_1734 = arith.index_cast %get3A_1733 : i32 to index
        %get3A_1735 = arith.index_cast %scan3A_596 : i32 to index
        %get3A_1736 = arith.constant 64 : index
        %get3A_1737 = tpu.vector_load %arg16[%get3A_1734, %get3A_1735, %get3A_1736] {strides = array<i32>} : memref<2x16x128xf32, #tpu.memory_space<vmem>>, vector<16xf32>,
        %mul3A_1738 = arith.mulf %add3A_1674, %add3A_1674 : vector<16xf32>
        %sub3A_1739 = arith.subf %mul3A_1738, %add3A_1676 : vector<16xf32>
        %add3A_1740 = arith.addf %sub3A_1739, %get3A_1737 : vector<16xf32>
        %get3A_1741 = arith.constant 1 : i32
        %get3A_1742 = arith.index_cast %get3A_1741 : i32 to index
        %get3A_1743 = arith.index_cast %scan3A_596 : i32 to index
        %get3A_1744 = arith.constant 80 : index
        %get3A_1745 = tpu.vector_load %arg16[%get3A_1742, %get3A_1743, %get3A_1744] {strides = array<i32>} : memref<2x16x128xf32, #tpu.memory_space<vmem>>, vector<16xf32>,
        %mul3A_1746 = arith.mulf %add3A_1682, %add3A_1682 : vector<16xf32>
        %sub3A_1747 = arith.subf %mul3A_1746, %add3A_1684 : vector<16xf32>
        %add3A_1748 = arith.addf %sub3A_1747, %get3A_1745 : vector<16xf32>
        %get3A_1749 = arith.constant 1 : i32
        %get3A_1750 = arith.index_cast %get3A_1749 : i32 to index
        %get3A_1751 = arith.index_cast %scan3A_596 : i32 to index
        %get3A_1752 = arith.constant 96 : index
        %get3A_1753 = tpu.vector_load %arg16[%get3A_1750, %get3A_1751, %get3A_1752] {strides = array<i32>} : memref<2x16x128xf32, #tpu.memory_space<vmem>>, vector<16xf32>,
        %mul3A_1754 = arith.mulf %add3A_1690, %add3A_1690 : vector<16xf32>
        %sub3A_1755 = arith.subf %mul3A_1754, %add3A_1692 : vector<16xf32>
        %add3A_1756 = arith.addf %sub3A_1755, %get3A_1753 : vector<16xf32>
        %get3A_1757 = arith.constant 1 : i32
        %get3A_1758 = arith.index_cast %get3A_1757 : i32 to index
        %get3A_1759 = arith.index_cast %scan3A_596 : i32 to index
        %get3A_1760 = arith.constant 112 : index
        %get3A_1761 = tpu.vector_load %arg16[%get3A_1758, %get3A_1759, %get3A_1760] {strides = array<i32>} : memref<2x16x128xf32, #tpu.memory_space<vmem>>, vector<16xf32>,
        %mul3A_1762 = arith.mulf %add3A_1698, %add3A_1698 : vector<16xf32>
        %sub3A_1763 = arith.subf %mul3A_1762, %add3A_1700 : vector<16xf32>
        %add3A_1764 = arith.addf %sub3A_1763, %get3A_1761 : vector<16xf32>
        %add3A_1765 = arith.addf %scan3A_597, %add3A_1708 : vector<16xf32>
        %add3A_1766 = arith.addf %scan3A_598, %add3A_1716 : vector<16xf32>
        %add3A_1767 = arith.addf %scan3A_599, %add3A_1724 : vector<16xf32>
        %add3A_1768 = arith.addf %scan3A_600, %add3A_1732 : vector<16xf32>
        %add3A_1769 = arith.addf %scan3A_601, %add3A_1740 : vector<16xf32>
        %add3A_1770 = arith.addf %scan3A_602, %add3A_1748 : vector<16xf32>
        %add3A_1771 = arith.addf %scan3A_603, %add3A_1756 : vector<16xf32>
        %add3A_1772 = arith.addf %scan3A_604, %add3A_1764 : vector<16xf32>
        %mul3A_1773 = arith.mulf %add3A_1708, %add3A_1708 : vector<16xf32>
        %add3A_1774 = arith.addf %scan3A_605, %mul3A_1773 : vector<16xf32>
        %mul3A_1775 = arith.mulf %add3A_1716, %add3A_1716 : vector<16xf32>
        %add3A_1776 = arith.addf %scan3A_606, %mul3A_1775 : vector<16xf32>
        %mul3A_1777 = arith.mulf %add3A_1724, %add3A_1724 : vector<16xf32>
        %add3A_1778 = arith.addf %scan3A_607, %mul3A_1777 : vector<16xf32>
        %mul3A_1779 = arith.mulf %add3A_1732, %add3A_1732 : vector<16xf32>
        %add3A_1780 = arith.addf %scan3A_608, %mul3A_1779 : vector<16xf32>
        %mul3A_1781 = arith.mulf %add3A_1740, %add3A_1740 : vector<16xf32>
        %add3A_1782 = arith.addf %scan3A_609, %mul3A_1781 : vector<16xf32>
        %mul3A_1783 = arith.mulf %add3A_1748, %add3A_1748 : vector<16xf32>
        %add3A_1784 = arith.addf %scan3A_610, %mul3A_1783 : vector<16xf32>
        %mul3A_1785 = arith.mulf %add3A_1756, %add3A_1756 : vector<16xf32>
        %add3A_1786 = arith.addf %scan3A_611, %mul3A_1785 : vector<16xf32>
        %mul3A_1787 = arith.mulf %add3A_1764, %add3A_1764 : vector<16xf32>
        %add3A_1788 = arith.addf %scan3A_612, %mul3A_1787 : vector<16xf32>
        scf.yield %add3A_1765, %add3A_1766, %add3A_1767, %add3A_1768, %add3A_1769, %add3A_1770, %add3A_1771, %add3A_1772, %add3A_1774, %add3A_1776, %add3A_1778, %add3A_1780, %add3A_1782, %add3A_1784, %add3A_1786, %add3A_1788 : vector<16xf32>, vector<16xf32>, vector<16xf32>, vector<16xf32>, vector<16xf32>, vector<16xf32>, vector<16xf32>, vector<16xf32>, vector<16xf32>, vector<16xf32>, vector<16xf32>, vector<16xf32>, vector<16xf32>, vector<16xf32>, vector<16xf32>, vector<16xf32>
      }
      %scan3A_379 = arith.constant 16 : i32
      %mul3A_380 = arith.mulf %scan3A_378#0, %scan3A_378#0 : vector<16xf32>
      %sub3A_381 = arith.subf %mul3A_380, %scan3A_378#8 : vector<16xf32>
      %get3A_382 = arith.index_cast %add3A_373 : i32 to index
      %get3A_383 = arith.constant 0 : index
      %get3A_384 = tpu.vector_load %arg13[%get3A_382, %get3A_383] {strides = array<i32>} : memref<32x128xf32, #tpu.memory_space<vmem>>, vector<16xf32>,
      %add3A_385 = arith.addf %sub3A_381, %get3A_384 : vector<16xf32>
      %get3A_386 = arith.index_cast %add3A_373 : i32 to index
      %get3A_387 = arith.constant 0 : index
      %get3A_388 = tpu.vector_load %arg14[%get3A_386, %get3A_387] {strides = array<i32>} : memref<32x128xf32, #tpu.memory_space<vmem>>, vector<16xf32>,
      %mul3A_389 = arith.mulf %add3A_385, %get3A_388 : vector<16xf32>
      %add3A_390 = arith.addf %broadcast_in_dim3A_12, %mul3A_389 : vector<16xf32>
      %mul3A_391 = arith.mulf %get3A_388, %get3A_388 : vector<16xf32>
      %add3A_392 = arith.addf %broadcast_in_dim3A_12, %mul3A_391 : vector<16xf32>
      %mul3A_393 = arith.mulf %scan3A_378#1, %scan3A_378#1 : vector<16xf32>
      %sub3A_394 = arith.subf %mul3A_393, %scan3A_378#9 : vector<16xf32>
      %get3A_395 = arith.index_cast %add3A_373 : i32 to index
      %get3A_396 = arith.constant 16 : index
      %get3A_397 = tpu.vector_load %arg13[%get3A_395, %get3A_396] {strides = array<i32>} : memref<32x128xf32, #tpu.memory_space<vmem>>, vector<16xf32>,
      %add3A_398 = arith.addf %sub3A_394, %get3A_397 : vector<16xf32>
      %get3A_399 = arith.index_cast %add3A_373 : i32 to index
      %get3A_400 = arith.constant 16 : index
      %get3A_401 = tpu.vector_load %arg14[%get3A_399, %get3A_400] {strides = array<i32>} : memref<32x128xf32, #tpu.memory_space<vmem>>, vector<16xf32>,
      %mul3A_402 = arith.mulf %add3A_398, %get3A_401 : vector<16xf32>
      %add3A_403 = arith.addf %add3A_390, %mul3A_402 : vector<16xf32>
      %mul3A_404 = arith.mulf %get3A_401, %get3A_401 : vector<16xf32>
      %add3A_405 = arith.addf %add3A_392, %mul3A_404 : vector<16xf32>
      %mul3A_406 = arith.mulf %scan3A_378#2, %scan3A_378#2 : vector<16xf32>
      %sub3A_407 = arith.subf %mul3A_406, %scan3A_378#10 : vector<16xf32>
      %get3A_408 = arith.index_cast %add3A_373 : i32 to index
      %get3A_409 = arith.constant 32 : index
      %get3A_410 = tpu.vector_load %arg13[%get3A_408, %get3A_409] {strides = array<i32>} : memref<32x128xf32, #tpu.memory_space<vmem>>, vector<16xf32>,
      %add3A_411 = arith.addf %sub3A_407, %get3A_410 : vector<16xf32>
      %get3A_412 = arith.index_cast %add3A_373 : i32 to index
      %get3A_413 = arith.constant 32 : index
      %get3A_414 = tpu.vector_load %arg14[%get3A_412, %get3A_413] {strides = array<i32>} : memref<32x128xf32, #tpu.memory_space<vmem>>, vector<16xf32>,
      %mul3A_415 = arith.mulf %add3A_411, %get3A_414 : vector<16xf32>
      %add3A_416 = arith.addf %add3A_403, %mul3A_415 : vector<16xf32>
      %mul3A_417 = arith.mulf %get3A_414, %get3A_414 : vector<16xf32>
      %add3A_418 = arith.addf %add3A_405, %mul3A_417 : vector<16xf32>
      %mul3A_419 = arith.mulf %scan3A_378#3, %scan3A_378#3 : vector<16xf32>
      %sub3A_420 = arith.subf %mul3A_419, %scan3A_378#11 : vector<16xf32>
      %get3A_421 = arith.index_cast %add3A_373 : i32 to index
      %get3A_422 = arith.constant 48 : index
      %get3A_423 = tpu.vector_load %arg13[%get3A_421, %get3A_422] {strides = array<i32>} : memref<32x128xf32, #tpu.memory_space<vmem>>, vector<16xf32>,
      %add3A_424 = arith.addf %sub3A_420, %get3A_423 : vector<16xf32>
      %get3A_425 = arith.index_cast %add3A_373 : i32 to index
      %get3A_426 = arith.constant 48 : index
      %get3A_427 = tpu.vector_load %arg14[%get3A_425, %get3A_426] {strides = array<i32>} : memref<32x128xf32, #tpu.memory_space<vmem>>, vector<16xf32>,
      %mul3A_428 = arith.mulf %add3A_424, %get3A_427 : vector<16xf32>
      %add3A_429 = arith.addf %add3A_416, %mul3A_428 : vector<16xf32>
      %mul3A_430 = arith.mulf %get3A_427, %get3A_427 : vector<16xf32>
      %add3A_431 = arith.addf %add3A_418, %mul3A_430 : vector<16xf32>
      %mul3A_432 = arith.mulf %scan3A_378#4, %scan3A_378#4 : vector<16xf32>
      %sub3A_433 = arith.subf %mul3A_432, %scan3A_378#12 : vector<16xf32>
      %get3A_434 = arith.index_cast %add3A_373 : i32 to index
      %get3A_435 = arith.constant 64 : index
      %get3A_436 = tpu.vector_load %arg13[%get3A_434, %get3A_435] {strides = array<i32>} : memref<32x128xf32, #tpu.memory_space<vmem>>, vector<16xf32>,
      %add3A_437 = arith.addf %sub3A_433, %get3A_436 : vector<16xf32>
      %get3A_438 = arith.index_cast %add3A_373 : i32 to index
      %get3A_439 = arith.constant 64 : index
      %get3A_440 = tpu.vector_load %arg14[%get3A_438, %get3A_439] {strides = array<i32>} : memref<32x128xf32, #tpu.memory_space<vmem>>, vector<16xf32>,
      %mul3A_441 = arith.mulf %add3A_437, %get3A_440 : vector<16xf32>
      %add3A_442 = arith.addf %add3A_429, %mul3A_441 : vector<16xf32>
      %mul3A_443 = arith.mulf %get3A_440, %get3A_440 : vector<16xf32>
      %add3A_444 = arith.addf %add3A_431, %mul3A_443 : vector<16xf32>
      %mul3A_445 = arith.mulf %scan3A_378#5, %scan3A_378#5 : vector<16xf32>
      %sub3A_446 = arith.subf %mul3A_445, %scan3A_378#13 : vector<16xf32>
      %get3A_447 = arith.index_cast %add3A_373 : i32 to index
      %get3A_448 = arith.constant 80 : index
      %get3A_449 = tpu.vector_load %arg13[%get3A_447, %get3A_448] {strides = array<i32>} : memref<32x128xf32, #tpu.memory_space<vmem>>, vector<16xf32>,
      %add3A_450 = arith.addf %sub3A_446, %get3A_449 : vector<16xf32>
      %get3A_451 = arith.index_cast %add3A_373 : i32 to index
      %get3A_452 = arith.constant 80 : index
      %get3A_453 = tpu.vector_load %arg14[%get3A_451, %get3A_452] {strides = array<i32>} : memref<32x128xf32, #tpu.memory_space<vmem>>, vector<16xf32>,
      %mul3A_454 = arith.mulf %add3A_450, %get3A_453 : vector<16xf32>
      %add3A_455 = arith.addf %add3A_442, %mul3A_454 : vector<16xf32>
      %mul3A_456 = arith.mulf %get3A_453, %get3A_453 : vector<16xf32>
      %add3A_457 = arith.addf %add3A_444, %mul3A_456 : vector<16xf32>
      %mul3A_458 = arith.mulf %scan3A_378#6, %scan3A_378#6 : vector<16xf32>
      %sub3A_459 = arith.subf %mul3A_458, %scan3A_378#14 : vector<16xf32>
      %get3A_460 = arith.index_cast %add3A_373 : i32 to index
      %get3A_461 = arith.constant 96 : index
      %get3A_462 = tpu.vector_load %arg13[%get3A_460, %get3A_461] {strides = array<i32>} : memref<32x128xf32, #tpu.memory_space<vmem>>, vector<16xf32>,
      %add3A_463 = arith.addf %sub3A_459, %get3A_462 : vector<16xf32>
      %get3A_464 = arith.index_cast %add3A_373 : i32 to index
      %get3A_465 = arith.constant 96 : index
      %get3A_466 = tpu.vector_load %arg14[%get3A_464, %get3A_465] {strides = array<i32>} : memref<32x128xf32, #tpu.memory_space<vmem>>, vector<16xf32>,
      %mul3A_467 = arith.mulf %add3A_463, %get3A_466 : vector<16xf32>
      %add3A_468 = arith.addf %add3A_455, %mul3A_467 : vector<16xf32>
      %mul3A_469 = arith.mulf %get3A_466, %get3A_466 : vector<16xf32>
      %add3A_470 = arith.addf %add3A_457, %mul3A_469 : vector<16xf32>
      %mul3A_471 = arith.mulf %scan3A_378#7, %scan3A_378#7 : vector<16xf32>
      %sub3A_472 = arith.subf %mul3A_471, %scan3A_378#15 : vector<16xf32>
      %get3A_473 = arith.index_cast %add3A_373 : i32 to index
      %get3A_474 = arith.constant 112 : index
      %get3A_475 = tpu.vector_load %arg13[%get3A_473, %get3A_474] {strides = array<i32>} : memref<32x128xf32, #tpu.memory_space<vmem>>, vector<16xf32>,
      %add3A_476 = arith.addf %sub3A_472, %get3A_475 : vector<16xf32>
      %get3A_477 = arith.index_cast %add3A_373 : i32 to index
      %get3A_478 = arith.constant 112 : index
      %get3A_479 = tpu.vector_load %arg14[%get3A_477, %get3A_478] {strides = array<i32>} : memref<32x128xf32, #tpu.memory_space<vmem>>, vector<16xf32>,
      %mul3A_480 = arith.mulf %add3A_476, %get3A_479 : vector<16xf32>
      %add3A_481 = arith.addf %add3A_468, %mul3A_480 : vector<16xf32>
      %mul3A_482 = arith.mulf %get3A_479, %get3A_479 : vector<16xf32>
      %add3A_483 = arith.addf %add3A_470, %mul3A_482 : vector<16xf32>
      %swap3A_484 = arith.constant 0 : index
      %swap3A_485 = tpu.vector_load %arg18[%swap3A_484] {strides = array<i32>} : memref<16xf32, #tpu.memory_space<vmem>>, vector<16xf32>,
      tpu.vector_store %arg18[%swap3A_484], %add3A_481 {strides = array<i32>} : memref<16xf32, #tpu.memory_space<vmem>>, vector<16xf32>,
      %xor3A_486 = arith.constant 8 : i32
      %xor3A_487 = vector.broadcast %xor3A_486 : i32 to vector<16xi32>
      %xor3A_488 = arith.xori %iota3A, %xor3A_487 : vector<16xi32>
      %gather3A_489 = tpu.vector_load_idx %arg18[%xor3A_488] : memref<16xf32, #tpu.memory_space<vmem>>[vector<16xi32>], vector<16xf32>,
      %add3A_490 = arith.addf %add3A_481, %gather3A_489 : vector<16xf32>
      %swap3A_491 = arith.constant 0 : index
      %swap3A_492 = tpu.vector_load %arg18[%swap3A_491] {strides = array<i32>} : memref<16xf32, #tpu.memory_space<vmem>>, vector<16xf32>,
      tpu.vector_store %arg18[%swap3A_491], %add3A_490 {strides = array<i32>} : memref<16xf32, #tpu.memory_space<vmem>>, vector<16xf32>,
      %xor3A_493 = arith.constant 4 : i32
      %xor3A_494 = vector.broadcast %xor3A_493 : i32 to vector<16xi32>
      %xor3A_495 = arith.xori %iota3A, %xor3A_494 : vector<16xi32>
      %gather3A_496 = tpu.vector_load_idx %arg18[%xor3A_495] : memref<16xf32, #tpu.memory_space<vmem>>[vector<16xi32>], vector<16xf32>,
      %add3A_497 = arith.addf %add3A_490, %gather3A_496 : vector<16xf32>
      %swap3A_498 = arith.constant 0 : index
      %swap3A_499 = tpu.vector_load %arg18[%swap3A_498] {strides = array<i32>} : memref<16xf32, #tpu.memory_space<vmem>>, vector<16xf32>,
      tpu.vector_store %arg18[%swap3A_498], %add3A_497 {strides = array<i32>} : memref<16xf32, #tpu.memory_space<vmem>>, vector<16xf32>,
      %xor3A_500 = arith.constant 2 : i32
      %xor3A_501 = vector.broadcast %xor3A_500 : i32 to vector<16xi32>
      %xor3A_502 = arith.xori %iota3A, %xor3A_501 : vector<16xi32>
      %gather3A_503 = tpu.vector_load_idx %arg18[%xor3A_502] : memref<16xf32, #tpu.memory_space<vmem>>[vector<16xi32>], vector<16xf32>,
      %add3A_504 = arith.addf %add3A_497, %gather3A_503 : vector<16xf32>
      %swap3A_505 = arith.constant 0 : index
      %swap3A_506 = tpu.vector_load %arg18[%swap3A_505] {strides = array<i32>} : memref<16xf32, #tpu.memory_space<vmem>>, vector<16xf32>,
      tpu.vector_store %arg18[%swap3A_505], %add3A_504 {strides = array<i32>} : memref<16xf32, #tpu.memory_space<vmem>>, vector<16xf32>,
      %xor3A_507 = arith.constant 1 : i32
      %xor3A_508 = vector.broadcast %xor3A_507 : i32 to vector<16xi32>
      %xor3A_509 = arith.xori %iota3A, %xor3A_508 : vector<16xi32>
      %gather3A_510 = tpu.vector_load_idx %arg18[%xor3A_509] : memref<16xf32, #tpu.memory_space<vmem>>[vector<16xi32>], vector<16xf32>,
      %add3A_511 = arith.addf %add3A_504, %gather3A_510 : vector<16xf32>
      %swap3A_512 = arith.constant 0 : index
      %swap3A_513 = tpu.vector_load %arg18[%swap3A_512] {strides = array<i32>} : memref<16xf32, #tpu.memory_space<vmem>>, vector<16xf32>,
      tpu.vector_store %arg18[%swap3A_512], %add3A_483 {strides = array<i32>} : memref<16xf32, #tpu.memory_space<vmem>>, vector<16xf32>,
      %xor3A_514 = arith.constant 8 : i32
      %xor3A_515 = vector.broadcast %xor3A_514 : i32 to vector<16xi32>
      %xor3A_516 = arith.xori %iota3A, %xor3A_515 : vector<16xi32>
      %gather3A_517 = tpu.vector_load_idx %arg18[%xor3A_516] : memref<16xf32, #tpu.memory_space<vmem>>[vector<16xi32>], vector<16xf32>,
      %add3A_518 = arith.addf %add3A_483, %gather3A_517 : vector<16xf32>
      %swap3A_519 = arith.constant 0 : index
      %swap3A_520 = tpu.vector_load %arg18[%swap3A_519] {strides = array<i32>} : memref<16xf32, #tpu.memory_space<vmem>>, vector<16xf32>,
      tpu.vector_store %arg18[%swap3A_519], %add3A_518 {strides = array<i32>} : memref<16xf32, #tpu.memory_space<vmem>>, vector<16xf32>,
      %xor3A_521 = arith.constant 4 : i32
      %xor3A_522 = vector.broadcast %xor3A_521 : i32 to vector<16xi32>
      %xor3A_523 = arith.xori %iota3A, %xor3A_522 : vector<16xi32>
      %gather3A_524 = tpu.vector_load_idx %arg18[%xor3A_523] : memref<16xf32, #tpu.memory_space<vmem>>[vector<16xi32>], vector<16xf32>,
      %add3A_525 = arith.addf %add3A_518, %gather3A_524 : vector<16xf32>
      %swap3A_526 = arith.constant 0 : index
      %swap3A_527 = tpu.vector_load %arg18[%swap3A_526] {strides = array<i32>} : memref<16xf32, #tpu.memory_space<vmem>>, vector<16xf32>,
      tpu.vector_store %arg18[%swap3A_526], %add3A_525 {strides = array<i32>} : memref<16xf32, #tpu.memory_space<vmem>>, vector<16xf32>,
      %xor3A_528 = arith.constant 2 : i32
      %xor3A_529 = vector.broadcast %xor3A_528 : i32 to vector<16xi32>
      %xor3A_530 = arith.xori %iota3A, %xor3A_529 : vector<16xi32>
      %gather3A_531 = tpu.vector_load_idx %arg18[%xor3A_530] : memref<16xf32, #tpu.memory_space<vmem>>[vector<16xi32>], vector<16xf32>,
      %add3A_532 = arith.addf %add3A_525, %gather3A_531 : vector<16xf32>
      %swap3A_533 = arith.constant 0 : index
      %swap3A_534 = tpu.vector_load %arg18[%swap3A_533] {strides = array<i32>} : memref<16xf32, #tpu.memory_space<vmem>>, vector<16xf32>,
      tpu.vector_store %arg18[%swap3A_533], %add3A_532 {strides = array<i32>} : memref<16xf32, #tpu.memory_space<vmem>>, vector<16xf32>,
      %xor3A_535 = arith.constant 1 : i32
      %xor3A_536 = vector.broadcast %xor3A_535 : i32 to vector<16xi32>
      %xor3A_537 = arith.xori %iota3A, %xor3A_536 : vector<16xi32>
      %gather3A_538 = tpu.vector_load_idx %arg18[%xor3A_537] : memref<16xf32, #tpu.memory_space<vmem>>[vector<16xi32>], vector<16xf32>,
      %add3A_539 = arith.addf %add3A_532, %gather3A_538 : vector<16xf32>
      %max3A_540 = arith.constant 1.000000e-30 : f32
      %max3A_541 = vector.broadcast %max3A_540 : f32 to vector<16xf32>
      %max3A_542 = arith.maximumf %add3A_539, %max3A_541 : vector<16xf32>
      %bitcast3A_543 = vector.bitcast %max3A_542 : vector<16xf32> to vector<16xi32>
      %shift_right_logical3A_544 = arith.constant 1 : i32
      %shift_right_logical3A_545 = vector.broadcast %shift_right_logical3A_544 : i32 to vector<16xi32>
      %shift_right_logical3A_546 = arith.shrui %bitcast3A_543, %shift_right_logical3A_545 : vector<16xi32>
      %sub3A_547 = arith.constant 1597463007 : i32
      %sub3A_548 = vector.broadcast %sub3A_547 : i32 to vector<16xi32>
      %sub3A_549 = arith.subi %sub3A_548, %shift_right_logical3A_546 : vector<16xi32>
      %bitcast3A_550 = vector.bitcast %sub3A_549 : vector<16xi32> to vector<16xf32>
      %mul3A_551 = arith.constant 5.000000e-01 : f32
      %mul3A_552 = vector.broadcast %mul3A_551 : f32 to vector<16xf32>
      %mul3A_553 = arith.mulf %mul3A_552, %max3A_542 : vector<16xf32>
      %mul3A_554 = arith.mulf %mul3A_553, %bitcast3A_550 : vector<16xf32>
      %mul3A_555 = arith.mulf %mul3A_554, %bitcast3A_550 : vector<16xf32>
      %sub3A_556 = arith.constant 1.500000e+00 : f32
      %sub3A_557 = vector.broadcast %sub3A_556 : f32 to vector<16xf32>
      %sub3A_558 = arith.subf %sub3A_557, %mul3A_555 : vector<16xf32>
      %mul3A_559 = arith.mulf %bitcast3A_550, %sub3A_558 : vector<16xf32>
      %mul3A_560 = arith.constant 5.000000e-01 : f32
      %mul3A_561 = vector.broadcast %mul3A_560 : f32 to vector<16xf32>
      %mul3A_562 = arith.mulf %mul3A_561, %max3A_542 : vector<16xf32>
      %mul3A_563 = arith.mulf %mul3A_562, %mul3A_559 : vector<16xf32>
      %mul3A_564 = arith.mulf %mul3A_563, %mul3A_559 : vector<16xf32>
      %sub3A_565 = arith.constant 1.500000e+00 : f32
      %sub3A_566 = vector.broadcast %sub3A_565 : f32 to vector<16xf32>
      %sub3A_567 = arith.subf %sub3A_566, %mul3A_564 : vector<16xf32>
      %mul3A_568 = arith.mulf %mul3A_559, %sub3A_567 : vector<16xf32>
      %mul3A_569 = arith.constant 5.000000e-01 : f32
      %mul3A_570 = vector.broadcast %mul3A_569 : f32 to vector<16xf32>
      %mul3A_571 = arith.mulf %mul3A_570, %max3A_542 : vector<16xf32>
      %mul3A_572 = arith.mulf %mul3A_571, %mul3A_568 : vector<16xf32>
      %mul3A_573 = arith.mulf %mul3A_572, %mul3A_568 : vector<16xf32>
      %sub3A_574 = arith.constant 1.500000e+00 : f32
      %sub3A_575 = vector.broadcast %sub3A_574 : f32 to vector<16xf32>
      %sub3A_576 = arith.subf %sub3A_575, %mul3A_573 : vector<16xf32>
      %mul3A_577 = arith.mulf %mul3A_568, %sub3A_576 : vector<16xf32>
      %min3A_578 = arith.constant 1.000000e+00 : f32
      %min3A_579 = vector.broadcast %min3A_578 : f32 to vector<16xf32>
      %min3A_580 = arith.minimumf %min3A_579, %mul3A_577 : vector<16xf32>
      %mul3A_581 = arith.mulf %add3A_511, %min3A_580 : vector<16xf32>
      %neg3A_582 = arith.constant 0.000000e+00 : f32
      %neg3A_583 = vector.broadcast %neg3A_582 : f32 to vector<16xf32>
      %neg3A_584 = arith.subf %neg3A_583, %mul3A_581 : vector<16xf32>
      %exp3A_585 = math.exp %neg3A_584 : vector<16xf32>
      %add3A_586 = arith.constant 1.000000e+00 : f32
      %add3A_587 = vector.broadcast %add3A_586 : f32 to vector<16xf32>
      %add3A_588 = arith.addf %add3A_587, %exp3A_585 : vector<16xf32>
      %div3A_589 = arith.constant 1.000000e+00 : f32
      %div3A_590 = vector.broadcast %div3A_589 : f32 to vector<16xf32>
      %div3A_591 = arith.divf %div3A_590, %add3A_588 : vector<16xf32>
      %broadcast_in_dim3A_592 = vector.broadcast %add3A_373 : i32 to vector<16xi32>
      %eq3A_593 = arith.constant 0 : i32
      %eq3A_594 = vector.broadcast %eq3A_593 : i32 to vector<16xi32>
      %eq3A_595 = arith.cmpi eq, %iota3A, %eq3A_594 : vector<16xi32>
      tpu.vector_store_idx %arg17[%broadcast_in_dim3A_592], %div3A_591 masked %eq3A_595 : memref<32xf32, #tpu.memory_space<vmem>>[vector<16xi32>], vector<16xf32>, vector<16xi1>
    }
    %scan3A_56 = arith.constant 16 : i32
    "tpu.region"() ({
      %run_scoped3A = tpu.sem_alloc : memref<!tpu.dma_semaphore, #tpu.memory_space<semaphore_mem>>
      %dma_start3A_57 = tpu.memref_slice %arg8[%mul3A_2] : memref<1024xf32, #tpu.memory_space<hbm>> -> memref<32xf32, #tpu.memory_space<hbm>>
      %dma_start3A_58 = tpu.memref_slice %arg8[%mul3A_2] : memref<1024xf32, #tpu.memory_space<hbm>> -> memref<32xf32, #tpu.memory_space<hbm>>
      tpu.enqueue_dma source(%arg17 : memref<32xf32, #tpu.memory_space<vmem>>) target(%dma_start3A_58 : memref<32xf32, #tpu.memory_space<hbm>>) target_semaphore(%run_scoped3A : memref<!tpu.dma_semaphore, #tpu.memory_space<semaphore_mem>>)
      %dma_wait3A_59 = tpu.memref_slice %arg8[%mul3A_2] : memref<1024xf32, #tpu.memory_space<hbm>> -> memref<32xf32, #tpu.memory_space<hbm>>
      %dma_wait3A_60 = tpu.memref_slice %arg8[%mul3A_2] : memref<1024xf32, #tpu.memory_space<hbm>> -> memref<32xf32, #tpu.memory_space<hbm>>
      tpu.wait_dma2 semaphore(%run_scoped3A : memref<!tpu.dma_semaphore, #tpu.memory_space<semaphore_mem>>) src(%arg17 : memref<32xf32, #tpu.memory_space<vmem>>) dst(%dma_wait3A_60 : memref<32xf32, #tpu.memory_space<hbm>>)
      tpu.yield
    }) : () -> ()
    return
  }
}

module attributes {stable_mosaic.version = 14 : i64} {
  func.func @_normalize_body(%arg0: i32, %arg1: memref<10000x128xf32, #tpu.memory_space<vmem>>, %arg2: memref<10000x128xf32, #tpu.memory_space<vmem>>) attributes {dimension_semantics = [#tpu.dimension_semantics<arbitrary>], iteration_bounds = array<i64: 10>, scalar_prefetch = 0 : i64, scratch_operands = 0 : i64, tpu.core_type = #tpu.core_type<tc>, window_params = [{transform_indices = @transform_0, window_bounds = array<i64: 10000, 128>}, {transform_indices = @transform_1, window_bounds = array<i64: 10000, 128>}]} {
    %get3A = arith.constant 0 : index
    %get3A_0 = arith.constant 0 : index
    %get3A_1 = vector.load %arg1[%get3A, %get3A_0] : memref<10000x128xf32, #tpu.memory_space<vmem>>, vector<10000x128xf32>
    %mul3A = arith.mulf %get3A_1, %get3A_1 : vector<10000x128xf32>
    %reduce_sum3A = arith.constant dense<0.000000e+00> : vector<10000xf32>
    %reduce_sum3A_2 = vector.multi_reduction <add>, %mul3A, %reduce_sum3A [1] : vector<10000x128xf32> to vector<10000xf32>
    %broadcast_in_dim3A = vector.shape_cast %reduce_sum3A_2 : vector<10000xf32> to vector<10000x1xf32>
    %sqrt3A = math.sqrt %broadcast_in_dim3A : vector<10000x1xf32>
    %max3A = arith.constant 1.000000e-07 : f32
    %max3A_3 = vector.broadcast %max3A : f32 to vector<10000x1xf32>
    %max3A_4 = arith.maximumf %sqrt3A, %max3A_3 : vector<10000x1xf32>
    %div3A = arith.constant 1.000000e+00 : f32
    %div3A_5 = vector.broadcast %div3A : f32 to vector<10000x1xf32>
    %div3A_6 = arith.divf %div3A_5, %max3A_4 : vector<10000x1xf32>
    %min3A = arith.constant 1.000000e+00 : f32
    %min3A_7 = vector.broadcast %min3A : f32 to vector<10000x1xf32>
    %min3A_8 = arith.minimumf %min3A_7, %div3A_6 : vector<10000x1xf32>
    %mul3A_9 = vector.broadcast %min3A_8 : vector<10000x1xf32> to vector<10000x128xf32>
    %mul3A_10 = arith.mulf %get3A_1, %mul3A_9 : vector<10000x128xf32>
    %swap3A = arith.constant 0 : index
    %swap3A_11 = arith.constant 0 : index
    %swap3A_12 = vector.load %arg2[%swap3A, %swap3A_11] : memref<10000x128xf32, #tpu.memory_space<vmem>>, vector<10000x128xf32>
    tpu.vector_store %arg2[%swap3A, %swap3A_11], %mul3A_10 {strides = array<i32>} : memref<10000x128xf32, #tpu.memory_space<vmem>>, vector<10000x128xf32>,
    return
  }
  func.func @transform_0(%arg0: i32) -> (i32, i32) {
    %c0_i32 = arith.constant 0 : i32
    %c0_i32_0 = arith.constant 0 : i32
    return %arg0, %c0_i32 : i32, i32
  }
  func.func @transform_1(%arg0: i32) -> (i32, i32) {
    %c0_i32 = arith.constant 0 : i32
    %c0_i32_0 = arith.constant 0 : i32
    return %arg0, %c0_i32 : i32, i32
  }
}

</mosaic_0001>

<sc_bundles>
// kernel: kernel.4.cloned.1.call-start
scs
__scs_entry_jumppad:
0x0: {  	(pc) =	sbr.rel $0x88, $3  }
0x1: {  	(tag) =	ssettag $0x0;
	lr =	simm.s32 $0x1  }
0x2: {  	[smem:$0x3F9B] =	sst lr;
	_ =	strace $0xD0000000  }
0x3: {  	_ = 	snop  }
0x4: {  	_ = 	snop  }
0x5: {  	_ = 	snop  }
0x6: {  	_ = 	snop  }
0x7: {  	_ = 	snop  }
__scs_overlays_trampoline_lowered:
0x8: {  	[smem:$0x3FAA] =	sst s0  }
0x9: {  	[smem:$0x3FAB] =	sst s1  }
0xa: {  	[smem:$0x3FAC] =	sst s2  }
0xb: {  	[smem:$0x3FAD] =	sst s3  }
0xc: {  	[smem:$0x3FAE] =	sst s4  }
0xd: {  	[smem:$0x3FAF] =	sst s5  }
0xe: {  	[smem:$0x3FB0] =	sst s6  }
0xf: {  	[smem:$0x3FB1] =	sst s7  }
0x10: {  	[smem:$0x3FB2] =	sst s8  }
0x11: {  	[smem:$0x3FB3] =	sst s9;
	s0 =	simm.s32 @!p0 $0x0  }
0x12: {  	s1 =	sld [smem:$0x3F99];
	s0 =	simm.s32 @p0 $0x1  }
0x13: {  	[smem:$0x3FB4] =	sst s0;
	s0 =	simm.s32 @!p1 $0x0  }
0x14: {  	s2 =	sld [smem:$0x3F98];
	s0 =	simm.s32 @p1 $0x1  }
0x15: {  	[smem:$0x3FB5] =	sst s0;
	s0 =	simm.s32 @!p2 $0x0  }
0x16: {  	s3 =	sld [smem:$0x3FDB];
	s0 =	simm.s32 @p2 $0x1  }
0x17: {  	s4 =	simm.s32 $0x1BF5;
	[smem:$0x3FB7] =	sst s0  }
0x18: {  	s0 =	sld [smem:$0x3F9A];
	_ =	swait.ge [sflag:s4], $0x0  }
0x19: {  	s7 =	sld [smem:$0x3F9B]  }
0x1a: {  	s8 =	sadd.s32 $0xFFFFE003, lr  }
0x1b: {  	s9 =	sadd.s32 $0xFFFFFEF7, lr;
	s5 =	simm.s32 $0xFFFFFFFF;
	p2 =	slt.u32 s8, $0xFFFFF086  }
0x1c: {  	p1 =	slt.u32 s9, $0xF7A;
	s5 =	simm.s32 @!p2 $0x0  }
0x1d: {  	s5 =	simm.s32 @p1 $0x1;
	p0 =	seq.s32 s7, s2  }
0x1e: {  	s7 =	smul.u32 @!p0 $0xF7A, s2;
	p2 =	seq.s32 @!p0 s5, $0x0  }
0x1f: {  	s9 =	smul.u32 $0xF7A, s1;
	s8 =	simm.s32 @!p0 $0x1BF5;
	p2 =	por !p2, p0  }
0x20: {  	[sflag:s8] =	ssyncset.s32 @!p0 $0xFFFFF086;
	s6 =	sadd.s32 @!p0 s3, s7;
	s7 =	simm.s32 @!p0 $0x108  }
0x21: {  	s3 =	sadd.s32 s3, s9;
	s6 =	sadd.s32 @!p0 $0x88, s6;
	s7 =	simm.s32 @p2 $0x1082  }
0x22: {  	[simem:s7], [sflag:s8] =	dma.local @!p0 [hbm:s6], $0xF7A  }
0x23: {  	s9 =	sor.u32 $0xD0000000, s2;
	s6 =	simm.s32 $0x108;
	_ =	swait.ge @!p0 [sflag:s8], $0x0  }
0x24: {  	s3 =	sadd.s32 $0x88, s3;
	s6 =	simm.s32 @!p1 $0x1082;
	[sflag:s4] =	ssyncset.s32 $0xFFFFF086  }
0x25: {  	[simem:s6], [sflag:s4] =	dma.local [hbm:s3], $0xF7A  }
0x26: {  	[smem:$0x3F9B] =	sst s1;
	(tag) =	ssettag s2;
	_ =	strace s9  }
0x27: {  	s1 =	sld [smem:$0x3FAB]  }
0x28: {  	s2 =	sld [smem:$0x3FAC]  }
0x29: {  	s4 =	sld [smem:$0x3FAE]  }
0x2a: {  	p0 =	seq.s32 s5, $0x0;
	s5 =	sld [smem:$0x3FAF]  }
0x2b: {  	s6 =	sld [smem:$0x3FB0]  }
0x2c: {  	s7 =	sld [smem:$0x3FB1]  }
0x2d: {  	s3 =	simm.s32 $0x108;
	s8 =	sld [smem:$0x3FB2]  }
0x2e: {  	s3 =	simm.s32 @!p0 $0x1082;
	s9 =	sld [smem:$0x3FB3]  }
0x2f: {  	lr =	sadd.s32 s0, s3;
	s0 =	sld [smem:$0x3FAA]  }
0x30: {  	s3 =	sld [smem:$0x3FAD]  }
0x31: {  	[smem:$0x3FB6] =	sst s10  }
0x32: {  	s10 =	sld [smem:$0x3FB4];
	_ =	sdelay $0x3  }
0x33: {  	p0 =	seq.s32 s10, $0x1;
	s10 =	sld [smem:$0x3FB6];
	_ =	sdelay $0x3  }
0x34: {  	[smem:$0x3FB6] =	sst s10  }
0x35: {  	s10 =	sld [smem:$0x3FB5];
	_ =	sdelay $0x3  }
0x36: {  	p1 =	seq.s32 s10, $0x1;
	s10 =	sld [smem:$0x3FB6];
	_ =	sdelay $0x3  }
0x37: {  	[smem:$0x3FB6] =	sst s10  }
0x38: {  	s10 =	sld [smem:$0x3FB7]  }
0x39: {  	_ = 	snop;
	(pc) =	sbr.ind lr, $3  }
0x3a: {  	_ = 	snop  }
0x3b: {  	_ = 	snop  }
0x3c: {  	p2 =	seq.s32 s10, $0x1;
	s10 =	sld [smem:$0x3FB6]  }
0x3d: {  	_ =	shalt  }
0x3e: {  	_ =	shalt  }
0x3f: {  	_ =	shalt  }
0x40: {  	_ =	shalt  }
0x41: {  	_ =	shalt  }
0x42: {  	_ =	shalt  }
0x43: {  	_ =	shalt  }
0x44: {  	_ =	shalt  }
0x45: {  	_ =	shalt  }
0x46: {  	_ =	shalt  }
0x47: {  	_ =	shalt  }
0x48: {  	_ =	shalt  }
0x49: {  	_ =	shalt  }
0x4a: {  	_ =	shalt  }
0x4b: {  	_ =	shalt  }
0x4c: {  	_ =	shalt  }
0x4d: {  	_ =	shalt  }
0x4e: {  	_ =	shalt  }
0x4f: {  	_ =	shalt  }
0x50: {  	_ =	shalt  }
0x51: {  	_ =	shalt  }
0x52: {  	_ =	shalt  }
0x53: {  	_ =	shalt  }
0x54: {  	_ =	shalt  }
0x55: {  	_ =	shalt  }
0x56: {  	_ =	shalt  }
0x57: {  	_ =	shalt  }
0x58: {  	_ =	shalt  }
0x59: {  	_ =	shalt  }
0x5a: {  	_ =	shalt  }
0x5b: {  	_ =	shalt  }
0x5c: {  	_ =	shalt  }
0x5d: {  	_ =	shalt  }
0x5e: {  	_ =	shalt  }
0x5f: {  	_ =	shalt  }
0x60: {  	_ =	shalt  }
0x61: {  	_ =	shalt  }
0x62: {  	_ =	shalt  }
0x63: {  	_ =	shalt  }
0x64: {  	_ =	shalt  }
0x65: {  	_ =	shalt  }
0x66: {  	_ =	shalt  }
0x67: {  	_ =	shalt  }
0x68: {  	_ =	shalt  }
0x69: {  	_ =	shalt  }
0x6a: {  	_ =	shalt  }
0x6b: {  	_ =	shalt  }
0x6c: {  	_ =	shalt  }
0x6d: {  	_ =	shalt  }
0x6e: {  	_ =	shalt  }
0x6f: {  	_ =	shalt  }
0x70: {  	_ =	shalt  }
0x71: {  	_ =	shalt  }
0x72: {  	_ =	shalt  }
0x73: {  	_ =	shalt  }
0x74: {  	_ =	shalt  }
0x75: {  	_ =	shalt  }
0x76: {  	_ =	shalt  }
0x77: {  	_ =	shalt  }
0x78: {  	_ =	shalt  }
0x79: {  	_ =	shalt  }
0x7a: {  	_ =	shalt  }
0x7b: {  	_ =	shalt  }
0x7c: {  	_ =	shalt  }
0x7d: {  	_ =	shalt  }
0x7e: {  	_ =	shalt  }
0x7f: {  	_ =	shalt  }
0x80: {  	_ =	shalt  }
0x81: {  	_ =	shalt  }
0x82: {  	_ =	shalt  }
0x83: {  	_ =	shalt  }
0x84: {  	_ =	shalt  }
0x85: {  	_ =	shalt  }
0x86: {  	_ =	shalt  }
0x87: {  	_ =	shalt  }
.Lfunc_end0:
.L_simem_size_0:
called_computation_lowered:
.L_overlay_start_0:
0x88: {  	s2 =	sld [smem:$0x3FD9]  }
0x89: {  	s3 =	sld [smem:$0x3FFE];
	_ =	sdelay $0x1  }
0x8a: {  	s1 =	srdreg.scid  }
0x8b: {  	s0 =	sand.u32 $0x1, s1  }
0x8c: {  	s17 =	sshll.u32 s0, $0xA;
	s2 =	sadd.s32 s3, s2  }
0x8d: {  	s2 =	sadd.s32 s2, s17  }
0x8e: {  	[smem:$0x3FC2] =	sst s2  }
0x8f: {  	_ = 	snop  }
0x90: {  	s2 =	sld [smem:$0x3FC9]  }
0x91: {  	s18 =	sld [smem:$0x3FC8]  }
0x92: {  	s4 =	sld [smem:$0x3FC4]  }
0x93: {  	s5 =	sld [smem:$0x3FD0];
	(tm) =	ssettm $0x1  }
0x94: {  	s6 =	sld [smem:$0x3FFB];
	_ =	sdelay $0x3  }
0x95: {  	_ =	strace s6  }
0x96: {  	s6 =	sld [smem:$0x3FFC];
	_ =	sdelay $0x3  }
0x97: {  	_ =	strace s6  }
0x98: {  	s6 =	sld [smem:$0x3FFD];
	_ =	sdelay $0x3  }
0x99: {  	_ =	strace s6  }
0x9a: {  	_ =	strace $0x8FFFFFFF  }
0x9b: {  	s19 =	sld [smem:$0x3FDB];
	_ =	sdelay $0x1  }
0x9c: {  	s7 =	simm.s32 $_scs_section_size  }
0x9d: {  	s8 =	simm.s32 $_size__tile_overlayer_lowered;
	s9 =	simm.s32 $_tile_overlayer_lowered  }
0x9e: {  	s22 =	simm.s32 $0x1BFF;
	s21 =	sshll.u32 s9, $0x1;
	s6 =	sadd.s32 s7, s19  }
0x9f: {  	s10 =	simm.s32 $0x0;
	s20 =	sshll.u32 s8, $0x1;
	s8 =	sadd.s32 s21, s6  }
0xa0: {  	[timem:s10], [sflag:s22] =	dma.local [hbm:s8], s20  }
0xa1: {  	_ =	swait.ge [sflag:s22], s20  }
0xa2: {  	s7 =	ssub.s32 $0x0, s20;
	[sflag:s22] =	ssyncset.done $0x0  }
0xa3: {  	[sflag:s22] =	ssyncadd.s32 s7;
	_ =	sdelay $0x1  }
0xa4: {  	s23 =	simm.s32 $0x1B8B  }
0xa5: {  	_ =	swait.ge [sflag:s23], $0x1  }
0xa6: {  	[sflag:s23] =	ssyncset.done $0x0  }
0xa7: {  	s25 =	simm.s32 $0x1B8E;
	s24 =	sld [smem:$0x3FFE];
	[sflag:s23] =	ssyncadd.s32 $0xFFFFFFFF  }
0xa8: {  	s26 =	simm.s32 $execute0_lowered;
	[smem:$0x3FD2] =	sst s25  }
0xa9: {  	s8 =	sshll.u32 s26, $0x1;
	_ =	strace $0x80000046;
	[dreg:$0x1] =	wrdreg $0xFFFFFFFF  }
0xaa: {  	s28 =	simm.s32 $_size_execute0_lowered;
	s6 =	sadd.s32 s6, s8;
	[dreg:$0x0] =	wrdreg $0x0  }
0xab: {  	s8 =	sshll.u32 s28, $0x1;
	[dreg:$0x2] =	wrdreg s6  }
0xac: {  	[dreg:$0x3] =	wrdreg s8  }
0xad: {  	[dreg:$0x4] =	wrdreg $0xC0  }
0xae: {  	_ =	task [dreg:s10], $0x5FFFF  }
0xaf: {  	[dreg:$0x1] =	wrdreg $0xFFFFFFFF  }
0xb0: {  	[dreg:$0x0] =	wrdreg $0x60  }
0xb1: {  	[dreg:$0x2] =	wrdreg s24  }
0xb2: {  	[dreg:$0x3] =	wrdreg s4  }
0xb3: {  	[dreg:$0x4] =	wrdreg s2  }
0xb4: {  	[dreg:$0x5] =	wrdreg s18  }
0xb5: {  	[dreg:$0x6] =	wrdreg s5  }
0xb6: {  	[dreg:$0x7] =	wrdreg $0x9  }
0xb7: {  	_ =	task.clear_ibuf [dreg:s10], $0x8FFFF;
	_ =	strace $0x90000046  }
0xb8: {  	s29 =	simm.s32 $0x9;
	_ =	strace $0x80000048  }
0xb9: {  	_ =	swait.ge [sflag:s29], $0x1  }
0xba: {  	[sflag:s29] =	ssyncadd.s32 $0xFFFFFFFF  }
0xbb: {  	_ =	strace $0x90000048  }
0xbc: {  	_ =	sfence  }
0xbd: {  	s30 =	sld [smem:$0x0];
	_ =	sdelay $0x2  }
0xbe: {  	s31 =	sshll.u32 s1, $0xD;
	s1 =	sshrl.u32 s1, $0x2  }
0xbf: {  	s3 =	sand.u32 $0x4000, s31;
	s1 =	sadd.s32 s1, s30  }
0xc0: {  	s0 =	sor.u32 s3, s0;
	s1 =	sshll.u32 s1, $0x11  }
0xc1: {  	s0 =	sor.u32 s1, s0  }
0xc2: {  	s0 =	sadd.s32 $0x8F2B, s0  }
0xc3: {  	[sflag:s0] =	ssyncadd.remote.s32 $0x1  }
0xc4: {  	_ =	sfence.sel $0xFFFF  }
0xc5: {  	[dreg:$0x0] =	wrdreg $0xFFFFFFFF;
	(pc) =	sbr.abs _section_cstart, $3  }
0xc6: {  	[dreg:$0x1] =	wrdreg $0xFFFFFFFF  }
0xc7: {  	_ =	task.clear_ibuf [dreg:s10], $0x2FFFF;
	_ =	strace $0x9FFFFFFF  }
0xc8: {  	(tm) =	ssettm $0x7FFFFFFF  }
0xc9: {  	_ =	shalt  }
tec
execute0_lowered:
.L_overlay_start_1:
0x0: {  	(tag) =	ssettag $0x1  }
0x1: {  	s0 =	rddreg [dreg:$0x0]  }
0x2: {  	s1 =	rddreg [dreg:$0x2]  }
0x3: {  	s2 =	rddreg [dreg:$0x3]  }
0x4: {  	s9 =	rddreg [dreg:$0x4]  }
0x5: {  	s3 =	simm.s32 $0x0;
	s4 =	srdreg.scid;
	s6 =	stileid.u32;
	v0 =	vimm.s32 $0xFEDCBA98;
	v1 =	vimm.s32 $0x76543210  }
0x6: {  	v2 =	vimm.s32 $0xBA98FEDC;
	s12 =	simm.s32 $0x2000;
	s13 =	simm.s32 $0x2200;
	s14 =	simm.s32 $0x2280  }
0x7: {  	v3 =	vimm.s32 $0x32107654;
	v4 =	vimm.s32 $0xDCFE98BA;
	v5 =	vimm.s32 $0x54761032;
	s15 =	simm.s32 $0x20;
	s18 =	simm.s32 $0x80;
	s21 =	simm.s32 $0x10  }
0x8: {  	v6 =	vimm.s32 $0xEFCDAB89;
	v7 =	vimm.s32 $0x67452301;
	s23 =	simm.s32 $0x1;
	s24 =	simm.s32 $0xC300;
	s25 =	simm.s32 $0x10300  }
0x9: {  	s28 =	simm.s32 $0x2;
	s29 =	simm.s32 $0x15380;
	s30 =	simm.s32 $0x15300;
	v0 =	vunpack.c.l.s4.s8 v0;
	v1 =	vunpack.c.l.s4.s8 v1;
	v2 =	vunpack.c.l.s4.s8 v2  }
0xa: {  	s31 =	simm.s32 $0x3;
	[smem:$0x7FF] =	sst s3;
	s5 =	sand.u32 $0x1, s4;
	v3 =	vunpack.c.l.s4.s8 v3;
	v4 =	vunpack.c.l.s4.s8 v4;
	v5 =	vunpack.c.l.s4.s8 v5  }
0xb: {  	s26 =	sshll.u32 s6, $0x1;
	s4 =	sadd.s32 $0x8C00, s0;
	v6 =	vunpack.c.l.s4.s8 v6;
	v7 =	vunpack.c.l.s4.s8 v7;
	_ =	strace $0x80000047;
	v0 =	vunpack.c.0.s8.s32 v0  }
0xc: {  	s6 =	sor.u32 s5, s26;
	s5 =	ssub.s32 $0x2, s5;
	s26 =	simm.s32 $0x14B00;
	v2 =	vunpack.c.0.s8.s32 v2;
	v3 =	vunpack.c.0.s8.s32 v3;
	v4 =	vunpack.c.0.s8.s32 v4  }
0xd: {  	s7 =	sshll.u32 s6, $0x6;
	s8 =	sshll.u32 s6, $0xA;
	s10 =	sshrl.u32 s5, $0x1;
	v5 =	vunpack.c.0.s8.s32 v5;
	v6 =	vunpack.c.0.s8.s32 v6;
	v7 =	vunpack.c.0.s8.s32 v7  }
0xe: {  	s11 =	sshll.u32 s6, $0x2;
	v1 =	vunpack.c.0.s8.s32 v1;
	s7 =	sadd.s32 s7, s0;
	s0 =	sadd.s32 s8, s0;
	v2 =	vcombine.low v3, v2  }
0xf: {  	s10 =	ssub.s32 s5, s10;
	s8 =	sadd.s32 s1, s11;
	s9 =	sadd.s32 s9, s11;
	v3 =	vcombine.low v5, v4;
	v4 =	vcombine.low v7, v6;
	v0 =	vand.u32 $0xF, v0  }
0x10: {  	s5 =	sadd.s32 $0xC00, s0;
	s6 =	sadd.s32 $0x400, s7;
	s7 =	sadd.s32 s2, s11;
	v0 =	vcombine.low v0, v1  }
0x11: {  	s10 =	smax.u32 s10, $0x1;
	s11 =	simm.s32 $0x4;
	s0 =	simm.s32 $0x0;
	v1 =	vand.u32 $0xF, v2;
	v2 =	vand.u32 $0xF, v3;
	v3 =	vand.u32 $0xF, v4  }
.LBB2_1:
0x12: {  	[tilespmem:s3], [sflag:$0x4] =	stream.linear.gather [hbm4b:s5+s3], $0x2000, $0x38;
	[tilespmem:$0x15400] =	vst v63  }
0x13: {  	_ =	swait.ge [sflag:s11], $0x2000  }
0x14: {  	[sflag:s11] =	ssyncset.done $0x0  }
0x15: {  	[sflag:s11] =	ssyncadd.s32 $0xFFFFE000  }
0x16: {  	[tilespmem:s12], [sflag:$0x4] =	stream.linear.gather [hbm4b:s6+s3], $0x200, $0x38;
	[tilespmem:$0x15400] =	vst v63  }
0x17: {  	_ =	swait.ge [sflag:s11], $0x200  }
0x18: {  	[sflag:s11] =	ssyncset.done $0x0  }
0x19: {  	[sflag:s11] =	ssyncadd.s32 $0xFFFFFE00  }
0x1a: {  	[tilespmem:s13], [sflag:$0x4] =	stream.linear.gather [hbm4b:s7+s3], $0x20, $0x38;
	[tilespmem:$0x15400] =	vst v63  }
0x1b: {  	_ =	swait.ge [sflag:s11], $0x20  }
0x1c: {  	[sflag:s11] =	ssyncset.done $0x0  }
0x1d: {  	[sflag:s11] =	ssyncadd.s32 $0xFFFFFFE0  }
0x1e: {  	[tilespmem:s14], [sflag:$0x4] =	stream.linear.gather [hbm4b:s8+s3], $0x20, $0x38;
	[tilespmem:$0x15400] =	vst v63  }
0x1f: {  	_ =	swait.ge [sflag:s11], $0x20  }
0x20: {  	[sflag:s11] =	ssyncset.done $0x0  }
0x21: {  	s1 =	simm.s32 $0x2300;
	[sflag:s11] =	ssyncadd.s32 $0xFFFFFFE0  }
0x22: {  	[tilespmem:s1], [sflag:$0x1] =	stream.indirect.gather [hbm4b:s4+s15], $0x80, s13, s15, $0xb8;
	[tilespmem:$0x15400] =	vst v63  }
0x23: {  	s2 =	simm.s32 $0x3300;
	s17 =	rddreg [dreg:$0x1]  }
0x24: {  	[tilespmem:s2], [sflag:$0x1] =	stream.indirect.gather [hbm4b:s17+s15], $0x80, s14, s15, $0xb8;
	[tilespmem:$0x15400] =	vst v63  }
0x25: {  	s19 =	simm.s32 $0x4300  }
0x26: {  	[tilespmem:s19], [sflag:$0x2] =	stream.indirect.gather [hbm4b:s4+s18], $0x80, s3, s18, $0xb8;
	[tilespmem:$0x15400] =	vst v63  }
0x27: {  	s20 =	simm.s32 $0x8300  }
0x28: {  	[tilespmem:s20], [sflag:$0x2] =	stream.indirect.gather [hbm4b:s4+s18], $0x80, s18, s18, $0xb8;
	[tilespmem:$0x15400] =	vst v63  }
0x29: {  	s22 =	simm.s32 $0x14300  }
0x2a: {  	[tilespmem:s22], [sflag:$0x2] =	stream.indirect.gather [hbm4b:s4+s21], $0x80, s12, s21, $0xb8;
	[tilespmem:$0x15400] =	vst v63  }
0x2b: {  	_ =	swait.ge [sflag:s23], $0x1000  }
0x2c: {  	[sflag:s23] =	ssyncset.done $0x0  }
0x2d: {  	[sflag:s23] =	ssyncadd.s32 $0xFFFFF000  }
0x2e: {  	_ =	swait.ge [sflag:s23], $0x1000  }
0x2f: {  	[sflag:s23] =	ssyncset.done $0x0  }
0x30: {  	s2 =	simm.s32 $0x0;
	[sflag:s23] =	ssyncadd.s32 $0xFFFFF000  }
.LBB2_2:
0x31: {  	s1 =	sshllo.u32 s2, $0x1  }
0x32: {  	s16 =	sshll.u32 s1, $0x8  }
0x33: {  	s16 =	sand.u32 $0x3FFFFF00, s16  }
0x34: {  	[tilespmem:s24], [sflag:$0x3] =	stream.indirect.gather [hbm4b:s4+s18], $0x80, s16, s18, $0xb8;
	[tilespmem:$0x15400] =	vst v63  }
0x35: {  	s20 =	sshll.u32 s1, $0x4;
	s16 =	sor.u32 $0x80, s16  }
0x36: {  	[tilespmem:s25], [sflag:$0x3] =	stream.indirect.gather [hbm4b:s4+s18], $0x80, s16, s18, $0xb8;
	[tilespmem:$0x15400] =	vst v63  }
0x37: {  	s16 =	sand.u32 $0x3FFFFFF0, s20  }
0x38: {  	s16 =	sadd.s32 $0x2000, s16  }
0x39: {  	[tilespmem:s26], [sflag:$0x3] =	stream.indirect.gather [hbm4b:s4+s21], $0x80, s16, s21, $0xb8;
	[tilespmem:$0x15400] =	vst v63  }
0x3a: {  	_ =	swait.ge [sflag:s28], $0x4000  }
0x3b: {  	[sflag:s28] =	ssyncset.done $0x0  }
0x3c: {  	[sflag:s28] =	ssyncadd.s32 $0xFFFFC000  }
0x3d: {  	_ =	swait.ge [sflag:s28], $0x4000  }
0x3e: {  	[sflag:s28] =	ssyncset.done $0x0  }
0x3f: {  	[sflag:s28] =	ssyncadd.s32 $0xFFFFC000  }
0x40: {  	_ =	swait.ge [sflag:s28], $0x800  }
0x41: {  	[sflag:s28] =	ssyncset.done $0x0  }
0x42: {  	s22 =	simm.s32 $0x4700;
	[sflag:s28] =	ssyncadd.s32 $0xFFFFF800  }
0x43: {  	v4 =	vld [tilespmem:s22+$0xFFFFFC70]  }
0x44: {  	v5 =	vld [tilespmem:s22+$0xFFFFFC10]  }
0x45: {  	v6 =	vld [tilespmem:s22+$0xFFFFFCF0]  }
0x46: {  	v7 =	vld [tilespmem:s22+$0xFFFFFC20]  }
0x47: {  	v8 =	vld [tilespmem:s22+$0xFFFFFD70]  }
0x48: {  	v9 =	vld [tilespmem:s22+$0xFFFFFC30]  }
0x49: {  	v11 =	vld [tilespmem:s22+$0xFFFFFDF0];
	v10 =	vadd.f32 $0.0e+00, v4  }
0x4a: {  	v12 =	vld [tilespmem:s22+$0xFFFFFC40]  }
0x4b: {  	v13 =	vld [tilespmem:s22+$0xFFFFFE70];
	v4 =	vmul.f32 v4, v4;
	v10 =	vadd.f32 v6, v10;
	v6 =	vmul.f32 v6, v6  }
0x4c: {  	v14 =	vld [tilespmem:s22+$0xFFFFFC50]  }
0x4d: {  	v18 =	vld [tilespmem:s22+$0xFFFFFC00];
	v4 =	vadd.f32 v6, v4;
	v6 =	vadd.f32 v8, v10;
	v8 =	vmul.f32 v8, v8  }
0x4e: {  	v15 =	vld [tilespmem:s22+$0xFFFFFEF0]  }
0x4f: {  	v17 =	vld [tilespmem:s22+$0xFFFFFF70];
	v4 =	vadd.f32 v8, v4;
	v6 =	vadd.f32 v11, v6;
	v8 =	vmul.f32 v11, v11  }
0x50: {  	v20 =	vld [tilespmem:s22+$0xFFFFFFF0];
	v19 =	vadd.f32 $0.0e+00, v12;
	v12 =	vmul.f32 v12, v12  }
0x51: {  	v23 =	vld [tilespmem:s22+$0xFFFFFC90];
	v4 =	vadd.f32 v8, v4;
	v6 =	vadd.f32 v13, v6;
	v8 =	vmul.f32 v13, v13  }
0x52: {  	v21 =	vld [tilespmem:s22+$0xFFFFFC80];
	v24 =	vadd.f32 $0.0e+00, v18;
	v18 =	vmul.f32 v18, v18;
	v10 =	vadd.f32 $0.0e+00, v5  }
0x53: {  	v26 =	vld [tilespmem:s22+$0xFFFFFCA0];
	v4 =	vadd.f32 v8, v4;
	v6 =	vadd.f32 v15, v6;
	v8 =	vmul.f32 v15, v15  }
0x54: {  	v22 =	vld [tilespmem:s22+$0x70];
	v5 =	vmul.f32 v5, v5;
	v11 =	vadd.f32 $0.0e+00, v7;
	v7 =	vmul.f32 v7, v7  }
0x55: {  	v16 =	vld [tilespmem:s22+$0xFFFFFC60];
	v4 =	vadd.f32 v8, v4;
	v6 =	vadd.f32 v17, v6;
	v8 =	vmul.f32 v17, v17  }
0x56: {  	v25 =	vld [tilespmem:s22+$0xF0];
	v10 =	vadd.f32 v23, v10;
	v13 =	vadd.f32 $0.0e+00, v9;
	v9 =	vmul.f32 v9, v9  }
0x57: {  	v27 =	vld [tilespmem:s22+$0xFFFFFCB0];
	v4 =	vadd.f32 v8, v4;
	v6 =	vadd.f32 v20, v6;
	v8 =	vmul.f32 v20, v20  }
0x58: {  	v11 =	vadd.f32 v26, v11;
	v20 =	vadd.f32 v21, v24;
	v21 =	vmul.f32 v21, v21;
	v24 =	vld [tilespmem:s22+$0x170]  }
0x59: {  	v28 =	vld [tilespmem:s22+$0xFFFFFD50];
	v4 =	vadd.f32 v8, v4;
	v6 =	vadd.f32 v22, v6;
	v8 =	vmul.f32 v22, v22  }
0x5a: {  	v15 =	vadd.f32 $0.0e+00, v14;
	v18 =	vadd.f32 v21, v18;
	v21 =	vmul.f32 v23, v23;
	v23 =	vld [tilespmem:s22+$0xFFFFFCC0]  }
0x5b: {  	v22 =	vld [tilespmem:s22+$0x1F0];
	v4 =	vadd.f32 v8, v4;
	v6 =	vadd.f32 v25, v6;
	v8 =	vmul.f32 v25, v25  }
0x5c: {  	v13 =	vadd.f32 v27, v13;
	v21 =	vadd.f32 v21, v5;
	v5 =	vmul.f32 v26, v26;
	v26 =	vld [tilespmem:s22+$0xFFFFFCD0]  }
0x5d: {  	v14 =	vmul.f32 v14, v14;
	v25 =	vld [tilespmem:s22+$0x270];
	v4 =	vadd.f32 v8, v4;
	v6 =	vadd.f32 v24, v6  }
0x5e: {  	v8 =	vmul.f32 v24, v24;
	v7 =	vadd.f32 v5, v7;
	v5 =	vmul.f32 v27, v27;
	v27 =	vld [tilespmem:s22+$0xFFFFFCE0]  }
0x5f: {  	v17 =	vadd.f32 $0.0e+00, v16;
	v16 =	vmul.f32 v16, v16;
	v24 =	vld [tilespmem:s22+$0x2F0];
	v19 =	vadd.f32 v23, v19  }
0x60: {  	v4 =	vadd.f32 v8, v4;
	v6 =	vadd.f32 v22, v6;
	v8 =	vmul.f32 v22, v22;
	v22 =	vld [tilespmem:s22+$0x370]  }
0x61: {  	v9 =	vadd.f32 v5, v9;
	v5 =	vmul.f32 v23, v23;
	v23 =	vld [tilespmem:s22+$0xFFFFFD00];
	v15 =	vadd.f32 v26, v15  }
0x62: {  	v4 =	vadd.f32 v8, v4;
	v6 =	vadd.f32 v25, v6;
	v8 =	vmul.f32 v25, v25  }
0x63: {  	v12 =	vadd.f32 v5, v12;
	v5 =	vmul.f32 v26, v26;
	v26 =	vld [tilespmem:s22+$0xFFFFFD10];
	v17 =	vadd.f32 v27, v17  }
0x64: {  	v25 =	vld [tilespmem:s22+$0x3F0];
	v15 =	vadd.f32 v28, v15;
	v4 =	vadd.f32 v8, v4;
	v8 =	vmul.f32 v24, v24  }
0x65: {  	v6 =	vadd.f32 v24, v6;
	v14 =	vadd.f32 v5, v14;
	v5 =	vmul.f32 v27, v27;
	v27 =	vld [tilespmem:s22+$0xFFFFFD30]  }
0x66: {  	v24 =	vld [tilespmem:s22+$0xFFFFFD20];
	v20 =	vadd.f32 v23, v20;
	v4 =	vadd.f32 v8, v4;
	v8 =	vmul.f32 v22, v22  }
0x67: {  	v29 =	vld [tilespmem:s22+$0xFFFFFD90];
	v6 =	vadd.f32 v22, v6;
	v16 =	vadd.f32 v5, v16;
	v22 =	vmul.f32 v23, v23  }
0x68: {  	s17 =	simm.s32 $0x0;
	v28 =	vmul.f32 v28, v28;
	v23 =	vld [tilespmem:s22+$0xFFFFFD40];
	v10 =	vadd.f32 v26, v10;
	v4 =	vadd.f32 v8, v4  }
0x69: {  	v6 =	vadd.f32 v25, v6;
	v8 =	vmul.f32 v25, v25;
	v18 =	vadd.f32 v22, v18;
	v22 =	vld [tilespmem:s17+$0x14370]  }
0x6a: {  	v25 =	vmul.f32 v26, v26;
	v26 =	vld [tilespmem:s22+$0xFFFFFD60];
	v13 =	vadd.f32 v27, v13;
	v27 =	vmul.f32 v27, v27  }
0x6b: {  	v4 =	vadd.f32 v8, v4;
	v8 =	vadd.f32 v24, v11;
	v11 =	vmul.f32 v24, v24;
	v24 =	vld [tilespmem:s22+$0xFFFFFD80]  }
0x6c: {  	v14 =	vadd.f32 v28, v14;
	v6 =	vmul.f32 v6, v6;
	v21 =	vadd.f32 v25, v21;
	v25 =	vld [tilespmem:s22+$0xFFFFFDA0]  }
0x6d: {  	v28 =	vmul.f32 v29, v29;
	v10 =	vadd.f32 v29, v10;
	v9 =	vadd.f32 v27, v9;
	v27 =	vld [tilespmem:s22+$0xFFFFFDE0]  }
0x6e: {  	v4 =	vsub.f32 v6, v4;
	v7 =	vadd.f32 v11, v7;
	v11 =	vld [tilespmem:s22+$0xFFFFFDB0]  }
0x6f: {  	v29 =	vld [tilespmem:s22+$0xFFFFFE00];
	v19 =	vadd.f32 v23, v19;
	v23 =	vmul.f32 v23, v23;
	v21 =	vadd.f32 v28, v21  }
0x70: {  	v30 =	vld [tilespmem:s22+$0xFFFFFE20];
	v17 =	vadd.f32 v26, v17;
	v6 =	vadd.f32 v22, v4;
	v22 =	vmul.f32 v26, v26  }
0x71: {  	v12 =	vadd.f32 v23, v12;
	v23 =	vld [tilespmem:s22+$0xFFFFFDD0];
	v20 =	vadd.f32 v24, v20;
	v24 =	vmul.f32 v24, v24  }
0x72: {  	v26 =	vld [tilespmem:s22+$0xFFFFFDC0];
	v8 =	vadd.f32 v25, v8;
	v4 =	vmul.f32 v6, v6;
	v16 =	vadd.f32 v22, v16  }
0x73: {  	v22 =	vmul.f32 v25, v25;
	v25 =	vld [tilespmem:s22+$0xFFFFFE10];
	v17 =	vadd.f32 v27, v17;
	v13 =	vadd.f32 v11, v13  }
0x74: {  	v5 =	vimm.f32 $0.0e+00;
	v18 =	vadd.f32 v24, v18;
	v20 =	vadd.f32 v29, v20  }
0x75: {  	v28 =	vld [tilespmem:s22+$0xFFFFFE40];
	v27 =	vmul.f32 v27, v27;
	v8 =	vadd.f32 v30, v8;
	v4 =	vadd.f32 v4, v5  }
0x76: {  	v11 =	vmul.f32 v11, v11;
	v24 =	vld [tilespmem:s22+$0xFFFFFE30];
	v15 =	vadd.f32 v23, v15;
	v7 =	vadd.f32 v22, v7  }
0x77: {  	v22 =	vmul.f32 v29, v29;
	v29 =	vld [tilespmem:s22+$0xFFFFFE50];
	v19 =	vadd.f32 v26, v19;
	v26 =	vmul.f32 v26, v26  }
0x78: {  	v9 =	vadd.f32 v11, v9;
	v10 =	vadd.f32 v25, v10;
	v11 =	vmul.f32 v25, v25;
	v25 =	vld [tilespmem:s22+$0xFFFFFE60]  }
0x79: {  	v23 =	vmul.f32 v23, v23;
	v12 =	vadd.f32 v26, v12;
	v26 =	vmul.f32 v30, v30;
	v30 =	vld [tilespmem:s22+$0xFFFFFE80]  }
0x7a: {  	v16 =	vadd.f32 v27, v16;
	v27 =	vmul.f32 v28, v28;
	v19 =	vadd.f32 v28, v19;
	v28 =	vld [tilespmem:s22+$0xFFFFFEA0]  }
0x7b: {  	v14 =	vadd.f32 v23, v14;
	v13 =	vadd.f32 v24, v13;
	v23 =	vmul.f32 v24, v24;
	v24 =	vld [tilespmem:s22+$0xFFFFFE90]  }
0x7c: {  	v18 =	vadd.f32 v22, v18;
	v15 =	vadd.f32 v29, v15;
	v22 =	vmul.f32 v29, v29;
	v29 =	vld [tilespmem:s22+$0xFFFFFEB0]  }
0x7d: {  	v11 =	vadd.f32 v11, v21;
	v17 =	vadd.f32 v25, v17;
	v21 =	vmul.f32 v25, v25;
	v25 =	vld [tilespmem:s22+$0xFFFFFEC0]  }
0x7e: {  	v7 =	vadd.f32 v26, v7;
	v20 =	vadd.f32 v30, v20;
	v26 =	vmul.f32 v30, v30;
	v30 =	vld [tilespmem:s22+$0xFFFFFED0]  }
0x7f: {  	v12 =	vadd.f32 v27, v12;
	v8 =	vadd.f32 v28, v8;
	v27 =	vmul.f32 v28, v28;
	v28 =	vld [tilespmem:s22+$0xFFFFFF00]  }
0x80: {  	v9 =	vadd.f32 v23, v9;
	v10 =	vadd.f32 v24, v10;
	v23 =	vmul.f32 v24, v24;
	v24 =	vld [tilespmem:s22+$0xFFFFFEE0]  }
0x81: {  	v14 =	vadd.f32 v22, v14;
	v13 =	vadd.f32 v29, v13;
	v22 =	vmul.f32 v29, v29;
	v29 =	vld [tilespmem:s22+$0xFFFFFF10]  }
0x82: {  	v16 =	vadd.f32 v21, v16;
	v19 =	vadd.f32 v25, v19;
	v21 =	vmul.f32 v25, v25;
	v25 =	vld [tilespmem:s22+$0xFFFFFF20]  }
0x83: {  	v18 =	vadd.f32 v26, v18;
	v15 =	vadd.f32 v30, v15;
	v26 =	vmul.f32 v30, v30;
	v30 =	vld [tilespmem:s22+$0xFFFFFF30]  }
0x84: {  	v7 =	vadd.f32 v27, v7;
	v20 =	vadd.f32 v28, v20;
	v27 =	vmul.f32 v28, v28;
	v28 =	vld [tilespmem:s22+$0xFFFFFF50]  }
0x85: {  	v11 =	vadd.f32 v23, v11;
	v17 =	vadd.f32 v24, v17;
	v23 =	vmul.f32 v24, v24;
	v24 =	vld [tilespmem:s22+$0xFFFFFF40]  }
0x86: {  	v9 =	vadd.f32 v22, v9;
	v10 =	vadd.f32 v29, v10;
	v22 =	vmul.f32 v29, v29;
	v29 =	vld [tilespmem:s22+$0xFFFFFF60]  }
0x87: {  	v12 =	vadd.f32 v21, v12;
	v8 =	vadd.f32 v25, v8;
	v21 =	vmul.f32 v25, v25;
	v25 =	vld [tilespmem:s22+$0xFFFFFF80]  }
0x88: {  	v14 =	vadd.f32 v26, v14;
	v13 =	vadd.f32 v30, v13;
	v26 =	vmul.f32 v30, v30;
	v30 =	vld [tilespmem:s22+$0xFFFFFF90]  }
0x89: {  	v18 =	vadd.f32 v27, v18;
	v15 =	vadd.f32 v28, v15;
	v27 =	vmul.f32 v28, v28;
	v28 =	vld [tilespmem:s22+$0xFFFFFFB0]  }
0x8a: {  	v16 =	vadd.f32 v23, v16;
	v19 =	vadd.f32 v24, v19;
	v23 =	vmul.f32 v24, v24;
	v24 =	vld [tilespmem:s22+$0xFFFFFFA0]  }
0x8b: {  	v11 =	vadd.f32 v22, v11;
	v17 =	vadd.f32 v29, v17;
	v22 =	vmul.f32 v29, v29;
	v29 =	vld [tilespmem:s22+$0xFFFFFFC0]  }
0x8c: {  	v7 =	vadd.f32 v21, v7;
	v20 =	vadd.f32 v25, v20;
	v21 =	vmul.f32 v25, v25;
	v25 =	vld [tilespmem:s22+$0xFFFFFFD0]  }
0x8d: {  	v9 =	vadd.f32 v26, v9;
	v10 =	vadd.f32 v30, v10;
	v26 =	vmul.f32 v30, v30;
	v30 =	vld [tilespmem:s22+$0xFFFFFFE0]  }
0x8e: {  	v14 =	vadd.f32 v27, v14;
	v13 =	vadd.f32 v28, v13;
	v27 =	vmul.f32 v28, v28;
	v28 =	vld [tilespmem:s22+$0x10]  }
0x8f: {  	v12 =	vadd.f32 v23, v12;
	v8 =	vadd.f32 v24, v8;
	v23 =	vmul.f32 v24, v24;
	v24 =	vld [tilespmem:s22+$0x0]  }
0x90: {  	v16 =	vadd.f32 v22, v16;
	v19 =	vadd.f32 v29, v19;
	v22 =	vmul.f32 v29, v29;
	v29 =	vld [tilespmem:s22+$0x20]  }
0x91: {  	v18 =	vadd.f32 v21, v18;
	v15 =	vadd.f32 v25, v15;
	v21 =	vmul.f32 v25, v25;
	v25 =	vld [tilespmem:s22+$0x30]  }
0x92: {  	v11 =	vadd.f32 v26, v11;
	v17 =	vadd.f32 v30, v17;
	v26 =	vmul.f32 v30, v30;
	v30 =	vld [tilespmem:s22+$0x40]  }
0x93: {  	v9 =	vadd.f32 v27, v9;
	v10 =	vadd.f32 v28, v10;
	v27 =	vmul.f32 v28, v28;
	v28 =	vld [tilespmem:s22+$0x60]  }
0x94: {  	v7 =	vadd.f32 v23, v7;
	v20 =	vadd.f32 v24, v20;
	v23 =	vmul.f32 v24, v24;
	v24 =	vld [tilespmem:s22+$0x50]  }
0x95: {  	v12 =	vadd.f32 v22, v12;
	v8 =	vadd.f32 v29, v8;
	v22 =	vmul.f32 v29, v29;
	v29 =	vld [tilespmem:s22+$0x80]  }
0x96: {  	v14 =	vadd.f32 v21, v14;
	v13 =	vadd.f32 v25, v13;
	v21 =	vmul.f32 v25, v25;
	v25 =	vld [tilespmem:s22+$0x90]  }
0x97: {  	v16 =	vadd.f32 v26, v16;
	v19 =	vadd.f32 v30, v19;
	v26 =	vmul.f32 v30, v30;
	v30 =	vld [tilespmem:s22+$0xA0]  }
0x98: {  	v11 =	vadd.f32 v27, v11;
	v17 =	vadd.f32 v28, v17;
	v27 =	vmul.f32 v28, v28;
	v28 =	vld [tilespmem:s22+$0xC0]  }
0x99: {  	v18 =	vadd.f32 v23, v18;
	v15 =	vadd.f32 v24, v15;
	v23 =	vmul.f32 v24, v24;
	v24 =	vld [tilespmem:s22+$0xB0]  }
0x9a: {  	v7 =	vadd.f32 v22, v7;
	v20 =	vadd.f32 v29, v20;
	v22 =	vmul.f32 v29, v29;
	v29 =	vld [tilespmem:s22+$0xD0]  }
0x9b: {  	v9 =	vadd.f32 v21, v9;
	v10 =	vadd.f32 v25, v10;
	v21 =	vmul.f32 v25, v25;
	v25 =	vld [tilespmem:s22+$0xE0]  }
0x9c: {  	v12 =	vadd.f32 v26, v12;
	v8 =	vadd.f32 v30, v8;
	v26 =	vmul.f32 v30, v30;
	v30 =	vld [tilespmem:s22+$0x100]  }
0x9d: {  	v16 =	vadd.f32 v27, v16;
	v19 =	vadd.f32 v28, v19;
	v27 =	vmul.f32 v28, v28;
	v28 =	vld [tilespmem:s22+$0x120]  }
0x9e: {  	v14 =	vadd.f32 v23, v14;
	v13 =	vadd.f32 v24, v13;
	v23 =	vmul.f32 v24, v24;
	v24 =	vld [tilespmem:s22+$0x110]  }
0x9f: {  	v18 =	vadd.f32 v22, v18;
	v15 =	vadd.f32 v29, v15;
	v22 =	vmul.f32 v29, v29;
	v29 =	vld [tilespmem:s22+$0x130]  }
0xa0: {  	v11 =	vadd.f32 v21, v11;
	v17 =	vadd.f32 v25, v17;
	v21 =	vmul.f32 v25, v25;
	v25 =	vld [tilespmem:s22+$0x140]  }
0xa1: {  	v7 =	vadd.f32 v26, v7;
	v20 =	vadd.f32 v30, v20;
	v26 =	vmul.f32 v30, v30;
	v30 =	vld [tilespmem:s22+$0x150]  }
0xa2: {  	v12 =	vadd.f32 v27, v12;
	v8 =	vadd.f32 v28, v8;
	v27 =	vmul.f32 v28, v28;
	v28 =	vld [tilespmem:s22+$0x180]  }
0xa3: {  	v9 =	vadd.f32 v23, v9;
	v10 =	vadd.f32 v24, v10;
	v23 =	vmul.f32 v24, v24;
	v24 =	vld [tilespmem:s22+$0x160]  }
0xa4: {  	v14 =	vadd.f32 v22, v14;
	v13 =	vadd.f32 v29, v13;
	v22 =	vmul.f32 v29, v29;
	v29 =	vld [tilespmem:s22+$0x190]  }
0xa5: {  	v16 =	vadd.f32 v21, v16;
	v19 =	vadd.f32 v25, v19;
	v21 =	vmul.f32 v25, v25;
	v25 =	vld [tilespmem:s22+$0x1A0]  }
0xa6: {  	v18 =	vadd.f32 v26, v18;
	v15 =	vadd.f32 v30, v15;
	v26 =	vmul.f32 v30, v30;
	v30 =	vld [tilespmem:s22+$0x1B0]  }
0xa7: {  	v7 =	vadd.f32 v27, v7;
	v20 =	vadd.f32 v28, v20;
	v27 =	vmul.f32 v28, v28;
	v28 =	vld [tilespmem:s22+$0x1D0]  }
0xa8: {  	v11 =	vadd.f32 v23, v11;
	v17 =	vadd.f32 v24, v17;
	v23 =	vmul.f32 v24, v24;
	v24 =	vld [tilespmem:s22+$0x1C0]  }
0xa9: {  	v9 =	vadd.f32 v22, v9;
	v10 =	vadd.f32 v29, v10;
	v22 =	vmul.f32 v29, v29;
	v29 =	vld [tilespmem:s22+$0x1E0]  }
0xaa: {  	v12 =	vadd.f32 v21, v12;
	v8 =	vadd.f32 v25, v8;
	v21 =	vmul.f32 v25, v25;
	v25 =	vld [tilespmem:s22+$0x200]  }
0xab: {  	v14 =	vadd.f32 v26, v14;
	v13 =	vadd.f32 v30, v13;
	v26 =	vmul.f32 v30, v30;
	v30 =	vld [tilespmem:s22+$0x210]  }
0xac: {  	v18 =	vadd.f32 v27, v18;
	v15 =	vadd.f32 v28, v15;
	v27 =	vmul.f32 v28, v28;
	v28 =	vld [tilespmem:s22+$0x230]  }
0xad: {  	v16 =	vadd.f32 v23, v16;
	v19 =	vadd.f32 v24, v19;
	v23 =	vmul.f32 v24, v24;
	v24 =	vld [tilespmem:s22+$0x220]  }
0xae: {  	v11 =	vadd.f32 v22, v11;
	v17 =	vadd.f32 v29, v17;
	v22 =	vmul.f32 v29, v29;
	v29 =	vld [tilespmem:s22+$0x240]  }
0xaf: {  	v7 =	vadd.f32 v21, v7;
	v20 =	vadd.f32 v25, v20;
	v21 =	vmul.f32 v25, v25;
	v25 =	vld [tilespmem:s22+$0x250]  }
0xb0: {  	v9 =	vadd.f32 v26, v9;
	v10 =	vadd.f32 v30, v10;
	v26 =	vmul.f32 v30, v30;
	v30 =	vld [tilespmem:s22+$0x260]  }
0xb1: {  	v14 =	vadd.f32 v27, v14;
	v13 =	vadd.f32 v28, v13;
	v27 =	vmul.f32 v28, v28;
	v28 =	vld [tilespmem:s22+$0x290]  }
0xb2: {  	v12 =	vadd.f32 v23, v12;
	v8 =	vadd.f32 v24, v8;
	v23 =	vmul.f32 v24, v24;
	v24 =	vld [tilespmem:s22+$0x280]  }
0xb3: {  	v16 =	vadd.f32 v22, v16;
	v19 =	vadd.f32 v29, v19;
	v22 =	vmul.f32 v29, v29;
	v29 =	vld [tilespmem:s22+$0x2A0]  }
0xb4: {  	v18 =	vadd.f32 v21, v18;
	v15 =	vadd.f32 v25, v15;
	v21 =	vmul.f32 v25, v25;
	v25 =	vld [tilespmem:s22+$0x2B0]  }
0xb5: {  	v11 =	vadd.f32 v26, v11;
	v17 =	vadd.f32 v30, v17;
	v26 =	vmul.f32 v30, v30;
	v30 =	vld [tilespmem:s22+$0x2C0]  }
0xb6: {  	v9 =	vadd.f32 v27, v9;
	v10 =	vadd.f32 v28, v10;
	v27 =	vmul.f32 v28, v28;
	v28 =	vld [tilespmem:s22+$0x2E0]  }
0xb7: {  	v7 =	vadd.f32 v23, v7;
	v20 =	vadd.f32 v24, v20;
	v23 =	vmul.f32 v24, v24;
	v24 =	vld [tilespmem:s22+$0x2D0]  }
0xb8: {  	v12 =	vadd.f32 v22, v12;
	v8 =	vadd.f32 v29, v8;
	v22 =	vmul.f32 v29, v29;
	v29 =	vld [tilespmem:s22+$0x300]  }
0xb9: {  	v14 =	vadd.f32 v21, v14;
	v13 =	vadd.f32 v25, v13;
	v21 =	vmul.f32 v25, v25;
	v25 =	vld [tilespmem:s22+$0x310]  }
0xba: {  	v16 =	vadd.f32 v26, v16;
	v19 =	vadd.f32 v30, v19;
	v26 =	vmul.f32 v30, v30;
	v30 =	vld [tilespmem:s22+$0x320]  }
0xbb: {  	v11 =	vadd.f32 v27, v11;
	v17 =	vadd.f32 v28, v17;
	v27 =	vmul.f32 v28, v28;
	v28 =	vld [tilespmem:s22+$0x340]  }
0xbc: {  	v18 =	vadd.f32 v23, v18;
	v15 =	vadd.f32 v24, v15;
	v23 =	vmul.f32 v24, v24;
	v24 =	vld [tilespmem:s22+$0x330]  }
0xbd: {  	v7 =	vadd.f32 v22, v7;
	v20 =	vadd.f32 v29, v20;
	v22 =	vmul.f32 v29, v29;
	v29 =	vld [tilespmem:s22+$0x350]  }
0xbe: {  	v9 =	vadd.f32 v21, v9;
	v12 =	vadd.f32 v26, v12  }
0xbf: {  	v16 =	vadd.f32 v27, v16;
	v10 =	vadd.f32 v25, v10;
	v21 =	vmul.f32 v25, v25;
	v25 =	vld [tilespmem:s22+$0x360]  }
0xc0: {  	v14 =	vadd.f32 v23, v14;
	v8 =	vadd.f32 v30, v8;
	v26 =	vmul.f32 v30, v30;
	v30 =	vld [tilespmem:s22+$0x380]  }
0xc1: {  	v18 =	vadd.f32 v22, v18;
	v19 =	vadd.f32 v28, v19;
	v27 =	vmul.f32 v28, v28;
	v28 =	vld [tilespmem:s22+$0x3A0]  }
0xc2: {  	v13 =	vadd.f32 v24, v13;
	v23 =	vmul.f32 v24, v24;
	v24 =	vld [tilespmem:s22+$0x390];
	v15 =	vadd.f32 v29, v15  }
0xc3: {  	v22 =	vmul.f32 v29, v29;
	v29 =	vld [tilespmem:s22+$0x3B0];
	v11 =	vadd.f32 v21, v11;
	v7 =	vadd.f32 v26, v7  }
0xc4: {  	v12 =	vadd.f32 v27, v12;
	v9 =	vadd.f32 v23, v9  }
0xc5: {  	v14 =	vadd.f32 v22, v14;
	v17 =	vadd.f32 v25, v17;
	v21 =	vmul.f32 v25, v25  }
0xc6: {  	v20 =	vadd.f32 v30, v20;
	v26 =	vmul.f32 v30, v30;
	v8 =	vadd.f32 v28, v8  }
0xc7: {  	v25 =	vld [tilespmem:s22+$0x3C0];
	v27 =	vmul.f32 v28, v28;
	v10 =	vadd.f32 v24, v10;
	v23 =	vmul.f32 v24, v24  }
0xc8: {  	v30 =	vld [tilespmem:s22+$0x3D0];
	v13 =	vadd.f32 v29, v13;
	v22 =	vmul.f32 v29, v29;
	v16 =	vadd.f32 v21, v16  }
0xc9: {  	v24 =	vld [tilespmem:s22+$0x3E0];
	v20 =	vmul.f32 v20, v20;
	v18 =	vadd.f32 v26, v18;
	v8 =	vmul.f32 v8, v8  }
0xca: {  	v28 =	vld [tilespmem:s17+$0x14300];
	v7 =	vadd.f32 v27, v7;
	v10 =	vmul.f32 v10, v10;
	v11 =	vadd.f32 v23, v11  }
0xcb: {  	v13 =	vmul.f32 v13, v13;
	v9 =	vadd.f32 v22, v9;
	v18 =	vsub.f32 v20, v18  }
0xcc: {  	v23 =	vld [tilespmem:s17+$0x14320];
	v7 =	vsub.f32 v8, v7;
	v19 =	vadd.f32 v25, v19;
	v21 =	vmul.f32 v25, v25  }
0xcd: {  	v15 =	vadd.f32 v30, v15;
	v25 =	vmul.f32 v30, v30;
	v10 =	vsub.f32 v10, v11  }
0xce: {  	v22 =	vld [tilespmem:s17+$0x14330];
	v17 =	vadd.f32 v24, v17;
	v24 =	vmul.f32 v24, v24;
	v9 =	vsub.f32 v13, v9  }
0xcf: {  	v29 =	vadd.f32 v28, v18;
	v18 =	vimm.f32 $0.0e+00;
	v19 =	vmul.f32 v19, v19  }
0xd0: {  	v30 =	vld [tilespmem:s17+$0x14310];
	v12 =	vadd.f32 v21, v12;
	v14 =	vadd.f32 v25, v14;
	v15 =	vmul.f32 v15, v15  }
0xd1: {  	v20 =	vld [tilespmem:s17+$0x14350];
	v16 =	vadd.f32 v24, v16;
	v17 =	vmul.f32 v17, v17;
	v27 =	vadd.f32 v23, v7  }
0xd2: {  	v8 =	vld [tilespmem:s17+$0x14360];
	v7 =	vimm.f32 $0.0e+00;
	v11 =	vsub.f32 v19, v12;
	v12 =	vsub.f32 v15, v14  }
0xd3: {  	v21 =	vld [tilespmem:s17+$0x14340];
	v26 =	vadd.f32 v22, v9;
	v22 =	vmul.f32 v29, v29;
	v19 =	vimm.f32 $0.0e+00  }
0xd4: {  	v15 =	vimm.f32 $0.0e+00;
	v14 =	vimm.f32 $0.0e+00;
	v9 =	vimm.f32 $0.0e+00  }
0xd5: {  	v13 =	vsub.f32 v17, v16;
	v28 =	vadd.f32 v30, v10;
	v31 =	vmul.f32 v27, v27  }
0xd6: {  	v17 =	vimm.f32 $0.0e+00;
	v16 =	vimm.f32 $0.0e+00;
	v10 =	vimm.f32 $0.0e+00  }
0xd7: {  	v24 =	vadd.f32 v20, v12;
	v20 =	vimm.f32 $0.0e+00;
	v12 =	vimm.f32 $0.0e+00  }
0xd8: {  	s17 =	simm.s32 $0x4F00;
	v25 =	vadd.f32 v21, v11;
	v23 =	vadd.f32 v8, v13;
	v21 =	vmul.f32 v28, v28  }
0xd9: {  	s19 =	simm.s32 $0x200;
	s20 =	simm.s32 $0x400;
	s16 =	sshll.u32 s2, $0x1;
	v30 =	vld [tilespmem:s17+$0xFFFFFC70];
	v13 =	vimm.f32 $0.0e+00;
	v11 =	vimm.f32 $0.0e+00;
	v8 =	vimm.f32 $0.0e+00  }
.LBB2_3:
0xda: {  	p0 =	sne.s32 s20, $0x1E00;
	v32 =	vld [tilespmem:s17+$0xFFFFFC10];
	v5 =	vadd.f32 v22, v5;
	v22 =	vmul.f32 v26, v26;
	v33 =	vmul.f32 v25, v25  }
0xdb: {  	v34 =	vld [tilespmem:s17+$0xFFFFFCF0];
	v20 =	vadd.f32 v21, v20;
	v21 =	vmul.f32 v24, v24;
	v35 =	vmul.f32 v23, v23  }
0xdc: {  	v19 =	vadd.f32 v31, v19;
	v36 =	vld [tilespmem:s17+$0xFFFFFC20];
	v17 =	vadd.f32 v22, v17  }
0xdd: {  	v18 =	vadd.f32 v33, v18;
	v22 =	vld [tilespmem:s17+$0xFFFFFD70];
	v16 =	vadd.f32 v21, v16  }
0xde: {  	v15 =	vadd.f32 v35, v15;
	v21 =	vld [tilespmem:s17+$0xFFFFFC30];
	v31 =	vadd.f32 $0.0e+00, v30  }
0xdf: {  	v14 =	vadd.f32 v29, v14;
	v33 =	vadd.f32 $0.0e+00, v32;
	v32 =	vmul.f32 v32, v32;
	v35 =	vld [tilespmem:s17+$0xFFFFFDF0]  }
0xe0: {  	v30 =	vmul.f32 v30, v30;
	v29 =	vld [tilespmem:s17+$0xFFFFFC40];
	v31 =	vadd.f32 v34, v31;
	v34 =	vmul.f32 v34, v34  }
0xe1: {  	v13 =	vadd.f32 v28, v13;
	v37 =	vadd.f32 $0.0e+00, v36;
	v36 =	vmul.f32 v36, v36;
	v38 =	vld [tilespmem:s17+$0xFFFFFE70]  }
0xe2: {  	v28 =	vld [tilespmem:s17+$0xFFFFFC50];
	v30 =	vadd.f32 v34, v30;
	v31 =	vadd.f32 v22, v31;
	v22 =	vmul.f32 v22, v22  }
0xe3: {  	v12 =	vadd.f32 v27, v12;
	v34 =	vadd.f32 $0.0e+00, v21;
	v21 =	vmul.f32 v21, v21;
	v39 =	vld [tilespmem:s17+$0xFFFFFEF0]  }
0xe4: {  	v27 =	vld [tilespmem:s17+$0xFFFFFC60];
	v22 =	vadd.f32 v22, v30;
	v30 =	vadd.f32 v35, v31;
	v31 =	vmul.f32 v35, v35  }
0xe5: {  	v11 =	vadd.f32 v26, v11;
	v35 =	vadd.f32 $0.0e+00, v29;
	v29 =	vmul.f32 v29, v29;
	v40 =	vld [tilespmem:s17+$0xFFFFFF70]  }
0xe6: {  	v26 =	vld [tilespmem:s17+$0xFFFFFC00];
	v22 =	vadd.f32 v31, v22;
	v30 =	vadd.f32 v38, v30;
	v31 =	vmul.f32 v38, v38  }
0xe7: {  	v10 =	vadd.f32 v25, v10;
	v38 =	vadd.f32 $0.0e+00, v28;
	v28 =	vmul.f32 v28, v28;
	v41 =	vld [tilespmem:s17+$0xFFFFFFF0]  }
0xe8: {  	v25 =	vld [tilespmem:s17+$0xFFFFFC80];
	v22 =	vadd.f32 v31, v22;
	v30 =	vadd.f32 v39, v30;
	v31 =	vmul.f32 v39, v39  }
0xe9: {  	v9 =	vadd.f32 v24, v9;
	v39 =	vadd.f32 $0.0e+00, v27;
	v27 =	vmul.f32 v27, v27;
	v42 =	vld [tilespmem:s17+$0x70]  }
0xea: {  	v24 =	vld [tilespmem:s17+$0xFFFFFC90];
	v22 =	vadd.f32 v31, v22;
	v30 =	vadd.f32 v40, v30;
	v31 =	vmul.f32 v40, v40  }
0xeb: {  	v8 =	vadd.f32 v23, v8;
	v40 =	vadd.f32 $0.0e+00, v26;
	v26 =	vmul.f32 v26, v26;
	v43 =	vld [tilespmem:s17+$0xF0]  }
0xec: {  	v23 =	vld [tilespmem:s17+$0xFFFFFCA0];
	v22 =	vadd.f32 v31, v22;
	v30 =	vadd.f32 v41, v30;
	v31 =	vmul.f32 v41, v41  }
0xed: {  	v7 =	vadd.f32 v6, v7;
	v40 =	vadd.f32 v25, v40;
	v25 =	vmul.f32 v25, v25;
	v41 =	vld [tilespmem:s17+$0x170]  }
0xee: {  	v6 =	vld [tilespmem:s17+$0xFFFFFCB0];
	v22 =	vadd.f32 v31, v22;
	v30 =	vadd.f32 v42, v30;
	v31 =	vmul.f32 v42, v42  }
0xef: {  	v25 =	vadd.f32 v25, v26;
	v26 =	vadd.f32 v24, v33;
	v24 =	vmul.f32 v24, v24;
	v33 =	vld [tilespmem:s17+$0x1F0]  }
0xf0: {  	v42 =	vld [tilespmem:s17+$0xFFFFFCC0];
	v22 =	vadd.f32 v31, v22;
	v30 =	vadd.f32 v43, v30;
	v31 =	vmul.f32 v43, v43  }
0xf1: {  	v24 =	vadd.f32 v24, v32;
	v32 =	vadd.f32 v23, v37;
	v23 =	vmul.f32 v23, v23;
	v37 =	vld [tilespmem:s17+$0x270]  }
0xf2: {  	v43 =	vld [tilespmem:s17+$0xFFFFFCD0];
	v22 =	vadd.f32 v31, v22;
	v30 =	vadd.f32 v41, v30;
	v31 =	vmul.f32 v41, v41  }
0xf3: {  	v23 =	vadd.f32 v23, v36;
	v34 =	vadd.f32 v6, v34;
	v6 =	vmul.f32 v6, v6;
	v36 =	vld [tilespmem:s17+$0x2F0]  }
0xf4: {  	v41 =	vld [tilespmem:s17+$0xFFFFFCE0];
	v22 =	vadd.f32 v31, v22;
	v30 =	vadd.f32 v33, v30;
	v31 =	vmul.f32 v33, v33  }
0xf5: {  	v21 =	vadd.f32 v6, v21;
	v6 =	vadd.f32 v42, v35;
	v33 =	vmul.f32 v42, v42;
	v35 =	vld [tilespmem:s17+$0x370]  }
0xf6: {  	v42 =	vld [tilespmem:s17+$0xFFFFFD00];
	v22 =	vadd.f32 v31, v22;
	v30 =	vadd.f32 v37, v30;
	v31 =	vmul.f32 v37, v37  }
0xf7: {  	v29 =	vadd.f32 v33, v29;
	v33 =	vadd.f32 v43, v38;
	v37 =	vmul.f32 v43, v43;
	v38 =	vld [tilespmem:s17+$0x3F0]  }
0xf8: {  	v43 =	vld [tilespmem:s17+$0xFFFFFD10];
	v22 =	vadd.f32 v31, v22;
	v30 =	vadd.f32 v36, v30;
	v31 =	vmul.f32 v36, v36  }
0xf9: {  	v28 =	vadd.f32 v37, v28;
	v36 =	vadd.f32 v41, v39;
	v37 =	vmul.f32 v41, v41;
	v39 =	vld [tilespmem:s17+$0xFFFFFD20]  }
0xfa: {  	v41 =	vld [tilespmem:s17+$0xFFFFFD30];
	v22 =	vadd.f32 v31, v22;
	v30 =	vadd.f32 v35, v30;
	v31 =	vmul.f32 v35, v35  }
0xfb: {  	v27 =	vadd.f32 v37, v27;
	v35 =	vadd.f32 v42, v40;
	v37 =	vmul.f32 v42, v42;
	v40 =	vld [tilespmem:s17+$0xFFFFFD40]  }
0xfc: {  	s22 =	sshra.s32 s19, $0x2;
	s19 =	smov.u32 s20;
	v42 =	vld [tilespmem:s17+$0xFFFFFD50];
	v22 =	vadd.f32 v31, v22;
	v30 =	vadd.f32 v38, v30;
	v31 =	vmul.f32 v38, v38  }
0xfd: {  	v25 =	vadd.f32 v37, v25;
	v26 =	vadd.f32 v43, v26;
	v37 =	vmul.f32 v43, v43;
	v38 =	vld [tilespmem:s22+$0x14370]  }
0xfe: {  	v32 =	vadd.f32 v39, v32;
	v43 =	vld [tilespmem:s17+$0xFFFFFD60];
	v22 =	vadd.f32 v31, v22;
	v30 =	vmul.f32 v30, v30  }
0xff: {  	v31 =	vmul.f32 v39, v39;
	v34 =	vadd.f32 v41, v34;
	v39 =	vmul.f32 v41, v41;
	v41 =	vld [tilespmem:s17+$0xFFFFFD80]  }
0x100: {  	v44 =	vadd.f32 v40, v6;
	v40 =	vmul.f32 v40, v40;
	v45 =	vld [tilespmem:s17+$0xFFFFFD90];
	v6 =	vsub.f32 v30, v22  }
0x101: {  	v22 =	vadd.f32 v37, v24;
	v24 =	vadd.f32 v42, v33;
	v30 =	vmul.f32 v42, v42;
	v33 =	vld [tilespmem:s17+$0xFFFFFDA0]  }
0x102: {  	v23 =	vadd.f32 v31, v23;
	v31 =	vld [tilespmem:s17+$0xFFFFFDB0];
	v6 =	vadd.f32 v38, v6  }
0x103: {  	v21 =	vadd.f32 v39, v21;
	v36 =	vadd.f32 v43, v36;
	v37 =	vmul.f32 v43, v43;
	v38 =	vld [tilespmem:s17+$0xFFFFFDC0]  }
0x104: {  	v29 =	vadd.f32 v40, v29;
	v35 =	vadd.f32 v41, v35;
	v39 =	vld [tilespmem:s17+$0xFFFFFDD0];
	v40 =	vmul.f32 v6, v6  }
0x105: {  	v28 =	vadd.f32 v30, v28;
	v30 =	vmul.f32 v41, v41;
	v26 =	vadd.f32 v45, v26;
	v41 =	vld [tilespmem:s17+$0xFFFFFDE0]  }
0x106: {  	v42 =	vmul.f32 v45, v45;
	v32 =	vadd.f32 v33, v32;
	v43 =	vld [tilespmem:s17+$0xFFFFFE00];
	v4 =	vadd.f32 v40, v4  }
0x107: {  	v27 =	vadd.f32 v37, v27;
	v33 =	vmul.f32 v33, v33;
	v34 =	vadd.f32 v31, v34;
	v37 =	vld [tilespmem:s17+$0xFFFFFE10]  }
0x108: {  	v31 =	vmul.f32 v31, v31;
	v40 =	vadd.f32 v38, v44;
	v38 =	vmul.f32 v38, v38;
	v44 =	vld [tilespmem:s17+$0xFFFFFE20]  }
0x109: {  	v25 =	vadd.f32 v30, v25;
	v24 =	vadd.f32 v39, v24;
	v30 =	vmul.f32 v39, v39;
	v39 =	vld [tilespmem:s17+$0xFFFFFE30]  }
0x10a: {  	v22 =	vadd.f32 v42, v22;
	v36 =	vadd.f32 v41, v36;
	v41 =	vmul.f32 v41, v41;
	v42 =	vld [tilespmem:s17+$0xFFFFFE40]  }
0x10b: {  	v23 =	vadd.f32 v33, v23;
	v33 =	vadd.f32 v43, v35;
	v35 =	vmul.f32 v43, v43;
	v43 =	vld [tilespmem:s17+$0xFFFFFE50]  }
0x10c: {  	v21 =	vadd.f32 v31, v21;
	v26 =	vadd.f32 v37, v26;
	v31 =	vmul.f32 v37, v37;
	v37 =	vld [tilespmem:s17+$0xFFFFFE60]  }
0x10d: {  	v29 =	vadd.f32 v38, v29;
	v32 =	vadd.f32 v44, v32;
	v38 =	vmul.f32 v44, v44;
	v44 =	vld [tilespmem:s17+$0xFFFFFE80]  }
0x10e: {  	v28 =	vadd.f32 v30, v28;
	v30 =	vadd.f32 v39, v34;
	v34 =	vmul.f32 v39, v39;
	v39 =	vld [tilespmem:s17+$0xFFFFFE90]  }
0x10f: {  	v27 =	vadd.f32 v41, v27;
	v40 =	vadd.f32 v42, v40;
	v41 =	vmul.f32 v42, v42;
	v42 =	vld [tilespmem:s17+$0xFFFFFEA0]  }
0x110: {  	v25 =	vadd.f32 v35, v25;
	v24 =	vadd.f32 v43, v24;
	v35 =	vmul.f32 v43, v43;
	v43 =	vld [tilespmem:s17+$0xFFFFFEB0]  }
0x111: {  	v22 =	vadd.f32 v31, v22;
	v31 =	vadd.f32 v37, v36;
	v36 =	vmul.f32 v37, v37;
	v37 =	vld [tilespmem:s17+$0xFFFFFEC0]  }
0x112: {  	v23 =	vadd.f32 v38, v23;
	v33 =	vadd.f32 v44, v33;
	v38 =	vmul.f32 v44, v44;
	v44 =	vld [tilespmem:s17+$0xFFFFFED0]  }
0x113: {  	v21 =	vadd.f32 v34, v21;
	v26 =	vadd.f32 v39, v26;
	v34 =	vmul.f32 v39, v39;
	v39 =	vld [tilespmem:s17+$0xFFFFFEE0]  }
0x114: {  	v29 =	vadd.f32 v41, v29;
	v32 =	vadd.f32 v42, v32;
	v41 =	vmul.f32 v42, v42;
	v42 =	vld [tilespmem:s17+$0xFFFFFF00]  }
0x115: {  	v28 =	vadd.f32 v35, v28;
	v30 =	vadd.f32 v43, v30;
	v35 =	vmul.f32 v43, v43;
	v43 =	vld [tilespmem:s17+$0xFFFFFF10]  }
0x116: {  	v27 =	vadd.f32 v36, v27;
	v36 =	vadd.f32 v37, v40;
	v37 =	vmul.f32 v37, v37;
	v40 =	vld [tilespmem:s17+$0xFFFFFF20]  }
0x117: {  	v25 =	vadd.f32 v38, v25;
	v24 =	vadd.f32 v44, v24;
	v38 =	vmul.f32 v44, v44;
	v44 =	vld [tilespmem:s17+$0xFFFFFF30]  }
0x118: {  	v22 =	vadd.f32 v34, v22;
	v31 =	vadd.f32 v39, v31;
	v34 =	vmul.f32 v39, v39;
	v39 =	vld [tilespmem:s17+$0xFFFFFF40]  }
0x119: {  	v23 =	vadd.f32 v41, v23;
	v33 =	vadd.f32 v42, v33;
	v41 =	vmul.f32 v42, v42;
	v42 =	vld [tilespmem:s17+$0xFFFFFF50]  }
0x11a: {  	v21 =	vadd.f32 v35, v21;
	v26 =	vadd.f32 v43, v26;
	v35 =	vmul.f32 v43, v43;
	v43 =	vld [tilespmem:s17+$0xFFFFFF60]  }
0x11b: {  	v29 =	vadd.f32 v37, v29;
	v32 =	vadd.f32 v40, v32;
	v37 =	vmul.f32 v40, v40;
	v40 =	vld [tilespmem:s17+$0xFFFFFF80]  }
0x11c: {  	v28 =	vadd.f32 v38, v28;
	v30 =	vadd.f32 v44, v30;
	v38 =	vmul.f32 v44, v44;
	v44 =	vld [tilespmem:s17+$0xFFFFFF90]  }
0x11d: {  	v27 =	vadd.f32 v34, v27;
	v34 =	vadd.f32 v39, v36;
	v36 =	vmul.f32 v39, v39;
	v39 =	vld [tilespmem:s17+$0xFFFFFFA0]  }
0x11e: {  	v25 =	vadd.f32 v41, v25;
	v24 =	vadd.f32 v42, v24;
	v41 =	vmul.f32 v42, v42;
	v42 =	vld [tilespmem:s17+$0xFFFFFFB0]  }
0x11f: {  	v22 =	vadd.f32 v35, v22;
	v31 =	vadd.f32 v43, v31;
	v35 =	vmul.f32 v43, v43;
	v43 =	vld [tilespmem:s17+$0xFFFFFFC0]  }
0x120: {  	v23 =	vadd.f32 v37, v23;
	v33 =	vadd.f32 v40, v33;
	v37 =	vmul.f32 v40, v40;
	v40 =	vld [tilespmem:s17+$0xFFFFFFD0]  }
0x121: {  	v21 =	vadd.f32 v38, v21;
	v26 =	vadd.f32 v44, v26;
	v38 =	vmul.f32 v44, v44;
	v44 =	vld [tilespmem:s17+$0xFFFFFFE0]  }
0x122: {  	v29 =	vadd.f32 v36, v29;
	v32 =	vadd.f32 v39, v32;
	v36 =	vmul.f32 v39, v39;
	v39 =	vld [tilespmem:s17+$0x0]  }
0x123: {  	v28 =	vadd.f32 v41, v28;
	v30 =	vadd.f32 v42, v30;
	v41 =	vmul.f32 v42, v42;
	v42 =	vld [tilespmem:s17+$0x10]  }
0x124: {  	v27 =	vadd.f32 v35, v27;
	v34 =	vadd.f32 v43, v34;
	v35 =	vmul.f32 v43, v43;
	v43 =	vld [tilespmem:s17+$0x20]  }
0x125: {  	v25 =	vadd.f32 v37, v25;
	v24 =	vadd.f32 v40, v24;
	v37 =	vmul.f32 v40, v40;
	v40 =	vld [tilespmem:s17+$0x30]  }
0x126: {  	v22 =	vadd.f32 v38, v22;
	v31 =	vadd.f32 v44, v31;
	v38 =	vmul.f32 v44, v44;
	v44 =	vld [tilespmem:s17+$0x40]  }
0x127: {  	v23 =	vadd.f32 v36, v23;
	v33 =	vadd.f32 v39, v33;
	v36 =	vmul.f32 v39, v39;
	v39 =	vld [tilespmem:s17+$0x50]  }
0x128: {  	v21 =	vadd.f32 v41, v21;
	v26 =	vadd.f32 v42, v26;
	v41 =	vmul.f32 v42, v42;
	v42 =	vld [tilespmem:s17+$0x60]  }
0x129: {  	v29 =	vadd.f32 v35, v29;
	v32 =	vadd.f32 v43, v32;
	v35 =	vmul.f32 v43, v43;
	v43 =	vld [tilespmem:s17+$0x80]  }
0x12a: {  	v28 =	vadd.f32 v37, v28;
	v30 =	vadd.f32 v40, v30;
	v37 =	vmul.f32 v40, v40;
	v40 =	vld [tilespmem:s17+$0x90]  }
0x12b: {  	v27 =	vadd.f32 v38, v27;
	v34 =	vadd.f32 v44, v34;
	v38 =	vmul.f32 v44, v44;
	v44 =	vld [tilespmem:s17+$0xA0]  }
0x12c: {  	v25 =	vadd.f32 v36, v25;
	v24 =	vadd.f32 v39, v24;
	v36 =	vmul.f32 v39, v39;
	v39 =	vld [tilespmem:s17+$0xB0]  }
0x12d: {  	v22 =	vadd.f32 v41, v22;
	v31 =	vadd.f32 v42, v31;
	v41 =	vmul.f32 v42, v42;
	v42 =	vld [tilespmem:s17+$0xC0]  }
0x12e: {  	v23 =	vadd.f32 v35, v23;
	v33 =	vadd.f32 v43, v33;
	v35 =	vmul.f32 v43, v43;
	v43 =	vld [tilespmem:s17+$0xD0]  }
0x12f: {  	v21 =	vadd.f32 v37, v21;
	v26 =	vadd.f32 v40, v26;
	v37 =	vmul.f32 v40, v40;
	v40 =	vld [tilespmem:s17+$0xE0]  }
0x130: {  	v29 =	vadd.f32 v38, v29;
	v32 =	vadd.f32 v44, v32;
	v38 =	vmul.f32 v44, v44;
	v44 =	vld [tilespmem:s17+$0x100]  }
0x131: {  	v28 =	vadd.f32 v36, v28;
	v30 =	vadd.f32 v39, v30;
	v36 =	vmul.f32 v39, v39;
	v39 =	vld [tilespmem:s17+$0x110]  }
0x132: {  	v27 =	vadd.f32 v41, v27;
	v34 =	vadd.f32 v42, v34;
	v41 =	vmul.f32 v42, v42;
	v42 =	vld [tilespmem:s17+$0x120]  }
0x133: {  	v25 =	vadd.f32 v35, v25;
	v24 =	vadd.f32 v43, v24;
	v35 =	vmul.f32 v43, v43;
	v43 =	vld [tilespmem:s17+$0x130]  }
0x134: {  	v22 =	vadd.f32 v37, v22;
	v31 =	vadd.f32 v40, v31;
	v37 =	vmul.f32 v40, v40;
	v40 =	vld [tilespmem:s17+$0x140]  }
0x135: {  	v23 =	vadd.f32 v38, v23;
	v33 =	vadd.f32 v44, v33;
	v38 =	vmul.f32 v44, v44;
	v44 =	vld [tilespmem:s17+$0x150]  }
0x136: {  	v21 =	vadd.f32 v36, v21;
	v26 =	vadd.f32 v39, v26;
	v36 =	vmul.f32 v39, v39;
	v39 =	vld [tilespmem:s17+$0x160]  }
0x137: {  	v29 =	vadd.f32 v41, v29;
	v32 =	vadd.f32 v42, v32;
	v41 =	vmul.f32 v42, v42;
	v42 =	vld [tilespmem:s17+$0x180]  }
0x138: {  	v28 =	vadd.f32 v35, v28;
	v30 =	vadd.f32 v43, v30;
	v35 =	vmul.f32 v43, v43;
	v43 =	vld [tilespmem:s17+$0x190]  }
0x139: {  	v27 =	vadd.f32 v37, v27;
	v34 =	vadd.f32 v40, v34;
	v37 =	vmul.f32 v40, v40;
	v40 =	vld [tilespmem:s17+$0x1A0]  }
0x13a: {  	v25 =	vadd.f32 v38, v25;
	v24 =	vadd.f32 v44, v24;
	v38 =	vmul.f32 v44, v44;
	v44 =	vld [tilespmem:s17+$0x1B0]  }
0x13b: {  	v22 =	vadd.f32 v36, v22;
	v31 =	vadd.f32 v39, v31;
	v36 =	vmul.f32 v39, v39;
	v39 =	vld [tilespmem:s17+$0x1C0]  }
0x13c: {  	v23 =	vadd.f32 v41, v23;
	v33 =	vadd.f32 v42, v33;
	v41 =	vmul.f32 v42, v42;
	v42 =	vld [tilespmem:s17+$0x1D0]  }
0x13d: {  	v21 =	vadd.f32 v35, v21;
	v26 =	vadd.f32 v43, v26;
	v35 =	vmul.f32 v43, v43;
	v43 =	vld [tilespmem:s17+$0x1E0]  }
0x13e: {  	v29 =	vadd.f32 v37, v29;
	v32 =	vadd.f32 v40, v32;
	v37 =	vmul.f32 v40, v40;
	v40 =	vld [tilespmem:s17+$0x200]  }
0x13f: {  	v28 =	vadd.f32 v38, v28;
	v30 =	vadd.f32 v44, v30;
	v38 =	vmul.f32 v44, v44;
	v44 =	vld [tilespmem:s17+$0x210]  }
0x140: {  	v27 =	vadd.f32 v36, v27;
	v34 =	vadd.f32 v39, v34;
	v36 =	vmul.f32 v39, v39;
	v39 =	vld [tilespmem:s17+$0x220]  }
0x141: {  	v25 =	vadd.f32 v41, v25;
	v24 =	vadd.f32 v42, v24;
	v41 =	vmul.f32 v42, v42;
	v42 =	vld [tilespmem:s17+$0x230]  }
0x142: {  	v22 =	vadd.f32 v35, v22;
	v31 =	vadd.f32 v43, v31;
	v35 =	vmul.f32 v43, v43;
	v43 =	vld [tilespmem:s17+$0x240]  }
0x143: {  	v23 =	vadd.f32 v37, v23;
	v33 =	vadd.f32 v40, v33;
	v37 =	vmul.f32 v40, v40;
	v40 =	vld [tilespmem:s17+$0x250]  }
0x144: {  	v21 =	vadd.f32 v38, v21;
	v26 =	vadd.f32 v44, v26;
	v38 =	vmul.f32 v44, v44;
	v44 =	vld [tilespmem:s17+$0x260]  }
0x145: {  	v29 =	vadd.f32 v36, v29;
	v32 =	vadd.f32 v39, v32;
	v36 =	vmul.f32 v39, v39;
	v39 =	vld [tilespmem:s17+$0x280]  }
0x146: {  	v28 =	vadd.f32 v41, v28;
	v30 =	vadd.f32 v42, v30;
	v41 =	vmul.f32 v42, v42;
	v42 =	vld [tilespmem:s17+$0x290]  }
0x147: {  	v27 =	vadd.f32 v35, v27;
	v34 =	vadd.f32 v43, v34;
	v35 =	vmul.f32 v43, v43;
	v43 =	vld [tilespmem:s17+$0x2A0]  }
0x148: {  	v25 =	vadd.f32 v37, v25;
	v24 =	vadd.f32 v40, v24;
	v37 =	vmul.f32 v40, v40;
	v40 =	vld [tilespmem:s17+$0x2B0]  }
0x149: {  	v22 =	vadd.f32 v38, v22;
	v31 =	vadd.f32 v44, v31;
	v38 =	vmul.f32 v44, v44;
	v44 =	vld [tilespmem:s17+$0x2C0]  }
0x14a: {  	v23 =	vadd.f32 v36, v23;
	v33 =	vadd.f32 v39, v33;
	v36 =	vmul.f32 v39, v39;
	v39 =	vld [tilespmem:s17+$0x2D0]  }
0x14b: {  	v21 =	vadd.f32 v41, v21;
	v26 =	vadd.f32 v42, v26;
	v41 =	vmul.f32 v42, v42;
	v42 =	vld [tilespmem:s17+$0x2E0]  }
0x14c: {  	v29 =	vadd.f32 v35, v29;
	v32 =	vadd.f32 v43, v32;
	v35 =	vmul.f32 v43, v43;
	v43 =	vld [tilespmem:s17+$0x300]  }
0x14d: {  	v28 =	vadd.f32 v37, v28;
	v30 =	vadd.f32 v40, v30;
	v37 =	vmul.f32 v40, v40;
	v40 =	vld [tilespmem:s17+$0x310]  }
0x14e: {  	v27 =	vadd.f32 v38, v27;
	v34 =	vadd.f32 v44, v34;
	v38 =	vmul.f32 v44, v44;
	v44 =	vld [tilespmem:s17+$0x320]  }
0x14f: {  	v25 =	vadd.f32 v36, v25;
	v24 =	vadd.f32 v39, v24;
	v36 =	vmul.f32 v39, v39;
	v39 =	vld [tilespmem:s17+$0x330]  }
0x150: {  	v22 =	vadd.f32 v41, v22;
	v31 =	vadd.f32 v42, v31;
	v41 =	vmul.f32 v42, v42;
	v42 =	vld [tilespmem:s17+$0x340]  }
0x151: {  	v23 =	vadd.f32 v35, v23;
	v33 =	vadd.f32 v43, v33;
	v35 =	vmul.f32 v43, v43;
	v43 =	vld [tilespmem:s17+$0x350]  }
0x152: {  	v21 =	vadd.f32 v37, v21;
	v26 =	vadd.f32 v40, v26;
	v37 =	vmul.f32 v40, v40;
	v40 =	vld [tilespmem:s17+$0x360]  }
0x153: {  	v29 =	vadd.f32 v38, v29;
	v32 =	vadd.f32 v44, v32;
	v38 =	vmul.f32 v44, v44;
	v44 =	vld [tilespmem:s17+$0x380]  }
0x154: {  	v28 =	vadd.f32 v36, v28;
	v30 =	vadd.f32 v39, v30;
	v36 =	vmul.f32 v39, v39;
	v39 =	vld [tilespmem:s17+$0x390]  }
0x155: {  	v27 =	vadd.f32 v41, v27;
	v34 =	vadd.f32 v42, v34;
	v41 =	vmul.f32 v42, v42;
	v42 =	vld [tilespmem:s17+$0x3A0]  }
0x156: {  	v25 =	vadd.f32 v35, v25;
	v24 =	vadd.f32 v43, v24;
	v35 =	vmul.f32 v43, v43;
	v43 =	vld [tilespmem:s17+$0x3B0]  }
0x157: {  	v22 =	vadd.f32 v37, v22;
	v31 =	vadd.f32 v40, v31;
	v37 =	vmul.f32 v40, v40;
	v40 =	vld [tilespmem:s17+$0x3C0]  }
0x158: {  	v23 =	vadd.f32 v38, v23;
	v33 =	vadd.f32 v44, v33;
	v38 =	vmul.f32 v44, v44;
	v44 =	vld [tilespmem:s17+$0x3D0]  }
0x159: {  	v21 =	vadd.f32 v36, v21;
	v26 =	vadd.f32 v39, v26;
	v36 =	vmul.f32 v39, v39;
	v39 =	vld [tilespmem:s17+$0x3E0]  }
0x15a: {  	v29 =	vadd.f32 v41, v29;
	v32 =	vadd.f32 v42, v32;
	v41 =	vmul.f32 v42, v42;
	v42 =	vld [tilespmem:s22+$0x14300]  }
0x15b: {  	v28 =	vadd.f32 v35, v28;
	v30 =	vadd.f32 v43, v30;
	v35 =	vmul.f32 v43, v43;
	v43 =	vld [tilespmem:s22+$0x14310]  }
0x15c: {  	v27 =	vadd.f32 v37, v27;
	v34 =	vadd.f32 v40, v34;
	v37 =	vmul.f32 v40, v40;
	v40 =	vld [tilespmem:s22+$0x14320]  }
0x15d: {  	v33 =	vmul.f32 v33, v33;
	v24 =	vadd.f32 v44, v24;
	v44 =	vmul.f32 v44, v44;
	v45 =	vld [tilespmem:s22+$0x14330]  }
0x15e: {  	v26 =	vmul.f32 v26, v26;
	v31 =	vadd.f32 v39, v31;
	v39 =	vmul.f32 v39, v39;
	v46 =	vld [tilespmem:s22+$0x14340]  }
0x15f: {  	v25 =	vadd.f32 v38, v25;
	v32 =	vmul.f32 v32, v32;
	v30 =	vmul.f32 v30, v30;
	v38 =	vld [tilespmem:s22+$0x14350]  }
0x160: {  	v22 =	vadd.f32 v36, v22;
	v34 =	vmul.f32 v34, v34;
	v24 =	vmul.f32 v24, v24;
	v36 =	vld [tilespmem:s22+$0x14360]  }
0x161: {  	v23 =	vadd.f32 v41, v23;
	v21 =	vadd.f32 v35, v21;
	v31 =	vmul.f32 v31, v31  }
0x162: {  	v29 =	vadd.f32 v37, v29;
	v28 =	vadd.f32 v44, v28  }
0x163: {  	v25 =	vsub.f32 v33, v25;
	v27 =	vadd.f32 v39, v27  }
0x164: {  	v22 =	vsub.f32 v26, v22;
	v23 =	vsub.f32 v32, v23  }
0x165: {  	v21 =	vsub.f32 v30, v21;
	v30 =	vsub.f32 v34, v29  }
.Ltmp0:
0x166: {  	v24 =	vsub.f32 v24, v28;
	v31 =	vsub.f32 v31, v27;
	(pc) =	sbr.rel @p0 .LBB2_3-.Ltmp0, $4  }
0x167: {  	v29 =	vadd.f32 v42, v25;
	v28 =	vadd.f32 v43, v22  }
0x168: {  	v27 =	vadd.f32 v40, v23;
	v26 =	vadd.f32 v45, v21  }
0x169: {  	s17 =	sadd.s32 $0x800, s17;
	v22 =	vmul.f32 v29, v29;
	v25 =	vadd.f32 v46, v30;
	v24 =	vadd.f32 v38, v24  }
0x16a: {  	s20 =	sadd.s32 $0x200, s20;
	v21 =	vmul.f32 v28, v28;
	v23 =	vadd.f32 v36, v31;
	v31 =	vmul.f32 v27, v27;
	v30 =	vld [tilespmem:s17+$0xFFFFFC70]  }
0x16b: {  	v32 =	vld [tilespmem:s17+$0xFFFFFC10]  }
0x16c: {  	v33 =	vld [tilespmem:s17+$0xFFFFFCF0]  }
0x16d: {  	v35 =	vld [tilespmem:s17+$0xFFFFFC20]  }
0x16e: {  	v49 =	vld [tilespmem:s17+$0xFFFFFDF0]  }
0x16f: {  	v50 =	vld [tilespmem:s17+$0xFFFFFC40]  }
0x170: {  	v22 =	vadd.f32 v22, v5;
	v38 =	vld [tilespmem:s17+$0xFFFFFE70];
	v14 =	vadd.f32 v29, v14  }
0x171: {  	v39 =	vld [tilespmem:s17+$0xFFFFFC50];
	v13 =	vadd.f32 v28, v13;
	v12 =	vadd.f32 v27, v12  }
0x172: {  	v5 =	vmul.f32 v26, v26;
	v52 =	vld [tilespmem:s17+$0xFFFFFEF0];
	v11 =	vadd.f32 v26, v11;
	v10 =	vadd.f32 v25, v10  }
0x173: {  	v34 =	vmul.f32 v25, v25;
	v40 =	vld [tilespmem:s17+$0xFFFFFC60];
	v9 =	vadd.f32 v24, v9;
	v6 =	vadd.f32 v6, v7  }
0x174: {  	v36 =	vmul.f32 v24, v24;
	v54 =	vld [tilespmem:s17+$0xFFFFFF70];
	v21 =	vadd.f32 v21, v20;
	v20 =	vadd.f32 v31, v19  }
0x175: {  	v41 =	vld [tilespmem:s17+$0xFFFFFC00];
	v37 =	vmul.f32 v23, v23;
	v8 =	vadd.f32 v23, v8;
	v19 =	vadd.f32 v5, v17  }
0x176: {  	v31 =	vld [tilespmem:s17+$0xFFFFFD70];
	v17 =	vadd.f32 v34, v18;
	v16 =	vadd.f32 v36, v16  }
0x177: {  	v56 =	vld [tilespmem:s17+$0xFFFFFFF0];
	v5 =	vadd.f32 v37, v15;
	v48 =	vadd.f32 $0.0e+00, v30  }
0x178: {  	v42 =	vld [tilespmem:s17+$0xFFFFFC80];
	v30 =	vmul.f32 v30, v30;
	v15 =	vadd.f32 $0.0e+00, v32;
	v32 =	vmul.f32 v32, v32  }
0x179: {  	v18 =	vld [tilespmem:s17+$0xFFFFFC30];
	v29 =	vadd.f32 $0.0e+00, v35;
	v34 =	vadd.f32 v33, v48;
	v33 =	vmul.f32 v33, v33  }
0x17a: {  	v58 =	vld [tilespmem:s17+$0x70];
	v35 =	vmul.f32 v35, v35;
	v53 =	vmul.f32 v49, v49;
	v27 =	vadd.f32 $0.0e+00, v50  }
0x17b: {  	v43 =	vld [tilespmem:s17+$0xFFFFFC90];
	v30 =	vadd.f32 v33, v30;
	v51 =	vadd.f32 v31, v34;
	v31 =	vmul.f32 v31, v31  }
0x17c: {  	v60 =	vld [tilespmem:s17+$0xF0];
	v37 =	vmul.f32 v50, v50;
	v26 =	vadd.f32 $0.0e+00, v39;
	v25 =	vadd.f32 $0.0e+00, v40  }
0x17d: {  	v44 =	vld [tilespmem:s17+$0xFFFFFCA0];
	v55 =	vmul.f32 v38, v38;
	v30 =	vadd.f32 v31, v30;
	v31 =	vadd.f32 v49, v51  }
0x17e: {  	v62 =	vld [tilespmem:s17+$0x170];
	v39 =	vmul.f32 v39, v39;
	v24 =	vadd.f32 $0.0e+00, v41;
	v28 =	vadd.f32 $0.0e+00, v18  }
0x17f: {  	v63 =	vld [tilespmem:s17+$0xFFFFFCB0];
	v41 =	vmul.f32 v41, v41;
	v30 =	vadd.f32 v53, v30;
	v31 =	vadd.f32 v38, v31  }
0x180: {  	v48 =	vld [tilespmem:s17+$0x1F0];
	v23 =	vadd.f32 v42, v24;
	v24 =	vmul.f32 v42, v42;
	v15 =	vadd.f32 v43, v15  }
0x181: {  	v57 =	vmul.f32 v52, v52;
	v49 =	vld [tilespmem:s17+$0xFFFFFCC0];
	v30 =	vadd.f32 v55, v30;
	v31 =	vadd.f32 v52, v31  }
0x182: {  	v40 =	vmul.f32 v40, v40;
	v29 =	vadd.f32 v44, v29;
	v7 =	vadd.f32 v24, v41;
	v51 =	vld [tilespmem:s17+$0x270]  }
0x183: {  	v59 =	vmul.f32 v54, v54;
	v53 =	vld [tilespmem:s17+$0xFFFFFCD0];
	v30 =	vadd.f32 v57, v30;
	v31 =	vadd.f32 v54, v31  }
0x184: {  	v24 =	vmul.f32 v43, v43;
	v28 =	vadd.f32 v63, v28;
	v52 =	vmul.f32 v44, v44;
	v55 =	vld [tilespmem:s17+$0x2F0]  }
0x185: {  	v61 =	vmul.f32 v56, v56;
	v57 =	vld [tilespmem:s17+$0xFFFFFCE0];
	v30 =	vadd.f32 v59, v30;
	v31 =	vadd.f32 v56, v31  }
0x186: {  	v47 =	vmul.f32 v58, v58;
	v24 =	vadd.f32 v24, v32;
	v32 =	vadd.f32 v52, v35;
	v52 =	vld [tilespmem:s17+$0xFFFFFD30]  }
0x187: {  	v18 =	vmul.f32 v18, v18;
	v59 =	vld [tilespmem:s17+$0x370];
	v30 =	vadd.f32 v61, v30;
	v31 =	vadd.f32 v58, v31  }
0x188: {  	v27 =	vadd.f32 v49, v27;
	v26 =	vadd.f32 v53, v26;
	v56 =	vmul.f32 v63, v63;
	v63 =	vld [tilespmem:s17+$0x3F0]  }
0x189: {  	v50 =	vmul.f32 v60, v60;
	v61 =	vld [tilespmem:s17+$0xFFFFFD00];
	v30 =	vadd.f32 v47, v30;
	v31 =	vadd.f32 v60, v31  }
0x18a: {  	v54 =	vmul.f32 v62, v62;
	v18 =	vadd.f32 v56, v18;
	v56 =	vld [tilespmem:s17+$0xFFFFFD50];
	v25 =	vadd.f32 v57, v25  }
0x18b: {  	v58 =	vmul.f32 v48, v48;
	v30 =	vadd.f32 v50, v30;
	v31 =	vadd.f32 v62, v31;
	v50 =	vld [tilespmem:s17+$0xFFFFFD20]  }
0x18c: {  	v28 =	vadd.f32 v52, v28;
	v43 =	vmul.f32 v52, v52;
	v52 =	vld [tilespmem:s17+$0xFFFFFE10];
	v60 =	vmul.f32 v49, v49  }
0x18d: {  	v47 =	vmul.f32 v53, v53;
	v30 =	vadd.f32 v54, v30;
	v31 =	vadd.f32 v48, v31;
	v48 =	vld [tilespmem:s17+$0xFFFFFD10]  }
0x18e: {  	s19 =	sshra.s32 s19, $0x2;
	v49 =	vmul.f32 v55, v55;
	v18 =	vadd.f32 v43, v18;
	v35 =	vadd.f32 v60, v37;
	v54 =	vld [tilespmem:s17+$0xFFFFFD40]  }
0x18f: {  	v62 =	vmul.f32 v51, v51;
	v30 =	vadd.f32 v58, v30;
	v31 =	vadd.f32 v51, v31;
	v58 =	vld [tilespmem:s19+$0x14370]  }
0x190: {  	v23 =	vadd.f32 v61, v23;
	v29 =	vadd.f32 v50, v29;
	v38 =	vmul.f32 v50, v50;
	v50 =	vld [tilespmem:s17+$0xFFFFFDE0]  }
0x191: {  	v51 =	vmul.f32 v57, v57;
	v31 =	vadd.f32 v55, v31;
	v55 =	vmul.f32 v61, v61;
	v61 =	vld [tilespmem:s17+$0xFFFFFD90]  }
0x192: {  	v37 =	vadd.f32 v47, v39;
	v30 =	vadd.f32 v62, v30;
	v62 =	vld [tilespmem:s17+$0xFFFFFDB0]  }
0x193: {  	v53 =	vmul.f32 v59, v59;
	v26 =	vadd.f32 v56, v26;
	v39 =	vadd.f32 v51, v40;
	v51 =	vld [tilespmem:s17+$0xFFFFFE00]  }
0x194: {  	v15 =	vadd.f32 v48, v15;
	v27 =	vadd.f32 v54, v27;
	v34 =	vmul.f32 v54, v54;
	v54 =	vld [tilespmem:s17+$0xFFFFFE30]  }
0x195: {  	v60 =	vmul.f32 v48, v48;
	v32 =	vadd.f32 v38, v32;
	v31 =	vadd.f32 v59, v31;
	v59 =	vld [tilespmem:s17+$0xFFFFFD60]  }
0x196: {  	v48 =	vmul.f32 v56, v56;
	v30 =	vadd.f32 v49, v30;
	v40 =	vadd.f32 v55, v7;
	v49 =	vld [tilespmem:s17+$0xFFFFFDD0]  }
0x197: {  	v56 =	vld [tilespmem:s17+$0xFFFFFE50];
	v24 =	vadd.f32 v60, v24;
	v34 =	vadd.f32 v34, v35  }
0x198: {  	v57 =	vmul.f32 v63, v63;
	v55 =	vld [tilespmem:s17+$0xFFFFFE40];
	v37 =	vadd.f32 v48, v37;
	v30 =	vadd.f32 v53, v30  }
0x199: {  	v60 =	vld [tilespmem:s17+$0xFFFFFEA0];
	v31 =	vadd.f32 v63, v31;
	v15 =	vadd.f32 v61, v15;
	v41 =	vmul.f32 v61, v61  }
0x19a: {  	v63 =	vld [tilespmem:s17+$0xFFFFFDC0];
	v28 =	vadd.f32 v62, v28;
	v33 =	vmul.f32 v62, v62;
	v7 =	vadd.f32 v57, v30  }
0x19b: {  	v48 =	vld [tilespmem:s17+$0xFFFFFEE0];
	v30 =	vmul.f32 v31, v31;
	v25 =	vadd.f32 v59, v25;
	v26 =	vadd.f32 v49, v26  }
0x19c: {  	v61 =	vld [tilespmem:s17+$0xFFFFFEB0];
	v42 =	vmul.f32 v59, v59;
	v24 =	vadd.f32 v41, v24;
	v18 =	vadd.f32 v33, v18  }
0x19d: {  	v31 =	vld [tilespmem:s17+$0xFFFFFD80];
	v15 =	vadd.f32 v52, v15;
	v28 =	vadd.f32 v54, v28  }
0x19e: {  	v57 =	vld [tilespmem:s17+$0xFFFFFE60];
	v43 =	vmul.f32 v49, v49;
	v7 =	vsub.f32 v30, v7;
	v39 =	vadd.f32 v42, v39  }
0x19f: {  	v35 =	vmul.f32 v50, v50;
	v59 =	vld [tilespmem:s17+$0xFFFFFE90];
	v27 =	vadd.f32 v63, v27;
	v25 =	vadd.f32 v50, v25  }
0x1a0: {  	v30 =	vld [tilespmem:s17+$0xFFFFFDA0];
	v36 =	vmul.f32 v63, v63;
	v37 =	vadd.f32 v43, v37;
	v26 =	vadd.f32 v56, v26  }
0x1a1: {  	v53 =	vld [tilespmem:s17+$0xFFFFFE20];
	v38 =	vmul.f32 v51, v51;
	v7 =	vadd.f32 v58, v7;
	v28 =	vadd.f32 v61, v28  }
0x1a2: {  	v62 =	vld [tilespmem:s17+$0xFFFFFEC0];
	v42 =	vmul.f32 v52, v52;
	v23 =	vadd.f32 v31, v23;
	v34 =	vadd.f32 v36, v34  }
0x1a3: {  	v41 =	vmul.f32 v55, v55;
	v63 =	vld [tilespmem:s17+$0xFFFFFED0];
	v35 =	vadd.f32 v35, v39;
	v27 =	vadd.f32 v55, v27  }
0x1a4: {  	v50 =	vld [tilespmem:s17+$0xFFFFFF10];
	v31 =	vmul.f32 v31, v31;
	v24 =	vadd.f32 v42, v24;
	v25 =	vadd.f32 v57, v25  }
0x1a5: {  	v52 =	vld [tilespmem:s17+$0xFFFFFF30];
	v33 =	vmul.f32 v57, v57;
	v15 =	vadd.f32 v59, v15;
	v29 =	vadd.f32 v30, v29  }
0x1a6: {  	v49 =	vld [tilespmem:s17+$0xFFFFFF00];
	v44 =	vmul.f32 v53, v53;
	v31 =	vadd.f32 v31, v40;
	v23 =	vadd.f32 v51, v23  }
0x1a7: {  	v58 =	vld [tilespmem:s17+$0xFFFFFE80];
	v43 =	vmul.f32 v59, v59;
	v34 =	vadd.f32 v41, v34;
	v33 =	vadd.f32 v33, v35  }
0x1a8: {  	v39 =	vmul.f32 v60, v60;
	v55 =	vld [tilespmem:s17+$0xFFFFFF60];
	v27 =	vadd.f32 v62, v27;
	v25 =	vadd.f32 v48, v25  }
0x1a9: {  	v57 =	vld [tilespmem:s17+$0xFFFFFF90];
	v30 =	vmul.f32 v30, v30;
	v26 =	vadd.f32 v63, v26;
	v24 =	vadd.f32 v43, v24  }
0x1aa: {  	v42 =	vmul.f32 v62, v62;
	v15 =	vadd.f32 v50, v15;
	v28 =	vadd.f32 v52, v28  }
0x1ab: {  	v40 =	vmul.f32 v54, v54;
	v30 =	vadd.f32 v30, v32;
	v29 =	vadd.f32 v53, v29  }
0x1ac: {  	v59 =	vld [tilespmem:s17+$0xFFFFFFB0];
	v41 =	vmul.f32 v49, v49;
	v31 =	vadd.f32 v38, v31;
	v23 =	vadd.f32 v58, v23  }
0x1ad: {  	v54 =	vld [tilespmem:s17+$0xFFFFFF50];
	v32 =	vmul.f32 v56, v56;
	v18 =	vadd.f32 v40, v18;
	v34 =	vadd.f32 v42, v34  }
0x1ae: {  	v62 =	vld [tilespmem:s17+$0xFFFFFFE0];
	v36 =	vmul.f32 v58, v58;
	v25 =	vadd.f32 v55, v25;
	v15 =	vadd.f32 v57, v15  }
0x1af: {  	v51 =	vld [tilespmem:s17+$0xFFFFFF20];
	v38 =	vmul.f32 v61, v61;
	v30 =	vadd.f32 v44, v30;
	v29 =	vadd.f32 v60, v29  }
0x1b0: {  	v40 =	vmul.f32 v48, v48;
	v32 =	vadd.f32 v32, v37;
	v31 =	vadd.f32 v36, v31  }
0x1b1: {  	v53 =	vld [tilespmem:s17+$0xFFFFFF40];
	v44 =	vmul.f32 v63, v63;
	v23 =	vadd.f32 v49, v23;
	v18 =	vadd.f32 v38, v18  }
0x1b2: {  	v56 =	vld [tilespmem:s17+$0xFFFFFF80];
	v37 =	vmul.f32 v50, v50;
	v33 =	vadd.f32 v40, v33;
	v28 =	vadd.f32 v59, v28  }
0x1b3: {  	v61 =	vld [tilespmem:s17+$0xFFFFFFD0];
	v36 =	vmul.f32 v52, v52;
	v26 =	vadd.f32 v54, v26;
	v25 =	vadd.f32 v62, v25  }
0x1b4: {  	v48 =	vld [tilespmem:s17+$0x10];
	v38 =	vmul.f32 v55, v55;
	v30 =	vadd.f32 v39, v30;
	v29 =	vadd.f32 v51, v29  }
0x1b5: {  	v58 =	vld [tilespmem:s17+$0xFFFFFFA0];
	v35 =	vmul.f32 v51, v51;
	v32 =	vadd.f32 v44, v32;
	v31 =	vadd.f32 v41, v31  }
0x1b6: {  	v60 =	vld [tilespmem:s17+$0xFFFFFFC0];
	v39 =	vmul.f32 v54, v54;
	v24 =	vadd.f32 v37, v24;
	v18 =	vadd.f32 v36, v18  }
0x1b7: {  	v63 =	vld [tilespmem:s17+$0x0];
	v44 =	vmul.f32 v57, v57;
	v41 =	vmul.f32 v59, v59;
	v33 =	vadd.f32 v38, v33  }
0x1b8: {  	v49 =	vld [tilespmem:s17+$0x20];
	v36 =	vmul.f32 v62, v62;
	v27 =	vadd.f32 v53, v27;
	v23 =	vadd.f32 v56, v23  }
0x1b9: {  	v50 =	vld [tilespmem:s17+$0x30];
	v43 =	vmul.f32 v53, v53;
	v26 =	vadd.f32 v61, v26;
	v15 =	vadd.f32 v48, v15  }
0x1ba: {  	v52 =	vld [tilespmem:s17+$0x50];
	v42 =	vmul.f32 v56, v56;
	v30 =	vadd.f32 v35, v30;
	v29 =	vadd.f32 v58, v29  }
0x1bb: {  	v55 =	vld [tilespmem:s17+$0x90];
	v40 =	vmul.f32 v58, v58;
	v32 =	vadd.f32 v39, v32;
	v24 =	vadd.f32 v44, v24  }
0x1bc: {  	v51 =	vld [tilespmem:s17+$0x40];
	v35 =	vmul.f32 v61, v61;
	v18 =	vadd.f32 v41, v18;
	v33 =	vadd.f32 v36, v33  }
0x1bd: {  	v54 =	vld [tilespmem:s17+$0x80];
	v39 =	vmul.f32 v48, v48;
	v34 =	vadd.f32 v43, v34;
	v27 =	vadd.f32 v60, v27  }
0x1be: {  	v57 =	vld [tilespmem:s17+$0xB0];
	v37 =	vmul.f32 v60, v60;
	v31 =	vadd.f32 v42, v31;
	v23 =	vadd.f32 v63, v23  }
0x1bf: {  	v59 =	vld [tilespmem:s17+$0xD0];
	v43 =	vmul.f32 v63, v63;
	v28 =	vadd.f32 v50, v28;
	v26 =	vadd.f32 v52, v26  }
0x1c0: {  	v62 =	vld [tilespmem:s17+$0x110];
	v38 =	vmul.f32 v49, v49;
	v15 =	vadd.f32 v55, v15;
	v30 =	vadd.f32 v40, v30  }
0x1c1: {  	v53 =	vld [tilespmem:s17+$0x60];
	v42 =	vmul.f32 v50, v50;
	v29 =	vadd.f32 v49, v29;
	v32 =	vadd.f32 v35, v32  }
0x1c2: {  	v56 =	vld [tilespmem:s17+$0xA0];
	v40 =	vmul.f32 v52, v52;
	v24 =	vadd.f32 v39, v24;
	v34 =	vadd.f32 v37, v34  }
0x1c3: {  	v35 =	vmul.f32 v55, v55;
	v27 =	vadd.f32 v51, v27;
	v31 =	vadd.f32 v43, v31  }
0x1c4: {  	v44 =	vmul.f32 v51, v51;
	v23 =	vadd.f32 v54, v23;
	v18 =	vadd.f32 v42, v18  }
0x1c5: {  	v58 =	vld [tilespmem:s17+$0xC0];
	v37 =	vmul.f32 v54, v54;
	v28 =	vadd.f32 v57, v28;
	v26 =	vadd.f32 v59, v26  }
0x1c6: {  	v61 =	vld [tilespmem:s17+$0x100];
	v43 =	vmul.f32 v57, v57;
	v15 =	vadd.f32 v62, v15;
	v25 =	vadd.f32 v53, v25  }
0x1c7: {  	v48 =	vld [tilespmem:s17+$0x130];
	v41 =	vmul.f32 v53, v53;
	v30 =	vadd.f32 v38, v30;
	v29 =	vadd.f32 v56, v29  }
0x1c8: {  	v60 =	vld [tilespmem:s17+$0xE0];
	v36 =	vmul.f32 v56, v56;
	v32 =	vadd.f32 v40, v32;
	v38 =	vmul.f32 v59, v59  }
0x1c9: {  	v63 =	vld [tilespmem:s17+$0x120];
	v24 =	vadd.f32 v35, v24;
	v40 =	vmul.f32 v62, v62;
	v34 =	vadd.f32 v44, v34  }
0x1ca: {  	v50 =	vld [tilespmem:s17+$0x150];
	v27 =	vadd.f32 v58, v27;
	v39 =	vmul.f32 v58, v58;
	v31 =	vadd.f32 v37, v31  }
0x1cb: {  	v49 =	vld [tilespmem:s17+$0x140];
	v23 =	vadd.f32 v61, v23;
	v44 =	vmul.f32 v61, v61;
	v18 =	vadd.f32 v43, v18  }
0x1cc: {  	v52 =	vld [tilespmem:s17+$0x180];
	v28 =	vadd.f32 v48, v28;
	v37 =	vmul.f32 v48, v48;
	v33 =	vadd.f32 v41, v33  }
0x1cd: {  	v55 =	vld [tilespmem:s17+$0x1B0];
	v25 =	vadd.f32 v60, v25;
	v42 =	vmul.f32 v60, v60;
	v30 =	vadd.f32 v36, v30  }
0x1ce: {  	v51 =	vld [tilespmem:s17+$0x160];
	v29 =	vadd.f32 v63, v29;
	v41 =	vmul.f32 v63, v63;
	v32 =	vadd.f32 v38, v32  }
0x1cf: {  	v54 =	vld [tilespmem:s17+$0x1A0];
	v26 =	vadd.f32 v50, v26;
	v36 =	vmul.f32 v50, v50;
	v24 =	vadd.f32 v40, v24  }
0x1d0: {  	v57 =	vld [tilespmem:s17+$0x1D0];
	v34 =	vadd.f32 v39, v34;
	v27 =	vadd.f32 v49, v27;
	v35 =	vmul.f32 v49, v49  }
0x1d1: {  	v53 =	vld [tilespmem:s17+$0x190];
	v31 =	vadd.f32 v44, v31;
	v23 =	vadd.f32 v52, v23;
	v39 =	vmul.f32 v52, v52  }
0x1d2: {  	v56 =	vld [tilespmem:s17+$0x1C0];
	v18 =	vadd.f32 v37, v18;
	v28 =	vadd.f32 v55, v28;
	v44 =	vmul.f32 v55, v55  }
0x1d3: {  	v59 =	vld [tilespmem:s17+$0x200];
	v33 =	vadd.f32 v42, v33;
	v25 =	vadd.f32 v51, v25;
	v43 =	vmul.f32 v51, v51  }
0x1d4: {  	v62 =	vld [tilespmem:s17+$0x230];
	v30 =	vadd.f32 v41, v30;
	v29 =	vadd.f32 v54, v29;
	v42 =	vmul.f32 v54, v54  }
0x1d5: {  	v58 =	vld [tilespmem:s17+$0x1E0];
	v32 =	vadd.f32 v36, v32;
	v26 =	vadd.f32 v57, v26;
	v41 =	vmul.f32 v57, v57  }
0x1d6: {  	v61 =	vld [tilespmem:s17+$0x220];
	v15 =	vadd.f32 v53, v15;
	v38 =	vmul.f32 v53, v53;
	v34 =	vadd.f32 v35, v34  }
0x1d7: {  	v48 =	vld [tilespmem:s17+$0x250];
	v27 =	vadd.f32 v56, v27;
	v40 =	vmul.f32 v56, v56;
	v31 =	vadd.f32 v39, v31  }
0x1d8: {  	v60 =	vld [tilespmem:s17+$0x210];
	v23 =	vadd.f32 v59, v23;
	v35 =	vmul.f32 v59, v59;
	v18 =	vadd.f32 v44, v18  }
0x1d9: {  	v63 =	vld [tilespmem:s17+$0x240];
	v28 =	vadd.f32 v62, v28;
	v39 =	vmul.f32 v62, v62;
	v33 =	vadd.f32 v43, v33  }
0x1da: {  	v50 =	vld [tilespmem:s17+$0x280];
	v25 =	vadd.f32 v58, v25;
	v37 =	vmul.f32 v58, v58;
	v30 =	vadd.f32 v42, v30  }
0x1db: {  	v49 =	vld [tilespmem:s17+$0x260];
	v29 =	vadd.f32 v61, v29;
	v43 =	vmul.f32 v61, v61;
	v32 =	vadd.f32 v41, v32  }
0x1dc: {  	v52 =	vld [tilespmem:s17+$0x2A0];
	v26 =	vadd.f32 v48, v26;
	v42 =	vmul.f32 v48, v48;
	v24 =	vadd.f32 v38, v24  }
0x1dd: {  	v55 =	vld [tilespmem:s17+$0x2D0];
	v15 =	vadd.f32 v60, v15;
	v36 =	vmul.f32 v60, v60;
	v34 =	vadd.f32 v40, v34  }
0x1de: {  	v51 =	vld [tilespmem:s17+$0x290];
	v27 =	vadd.f32 v63, v27;
	v38 =	vmul.f32 v63, v63;
	v31 =	vadd.f32 v35, v31  }
0x1df: {  	v54 =	vld [tilespmem:s17+$0x2C0];
	v23 =	vadd.f32 v50, v23;
	v40 =	vmul.f32 v50, v50;
	v18 =	vadd.f32 v39, v18  }
0x1e0: {  	v57 =	vld [tilespmem:s17+$0x300];
	v33 =	vadd.f32 v37, v33;
	v25 =	vadd.f32 v49, v25;
	v44 =	vmul.f32 v49, v49  }
0x1e1: {  	v53 =	vld [tilespmem:s17+$0x2B0];
	v30 =	vadd.f32 v43, v30;
	v29 =	vadd.f32 v52, v29;
	v37 =	vmul.f32 v52, v52  }
0x1e2: {  	v56 =	vld [tilespmem:s17+$0x2E0];
	v32 =	vadd.f32 v42, v32;
	v26 =	vadd.f32 v55, v26;
	v43 =	vmul.f32 v55, v55  }
0x1e3: {  	v59 =	vld [tilespmem:s17+$0x320];
	v24 =	vadd.f32 v36, v24;
	v15 =	vadd.f32 v51, v15;
	v41 =	vmul.f32 v51, v51  }
0x1e4: {  	v62 =	vld [tilespmem:s17+$0x350];
	v34 =	vadd.f32 v38, v34;
	v27 =	vadd.f32 v54, v27;
	v36 =	vmul.f32 v54, v54  }
0x1e5: {  	v58 =	vld [tilespmem:s17+$0x310];
	v31 =	vadd.f32 v40, v31;
	v23 =	vadd.f32 v57, v23;
	v38 =	vmul.f32 v57, v57  }
0x1e6: {  	v61 =	vld [tilespmem:s17+$0x340];
	v28 =	vadd.f32 v53, v28;
	v35 =	vmul.f32 v53, v53;
	v33 =	vadd.f32 v44, v33  }
0x1e7: {  	v48 =	vld [tilespmem:s17+$0x380];
	v25 =	vadd.f32 v56, v25;
	v39 =	vmul.f32 v56, v56;
	v30 =	vadd.f32 v37, v30  }
0x1e8: {  	v60 =	vld [tilespmem:s17+$0x330];
	v29 =	vadd.f32 v59, v29;
	v44 =	vmul.f32 v59, v59;
	v32 =	vadd.f32 v43, v32  }
0x1e9: {  	v63 =	vld [tilespmem:s17+$0x360];
	v26 =	vadd.f32 v62, v26;
	v37 =	vmul.f32 v62, v62;
	v24 =	vadd.f32 v41, v24  }
0x1ea: {  	v50 =	vld [tilespmem:s17+$0x3A0];
	v15 =	vadd.f32 v58, v15;
	v42 =	vmul.f32 v58, v58;
	v34 =	vadd.f32 v36, v34  }
0x1eb: {  	v49 =	vld [tilespmem:s17+$0x390];
	v27 =	vadd.f32 v61, v27;
	v41 =	vmul.f32 v61, v61;
	v31 =	vadd.f32 v38, v31  }
0x1ec: {  	v52 =	vld [tilespmem:s17+$0x3C0];
	v23 =	vadd.f32 v48, v23;
	v36 =	vmul.f32 v48, v48;
	v18 =	vadd.f32 v35, v18  }
0x1ed: {  	v28 =	vadd.f32 v60, v28;
	v40 =	vmul.f32 v60, v60;
	v33 =	vadd.f32 v39, v33  }
0x1ee: {  	v51 =	vld [tilespmem:s17+$0x3B0];
	v25 =	vadd.f32 v63, v25;
	v35 =	vmul.f32 v63, v63;
	v30 =	vadd.f32 v44, v30  }
0x1ef: {  	v54 =	vld [tilespmem:s17+$0x3E0];
	v29 =	vadd.f32 v50, v29;
	v39 =	vmul.f32 v50, v50;
	v32 =	vadd.f32 v37, v32  }
0x1f0: {  	v53 =	vld [tilespmem:s17+$0x3D0];
	v24 =	vadd.f32 v42, v24;
	v15 =	vadd.f32 v49, v15;
	v43 =	vmul.f32 v49, v49  }
0x1f1: {  	v34 =	vadd.f32 v41, v34;
	v27 =	vadd.f32 v52, v27;
	v56 =	vmul.f32 v52, v52  }
0x1f2: {  	v23 =	vmul.f32 v23, v23;
	v31 =	vadd.f32 v36, v31;
	v18 =	vadd.f32 v40, v18  }
0x1f3: {  	v28 =	vadd.f32 v51, v28;
	v55 =	vmul.f32 v51, v51;
	v33 =	vadd.f32 v35, v33  }
0x1f4: {  	v25 =	vadd.f32 v54, v25;
	v40 =	vmul.f32 v54, v54;
	v29 =	vmul.f32 v29, v29  }
0x1f5: {  	v58 =	vld [tilespmem:s19+$0x14300];
	v30 =	vadd.f32 v39, v30;
	v26 =	vadd.f32 v53, v26;
	v57 =	vmul.f32 v53, v53  }
0x1f6: {  	v59 =	vld [tilespmem:s19+$0x14310];
	v15 =	vmul.f32 v15, v15;
	v24 =	vadd.f32 v43, v24;
	v34 =	vadd.f32 v56, v34  }
0x1f7: {  	v60 =	vld [tilespmem:s19+$0x14320];
	v27 =	vmul.f32 v27, v27;
	v23 =	vsub.f32 v23, v31;
	v18 =	vadd.f32 v55, v18  }
0x1f8: {  	v62 =	vld [tilespmem:s19+$0x14340];
	v28 =	vmul.f32 v28, v28;
	v33 =	vadd.f32 v40, v33;
	v29 =	vsub.f32 v29, v30  }
0x1f9: {  	v61 =	vld [tilespmem:s19+$0x14330];
	v25 =	vmul.f32 v25, v25;
	v32 =	vadd.f32 v57, v32;
	v15 =	vsub.f32 v15, v24  }
0x1fa: {  	v26 =	vmul.f32 v26, v26;
	v27 =	vsub.f32 v27, v34;
	v23 =	vadd.f32 v58, v23  }
0x1fb: {  	v24 =	vld [tilespmem:s19+$0x14350];
	v18 =	vsub.f32 v28, v18;
	v25 =	vsub.f32 v25, v33  }
0x1fc: {  	v29 =	vadd.f32 v60, v29;
	v26 =	vsub.f32 v26, v32  }
0x1fd: {  	v15 =	vadd.f32 v59, v15;
	v31 =	vmul.f32 v23, v23;
	v14 =	vadd.f32 v23, v14  }
0x1fe: {  	s20 =	sshll.u32 s2, $0x8;
	v28 =	vld [tilespmem:s19+$0x14360];
	v23 =	vadd.f32 v62, v27;
	v18 =	vadd.f32 v61, v18  }
0x1ff: {  	v30 =	vmul.f32 v7, v7;
	v27 =	vld [tilespmem:s20+$0x2300];
	v22 =	vadd.f32 v31, v22;
	v13 =	vadd.f32 v15, v13  }
0x200: {  	v63 =	vld [tilespmem:s20+$0x2310];
	v14 =	vmul.f32 v14, v14;
	v24 =	vadd.f32 v24, v26;
	v26 =	vmul.f32 v15, v15  }
0x201: {  	v12 =	vadd.f32 v29, v12;
	v10 =	vadd.f32 v23, v10;
	v15 =	vld [tilespmem:s20+$0x3300];
	v31 =	vmul.f32 v18, v18  }
0x202: {  	v14 =	vsub.f32 v14, v22;
	v13 =	vmul.f32 v13, v13;
	v21 =	vadd.f32 v26, v21  }
0x203: {  	v11 =	vadd.f32 v18, v11;
	v25 =	vadd.f32 v28, v25;
	v28 =	vmul.f32 v29, v29;
	v26 =	vld [tilespmem:s20+$0x3310]  }
0x204: {  	v22 =	vmul.f32 v23, v23;
	v14 =	vadd.f32 v27, v14;
	v13 =	vsub.f32 v13, v21;
	v21 =	vld [tilespmem:s20+$0x2320]  }
0x205: {  	v12 =	vmul.f32 v12, v12;
	v18 =	vld [tilespmem:s20+$0x3320];
	v10 =	vmul.f32 v10, v10;
	v20 =	vadd.f32 v28, v20  }
0x206: {  	v17 =	vadd.f32 v22, v17;
	v22 =	vld [tilespmem:s20+$0x2330];
	v14 =	vmul.f32 v15, v14;
	v13 =	vadd.f32 v63, v13  }
0x207: {  	v23 =	vld [tilespmem:s20+$0x2340];
	v19 =	vadd.f32 v31, v19;
	v11 =	vmul.f32 v11, v11;
	v12 =	vsub.f32 v12, v20  }
0x208: {  	v9 =	vadd.f32 v24, v9;
	v20 =	vld [tilespmem:s20+$0x3330];
	v14 =	vadd.f32 $0.0e+00, v14;
	v13 =	vmul.f32 v26, v13  }
0x209: {  	v28 =	vmul.f32 v24, v24;
	v11 =	vsub.f32 v11, v19;
	v12 =	vadd.f32 v21, v12  }
0x20a: {  	v8 =	vadd.f32 v25, v8;
	v19 =	vmul.f32 v25, v25;
	v13 =	vadd.f32 v13, v14;
	v14 =	vld [tilespmem:s20+$0x3340]  }
0x20b: {  	v10 =	vsub.f32 v10, v17;
	v17 =	vld [tilespmem:s20+$0x2350];
	v11 =	vadd.f32 v22, v11;
	v12 =	vmul.f32 v18, v12  }
0x20c: {  	v9 =	vmul.f32 v9, v9;
	v16 =	vadd.f32 v28, v16;
	v5 =	vadd.f32 v19, v5;
	v19 =	vld [tilespmem:s20+$0x3350]  }
0x20d: {  	v10 =	vadd.f32 v23, v10;
	v11 =	vmul.f32 v20, v11;
	v12 =	vadd.f32 v12, v13;
	v13 =	vld [tilespmem:s20+$0x2360]  }
0x20e: {  	v6 =	vadd.f32 v7, v6;
	v8 =	vmul.f32 v8, v8;
	v7 =	vsub.f32 v9, v16;
	v9 =	vld [tilespmem:s20+$0x3360]  }
0x20f: {  	v4 =	vadd.f32 v30, v4;
	v11 =	vadd.f32 v11, v12;
	v10 =	vmul.f32 v14, v10;
	v12 =	vld [tilespmem:s20+$0x2370]  }
0x210: {  	v6 =	vmul.f32 v6, v6;
	v5 =	vsub.f32 v8, v5;
	v7 =	vadd.f32 v17, v7  }
0x211: {  	v8 =	vadd.f32 v10, v11;
	v10 =	vld [tilespmem:s20+$0x3370]  }
0x212: {  	v4 =	vsub.f32 v6, v4;
	v7 =	vmul.f32 v19, v7;
	v5 =	vadd.f32 v13, v5;
	_ =	sdelay $0x1  }
0x213: {  	v6 =	vadd.f32 v7, v8;
	v5 =	vmul.f32 v9, v5;
	v4 =	vadd.f32 v12, v4;
	_ =	sdelay $0x1  }
0x214: {  	v5 =	vadd.f32 v5, v6;
	v4 =	vmul.f32 v10, v4;
	_ =	sdelay $0x1  }
0x215: {  	v4 =	vadd.f32 v4, v5;
	_ =	sdelay $0x1  }
0x216: {  	[tilespmem:$0x15380] =	vst v4  }
0x217: {  	v5 =	vld.idx.msk [tilespmem:v0+s29+$0x0], $0xffff;
	_ =	sdelay $0x4  }
0x218: {  	v4 =	vadd.f32 v5, v4;
	_ =	sdelay $0x1  }
0x219: {  	[tilespmem:$0x15380] =	vst v4  }
0x21a: {  	v7 =	vmul.f32 v26, v26;
	v6 =	vmul.f32 v15, v15;
	v5 =	vld.idx.msk [tilespmem:v1+s29+$0x0], $0xffff;
	_ =	sdelay $0x1  }
0x21b: {  	v6 =	vadd.f32 v7, v6;
	v7 =	vmul.f32 v18, v18;
	_ =	sdelay $0x1  }
0x21c: {  	v6 =	vadd.f32 v7, v6;
	v7 =	vmul.f32 v20, v20  }
0x21d: {  	v4 =	vadd.f32 v5, v4  }
0x21e: {  	v5 =	vadd.f32 v7, v6;
	v6 =	vmul.f32 v14, v14  }
0x21f: {  	[tilespmem:$0x15380] =	vst v4  }
0x220: {  	v5 =	vadd.f32 v6, v5;
	v6 =	vmul.f32 v19, v19;
	v7 =	vld.idx.msk [tilespmem:v2+s29+$0x0], $0xffff;
	_ =	sdelay $0x1  }
0x221: {  	v5 =	vadd.f32 v6, v5;
	v6 =	vmul.f32 v9, v9;
	_ =	sdelay $0x1  }
0x222: {  	v5 =	vadd.f32 v6, v5;
	v6 =	vmul.f32 v10, v10  }
0x223: {  	v4 =	vadd.f32 v7, v4  }
0x224: {  	v5 =	vadd.f32 v6, v5  }
0x225: {  	[tilespmem:$0x15380] =	vst v4  }
0x226: {  	v6 =	vld.idx.msk [tilespmem:v3+s29+$0x0], $0xffff;
	[tilespmem:$0x15380] =	vst v5  }
0x227: {  	v7 =	vld.idx.msk [tilespmem:v0+s29+$0x0], $0xffff;
	_ =	sdelay $0x4  }
0x228: {  	v5 =	vadd.f32 v7, v5;
	_ =	sdelay $0x1  }
0x229: {  	[tilespmem:$0x15380] =	vst v5  }
0x22a: {  	v7 =	vld.idx.msk [tilespmem:v1+s29+$0x0], $0xffff;
	_ =	sdelay $0x4  }
0x22b: {  	v5 =	vadd.f32 v7, v5;
	_ =	sdelay $0x1  }
0x22c: {  	[tilespmem:$0x15380] =	vst v5  }
0x22d: {  	v7 =	vld.idx.msk [tilespmem:v2+s29+$0x0], $0xffff;
	_ =	sdelay $0x4  }
0x22e: {  	v5 =	vadd.f32 v7, v5;
	_ =	sdelay $0x1  }
0x22f: {  	[tilespmem:$0x15380] =	vst v5  }
0x230: {  	v7 =	vld.idx.msk [tilespmem:v3+s29+$0x0], $0xffff;
	_ =	sdelay $0x4  }
0x231: {  	v5 =	vadd.f32 v7, v5;
	_ =	sdelay $0x1  }
0x232: {  	v5 =	vmax.f32 v5, $1.000000000e-30  }
0x233: {  	v7 =	vshrl.u32 v5, $0x1;
	v5 =	vmul.f32 $5.000000000e-01, v5  }
0x234: {  	v7 =	vsub.s32 $0x5F3759DF, v7  }
0x235: {  	v8 =	vmul.f32 v7, v5;
	_ =	sdelay $0x1  }
0x236: {  	v8 =	vmul.f32 v7, v8;
	_ =	sdelay $0x1  }
0x237: {  	v8 =	vsub.f32 $1.500000000e+00, v8;
	_ =	sdelay $0x1  }
0x238: {  	v7 =	vmul.f32 v7, v8;
	_ =	sdelay $0x1  }
0x239: {  	v8 =	vmul.f32 v7, v5;
	_ =	sdelay $0x1  }
0x23a: {  	v8 =	vmul.f32 v8, v7;
	_ =	sdelay $0x1  }
0x23b: {  	v8 =	vsub.f32 $1.500000000e+00, v8;
	_ =	sdelay $0x1  }
0x23c: {  	v7 =	vmul.f32 v8, v7;
	_ =	sdelay $0x1  }
0x23d: {  	v5 =	vmul.f32 v7, v5;
	_ =	sdelay $0x1  }
0x23e: {  	v5 =	vmul.f32 v5, v7;
	_ =	sdelay $0x1  }
0x23f: {  	v5 =	vsub.f32 $1.500000000e+00, v5;
	_ =	sdelay $0x1  }
0x240: {  	v5 =	vmul.f32 v5, v7  }
0x241: {  	v4 =	vadd.f32 v6, v4  }
0x242: {  	v5 =	vmin.f32 v5, $1.000000000e+00  }
0x243: {  	v4 =	vmul.f32 v5, v4;
	_ =	sdelay $0x1  }
0x244: {  	v4 =	vsub.f32 $0.0e+00, v4;
	_ =	sdelay $0x1  }
0x245: {  	v4 =	vmul.f32 $1.442695020e+00, v4;
	_ =	sdelay $0x1  }
0x246: {  	(erf) = vpow2.f32 v4;
	_ =	sdelay $0x8  }
0x247: {  	v4 =	vpop (erf)  }
0x248: {  	v4 =	vadd.f32 $1.000000000e+00, v4;
	_ =	sdelay $0x1  }
0x249: {  	(erf) = vrcp.f32 v4;
	_ =	sdelay $0x1  }
0x24a: {  	v4 =	vmov s16  }
0x24b: {  	v4 =	vand.u32 $0xFFFFFFFE, v4  }
0x24c: {  	v4 =	vbroadcast v4, $0x0;
	_ =	sdelay $0x2  }
0x24d: {  	p0 =	seq.s32 s2, $0xF  }
0x24e: {  	s16 =	sadd.s32 @!p0 $0x2, s16  }
0x24f: {  	s19 =	simm.s32 @!p0 $0x80;
	s17 =	sshll.u32 @!p0 s16, $0x8;
	v5 =	vpop (erf)  }
0x250: {  	s20 =	simm.s32 @!p0 $0x4300;
	s16 =	sshll.u32 @!p0 s16, $0x4;
	s17 =	sand.u32 @!p0 $0x3FFFFF00, s17;
	[tilespmem:v4+s30+$0x0] =	vst.idx.msk $0x1, v5  }
0x251: {  	[tilespmem:s20], [sflag:$0x2] =	stream.indirect.gather @!p0 [hbm4b:s4+s19], $0x80, s17, s19, $0xb8;
	[tilespmem:$0x15400] =	vst v63  }
0x252: {  	s16 =	sand.u32 @!p0 $0x3FFFFFF0, s16;
	s17 =	sor.u32 @!p0 $0x80, s17;
	s20 =	simm.s32 @!p0 $0x8300  }
0x253: {  	[tilespmem:s20], [sflag:$0x2] =	stream.indirect.gather @!p0 [hbm4b:s4+s19], $0x80, s17, s19, $0xb8;
	[tilespmem:$0x15400] =	vst v63  }
0x254: {  	s16 =	sadd.s32 @!p0 $0x2000, s16;
	s17 =	simm.s32 @!p0 $0x10;
	s19 =	simm.s32 @!p0 $0x14300  }
0x255: {  	[tilespmem:s19], [sflag:$0x2] =	stream.indirect.gather @!p0 [hbm4b:s4+s17], $0x80, s16, s17, $0xb8;
	[tilespmem:$0x15400] =	vst v63  }
0x256: {  	_ =	swait.ge [sflag:s31], $0x4000  }
0x257: {  	[sflag:s31] =	ssyncset.done $0x0  }
0x258: {  	[sflag:s31] =	ssyncadd.s32 $0xFFFFC000  }
0x259: {  	_ =	swait.ge [sflag:s31], $0x4000  }
0x25a: {  	[sflag:s31] =	ssyncset.done $0x0  }
0x25b: {  	[sflag:s31] =	ssyncadd.s32 $0xFFFFC000  }
0x25c: {  	_ =	swait.ge [sflag:s31], $0x800  }
0x25d: {  	[sflag:s31] =	ssyncset.done $0x0  }
0x25e: {  	s22 =	simm.s32 $0x0;
	[sflag:s31] =	ssyncadd.s32 $0xFFFFF800  }
0x25f: {  	v4 =	vld [tilespmem:s22+$0xC370]  }
0x260: {  	v5 =	vld [tilespmem:s22+$0xC300]  }
0x261: {  	v6 =	vld [tilespmem:s22+$0xC3F0]  }
0x262: {  	v7 =	vld [tilespmem:s22+$0xC310]  }
0x263: {  	v8 =	vld [tilespmem:s22+$0xC470]  }
0x264: {  	v9 =	vld [tilespmem:s22+$0xC320]  }
0x265: {  	v11 =	vld [tilespmem:s22+$0xC4F0];
	v10 =	vadd.f32 $0.0e+00, v4  }
0x266: {  	v12 =	vld [tilespmem:s22+$0xC330]  }
0x267: {  	v13 =	vld [tilespmem:s22+$0xC570];
	v4 =	vmul.f32 v4, v4;
	v10 =	vadd.f32 v6, v10;
	v6 =	vmul.f32 v6, v6  }
0x268: {  	v18 =	vld [tilespmem:s22+$0xC360]  }
0x269: {  	v27 =	vld [tilespmem:s22+$0xC3B0];
	v4 =	vadd.f32 v6, v4;
	v6 =	vadd.f32 v8, v10;
	v8 =	vmul.f32 v8, v8  }
0x26a: {  	v15 =	vld [tilespmem:s22+$0xC5F0]  }
0x26b: {  	v14 =	vld [tilespmem:s22+$0xC340];
	v4 =	vadd.f32 v8, v4;
	v6 =	vadd.f32 v11, v6;
	v8 =	vmul.f32 v11, v11  }
0x26c: {  	v17 =	vld [tilespmem:s22+$0xC670];
	v19 =	vadd.f32 $0.0e+00, v12;
	v12 =	vmul.f32 v12, v12  }
0x26d: {  	v21 =	vld [tilespmem:s22+$0xC380];
	v4 =	vadd.f32 v8, v4;
	v6 =	vadd.f32 v13, v6;
	v8 =	vmul.f32 v13, v13  }
0x26e: {  	v20 =	vld [tilespmem:s22+$0xC6F0];
	v24 =	vadd.f32 $0.0e+00, v18;
	v18 =	vmul.f32 v18, v18;
	v19 =	vadd.f32 v27, v19  }
0x26f: {  	v23 =	vld [tilespmem:s22+$0xC390];
	v4 =	vadd.f32 v8, v4;
	v6 =	vadd.f32 v15, v6;
	v8 =	vmul.f32 v15, v15  }
0x270: {  	v22 =	vld [tilespmem:s22+$0xC770];
	v10 =	vadd.f32 $0.0e+00, v5;
	v5 =	vmul.f32 v5, v5;
	v11 =	vadd.f32 $0.0e+00, v7  }
0x271: {  	v26 =	vld [tilespmem:s22+$0xC3A0];
	v4 =	vadd.f32 v8, v4;
	v6 =	vadd.f32 v17, v6;
	v8 =	vmul.f32 v17, v17  }
0x272: {  	v25 =	vld [tilespmem:s22+$0xC7F0];
	v7 =	vmul.f32 v7, v7;
	v10 =	vadd.f32 v21, v10;
	v13 =	vadd.f32 $0.0e+00, v9  }
0x273: {  	v16 =	vld [tilespmem:s22+$0xC350];
	v4 =	vadd.f32 v8, v4;
	v6 =	vadd.f32 v20, v6;
	v8 =	vmul.f32 v20, v20  }
0x274: {  	v28 =	vld [tilespmem:s22+$0xC450];
	v11 =	vadd.f32 v23, v11;
	v15 =	vadd.f32 $0.0e+00, v14;
	v20 =	vmul.f32 v21, v21  }
0x275: {  	v21 =	vld [tilespmem:s22+$0xC870];
	v4 =	vadd.f32 v8, v4;
	v6 =	vadd.f32 v22, v6;
	v8 =	vmul.f32 v22, v22  }
0x276: {  	v13 =	vadd.f32 v26, v13;
	v20 =	vadd.f32 v20, v5;
	v5 =	vmul.f32 v23, v23;
	v23 =	vld [tilespmem:s22+$0xC3C0]  }
0x277: {  	v9 =	vmul.f32 v9, v9;
	v22 =	vld [tilespmem:s22+$0xC8F0];
	v4 =	vadd.f32 v8, v4;
	v6 =	vadd.f32 v25, v6  }
0x278: {  	v8 =	vmul.f32 v25, v25;
	v7 =	vadd.f32 v5, v7;
	v5 =	vmul.f32 v26, v26;
	v26 =	vld [tilespmem:s22+$0xC3D0]  }
0x279: {  	v14 =	vmul.f32 v14, v14;
	v17 =	vadd.f32 $0.0e+00, v16;
	v16 =	vmul.f32 v16, v16;
	v25 =	vld [tilespmem:s22+$0xC970]  }
0x27a: {  	v4 =	vadd.f32 v8, v4;
	v6 =	vadd.f32 v21, v6;
	v8 =	vmul.f32 v21, v21;
	v21 =	vld [tilespmem:s22+$0xC9F0]  }
0x27b: {  	v9 =	vadd.f32 v5, v9;
	v5 =	vmul.f32 v27, v27;
	v27 =	vld [tilespmem:s22+$0xC3E0];
	v15 =	vadd.f32 v23, v15  }
0x27c: {  	v4 =	vadd.f32 v8, v4;
	v6 =	vadd.f32 v22, v6;
	v8 =	vmul.f32 v22, v22;
	v22 =	vld [tilespmem:s22+$0xCA70]  }
0x27d: {  	v12 =	vadd.f32 v5, v12;
	v5 =	vmul.f32 v23, v23;
	v23 =	vld [tilespmem:s22+$0xC400];
	v17 =	vadd.f32 v26, v17  }
0x27e: {  	v4 =	vadd.f32 v8, v4;
	v6 =	vadd.f32 v25, v6;
	v8 =	vmul.f32 v25, v25  }
0x27f: {  	v14 =	vadd.f32 v5, v14;
	v5 =	vmul.f32 v26, v26;
	v26 =	vld [tilespmem:s22+$0xC410];
	v17 =	vadd.f32 v28, v17  }
0x280: {  	v25 =	vld [tilespmem:s22+$0xCAF0];
	v4 =	vadd.f32 v8, v4;
	v6 =	vadd.f32 v21, v6;
	v8 =	vmul.f32 v21, v21  }
0x281: {  	v16 =	vadd.f32 v5, v16;
	v21 =	vadd.f32 v27, v24;
	v5 =	vmul.f32 v27, v27;
	v27 =	vld [tilespmem:s22+$0xC430]  }
0x282: {  	v24 =	vld [tilespmem:s22+$0xC420];
	v10 =	vadd.f32 v23, v10;
	v4 =	vadd.f32 v8, v4;
	v8 =	vmul.f32 v22, v22  }
0x283: {  	v29 =	vld [tilespmem:s22+$0xC490];
	v6 =	vadd.f32 v22, v6;
	v18 =	vadd.f32 v5, v18;
	v22 =	vmul.f32 v23, v23  }
0x284: {  	s16 =	simm.s32 $0x14B70;
	v28 =	vmul.f32 v28, v28;
	v23 =	vld [tilespmem:s22+$0xC440];
	v11 =	vadd.f32 v26, v11;
	v4 =	vadd.f32 v8, v4  }
0x285: {  	v6 =	vadd.f32 v25, v6;
	v8 =	vmul.f32 v25, v25;
	v20 =	vadd.f32 v22, v20;
	v22 =	vld [tilespmem:s16+$0x0]  }
0x286: {  	v25 =	vmul.f32 v26, v26;
	v26 =	vld [tilespmem:s22+$0xC460];
	v19 =	vadd.f32 v27, v19;
	v27 =	vmul.f32 v27, v27  }
0x287: {  	v4 =	vadd.f32 v8, v4;
	v8 =	vadd.f32 v24, v13;
	v13 =	vmul.f32 v24, v24;
	v24 =	vld [tilespmem:s22+$0xC480]  }
0x288: {  	v16 =	vadd.f32 v28, v16;
	v6 =	vmul.f32 v6, v6;
	v7 =	vadd.f32 v25, v7;
	v25 =	vld [tilespmem:s22+$0xC4A0]  }
0x289: {  	v28 =	vmul.f32 v29, v29;
	v11 =	vadd.f32 v29, v11;
	v12 =	vadd.f32 v27, v12;
	v27 =	vld [tilespmem:s22+$0xC4E0]  }
0x28a: {  	v4 =	vsub.f32 v6, v4;
	v9 =	vadd.f32 v13, v9;
	v13 =	vld [tilespmem:s22+$0xC4B0]  }
0x28b: {  	v29 =	vld [tilespmem:s22+$0xC500];
	v15 =	vadd.f32 v23, v15;
	v23 =	vmul.f32 v23, v23;
	v7 =	vadd.f32 v28, v7  }
0x28c: {  	v30 =	vld [tilespmem:s22+$0xC520];
	v21 =	vadd.f32 v26, v21;
	v6 =	vadd.f32 v22, v4;
	v22 =	vmul.f32 v26, v26  }
0x28d: {  	v14 =	vadd.f32 v23, v14;
	v23 =	vld [tilespmem:s22+$0xC4D0];
	v10 =	vadd.f32 v24, v10;
	v24 =	vmul.f32 v24, v24  }
0x28e: {  	v26 =	vld [tilespmem:s22+$0xC4C0];
	v8 =	vadd.f32 v25, v8;
	v4 =	vmul.f32 v6, v6;
	v18 =	vadd.f32 v22, v18  }
0x28f: {  	v22 =	vmul.f32 v25, v25;
	v25 =	vld [tilespmem:s22+$0xC510];
	v21 =	vadd.f32 v27, v21;
	v19 =	vadd.f32 v13, v19  }
0x290: {  	v5 =	vimm.f32 $0.0e+00;
	v20 =	vadd.f32 v24, v20;
	v10 =	vadd.f32 v29, v10  }
0x291: {  	v28 =	vld [tilespmem:s22+$0xC540];
	v27 =	vmul.f32 v27, v27;
	v8 =	vadd.f32 v30, v8;
	v4 =	vadd.f32 v4, v5  }
0x292: {  	v13 =	vmul.f32 v13, v13;
	v24 =	vld [tilespmem:s22+$0xC530];
	v17 =	vadd.f32 v23, v17;
	v9 =	vadd.f32 v22, v9  }
0x293: {  	v22 =	vmul.f32 v29, v29;
	v29 =	vld [tilespmem:s22+$0xC550];
	v15 =	vadd.f32 v26, v15;
	v26 =	vmul.f32 v26, v26  }
0x294: {  	v12 =	vadd.f32 v13, v12;
	v11 =	vadd.f32 v25, v11;
	v13 =	vmul.f32 v25, v25;
	v25 =	vld [tilespmem:s22+$0xC560]  }
0x295: {  	v23 =	vmul.f32 v23, v23;
	v14 =	vadd.f32 v26, v14;
	v26 =	vmul.f32 v30, v30;
	v30 =	vld [tilespmem:s22+$0xC580]  }
0x296: {  	v18 =	vadd.f32 v27, v18;
	v27 =	vmul.f32 v28, v28;
	v15 =	vadd.f32 v28, v15;
	v28 =	vld [tilespmem:s22+$0xC5A0]  }
0x297: {  	v16 =	vadd.f32 v23, v16;
	v19 =	vadd.f32 v24, v19;
	v23 =	vmul.f32 v24, v24;
	v24 =	vld [tilespmem:s22+$0xC590]  }
0x298: {  	v20 =	vadd.f32 v22, v20;
	v17 =	vadd.f32 v29, v17;
	v22 =	vmul.f32 v29, v29;
	v29 =	vld [tilespmem:s22+$0xC5B0]  }
0x299: {  	v7 =	vadd.f32 v13, v7;
	v13 =	vadd.f32 v25, v21;
	v21 =	vmul.f32 v25, v25;
	v25 =	vld [tilespmem:s22+$0xC5C0]  }
0x29a: {  	v9 =	vadd.f32 v26, v9;
	v10 =	vadd.f32 v30, v10;
	v26 =	vmul.f32 v30, v30;
	v30 =	vld [tilespmem:s22+$0xC5D0]  }
0x29b: {  	v14 =	vadd.f32 v27, v14;
	v8 =	vadd.f32 v28, v8;
	v27 =	vmul.f32 v28, v28;
	v28 =	vld [tilespmem:s22+$0xC600]  }
0x29c: {  	v12 =	vadd.f32 v23, v12;
	v11 =	vadd.f32 v24, v11;
	v23 =	vmul.f32 v24, v24;
	v24 =	vld [tilespmem:s22+$0xC5E0]  }
0x29d: {  	v16 =	vadd.f32 v22, v16;
	v19 =	vadd.f32 v29, v19;
	v22 =	vmul.f32 v29, v29;
	v29 =	vld [tilespmem:s22+$0xC610]  }
0x29e: {  	v18 =	vadd.f32 v21, v18;
	v15 =	vadd.f32 v25, v15;
	v21 =	vmul.f32 v25, v25;
	v25 =	vld [tilespmem:s22+$0xC620]  }
0x29f: {  	v20 =	vadd.f32 v26, v20;
	v17 =	vadd.f32 v30, v17;
	v26 =	vmul.f32 v30, v30;
	v30 =	vld [tilespmem:s22+$0xC630]  }
0x2a0: {  	v9 =	vadd.f32 v27, v9;
	v10 =	vadd.f32 v28, v10;
	v27 =	vmul.f32 v28, v28;
	v28 =	vld [tilespmem:s22+$0xC650]  }
0x2a1: {  	v7 =	vadd.f32 v23, v7;
	v13 =	vadd.f32 v24, v13;
	v23 =	vmul.f32 v24, v24;
	v24 =	vld [tilespmem:s22+$0xC640]  }
0x2a2: {  	v12 =	vadd.f32 v22, v12;
	v11 =	vadd.f32 v29, v11;
	v22 =	vmul.f32 v29, v29;
	v29 =	vld [tilespmem:s22+$0xC660]  }
0x2a3: {  	v14 =	vadd.f32 v21, v14;
	v8 =	vadd.f32 v25, v8;
	v21 =	vmul.f32 v25, v25;
	v25 =	vld [tilespmem:s22+$0xC680]  }
0x2a4: {  	v16 =	vadd.f32 v26, v16;
	v19 =	vadd.f32 v30, v19;
	v26 =	vmul.f32 v30, v30;
	v30 =	vld [tilespmem:s22+$0xC690]  }
0x2a5: {  	v20 =	vadd.f32 v27, v20;
	v17 =	vadd.f32 v28, v17;
	v27 =	vmul.f32 v28, v28;
	v28 =	vld [tilespmem:s22+$0xC6B0]  }
0x2a6: {  	v18 =	vadd.f32 v23, v18;
	v15 =	vadd.f32 v24, v15;
	v23 =	vmul.f32 v24, v24;
	v24 =	vld [tilespmem:s22+$0xC6A0]  }
0x2a7: {  	v7 =	vadd.f32 v22, v7;
	v13 =	vadd.f32 v29, v13;
	v22 =	vmul.f32 v29, v29;
	v29 =	vld [tilespmem:s22+$0xC6C0]  }
0x2a8: {  	v9 =	vadd.f32 v21, v9;
	v10 =	vadd.f32 v25, v10;
	v21 =	vmul.f32 v25, v25;
	v25 =	vld [tilespmem:s22+$0xC6D0]  }
0x2a9: {  	v12 =	vadd.f32 v26, v12;
	v11 =	vadd.f32 v30, v11;
	v26 =	vmul.f32 v30, v30;
	v30 =	vld [tilespmem:s22+$0xC6E0]  }
0x2aa: {  	v16 =	vadd.f32 v27, v16;
	v19 =	vadd.f32 v28, v19;
	v27 =	vmul.f32 v28, v28;
	v28 =	vld [tilespmem:s22+$0xC710]  }
0x2ab: {  	v14 =	vadd.f32 v23, v14;
	v8 =	vadd.f32 v24, v8;
	v23 =	vmul.f32 v24, v24;
	v24 =	vld [tilespmem:s22+$0xC700]  }
0x2ac: {  	v18 =	vadd.f32 v22, v18;
	v15 =	vadd.f32 v29, v15;
	v22 =	vmul.f32 v29, v29;
	v29 =	vld [tilespmem:s22+$0xC720]  }
0x2ad: {  	v20 =	vadd.f32 v21, v20;
	v17 =	vadd.f32 v25, v17;
	v21 =	vmul.f32 v25, v25;
	v25 =	vld [tilespmem:s22+$0xC730]  }
0x2ae: {  	v7 =	vadd.f32 v26, v7;
	v13 =	vadd.f32 v30, v13;
	v26 =	vmul.f32 v30, v30;
	v30 =	vld [tilespmem:s22+$0xC740]  }
0x2af: {  	v12 =	vadd.f32 v27, v12;
	v11 =	vadd.f32 v28, v11;
	v27 =	vmul.f32 v28, v28;
	v28 =	vld [tilespmem:s22+$0xC760]  }
0x2b0: {  	v9 =	vadd.f32 v23, v9;
	v10 =	vadd.f32 v24, v10;
	v23 =	vmul.f32 v24, v24;
	v24 =	vld [tilespmem:s22+$0xC750]  }
0x2b1: {  	v14 =	vadd.f32 v22, v14;
	v8 =	vadd.f32 v29, v8;
	v22 =	vmul.f32 v29, v29;
	v29 =	vld [tilespmem:s22+$0xC780]  }
0x2b2: {  	v16 =	vadd.f32 v21, v16;
	v19 =	vadd.f32 v25, v19;
	v21 =	vmul.f32 v25, v25;
	v25 =	vld [tilespmem:s22+$0xC790]  }
0x2b3: {  	v18 =	vadd.f32 v26, v18;
	v15 =	vadd.f32 v30, v15;
	v26 =	vmul.f32 v30, v30;
	v30 =	vld [tilespmem:s22+$0xC7A0]  }
0x2b4: {  	v7 =	vadd.f32 v27, v7;
	v13 =	vadd.f32 v28, v13;
	v27 =	vmul.f32 v28, v28;
	v28 =	vld [tilespmem:s22+$0xC7C0]  }
0x2b5: {  	v20 =	vadd.f32 v23, v20;
	v17 =	vadd.f32 v24, v17;
	v23 =	vmul.f32 v24, v24;
	v24 =	vld [tilespmem:s22+$0xC7B0]  }
0x2b6: {  	v9 =	vadd.f32 v22, v9;
	v10 =	vadd.f32 v29, v10;
	v22 =	vmul.f32 v29, v29;
	v29 =	vld [tilespmem:s22+$0xC7D0]  }
0x2b7: {  	v12 =	vadd.f32 v21, v12;
	v11 =	vadd.f32 v25, v11;
	v21 =	vmul.f32 v25, v25;
	v25 =	vld [tilespmem:s22+$0xC7E0]  }
0x2b8: {  	v14 =	vadd.f32 v26, v14;
	v8 =	vadd.f32 v30, v8;
	v26 =	vmul.f32 v30, v30;
	v30 =	vld [tilespmem:s22+$0xC800]  }
0x2b9: {  	v18 =	vadd.f32 v27, v18;
	v15 =	vadd.f32 v28, v15;
	v27 =	vmul.f32 v28, v28;
	v28 =	vld [tilespmem:s22+$0xC820]  }
0x2ba: {  	v16 =	vadd.f32 v23, v16;
	v19 =	vadd.f32 v24, v19;
	v23 =	vmul.f32 v24, v24;
	v24 =	vld [tilespmem:s22+$0xC810]  }
0x2bb: {  	v20 =	vadd.f32 v22, v20;
	v17 =	vadd.f32 v29, v17;
	v22 =	vmul.f32 v29, v29;
	v29 =	vld [tilespmem:s22+$0xC830]  }
0x2bc: {  	v7 =	vadd.f32 v21, v7;
	v13 =	vadd.f32 v25, v13;
	v21 =	vmul.f32 v25, v25;
	v25 =	vld [tilespmem:s22+$0xC840]  }
0x2bd: {  	v9 =	vadd.f32 v26, v9;
	v10 =	vadd.f32 v30, v10;
	v26 =	vmul.f32 v30, v30;
	v30 =	vld [tilespmem:s22+$0xC850]  }
0x2be: {  	v14 =	vadd.f32 v27, v14;
	v8 =	vadd.f32 v28, v8;
	v27 =	vmul.f32 v28, v28;
	v28 =	vld [tilespmem:s22+$0xC880]  }
0x2bf: {  	v12 =	vadd.f32 v23, v12;
	v11 =	vadd.f32 v24, v11;
	v23 =	vmul.f32 v24, v24;
	v24 =	vld [tilespmem:s22+$0xC860]  }
0x2c0: {  	v16 =	vadd.f32 v22, v16;
	v19 =	vadd.f32 v29, v19;
	v22 =	vmul.f32 v29, v29;
	v29 =	vld [tilespmem:s22+$0xC890]  }
0x2c1: {  	v18 =	vadd.f32 v21, v18;
	v15 =	vadd.f32 v25, v15;
	v21 =	vmul.f32 v25, v25;
	v25 =	vld [tilespmem:s22+$0xC8A0]  }
0x2c2: {  	v20 =	vadd.f32 v26, v20;
	v17 =	vadd.f32 v30, v17;
	v26 =	vmul.f32 v30, v30;
	v30 =	vld [tilespmem:s22+$0xC8B0]  }
0x2c3: {  	v9 =	vadd.f32 v27, v9;
	v10 =	vadd.f32 v28, v10;
	v27 =	vmul.f32 v28, v28;
	v28 =	vld [tilespmem:s22+$0xC8D0]  }
0x2c4: {  	v7 =	vadd.f32 v23, v7;
	v13 =	vadd.f32 v24, v13;
	v23 =	vmul.f32 v24, v24;
	v24 =	vld [tilespmem:s22+$0xC8C0]  }
0x2c5: {  	v12 =	vadd.f32 v22, v12;
	v11 =	vadd.f32 v29, v11;
	v22 =	vmul.f32 v29, v29;
	v29 =	vld [tilespmem:s22+$0xC8E0]  }
0x2c6: {  	v14 =	vadd.f32 v21, v14;
	v8 =	vadd.f32 v25, v8;
	v21 =	vmul.f32 v25, v25;
	v25 =	vld [tilespmem:s22+$0xC900]  }
0x2c7: {  	v16 =	vadd.f32 v26, v16;
	v19 =	vadd.f32 v30, v19;
	v26 =	vmul.f32 v30, v30;
	v30 =	vld [tilespmem:s22+$0xC910]  }
0x2c8: {  	v20 =	vadd.f32 v27, v20;
	v17 =	vadd.f32 v28, v17;
	v27 =	vmul.f32 v28, v28;
	v28 =	vld [tilespmem:s22+$0xC930]  }
0x2c9: {  	v18 =	vadd.f32 v23, v18;
	v15 =	vadd.f32 v24, v15;
	v23 =	vmul.f32 v24, v24;
	v24 =	vld [tilespmem:s22+$0xC920]  }
0x2ca: {  	v7 =	vadd.f32 v22, v7;
	v13 =	vadd.f32 v29, v13;
	v22 =	vmul.f32 v29, v29;
	v29 =	vld [tilespmem:s22+$0xC940]  }
0x2cb: {  	v9 =	vadd.f32 v21, v9;
	v10 =	vadd.f32 v25, v10;
	v21 =	vmul.f32 v25, v25;
	v25 =	vld [tilespmem:s22+$0xC950]  }
0x2cc: {  	v12 =	vadd.f32 v26, v12;
	v11 =	vadd.f32 v30, v11;
	v26 =	vmul.f32 v30, v30;
	v30 =	vld [tilespmem:s22+$0xC960]  }
0x2cd: {  	v16 =	vadd.f32 v27, v16;
	v19 =	vadd.f32 v28, v19;
	v27 =	vmul.f32 v28, v28;
	v28 =	vld [tilespmem:s22+$0xC990]  }
0x2ce: {  	v14 =	vadd.f32 v23, v14;
	v8 =	vadd.f32 v24, v8;
	v23 =	vmul.f32 v24, v24;
	v24 =	vld [tilespmem:s22+$0xC980]  }
0x2cf: {  	v18 =	vadd.f32 v22, v18;
	v15 =	vadd.f32 v29, v15;
	v22 =	vmul.f32 v29, v29;
	v29 =	vld [tilespmem:s22+$0xC9A0]  }
0x2d0: {  	v20 =	vadd.f32 v21, v20;
	v17 =	vadd.f32 v25, v17;
	v21 =	vmul.f32 v25, v25;
	v25 =	vld [tilespmem:s22+$0xC9B0]  }
0x2d1: {  	v7 =	vadd.f32 v26, v7;
	v13 =	vadd.f32 v30, v13;
	v26 =	vmul.f32 v30, v30;
	v30 =	vld [tilespmem:s22+$0xC9C0]  }
0x2d2: {  	v12 =	vadd.f32 v27, v12;
	v11 =	vadd.f32 v28, v11;
	v27 =	vmul.f32 v28, v28;
	v28 =	vld [tilespmem:s22+$0xC9E0]  }
0x2d3: {  	v9 =	vadd.f32 v23, v9;
	v10 =	vadd.f32 v24, v10;
	v23 =	vmul.f32 v24, v24;
	v24 =	vld [tilespmem:s22+$0xC9D0]  }
0x2d4: {  	v14 =	vadd.f32 v22, v14;
	v8 =	vadd.f32 v29, v8;
	v22 =	vmul.f32 v29, v29;
	v29 =	vld [tilespmem:s22+$0xCA00]  }
0x2d5: {  	v16 =	vadd.f32 v21, v16;
	v19 =	vadd.f32 v25, v19;
	v21 =	vmul.f32 v25, v25;
	v25 =	vld [tilespmem:s22+$0xCA10]  }
0x2d6: {  	v18 =	vadd.f32 v26, v18;
	v15 =	vadd.f32 v30, v15;
	v26 =	vmul.f32 v30, v30;
	v30 =	vld [tilespmem:s22+$0xCA20]  }
0x2d7: {  	v7 =	vadd.f32 v27, v7;
	v13 =	vadd.f32 v28, v13;
	v27 =	vmul.f32 v28, v28;
	v28 =	vld [tilespmem:s22+$0xCA40]  }
0x2d8: {  	v20 =	vadd.f32 v23, v20;
	v17 =	vadd.f32 v24, v17;
	v23 =	vmul.f32 v24, v24;
	v24 =	vld [tilespmem:s22+$0xCA30]  }
0x2d9: {  	v9 =	vadd.f32 v22, v9;
	v10 =	vadd.f32 v29, v10;
	v22 =	vmul.f32 v29, v29;
	v29 =	vld [tilespmem:s22+$0xCA50]  }
0x2da: {  	v12 =	vadd.f32 v21, v12;
	v14 =	vadd.f32 v26, v14  }
0x2db: {  	v18 =	vadd.f32 v27, v18;
	v11 =	vadd.f32 v25, v11;
	v21 =	vmul.f32 v25, v25;
	v25 =	vld [tilespmem:s22+$0xCA60]  }
0x2dc: {  	v16 =	vadd.f32 v23, v16;
	v8 =	vadd.f32 v30, v8;
	v26 =	vmul.f32 v30, v30;
	v30 =	vld [tilespmem:s22+$0xCA80]  }
0x2dd: {  	v20 =	vadd.f32 v22, v20;
	v15 =	vadd.f32 v28, v15;
	v27 =	vmul.f32 v28, v28;
	v28 =	vld [tilespmem:s22+$0xCAA0]  }
0x2de: {  	v19 =	vadd.f32 v24, v19;
	v23 =	vmul.f32 v24, v24;
	v24 =	vld [tilespmem:s22+$0xCA90];
	v17 =	vadd.f32 v29, v17  }
0x2df: {  	v22 =	vmul.f32 v29, v29;
	v29 =	vld [tilespmem:s22+$0xCAB0];
	v7 =	vadd.f32 v21, v7;
	v9 =	vadd.f32 v26, v9  }
0x2e0: {  	v14 =	vadd.f32 v27, v14;
	v12 =	vadd.f32 v23, v12  }
0x2e1: {  	v16 =	vadd.f32 v22, v16;
	v13 =	vadd.f32 v25, v13;
	v21 =	vmul.f32 v25, v25  }
0x2e2: {  	v10 =	vadd.f32 v30, v10;
	v26 =	vmul.f32 v30, v30;
	v8 =	vadd.f32 v28, v8  }
0x2e3: {  	v25 =	vld [tilespmem:s22+$0xCAC0];
	v27 =	vmul.f32 v28, v28;
	v11 =	vadd.f32 v24, v11;
	v23 =	vmul.f32 v24, v24  }
0x2e4: {  	v30 =	vld [tilespmem:s22+$0xCAD0];
	v19 =	vadd.f32 v29, v19;
	v22 =	vmul.f32 v29, v29;
	v18 =	vadd.f32 v21, v18  }
0x2e5: {  	v24 =	vld [tilespmem:s22+$0xCAE0];
	v10 =	vmul.f32 v10, v10;
	v20 =	vadd.f32 v26, v20;
	v8 =	vmul.f32 v8, v8  }
0x2e6: {  	v28 =	vld [tilespmem:s16+$0xFFFFFF90];
	v9 =	vadd.f32 v27, v9;
	v11 =	vmul.f32 v11, v11;
	v7 =	vadd.f32 v23, v7  }
0x2e7: {  	v19 =	vmul.f32 v19, v19;
	v12 =	vadd.f32 v22, v12;
	v10 =	vsub.f32 v10, v20  }
0x2e8: {  	v29 =	vld [tilespmem:s16+$0xFFFFFFA0];
	v8 =	vsub.f32 v8, v9;
	v15 =	vadd.f32 v25, v15;
	v21 =	vmul.f32 v25, v25  }
0x2e9: {  	v23 =	vld [tilespmem:s16+$0xFFFFFFB0];
	v17 =	vadd.f32 v30, v17;
	v25 =	vmul.f32 v30, v30;
	v7 =	vsub.f32 v11, v7  }
0x2ea: {  	v13 =	vadd.f32 v24, v13;
	v24 =	vmul.f32 v24, v24;
	v9 =	vsub.f32 v19, v12  }
0x2eb: {  	v22 =	vld [tilespmem:s16+$0xFFFFFFC0];
	v28 =	vadd.f32 v28, v10;
	v19 =	vimm.f32 $0.0e+00;
	v10 =	vimm.f32 $0.0e+00  }
0x2ec: {  	v15 =	vmul.f32 v15, v15;
	v14 =	vadd.f32 v21, v14;
	v16 =	vadd.f32 v25, v16  }
0x2ed: {  	v20 =	vld [tilespmem:s16+$0xFFFFFFE0];
	v17 =	vmul.f32 v17, v17;
	v27 =	vadd.f32 v29, v7;
	v7 =	vimm.f32 $0.0e+00  }
0x2ee: {  	v30 =	vld [tilespmem:s16+$0xFFFFFFD0];
	v18 =	vadd.f32 v24, v18;
	v13 =	vmul.f32 v13, v13;
	v26 =	vadd.f32 v23, v8  }
0x2ef: {  	v29 =	vmul.f32 v28, v28;
	v8 =	vimm.f32 $0.0e+00;
	v11 =	vsub.f32 v15, v14  }
0x2f0: {  	v12 =	vsub.f32 v17, v16;
	v25 =	vadd.f32 v22, v9;
	v17 =	vimm.f32 $0.0e+00;
	v22 =	vld [tilespmem:s16+$0xFFFFFFF0]  }
0x2f1: {  	v16 =	vimm.f32 $0.0e+00;
	v15 =	vimm.f32 $0.0e+00;
	v14 =	vimm.f32 $0.0e+00  }
0x2f2: {  	v9 =	vimm.f32 $0.0e+00;
	v21 =	vsub.f32 v13, v18;
	v18 =	vimm.f32 $0.0e+00  }
0x2f3: {  	v13 =	vimm.f32 $0.0e+00;
	v24 =	vadd.f32 v30, v11;
	v23 =	vadd.f32 v20, v12  }
0x2f4: {  	s17 =	simm.s32 $0x800;
	s19 =	simm.s32 $0x4000;
	v20 =	vimm.f32 $0.0e+00;
	v12 =	vimm.f32 $0.0e+00;
	v11 =	vimm.f32 $0.0e+00  }
.LBB2_5:
0x2f5: {  	p0 =	sne.s32 s19, $0x1E000;
	v30 =	vld [tilespmem:s17+$0xC370];
	v21 =	vadd.f32 v22, v21;
	v22 =	vmul.f32 v27, v27;
	v31 =	vmul.f32 v26, v26  }
0x2f6: {  	v32 =	vld [tilespmem:s17+$0xC300];
	v5 =	vadd.f32 v29, v5;
	v29 =	vmul.f32 v25, v25;
	v33 =	vmul.f32 v24, v24  }
0x2f7: {  	v34 =	vld [tilespmem:s17+$0xC3F0];
	v20 =	vadd.f32 v22, v20;
	v22 =	vmul.f32 v23, v23;
	v35 =	vmul.f32 v21, v21  }
0x2f8: {  	v19 =	vadd.f32 v31, v19;
	v36 =	vld [tilespmem:s17+$0xC310];
	v17 =	vadd.f32 v29, v17  }
0x2f9: {  	v18 =	vadd.f32 v33, v18;
	v29 =	vld [tilespmem:s17+$0xC470];
	v16 =	vadd.f32 v22, v16  }
0x2fa: {  	v15 =	vadd.f32 v35, v15;
	v22 =	vld [tilespmem:s17+$0xC320];
	v31 =	vadd.f32 $0.0e+00, v30  }
0x2fb: {  	v14 =	vadd.f32 v28, v14;
	v33 =	vadd.f32 $0.0e+00, v32;
	v32 =	vmul.f32 v32, v32;
	v35 =	vld [tilespmem:s17+$0xC4F0]  }
0x2fc: {  	v30 =	vmul.f32 v30, v30;
	v28 =	vld [tilespmem:s17+$0xC330];
	v31 =	vadd.f32 v34, v31;
	v34 =	vmul.f32 v34, v34  }
0x2fd: {  	v13 =	vadd.f32 v27, v13;
	v37 =	vadd.f32 $0.0e+00, v36;
	v36 =	vmul.f32 v36, v36;
	v38 =	vld [tilespmem:s17+$0xC570]  }
0x2fe: {  	v27 =	vld [tilespmem:s17+$0xC340];
	v30 =	vadd.f32 v34, v30;
	v31 =	vadd.f32 v29, v31;
	v29 =	vmul.f32 v29, v29  }
0x2ff: {  	v12 =	vadd.f32 v26, v12;
	v34 =	vadd.f32 $0.0e+00, v22;
	v22 =	vmul.f32 v22, v22;
	v39 =	vld [tilespmem:s17+$0xC5F0]  }
0x300: {  	v26 =	vld [tilespmem:s17+$0xC350];
	v29 =	vadd.f32 v29, v30;
	v30 =	vadd.f32 v35, v31;
	v31 =	vmul.f32 v35, v35  }
0x301: {  	v11 =	vadd.f32 v25, v11;
	v35 =	vadd.f32 $0.0e+00, v28;
	v28 =	vmul.f32 v28, v28;
	v40 =	vld [tilespmem:s17+$0xC670]  }
0x302: {  	v25 =	vld [tilespmem:s17+$0xC360];
	v29 =	vadd.f32 v31, v29;
	v30 =	vadd.f32 v38, v30;
	v31 =	vmul.f32 v38, v38  }
0x303: {  	v10 =	vadd.f32 v24, v10;
	v38 =	vadd.f32 $0.0e+00, v27;
	v27 =	vmul.f32 v27, v27;
	v41 =	vld [tilespmem:s17+$0xC6F0]  }
0x304: {  	v24 =	vld [tilespmem:s17+$0xC380];
	v29 =	vadd.f32 v31, v29;
	v30 =	vadd.f32 v39, v30;
	v31 =	vmul.f32 v39, v39  }
0x305: {  	v9 =	vadd.f32 v23, v9;
	v39 =	vadd.f32 $0.0e+00, v26;
	v26 =	vmul.f32 v26, v26;
	v42 =	vld [tilespmem:s17+$0xC770]  }
0x306: {  	v23 =	vld [tilespmem:s17+$0xC390];
	v29 =	vadd.f32 v31, v29;
	v30 =	vadd.f32 v40, v30;
	v31 =	vmul.f32 v40, v40  }
0x307: {  	v8 =	vadd.f32 v21, v8;
	v40 =	vadd.f32 $0.0e+00, v25;
	v25 =	vmul.f32 v25, v25;
	v43 =	vld [tilespmem:s17+$0xC7F0]  }
0x308: {  	v21 =	vld [tilespmem:s17+$0xC3A0];
	v29 =	vadd.f32 v31, v29;
	v30 =	vadd.f32 v41, v30;
	v31 =	vmul.f32 v41, v41  }
0x309: {  	v7 =	vadd.f32 v6, v7;
	v33 =	vadd.f32 v24, v33;
	v24 =	vmul.f32 v24, v24;
	v41 =	vld [tilespmem:s17+$0xC870]  }
0x30a: {  	v6 =	vld [tilespmem:s17+$0xC3B0];
	v29 =	vadd.f32 v31, v29;
	v30 =	vadd.f32 v42, v30;
	v31 =	vmul.f32 v42, v42  }
0x30b: {  	v24 =	vadd.f32 v24, v32;
	v32 =	vadd.f32 v23, v37;
	v23 =	vmul.f32 v23, v23;
	v37 =	vld [tilespmem:s17+$0xC8F0]  }
0x30c: {  	v42 =	vld [tilespmem:s17+$0xC3C0];
	v29 =	vadd.f32 v31, v29;
	v30 =	vadd.f32 v43, v30;
	v31 =	vmul.f32 v43, v43  }
0x30d: {  	v23 =	vadd.f32 v23, v36;
	v34 =	vadd.f32 v21, v34;
	v21 =	vmul.f32 v21, v21;
	v36 =	vld [tilespmem:s17+$0xC970]  }
0x30e: {  	v43 =	vld [tilespmem:s17+$0xC3D0];
	v29 =	vadd.f32 v31, v29;
	v30 =	vadd.f32 v41, v30;
	v31 =	vmul.f32 v41, v41  }
0x30f: {  	v21 =	vadd.f32 v21, v22;
	v22 =	vadd.f32 v6, v35;
	v6 =	vmul.f32 v6, v6;
	v35 =	vld [tilespmem:s17+$0xC9F0]  }
0x310: {  	v41 =	vld [tilespmem:s17+$0xC3E0];
	v29 =	vadd.f32 v31, v29;
	v30 =	vadd.f32 v37, v30;
	v31 =	vmul.f32 v37, v37  }
0x311: {  	v28 =	vadd.f32 v6, v28;
	v6 =	vadd.f32 v42, v38;
	v37 =	vmul.f32 v42, v42;
	v38 =	vld [tilespmem:s17+$0xCA70]  }
0x312: {  	v42 =	vld [tilespmem:s17+$0xC400];
	v29 =	vadd.f32 v31, v29;
	v30 =	vadd.f32 v36, v30;
	v31 =	vmul.f32 v36, v36  }
0x313: {  	v27 =	vadd.f32 v37, v27;
	v36 =	vadd.f32 v43, v39;
	v37 =	vmul.f32 v43, v43;
	v39 =	vld [tilespmem:s17+$0xCAF0]  }
0x314: {  	v43 =	vld [tilespmem:s17+$0xC410];
	v29 =	vadd.f32 v31, v29;
	v30 =	vadd.f32 v35, v30;
	v31 =	vmul.f32 v35, v35  }
0x315: {  	v26 =	vadd.f32 v37, v26;
	v35 =	vadd.f32 v41, v40;
	v37 =	vmul.f32 v41, v41;
	v40 =	vld [tilespmem:s17+$0xC420]  }
0x316: {  	v41 =	vld [tilespmem:s17+$0xC430];
	v29 =	vadd.f32 v31, v29;
	v30 =	vadd.f32 v38, v30;
	v31 =	vmul.f32 v38, v38  }
0x317: {  	v25 =	vadd.f32 v37, v25;
	v33 =	vadd.f32 v42, v33;
	v37 =	vmul.f32 v42, v42;
	v38 =	vld [tilespmem:s17+$0xC440]  }
0x318: {  	s16 =	sadd.s32 $0x80, s16;
	v42 =	vld [tilespmem:s17+$0xC450];
	v29 =	vadd.f32 v31, v29;
	v30 =	vadd.f32 v39, v30;
	v31 =	vmul.f32 v39, v39  }
0x319: {  	v24 =	vadd.f32 v37, v24;
	v32 =	vadd.f32 v43, v32;
	v37 =	vmul.f32 v43, v43;
	v39 =	vld [tilespmem:s16+$0x0]  }
0x31a: {  	v34 =	vadd.f32 v40, v34;
	v43 =	vld [tilespmem:s17+$0xC460];
	v29 =	vadd.f32 v31, v29;
	v30 =	vmul.f32 v30, v30  }
0x31b: {  	v31 =	vmul.f32 v40, v40;
	v22 =	vadd.f32 v41, v22;
	v40 =	vmul.f32 v41, v41;
	v41 =	vld [tilespmem:s17+$0xC480]  }
0x31c: {  	v44 =	vadd.f32 v38, v6;
	v38 =	vmul.f32 v38, v38;
	v45 =	vld [tilespmem:s17+$0xC490];
	v6 =	vsub.f32 v30, v29  }
0x31d: {  	v23 =	vadd.f32 v37, v23;
	v29 =	vadd.f32 v42, v36;
	v30 =	vmul.f32 v42, v42;
	v36 =	vld [tilespmem:s17+$0xC4A0]  }
0x31e: {  	v21 =	vadd.f32 v31, v21;
	v31 =	vld [tilespmem:s17+$0xC4B0];
	v6 =	vadd.f32 v39, v6  }
0x31f: {  	v28 =	vadd.f32 v40, v28;
	v35 =	vadd.f32 v43, v35;
	v37 =	vmul.f32 v43, v43;
	v39 =	vld [tilespmem:s17+$0xC4C0]  }
0x320: {  	v27 =	vadd.f32 v38, v27;
	v33 =	vadd.f32 v41, v33;
	v38 =	vld [tilespmem:s17+$0xC4D0];
	v40 =	vmul.f32 v6, v6  }
0x321: {  	v26 =	vadd.f32 v30, v26;
	v30 =	vmul.f32 v41, v41;
	v32 =	vadd.f32 v45, v32;
	v41 =	vld [tilespmem:s17+$0xC4E0]  }
0x322: {  	v42 =	vmul.f32 v45, v45;
	v34 =	vadd.f32 v36, v34;
	v43 =	vld [tilespmem:s17+$0xC500];
	v4 =	vadd.f32 v40, v4  }
0x323: {  	v25 =	vadd.f32 v37, v25;
	v36 =	vmul.f32 v36, v36;
	v22 =	vadd.f32 v31, v22;
	v37 =	vld [tilespmem:s17+$0xC510]  }
0x324: {  	v31 =	vmul.f32 v31, v31;
	v40 =	vadd.f32 v39, v44;
	v39 =	vmul.f32 v39, v39;
	v44 =	vld [tilespmem:s17+$0xC520]  }
0x325: {  	v24 =	vadd.f32 v30, v24;
	v29 =	vadd.f32 v38, v29;
	v30 =	vmul.f32 v38, v38;
	v38 =	vld [tilespmem:s17+$0xC530]  }
0x326: {  	v23 =	vadd.f32 v42, v23;
	v35 =	vadd.f32 v41, v35;
	v41 =	vmul.f32 v41, v41;
	v42 =	vld [tilespmem:s17+$0xC540]  }
0x327: {  	v21 =	vadd.f32 v36, v21;
	v33 =	vadd.f32 v43, v33;
	v36 =	vmul.f32 v43, v43;
	v43 =	vld [tilespmem:s17+$0xC550]  }
0x328: {  	v28 =	vadd.f32 v31, v28;
	v31 =	vadd.f32 v37, v32;
	v32 =	vmul.f32 v37, v37;
	v37 =	vld [tilespmem:s17+$0xC560]  }
0x329: {  	v27 =	vadd.f32 v39, v27;
	v34 =	vadd.f32 v44, v34;
	v39 =	vmul.f32 v44, v44;
	v44 =	vld [tilespmem:s17+$0xC580]  }
0x32a: {  	v26 =	vadd.f32 v30, v26;
	v22 =	vadd.f32 v38, v22;
	v30 =	vmul.f32 v38, v38;
	v38 =	vld [tilespmem:s17+$0xC590]  }
0x32b: {  	v25 =	vadd.f32 v41, v25;
	v40 =	vadd.f32 v42, v40;
	v41 =	vmul.f32 v42, v42;
	v42 =	vld [tilespmem:s17+$0xC5A0]  }
0x32c: {  	v24 =	vadd.f32 v36, v24;
	v29 =	vadd.f32 v43, v29;
	v36 =	vmul.f32 v43, v43;
	v43 =	vld [tilespmem:s17+$0xC5B0]  }
0x32d: {  	v23 =	vadd.f32 v32, v23;
	v32 =	vadd.f32 v37, v35;
	v35 =	vmul.f32 v37, v37;
	v37 =	vld [tilespmem:s17+$0xC5C0]  }
0x32e: {  	v21 =	vadd.f32 v39, v21;
	v33 =	vadd.f32 v44, v33;
	v39 =	vmul.f32 v44, v44;
	v44 =	vld [tilespmem:s17+$0xC5D0]  }
0x32f: {  	v28 =	vadd.f32 v30, v28;
	v30 =	vadd.f32 v38, v31;
	v31 =	vmul.f32 v38, v38;
	v38 =	vld [tilespmem:s17+$0xC5E0]  }
0x330: {  	v27 =	vadd.f32 v41, v27;
	v34 =	vadd.f32 v42, v34;
	v41 =	vmul.f32 v42, v42;
	v42 =	vld [tilespmem:s17+$0xC600]  }
0x331: {  	v26 =	vadd.f32 v36, v26;
	v22 =	vadd.f32 v43, v22;
	v36 =	vmul.f32 v43, v43;
	v43 =	vld [tilespmem:s17+$0xC610]  }
0x332: {  	v25 =	vadd.f32 v35, v25;
	v35 =	vadd.f32 v37, v40;
	v37 =	vmul.f32 v37, v37;
	v40 =	vld [tilespmem:s17+$0xC620]  }
0x333: {  	v24 =	vadd.f32 v39, v24;
	v29 =	vadd.f32 v44, v29;
	v39 =	vmul.f32 v44, v44;
	v44 =	vld [tilespmem:s17+$0xC630]  }
0x334: {  	v23 =	vadd.f32 v31, v23;
	v31 =	vadd.f32 v38, v32;
	v32 =	vmul.f32 v38, v38;
	v38 =	vld [tilespmem:s17+$0xC640]  }
0x335: {  	v21 =	vadd.f32 v41, v21;
	v33 =	vadd.f32 v42, v33;
	v41 =	vmul.f32 v42, v42;
	v42 =	vld [tilespmem:s17+$0xC650]  }
0x336: {  	v28 =	vadd.f32 v36, v28;
	v30 =	vadd.f32 v43, v30;
	v36 =	vmul.f32 v43, v43;
	v43 =	vld [tilespmem:s17+$0xC660]  }
0x337: {  	v27 =	vadd.f32 v37, v27;
	v34 =	vadd.f32 v40, v34;
	v37 =	vmul.f32 v40, v40;
	v40 =	vld [tilespmem:s17+$0xC680]  }
0x338: {  	v26 =	vadd.f32 v39, v26;
	v22 =	vadd.f32 v44, v22;
	v39 =	vmul.f32 v44, v44;
	v44 =	vld [tilespmem:s17+$0xC690]  }
0x339: {  	v25 =	vadd.f32 v32, v25;
	v32 =	vadd.f32 v38, v35;
	v35 =	vmul.f32 v38, v38;
	v38 =	vld [tilespmem:s17+$0xC6A0]  }
0x33a: {  	v24 =	vadd.f32 v41, v24;
	v29 =	vadd.f32 v42, v29;
	v41 =	vmul.f32 v42, v42;
	v42 =	vld [tilespmem:s17+$0xC6B0]  }
0x33b: {  	v23 =	vadd.f32 v36, v23;
	v31 =	vadd.f32 v43, v31;
	v36 =	vmul.f32 v43, v43;
	v43 =	vld [tilespmem:s17+$0xC6C0]  }
0x33c: {  	v21 =	vadd.f32 v37, v21;
	v33 =	vadd.f32 v40, v33;
	v37 =	vmul.f32 v40, v40;
	v40 =	vld [tilespmem:s17+$0xC6D0]  }
0x33d: {  	v28 =	vadd.f32 v39, v28;
	v30 =	vadd.f32 v44, v30;
	v39 =	vmul.f32 v44, v44;
	v44 =	vld [tilespmem:s17+$0xC6E0]  }
0x33e: {  	v27 =	vadd.f32 v35, v27;
	v34 =	vadd.f32 v38, v34;
	v35 =	vmul.f32 v38, v38;
	v38 =	vld [tilespmem:s17+$0xC700]  }
0x33f: {  	v26 =	vadd.f32 v41, v26;
	v22 =	vadd.f32 v42, v22;
	v41 =	vmul.f32 v42, v42;
	v42 =	vld [tilespmem:s17+$0xC710]  }
0x340: {  	v25 =	vadd.f32 v36, v25;
	v32 =	vadd.f32 v43, v32;
	v36 =	vmul.f32 v43, v43;
	v43 =	vld [tilespmem:s17+$0xC720]  }
0x341: {  	v24 =	vadd.f32 v37, v24;
	v29 =	vadd.f32 v40, v29;
	v37 =	vmul.f32 v40, v40;
	v40 =	vld [tilespmem:s17+$0xC730]  }
0x342: {  	v23 =	vadd.f32 v39, v23;
	v31 =	vadd.f32 v44, v31;
	v39 =	vmul.f32 v44, v44;
	v44 =	vld [tilespmem:s17+$0xC740]  }
0x343: {  	v21 =	vadd.f32 v35, v21;
	v33 =	vadd.f32 v38, v33;
	v35 =	vmul.f32 v38, v38;
	v38 =	vld [tilespmem:s17+$0xC750]  }
0x344: {  	v28 =	vadd.f32 v41, v28;
	v30 =	vadd.f32 v42, v30;
	v41 =	vmul.f32 v42, v42;
	v42 =	vld [tilespmem:s17+$0xC760]  }
0x345: {  	v27 =	vadd.f32 v36, v27;
	v34 =	vadd.f32 v43, v34;
	v36 =	vmul.f32 v43, v43;
	v43 =	vld [tilespmem:s17+$0xC780]  }
0x346: {  	v26 =	vadd.f32 v37, v26;
	v22 =	vadd.f32 v40, v22;
	v37 =	vmul.f32 v40, v40;
	v40 =	vld [tilespmem:s17+$0xC790]  }
0x347: {  	v25 =	vadd.f32 v39, v25;
	v32 =	vadd.f32 v44, v32;
	v39 =	vmul.f32 v44, v44;
	v44 =	vld [tilespmem:s17+$0xC7A0]  }
0x348: {  	v24 =	vadd.f32 v35, v24;
	v29 =	vadd.f32 v38, v29;
	v35 =	vmul.f32 v38, v38;
	v38 =	vld [tilespmem:s17+$0xC7B0]  }
0x349: {  	v23 =	vadd.f32 v41, v23;
	v31 =	vadd.f32 v42, v31;
	v41 =	vmul.f32 v42, v42;
	v42 =	vld [tilespmem:s17+$0xC7C0]  }
0x34a: {  	v21 =	vadd.f32 v36, v21;
	v33 =	vadd.f32 v43, v33;
	v36 =	vmul.f32 v43, v43;
	v43 =	vld [tilespmem:s17+$0xC7D0]  }
0x34b: {  	v28 =	vadd.f32 v37, v28;
	v30 =	vadd.f32 v40, v30;
	v37 =	vmul.f32 v40, v40;
	v40 =	vld [tilespmem:s17+$0xC7E0]  }
0x34c: {  	v27 =	vadd.f32 v39, v27;
	v34 =	vadd.f32 v44, v34;
	v39 =	vmul.f32 v44, v44;
	v44 =	vld [tilespmem:s17+$0xC800]  }
0x34d: {  	v26 =	vadd.f32 v35, v26;
	v22 =	vadd.f32 v38, v22;
	v35 =	vmul.f32 v38, v38;
	v38 =	vld [tilespmem:s17+$0xC810]  }
0x34e: {  	v25 =	vadd.f32 v41, v25;
	v32 =	vadd.f32 v42, v32;
	v41 =	vmul.f32 v42, v42;
	v42 =	vld [tilespmem:s17+$0xC820]  }
0x34f: {  	v24 =	vadd.f32 v36, v24;
	v29 =	vadd.f32 v43, v29;
	v36 =	vmul.f32 v43, v43;
	v43 =	vld [tilespmem:s17+$0xC830]  }
0x350: {  	v23 =	vadd.f32 v37, v23;
	v31 =	vadd.f32 v40, v31;
	v37 =	vmul.f32 v40, v40;
	v40 =	vld [tilespmem:s17+$0xC840]  }
0x351: {  	v21 =	vadd.f32 v39, v21;
	v33 =	vadd.f32 v44, v33;
	v39 =	vmul.f32 v44, v44;
	v44 =	vld [tilespmem:s17+$0xC850]  }
0x352: {  	v28 =	vadd.f32 v35, v28;
	v30 =	vadd.f32 v38, v30;
	v35 =	vmul.f32 v38, v38;
	v38 =	vld [tilespmem:s17+$0xC860]  }
0x353: {  	v27 =	vadd.f32 v41, v27;
	v34 =	vadd.f32 v42, v34;
	v41 =	vmul.f32 v42, v42;
	v42 =	vld [tilespmem:s17+$0xC880]  }
0x354: {  	v26 =	vadd.f32 v36, v26;
	v22 =	vadd.f32 v43, v22;
	v36 =	vmul.f32 v43, v43;
	v43 =	vld [tilespmem:s17+$0xC890]  }
0x355: {  	v25 =	vadd.f32 v37, v25;
	v32 =	vadd.f32 v40, v32;
	v37 =	vmul.f32 v40, v40;
	v40 =	vld [tilespmem:s17+$0xC8A0]  }
0x356: {  	v24 =	vadd.f32 v39, v24;
	v29 =	vadd.f32 v44, v29;
	v39 =	vmul.f32 v44, v44;
	v44 =	vld [tilespmem:s17+$0xC8B0]  }
0x357: {  	v23 =	vadd.f32 v35, v23;
	v31 =	vadd.f32 v38, v31;
	v35 =	vmul.f32 v38, v38;
	v38 =	vld [tilespmem:s17+$0xC8C0]  }
0x358: {  	v21 =	vadd.f32 v41, v21;
	v33 =	vadd.f32 v42, v33;
	v41 =	vmul.f32 v42, v42;
	v42 =	vld [tilespmem:s17+$0xC8D0]  }
0x359: {  	v28 =	vadd.f32 v36, v28;
	v30 =	vadd.f32 v43, v30;
	v36 =	vmul.f32 v43, v43;
	v43 =	vld [tilespmem:s17+$0xC8E0]  }
0x35a: {  	v27 =	vadd.f32 v37, v27;
	v34 =	vadd.f32 v40, v34;
	v37 =	vmul.f32 v40, v40;
	v40 =	vld [tilespmem:s17+$0xC900]  }
0x35b: {  	v26 =	vadd.f32 v39, v26;
	v22 =	vadd.f32 v44, v22;
	v39 =	vmul.f32 v44, v44;
	v44 =	vld [tilespmem:s17+$0xC910]  }
0x35c: {  	v25 =	vadd.f32 v35, v25;
	v32 =	vadd.f32 v38, v32;
	v35 =	vmul.f32 v38, v38;
	v38 =	vld [tilespmem:s17+$0xC920]  }
0x35d: {  	v24 =	vadd.f32 v41, v24;
	v29 =	vadd.f32 v42, v29;
	v41 =	vmul.f32 v42, v42;
	v42 =	vld [tilespmem:s17+$0xC930]  }
0x35e: {  	v23 =	vadd.f32 v36, v23;
	v31 =	vadd.f32 v43, v31;
	v36 =	vmul.f32 v43, v43;
	v43 =	vld [tilespmem:s17+$0xC940]  }
0x35f: {  	v21 =	vadd.f32 v37, v21;
	v33 =	vadd.f32 v40, v33;
	v37 =	vmul.f32 v40, v40;
	v40 =	vld [tilespmem:s17+$0xC950]  }
0x360: {  	v28 =	vadd.f32 v39, v28;
	v30 =	vadd.f32 v44, v30;
	v39 =	vmul.f32 v44, v44;
	v44 =	vld [tilespmem:s17+$0xC960]  }
0x361: {  	v27 =	vadd.f32 v35, v27;
	v34 =	vadd.f32 v38, v34;
	v35 =	vmul.f32 v38, v38;
	v38 =	vld [tilespmem:s17+$0xC980]  }
0x362: {  	v26 =	vadd.f32 v41, v26;
	v22 =	vadd.f32 v42, v22;
	v41 =	vmul.f32 v42, v42;
	v42 =	vld [tilespmem:s17+$0xC990]  }
0x363: {  	v25 =	vadd.f32 v36, v25;
	v32 =	vadd.f32 v43, v32;
	v36 =	vmul.f32 v43, v43;
	v43 =	vld [tilespmem:s17+$0xC9A0]  }
0x364: {  	v24 =	vadd.f32 v37, v24;
	v29 =	vadd.f32 v40, v29;
	v37 =	vmul.f32 v40, v40;
	v40 =	vld [tilespmem:s17+$0xC9B0]  }
0x365: {  	v23 =	vadd.f32 v39, v23;
	v31 =	vadd.f32 v44, v31;
	v39 =	vmul.f32 v44, v44;
	v44 =	vld [tilespmem:s17+$0xC9C0]  }
0x366: {  	v21 =	vadd.f32 v35, v21;
	v33 =	vadd.f32 v38, v33;
	v35 =	vmul.f32 v38, v38;
	v38 =	vld [tilespmem:s17+$0xC9D0]  }
0x367: {  	v28 =	vadd.f32 v41, v28;
	v30 =	vadd.f32 v42, v30;
	v41 =	vmul.f32 v42, v42;
	v42 =	vld [tilespmem:s17+$0xC9E0]  }
0x368: {  	v27 =	vadd.f32 v36, v27;
	v34 =	vadd.f32 v43, v34;
	v36 =	vmul.f32 v43, v43;
	v43 =	vld [tilespmem:s17+$0xCA00]  }
0x369: {  	v26 =	vadd.f32 v37, v26;
	v22 =	vadd.f32 v40, v22;
	v37 =	vmul.f32 v40, v40;
	v40 =	vld [tilespmem:s17+$0xCA10]  }
0x36a: {  	v25 =	vadd.f32 v39, v25;
	v32 =	vadd.f32 v44, v32;
	v39 =	vmul.f32 v44, v44;
	v44 =	vld [tilespmem:s17+$0xCA20]  }
0x36b: {  	v24 =	vadd.f32 v35, v24;
	v29 =	vadd.f32 v38, v29;
	v35 =	vmul.f32 v38, v38;
	v38 =	vld [tilespmem:s17+$0xCA30]  }
0x36c: {  	v23 =	vadd.f32 v41, v23;
	v31 =	vadd.f32 v42, v31;
	v41 =	vmul.f32 v42, v42;
	v42 =	vld [tilespmem:s17+$0xCA40]  }
0x36d: {  	v21 =	vadd.f32 v36, v21;
	v33 =	vadd.f32 v43, v33;
	v36 =	vmul.f32 v43, v43;
	v43 =	vld [tilespmem:s17+$0xCA50]  }
0x36e: {  	v28 =	vadd.f32 v37, v28;
	v30 =	vadd.f32 v40, v30;
	v37 =	vmul.f32 v40, v40;
	v40 =	vld [tilespmem:s17+$0xCA60]  }
0x36f: {  	v27 =	vadd.f32 v39, v27;
	v34 =	vadd.f32 v44, v34;
	v39 =	vmul.f32 v44, v44;
	v44 =	vld [tilespmem:s17+$0xCA80]  }
0x370: {  	v26 =	vadd.f32 v35, v26;
	v22 =	vadd.f32 v38, v22;
	v35 =	vmul.f32 v38, v38;
	v38 =	vld [tilespmem:s17+$0xCA90]  }
0x371: {  	v25 =	vadd.f32 v41, v25;
	v32 =	vadd.f32 v42, v32;
	v41 =	vmul.f32 v42, v42;
	v42 =	vld [tilespmem:s17+$0xCAA0]  }
0x372: {  	v24 =	vadd.f32 v36, v24;
	v29 =	vadd.f32 v43, v29;
	v36 =	vmul.f32 v43, v43;
	v43 =	vld [tilespmem:s17+$0xCAB0]  }
0x373: {  	v23 =	vadd.f32 v37, v23;
	v31 =	vadd.f32 v40, v31;
	v37 =	vmul.f32 v40, v40;
	v40 =	vld [tilespmem:s17+$0xCAC0]  }
0x374: {  	v21 =	vadd.f32 v39, v21;
	v33 =	vadd.f32 v44, v33;
	v39 =	vmul.f32 v44, v44;
	v44 =	vld [tilespmem:s17+$0xCAD0]  }
0x375: {  	v28 =	vadd.f32 v35, v28;
	v30 =	vadd.f32 v38, v30;
	v35 =	vmul.f32 v38, v38;
	v38 =	vld [tilespmem:s17+$0xCAE0]  }
0x376: {  	v27 =	vadd.f32 v41, v27;
	v34 =	vadd.f32 v42, v34;
	v41 =	vmul.f32 v42, v42;
	v42 =	vld [tilespmem:s16+$0xFFFFFF90]  }
0x377: {  	v26 =	vadd.f32 v36, v26;
	v22 =	vadd.f32 v43, v22;
	v36 =	vmul.f32 v43, v43;
	v43 =	vld [tilespmem:s16+$0xFFFFFFA0]  }
0x378: {  	v25 =	vadd.f32 v37, v25;
	v32 =	vadd.f32 v40, v32;
	v37 =	vmul.f32 v40, v40;
	v40 =	vld [tilespmem:s16+$0xFFFFFFB0]  }
0x379: {  	v33 =	vmul.f32 v33, v33;
	v29 =	vadd.f32 v44, v29;
	v44 =	vmul.f32 v44, v44;
	v45 =	vld [tilespmem:s16+$0xFFFFFFC0]  }
0x37a: {  	v30 =	vmul.f32 v30, v30;
	v31 =	vadd.f32 v38, v31;
	v38 =	vmul.f32 v38, v38;
	v46 =	vld [tilespmem:s16+$0xFFFFFFD0]  }
0x37b: {  	v24 =	vadd.f32 v39, v24;
	v34 =	vmul.f32 v34, v34;
	v39 =	vmul.f32 v22, v22;
	v47 =	vld [tilespmem:s16+$0xFFFFFFE0]  }
0x37c: {  	v23 =	vadd.f32 v35, v23;
	v32 =	vmul.f32 v32, v32;
	v29 =	vmul.f32 v29, v29;
	v22 =	vld [tilespmem:s16+$0xFFFFFFF0]  }
0x37d: {  	v21 =	vadd.f32 v41, v21;
	v28 =	vadd.f32 v36, v28;
	v31 =	vmul.f32 v31, v31  }
0x37e: {  	v27 =	vadd.f32 v37, v27;
	v26 =	vadd.f32 v44, v26  }
0x37f: {  	v24 =	vsub.f32 v33, v24;
	v25 =	vadd.f32 v38, v25  }
0x380: {  	v23 =	vsub.f32 v30, v23;
	v30 =	vsub.f32 v34, v21  }
.Ltmp1:
0x381: {  	v33 =	vsub.f32 v39, v28;
	v32 =	vsub.f32 v32, v27;
	(pc) =	sbr.rel @p0 .LBB2_5-.Ltmp1, $4  }
0x382: {  	v29 =	vsub.f32 v29, v26;
	v21 =	vsub.f32 v31, v25  }
0x383: {  	v28 =	vadd.f32 v42, v24;
	v27 =	vadd.f32 v43, v23  }
0x384: {  	v26 =	vadd.f32 v40, v30;
	v25 =	vadd.f32 v45, v33  }
0x385: {  	s17 =	sshra.s32 s19, $0x2;
	s19 =	sadd.s32 $0x2000, s19;
	v24 =	vadd.f32 v46, v32;
	v23 =	vadd.f32 v47, v29;
	v29 =	vmul.f32 v28, v28  }
0x386: {  	v30 =	vld [tilespmem:s17+$0xC370]  }
0x387: {  	v31 =	vld [tilespmem:s17+$0xC300]  }
0x388: {  	v34 =	vld [tilespmem:s17+$0xC3F0]  }
0x389: {  	v35 =	vld [tilespmem:s17+$0xC310]  }
0x38a: {  	v32 =	vadd.f32 v22, v21;
	v49 =	vld [tilespmem:s17+$0xC470]  }
0x38b: {  	v47 =	vmul.f32 v27, v27;
	v50 =	vld [tilespmem:s17+$0xC320];
	v14 =	vadd.f32 v28, v14;
	v13 =	vadd.f32 v27, v13  }
0x38c: {  	v33 =	vmul.f32 v26, v26;
	v52 =	vld [tilespmem:s17+$0xC4F0];
	v12 =	vadd.f32 v26, v12;
	v11 =	vadd.f32 v25, v11  }
0x38d: {  	v54 =	vld [tilespmem:s17+$0xC330];
	v6 =	vadd.f32 v6, v7;
	v22 =	vadd.f32 v29, v5;
	v5 =	vmul.f32 v25, v25  }
0x38e: {  	v38 =	vld [tilespmem:s17+$0xC570];
	v48 =	vmul.f32 v24, v24;
	v10 =	vadd.f32 v24, v10;
	v9 =	vadd.f32 v23, v9  }
0x38f: {  	v39 =	vld [tilespmem:s17+$0xC340];
	v36 =	vmul.f32 v23, v23;
	v21 =	vadd.f32 v47, v20;
	v20 =	vadd.f32 v33, v19  }
0x390: {  	v55 =	vld [tilespmem:s17+$0xC5F0];
	v37 =	vmul.f32 v32, v32;
	v8 =	vadd.f32 v32, v8;
	v19 =	vadd.f32 v5, v17  }
0x391: {  	v40 =	vld [tilespmem:s17+$0xC350];
	v17 =	vadd.f32 v48, v18;
	v16 =	vadd.f32 v36, v16  }
0x392: {  	v57 =	vld [tilespmem:s17+$0xC670];
	v5 =	vadd.f32 v37, v15;
	v51 =	vadd.f32 $0.0e+00, v30  }
0x393: {  	v41 =	vld [tilespmem:s17+$0xC360];
	v53 =	vadd.f32 $0.0e+00, v31;
	v31 =	vmul.f32 v31, v31;
	v30 =	vmul.f32 v30, v30  }
0x394: {  	v59 =	vld [tilespmem:s17+$0xC6F0];
	v28 =	vadd.f32 $0.0e+00, v35;
	v35 =	vmul.f32 v35, v35;
	v33 =	vmul.f32 v49, v49  }
0x395: {  	v42 =	vld [tilespmem:s17+$0xC380];
	v27 =	vadd.f32 $0.0e+00, v50;
	v29 =	vadd.f32 v34, v51;
	v34 =	vmul.f32 v34, v34  }
0x396: {  	v61 =	vld [tilespmem:s17+$0xC770];
	v18 =	vmul.f32 v50, v50;
	v56 =	vmul.f32 v52, v52;
	v26 =	vadd.f32 $0.0e+00, v54  }
0x397: {  	v43 =	vld [tilespmem:s17+$0xC390];
	v37 =	vmul.f32 v54, v54;
	v58 =	vmul.f32 v38, v38;
	v30 =	vadd.f32 v34, v30  }
0x398: {  	v63 =	vld [tilespmem:s17+$0xC7F0];
	v25 =	vadd.f32 $0.0e+00, v39;
	v39 =	vmul.f32 v39, v39;
	v29 =	vadd.f32 v49, v29  }
0x399: {  	v44 =	vld [tilespmem:s17+$0xC3A0];
	v60 =	vmul.f32 v55, v55;
	v24 =	vadd.f32 $0.0e+00, v40;
	v30 =	vadd.f32 v33, v30  }
0x39a: {  	v46 =	vld [tilespmem:s17+$0xC460];
	v23 =	vadd.f32 $0.0e+00, v41;
	v50 =	vmul.f32 v42, v42;
	v29 =	vadd.f32 v52, v29  }
0x39b: {  	v40 =	vmul.f32 v40, v40;
	v15 =	vadd.f32 v42, v53;
	v51 =	vld [tilespmem:s17+$0xC3B0];
	v30 =	vadd.f32 v56, v30  }
0x39c: {  	v54 =	vmul.f32 v43, v43;
	v53 =	vld [tilespmem:s17+$0xC8F0];
	v7 =	vadd.f32 v50, v31;
	v29 =	vadd.f32 v38, v29  }
0x39d: {  	v62 =	vmul.f32 v57, v57;
	v28 =	vadd.f32 v43, v28;
	v50 =	vld [tilespmem:s17+$0xC400];
	v30 =	vadd.f32 v58, v30  }
0x39e: {  	v41 =	vmul.f32 v41, v41;
	v31 =	vadd.f32 v54, v35;
	v54 =	vld [tilespmem:s17+$0xC410];
	v29 =	vadd.f32 v55, v29  }
0x39f: {  	v27 =	vadd.f32 v44, v27;
	v49 =	vld [tilespmem:s17+$0xC870];
	v58 =	vmul.f32 v44, v44;
	v30 =	vadd.f32 v60, v30  }
0x3a0: {  	v48 =	vmul.f32 v59, v59;
	v26 =	vadd.f32 v51, v26;
	v55 =	vld [tilespmem:s17+$0xC3C0];
	v29 =	vadd.f32 v57, v29  }
0x3a1: {  	v42 =	vmul.f32 v46, v46;
	v18 =	vadd.f32 v58, v18;
	v58 =	vld [tilespmem:s17+$0xC430];
	v30 =	vadd.f32 v62, v30  }
0x3a2: {  	v15 =	vadd.f32 v50, v15;
	v29 =	vadd.f32 v59, v29;
	v59 =	vld [tilespmem:s17+$0xC3D0];
	v62 =	vmul.f32 v51, v51  }
0x3a3: {  	v52 =	vmul.f32 v61, v61;
	v28 =	vadd.f32 v54, v28;
	v57 =	vld [tilespmem:s17+$0xC970];
	v30 =	vadd.f32 v48, v30  }
0x3a4: {  	v47 =	vmul.f32 v53, v53;
	v29 =	vadd.f32 v61, v29;
	v35 =	vadd.f32 v62, v37;
	v62 =	vld [tilespmem:s17+$0xC450]  }
0x3a5: {  	v56 =	vmul.f32 v63, v63;
	v25 =	vadd.f32 v55, v25;
	v30 =	vadd.f32 v52, v30  }
0x3a6: {  	v26 =	vadd.f32 v58, v26;
	v43 =	vmul.f32 v58, v58;
	v29 =	vadd.f32 v63, v29;
	v63 =	vld [tilespmem:s17+$0xC3E0]  }
0x3a7: {  	v60 =	vmul.f32 v49, v49;
	v61 =	vld [tilespmem:s17+$0xC9F0];
	v24 =	vadd.f32 v59, v24;
	v30 =	vadd.f32 v56, v30  }
0x3a8: {  	v35 =	vadd.f32 v43, v35;
	v29 =	vadd.f32 v49, v29;
	v49 =	vmul.f32 v55, v55;
	v56 =	vld [tilespmem:s17+$0xC420]  }
0x3a9: {  	v51 =	vmul.f32 v57, v57;
	v24 =	vadd.f32 v62, v24;
	v30 =	vadd.f32 v60, v30  }
0x3aa: {  	v48 =	vld [tilespmem:s17+$0xCA70];
	v29 =	vadd.f32 v53, v29;
	v32 =	vadd.f32 v49, v39;
	v53 =	vmul.f32 v59, v59  }
0x3ab: {  	v60 =	vld [tilespmem:s17+$0xC440];
	v49 =	vmul.f32 v54, v54;
	v23 =	vadd.f32 v63, v23;
	v30 =	vadd.f32 v47, v30  }
0x3ac: {  	v58 =	vld [tilespmem:s17+$0xC510];
	v55 =	vmul.f32 v61, v61;
	v29 =	vadd.f32 v57, v29;
	v37 =	vadd.f32 v53, v40  }
0x3ad: {  	v52 =	vld [tilespmem:s17+$0xCAF0];
	v57 =	vmul.f32 v63, v63;
	v31 =	vadd.f32 v49, v31;
	v27 =	vadd.f32 v56, v27  }
0x3ae: {  	v54 =	vmul.f32 v62, v62;
	v53 =	vld [tilespmem:s17+$0xC4C0];
	v23 =	vadd.f32 v46, v23;
	v30 =	vadd.f32 v51, v30  }
0x3af: {  	v38 =	vmul.f32 v56, v56;
	v56 =	vld [tilespmem:s17+$0xC4E0];
	v29 =	vadd.f32 v61, v29;
	v40 =	vadd.f32 v57, v41  }
0x3b0: {  	v61 =	vmul.f32 v50, v50;
	v50 =	vld [tilespmem:s17+$0xC490];
	v37 =	vadd.f32 v54, v37;
	v25 =	vadd.f32 v60, v25  }
0x3b1: {  	v51 =	vld [tilespmem:s17+$0xC4A0];
	v34 =	vmul.f32 v60, v60;
	v18 =	vadd.f32 v38, v18;
	v30 =	vadd.f32 v55, v30  }
0x3b2: {  	v59 =	vmul.f32 v48, v48;
	v57 =	vld [tilespmem:s17+$0xC500];
	v29 =	vadd.f32 v48, v29;
	v41 =	vadd.f32 v61, v7  }
0x3b3: {  	v63 =	vmul.f32 v52, v52;
	v48 =	vld [tilespmem:s17+$0xC480];
	v40 =	vadd.f32 v42, v40;
	v32 =	vadd.f32 v34, v32  }
0x3b4: {  	v55 =	vld [tilespmem:s17+$0xC4D0];
	v42 =	vmul.f32 v58, v58;
	v25 =	vadd.f32 v53, v25;
	v30 =	vadd.f32 v59, v30  }
0x3b5: {  	v61 =	vld [tilespmem:s17+$0xC540];
	v36 =	vmul.f32 v53, v53;
	v29 =	vadd.f32 v52, v29;
	v23 =	vadd.f32 v56, v23  }
0x3b6: {  	s16 =	sadd.s32 $0x80, s16;
	v52 =	vld [tilespmem:s17+$0xC4B0];
	v34 =	vmul.f32 v56, v56;
	v28 =	vadd.f32 v50, v28;
	v27 =	vadd.f32 v51, v27  }
0x3b7: {  	v45 =	vld [tilespmem:s16+$0x0];
	v39 =	vmul.f32 v50, v50;
	v32 =	vadd.f32 v36, v32;
	v47 =	vadd.f32 v63, v30  }
0x3b8: {  	v59 =	vld [tilespmem:s17+$0xC520];
	v38 =	vmul.f32 v57, v57;
	v34 =	vadd.f32 v34, v40;
	v15 =	vadd.f32 v48, v15  }
0x3b9: {  	v62 =	vld [tilespmem:s17+$0xC550];
	v29 =	vmul.f32 v29, v29;
	v24 =	vadd.f32 v55, v24;
	v31 =	vadd.f32 v39, v31  }
0x3ba: {  	v49 =	vld [tilespmem:s17+$0xC590];
	v30 =	vmul.f32 v48, v48;
	v28 =	vadd.f32 v58, v28;
	v25 =	vadd.f32 v61, v25  }
0x3bb: {  	v60 =	vld [tilespmem:s17+$0xC530];
	v43 =	vmul.f32 v55, v55;
	v7 =	vsub.f32 v29, v47;
	v26 =	vadd.f32 v52, v26  }
0x3bc: {  	v53 =	vld [tilespmem:s17+$0xC5D0];
	v39 =	vmul.f32 v61, v61;
	v30 =	vadd.f32 v30, v41;
	v15 =	vadd.f32 v57, v15  }
0x3bd: {  	v63 =	vld [tilespmem:s17+$0xC560];
	v29 =	vmul.f32 v51, v51;
	v27 =	vadd.f32 v59, v27;
	v37 =	vadd.f32 v43, v37  }
0x3be: {  	v50 =	vld [tilespmem:s17+$0xC5A0];
	v33 =	vmul.f32 v52, v52;
	v24 =	vadd.f32 v62, v24;
	v31 =	vadd.f32 v42, v31  }
0x3bf: {  	v56 =	vld [tilespmem:s17+$0xC610];
	v44 =	vmul.f32 v59, v59;
	v28 =	vadd.f32 v49, v28;
	v32 =	vadd.f32 v39, v32  }
0x3c0: {  	v48 =	vld [tilespmem:s17+$0xC580];
	v41 =	vmul.f32 v60, v60;
	v7 =	vadd.f32 v45, v7;
	v18 =	vadd.f32 v29, v18  }
0x3c1: {  	v55 =	vld [tilespmem:s17+$0xC600];
	v43 =	vmul.f32 v49, v49;
	v33 =	vadd.f32 v33, v35;
	v26 =	vadd.f32 v60, v26  }
0x3c2: {  	v51 =	vld [tilespmem:s17+$0xC5B0];
	v29 =	vmul.f32 v62, v62;
	v30 =	vadd.f32 v38, v30;
	v23 =	vadd.f32 v63, v23  }
0x3c3: {  	v54 =	vld [tilespmem:s17+$0xC5E0];
	v40 =	vmul.f32 v50, v50;
	v27 =	vadd.f32 v50, v27;
	v24 =	vadd.f32 v53, v24  }
0x3c4: {  	v52 =	vld [tilespmem:s17+$0xC5C0];
	v35 =	vmul.f32 v63, v63;
	v31 =	vadd.f32 v43, v31;
	v28 =	vadd.f32 v56, v28  }
0x3c5: {  	v58 =	vld [tilespmem:s17+$0xC630];
	v18 =	vadd.f32 v44, v18;
	v15 =	vadd.f32 v48, v15;
	v36 =	vmul.f32 v48, v48  }
0x3c6: {  	v57 =	vld [tilespmem:s17+$0xC620];
	v29 =	vadd.f32 v29, v37;
	v44 =	vmul.f32 v53, v53;
	v6 =	vadd.f32 v7, v6  }
0x3c7: {  	v61 =	vld [tilespmem:s17+$0xC660];
	v39 =	vmul.f32 v55, v55;
	v33 =	vadd.f32 v41, v33;
	v26 =	vadd.f32 v51, v26  }
0x3c8: {  	v59 =	vld [tilespmem:s17+$0xC640];
	v37 =	vmul.f32 v56, v56;
	v34 =	vadd.f32 v35, v34;
	v23 =	vadd.f32 v54, v23  }
0x3c9: {  	v49 =	vld [tilespmem:s17+$0xC6B0];
	v38 =	vmul.f32 v51, v51;
	v25 =	vadd.f32 v52, v25;
	v30 =	vadd.f32 v36, v30  }
0x3ca: {  	v62 =	vld [tilespmem:s17+$0xC680];
	v41 =	vmul.f32 v54, v54;
	v18 =	vadd.f32 v40, v18;
	v15 =	vadd.f32 v55, v15  }
0x3cb: {  	v60 =	vld [tilespmem:s17+$0xC650];
	v42 =	vmul.f32 v52, v52;
	v27 =	vadd.f32 v57, v27;
	v29 =	vadd.f32 v44, v29  }
0x3cc: {  	v63 =	vld [tilespmem:s17+$0xC690];
	v35 =	vmul.f32 v57, v57;
	v31 =	vadd.f32 v37, v31;
	v33 =	vadd.f32 v38, v33  }
0x3cd: {  	v48 =	vld [tilespmem:s17+$0xC6A0];
	v36 =	vmul.f32 v58, v58;
	v26 =	vadd.f32 v58, v26;
	v34 =	vadd.f32 v41, v34  }
0x3ce: {  	v50 =	vld [tilespmem:s17+$0xC6C0];
	v43 =	vmul.f32 v59, v59;
	v23 =	vadd.f32 v61, v23;
	v32 =	vadd.f32 v42, v32  }
0x3cf: {  	v53 =	vld [tilespmem:s17+$0xC700];
	v38 =	vmul.f32 v61, v61;
	v25 =	vadd.f32 v59, v25;
	v30 =	vadd.f32 v39, v30  }
0x3d0: {  	v56 =	vld [tilespmem:s17+$0xC730];
	v24 =	vadd.f32 v60, v24;
	v40 =	vmul.f32 v60, v60;
	v18 =	vadd.f32 v35, v18  }
0x3d1: {  	v51 =	vld [tilespmem:s17+$0xC6D0];
	v15 =	vadd.f32 v62, v15;
	v42 =	vmul.f32 v62, v62;
	v28 =	vadd.f32 v63, v28  }
0x3d2: {  	v54 =	vld [tilespmem:s17+$0xC710];
	v44 =	vmul.f32 v63, v63;
	v33 =	vadd.f32 v36, v33;
	v27 =	vadd.f32 v48, v27  }
0x3d3: {  	v52 =	vld [tilespmem:s17+$0xC6E0];
	v39 =	vmul.f32 v49, v49;
	v26 =	vadd.f32 v49, v26;
	v34 =	vadd.f32 v38, v34  }
0x3d4: {  	v55 =	vld [tilespmem:s17+$0xC720];
	v37 =	vmul.f32 v50, v50;
	v32 =	vadd.f32 v43, v32;
	v29 =	vadd.f32 v40, v29  }
0x3d5: {  	v41 =	vmul.f32 v48, v48;
	v25 =	vadd.f32 v50, v25;
	v30 =	vadd.f32 v42, v30  }
0x3d6: {  	v57 =	vld [tilespmem:s17+$0xC740];
	v24 =	vadd.f32 v51, v24;
	v35 =	vmul.f32 v51, v51;
	v31 =	vadd.f32 v44, v31  }
0x3d7: {  	v58 =	vld [tilespmem:s17+$0xC750];
	v15 =	vadd.f32 v53, v15;
	v43 =	vmul.f32 v53, v53;
	v28 =	vadd.f32 v54, v28  }
0x3d8: {  	v61 =	vld [tilespmem:s17+$0xC790];
	v40 =	vmul.f32 v54, v54;
	v23 =	vadd.f32 v52, v23;
	v18 =	vadd.f32 v41, v18  }
0x3d9: {  	v59 =	vld [tilespmem:s17+$0xC760];
	v42 =	vmul.f32 v56, v56;
	v33 =	vadd.f32 v39, v33;
	v27 =	vadd.f32 v55, v27  }
0x3da: {  	v60 =	vld [tilespmem:s17+$0xC780];
	v36 =	vmul.f32 v52, v52;
	v26 =	vadd.f32 v56, v26;
	v32 =	vadd.f32 v37, v32  }
0x3db: {  	v62 =	vld [tilespmem:s17+$0xC7A0];
	v38 =	vmul.f32 v55, v55;
	v29 =	vadd.f32 v35, v29;
	v25 =	vadd.f32 v57, v25  }
0x3dc: {  	v63 =	vld [tilespmem:s17+$0xC7B0];
	v44 =	vmul.f32 v57, v57;
	v30 =	vadd.f32 v43, v30;
	v24 =	vadd.f32 v58, v24  }
0x3dd: {  	v48 =	vld [tilespmem:s17+$0xC7C0];
	v41 =	vmul.f32 v58, v58;
	v31 =	vadd.f32 v40, v31;
	v28 =	vadd.f32 v61, v28  }
0x3de: {  	v49 =	vld [tilespmem:s17+$0xC7D0];
	v35 =	vmul.f32 v61, v61;
	v34 =	vadd.f32 v36, v34;
	v23 =	vadd.f32 v59, v23  }
0x3df: {  	v50 =	vld [tilespmem:s17+$0xC7E0];
	v39 =	vmul.f32 v59, v59;
	v18 =	vadd.f32 v38, v18;
	v15 =	vadd.f32 v60, v15  }
0x3e0: {  	v51 =	vld [tilespmem:s17+$0xC800];
	v37 =	vmul.f32 v60, v60;
	v33 =	vadd.f32 v42, v33;
	v27 =	vadd.f32 v62, v27  }
0x3e1: {  	v53 =	vld [tilespmem:s17+$0xC820];
	v36 =	vmul.f32 v62, v62;
	v26 =	vadd.f32 v63, v26;
	v32 =	vadd.f32 v44, v32  }
0x3e2: {  	v54 =	vld [tilespmem:s17+$0xC830];
	v43 =	vmul.f32 v63, v63;
	v29 =	vadd.f32 v41, v29;
	v25 =	vadd.f32 v48, v25  }
0x3e3: {  	v52 =	vld [tilespmem:s17+$0xC810];
	v40 =	vmul.f32 v48, v48;
	v24 =	vadd.f32 v49, v24;
	v31 =	vadd.f32 v35, v31  }
0x3e4: {  	v55 =	vld [tilespmem:s17+$0xC840];
	v38 =	vmul.f32 v49, v49;
	v34 =	vadd.f32 v39, v34;
	v30 =	vadd.f32 v37, v30  }
0x3e5: {  	v56 =	vld [tilespmem:s17+$0xC850];
	v23 =	vadd.f32 v50, v23;
	v42 =	vmul.f32 v50, v50;
	v18 =	vadd.f32 v36, v18  }
0x3e6: {  	v57 =	vld [tilespmem:s17+$0xC860];
	v15 =	vadd.f32 v51, v15;
	v44 =	vmul.f32 v51, v51;
	v33 =	vadd.f32 v43, v33  }
0x3e7: {  	v58 =	vld [tilespmem:s17+$0xC880];
	v27 =	vadd.f32 v53, v27;
	v39 =	vmul.f32 v53, v53;
	v26 =	vadd.f32 v54, v26  }
0x3e8: {  	v61 =	vld [tilespmem:s17+$0xC8B0];
	v37 =	vmul.f32 v54, v54;
	v28 =	vadd.f32 v52, v28;
	v32 =	vadd.f32 v40, v32  }
0x3e9: {  	v59 =	vld [tilespmem:s17+$0xC890];
	v41 =	vmul.f32 v52, v52;
	v29 =	vadd.f32 v38, v29;
	v25 =	vadd.f32 v55, v25  }
0x3ea: {  	v60 =	vld [tilespmem:s17+$0xC8A0];
	v35 =	vmul.f32 v55, v55;
	v24 =	vadd.f32 v56, v24;
	v34 =	vadd.f32 v42, v34  }
0x3eb: {  	v62 =	vld [tilespmem:s17+$0xC8C0];
	v36 =	vmul.f32 v56, v56;
	v30 =	vadd.f32 v44, v30;
	v23 =	vadd.f32 v57, v23  }
0x3ec: {  	v63 =	vld [tilespmem:s17+$0xC8D0];
	v43 =	vmul.f32 v57, v57;
	v18 =	vadd.f32 v39, v18;
	v15 =	vadd.f32 v58, v15  }
0x3ed: {  	v48 =	vld [tilespmem:s17+$0xC8E0];
	v40 =	vmul.f32 v58, v58;
	v33 =	vadd.f32 v37, v33;
	v26 =	vadd.f32 v61, v26  }
0x3ee: {  	v49 =	vld [tilespmem:s17+$0xC900];
	v44 =	vmul.f32 v61, v61;
	v31 =	vadd.f32 v41, v31;
	v28 =	vadd.f32 v59, v28  }
0x3ef: {  	v50 =	vld [tilespmem:s17+$0xC910];
	v38 =	vmul.f32 v59, v59;
	v32 =	vadd.f32 v35, v32;
	v27 =	vadd.f32 v60, v27  }
0x3f0: {  	v51 =	vld [tilespmem:s17+$0xC920];
	v42 =	vmul.f32 v60, v60;
	v29 =	vadd.f32 v36, v29;
	v25 =	vadd.f32 v62, v25  }
0x3f1: {  	v53 =	vld [tilespmem:s17+$0xC940];
	v41 =	vmul.f32 v62, v62;
	v24 =	vadd.f32 v63, v24;
	v34 =	vadd.f32 v43, v34  }
0x3f2: {  	v54 =	vld [tilespmem:s17+$0xC950];
	v39 =	vmul.f32 v63, v63;
	v30 =	vadd.f32 v40, v30;
	v23 =	vadd.f32 v48, v23  }
0x3f3: {  	v52 =	vld [tilespmem:s17+$0xC930];
	v37 =	vmul.f32 v48, v48;
	v15 =	vadd.f32 v49, v15;
	v33 =	vadd.f32 v44, v33  }
0x3f4: {  	v55 =	vld [tilespmem:s17+$0xC960];
	v35 =	vmul.f32 v49, v49;
	v31 =	vadd.f32 v38, v31;
	v18 =	vadd.f32 v42, v18  }
0x3f5: {  	v56 =	vld [tilespmem:s17+$0xC980];
	v28 =	vadd.f32 v50, v28;
	v36 =	vmul.f32 v50, v50;
	v32 =	vadd.f32 v41, v32  }
0x3f6: {  	v57 =	vld [tilespmem:s17+$0xC990];
	v27 =	vadd.f32 v51, v27;
	v43 =	vmul.f32 v51, v51;
	v29 =	vadd.f32 v39, v29  }
0x3f7: {  	v58 =	vld [tilespmem:s17+$0xC9A0];
	v25 =	vadd.f32 v53, v25;
	v38 =	vmul.f32 v53, v53;
	v24 =	vadd.f32 v54, v24  }
0x3f8: {  	v61 =	vld [tilespmem:s17+$0xC9D0];
	v42 =	vmul.f32 v54, v54;
	v26 =	vadd.f32 v52, v26;
	v34 =	vadd.f32 v37, v34  }
0x3f9: {  	v59 =	vld [tilespmem:s17+$0xC9B0];
	v40 =	vmul.f32 v52, v52;
	v30 =	vadd.f32 v35, v30;
	v23 =	vadd.f32 v55, v23  }
0x3fa: {  	v60 =	vld [tilespmem:s17+$0xC9C0];
	v44 =	vmul.f32 v55, v55;
	v15 =	vadd.f32 v56, v15;
	v31 =	vadd.f32 v36, v31  }
0x3fb: {  	v62 =	vld [tilespmem:s17+$0xC9E0];
	v41 =	vmul.f32 v56, v56;
	v18 =	vadd.f32 v43, v18;
	v28 =	vadd.f32 v57, v28  }
0x3fc: {  	v63 =	vld [tilespmem:s17+$0xCA00];
	v39 =	vmul.f32 v57, v57;
	v32 =	vadd.f32 v38, v32;
	v27 =	vadd.f32 v58, v27  }
0x3fd: {  	v48 =	vld [tilespmem:s17+$0xCA10];
	v37 =	vmul.f32 v58, v58;
	v29 =	vadd.f32 v42, v29;
	v24 =	vadd.f32 v61, v24  }
0x3fe: {  	v49 =	vld [tilespmem:s17+$0xCA20];
	v43 =	vmul.f32 v61, v61;
	v33 =	vadd.f32 v40, v33;
	v26 =	vadd.f32 v59, v26  }
0x3ff: {  	v50 =	vld [tilespmem:s17+$0xCA30];
	v35 =	vmul.f32 v59, v59;
	v34 =	vadd.f32 v44, v34;
	v25 =	vadd.f32 v60, v25  }
0x400: {  	v51 =	vld [tilespmem:s17+$0xCA40];
	v36 =	vmul.f32 v60, v60;
	v30 =	vadd.f32 v41, v30;
	v23 =	vadd.f32 v62, v23  }
0x401: {  	v53 =	vld [tilespmem:s17+$0xCA60];
	v40 =	vmul.f32 v62, v62;
	v15 =	vadd.f32 v63, v15;
	v31 =	vadd.f32 v39, v31  }
0x402: {  	v54 =	vld [tilespmem:s17+$0xCA80];
	v38 =	vmul.f32 v63, v63;
	v18 =	vadd.f32 v37, v18;
	v28 =	vadd.f32 v48, v28  }
0x403: {  	v52 =	vld [tilespmem:s17+$0xCA50];
	v42 =	vmul.f32 v48, v48;
	v27 =	vadd.f32 v49, v27;
	v29 =	vadd.f32 v43, v29  }
0x404: {  	v55 =	vld [tilespmem:s17+$0xCA90];
	v44 =	vmul.f32 v49, v49;
	v33 =	vadd.f32 v35, v33;
	v32 =	vadd.f32 v36, v32  }
0x405: {  	v56 =	vld [tilespmem:s17+$0xCAA0];
	v26 =	vadd.f32 v50, v26;
	v41 =	vmul.f32 v50, v50;
	v34 =	vadd.f32 v40, v34  }
0x406: {  	v57 =	vld [tilespmem:s17+$0xCAB0];
	v25 =	vadd.f32 v51, v25;
	v39 =	vmul.f32 v51, v51;
	v30 =	vadd.f32 v38, v30  }
0x407: {  	v58 =	vld [tilespmem:s17+$0xCAC0];
	v23 =	vadd.f32 v53, v23;
	v35 =	vmul.f32 v53, v53;
	v15 =	vadd.f32 v54, v15  }
0x408: {  	v36 =	vmul.f32 v54, v54;
	v24 =	vadd.f32 v52, v24;
	v31 =	vadd.f32 v42, v31  }
0x409: {  	v59 =	vld [tilespmem:s17+$0xCAD0];
	v37 =	vmul.f32 v52, v52;
	v18 =	vadd.f32 v44, v18;
	v28 =	vadd.f32 v55, v28  }
0x40a: {  	v60 =	vld [tilespmem:s17+$0xCAE0];
	v43 =	vmul.f32 v55, v55;
	v27 =	vadd.f32 v56, v27;
	v33 =	vadd.f32 v41, v33  }
0x40b: {  	v61 =	vmul.f32 v56, v56;
	v32 =	vadd.f32 v39, v32;
	v26 =	vadd.f32 v57, v26  }
0x40c: {  	v62 =	vmul.f32 v57, v57;
	v34 =	vadd.f32 v35, v34;
	v25 =	vadd.f32 v58, v25  }
0x40d: {  	v63 =	vmul.f32 v58, v58;
	v15 =	vmul.f32 v15, v15;
	v30 =	vadd.f32 v36, v30  }
0x40e: {  	v29 =	vadd.f32 v37, v29;
	v24 =	vadd.f32 v59, v24;
	v44 =	vmul.f32 v59, v59  }
0x40f: {  	v46 =	vld [tilespmem:s16+$0xFFFFFFA0];
	v23 =	vadd.f32 v60, v23;
	v41 =	vmul.f32 v60, v60;
	v28 =	vmul.f32 v28, v28  }
0x410: {  	v45 =	vld [tilespmem:s16+$0xFFFFFF90];
	v27 =	vmul.f32 v27, v27;
	v31 =	vadd.f32 v43, v31;
	v18 =	vadd.f32 v61, v18  }
0x411: {  	v47 =	vld [tilespmem:s16+$0xFFFFFFB0];
	v26 =	vmul.f32 v26, v26;
	v33 =	vadd.f32 v62, v33;
	v32 =	vadd.f32 v63, v32  }
0x412: {  	v48 =	vld [tilespmem:s16+$0xFFFFFFC0];
	v25 =	vmul.f32 v25, v25;
	v15 =	vsub.f32 v15, v30;
	v29 =	vadd.f32 v44, v29  }
0x413: {  	v49 =	vld [tilespmem:s16+$0xFFFFFFD0];
	v34 =	vadd.f32 v41, v34;
	v24 =	vmul.f32 v24, v24;
	v28 =	vsub.f32 v28, v31  }
0x414: {  	v50 =	vld [tilespmem:s16+$0xFFFFFFE0];
	v23 =	vmul.f32 v23, v23;
	v18 =	vsub.f32 v27, v18;
	v26 =	vsub.f32 v26, v33  }
0x415: {  	v51 =	vld [tilespmem:s16+$0xFFFFFFF0];
	v25 =	vsub.f32 v25, v32;
	v15 =	vadd.f32 v45, v15  }
0x416: {  	v24 =	vsub.f32 v24, v29;
	v23 =	vsub.f32 v23, v34  }
0x417: {  	v28 =	vadd.f32 v46, v28;
	v18 =	vadd.f32 v47, v18  }
0x418: {  	v52 =	vmul.f32 v7, v7;
	v26 =	vadd.f32 v48, v26;
	v14 =	vadd.f32 v15, v14  }
0x419: {  	v53 =	vmul.f32 v15, v15;
	v54 =	vadd.f32 v49, v25;
	v24 =	vadd.f32 v50, v24  }
0x41a: {  	s22 =	sshll.u32 s1, $0x7;
	v55 =	vmul.f32 v28, v28;
	v13 =	vadd.f32 v28, v13;
	v23 =	vadd.f32 v51, v23  }
0x41b: {  	v56 =	vld [tilespmem:s22+$0x2300];
	v58 =	vmul.f32 v18, v18;
	v12 =	vadd.f32 v18, v12;
	v22 =	vadd.f32 v53, v22  }
0x41c: {  	v57 =	vld [tilespmem:s22+$0x3300];
	v14 =	vmul.f32 v14, v14;
	v59 =	vmul.f32 v26, v26;
	v11 =	vadd.f32 v26, v11  }
0x41d: {  	v60 =	vld [tilespmem:s22+$0x2310];
	v61 =	vmul.f32 v54, v54;
	v10 =	vadd.f32 v54, v10;
	v21 =	vadd.f32 v55, v21  }
0x41e: {  	v62 =	vld [tilespmem:s22+$0x3310];
	v13 =	vmul.f32 v13, v13;
	v20 =	vadd.f32 v58, v20;
	v14 =	vsub.f32 v14, v22  }
0x41f: {  	v30 =	vld [tilespmem:s22+$0x2320];
	v63 =	vmul.f32 v24, v24;
	v12 =	vmul.f32 v12, v12;
	v9 =	vadd.f32 v24, v9  }
0x420: {  	v33 =	vld [tilespmem:s22+$0x3320];
	v37 =	vmul.f32 v23, v23;
	v13 =	vsub.f32 v13, v21;
	v14 =	vadd.f32 v56, v14  }
0x421: {  	v34 =	vld [tilespmem:s22+$0x2330];
	v8 =	vadd.f32 v23, v8;
	v19 =	vadd.f32 v59, v19;
	v11 =	vmul.f32 v11, v11  }
0x422: {  	v35 =	vld [tilespmem:s22+$0x3330];
	v12 =	vsub.f32 v12, v20;
	v13 =	vadd.f32 v60, v13;
	v14 =	vmul.f32 v57, v14  }
0x423: {  	v36 =	vld [tilespmem:s22+$0x2340];
	v17 =	vadd.f32 v61, v17;
	v10 =	vmul.f32 v10, v10;
	v11 =	vsub.f32 v11, v19  }
0x424: {  	v38 =	vld [tilespmem:s22+$0x3340];
	v12 =	vadd.f32 v30, v12;
	v13 =	vmul.f32 v62, v13;
	v14 =	vadd.f32 $0.0e+00, v14  }
0x425: {  	v39 =	vld [tilespmem:s22+$0x2350];
	v16 =	vadd.f32 v63, v16;
	v9 =	vmul.f32 v9, v9;
	v10 =	vsub.f32 v10, v17  }
0x426: {  	v40 =	vld [tilespmem:s22+$0x3350];
	v11 =	vadd.f32 v34, v11;
	v12 =	vmul.f32 v33, v12;
	v13 =	vadd.f32 v13, v14  }
0x427: {  	v41 =	vld [tilespmem:s22+$0x2360];
	v5 =	vadd.f32 v37, v5;
	v8 =	vmul.f32 v8, v8;
	v42 =	vsub.f32 v9, v16  }
0x428: {  	v43 =	vld [tilespmem:s22+$0x3360];
	v10 =	vadd.f32 v36, v10;
	v11 =	vmul.f32 v35, v11;
	v12 =	vadd.f32 v12, v13  }
0x429: {  	v6 =	vmul.f32 v6, v6;
	v4 =	vadd.f32 v52, v4;
	v44 =	vld [tilespmem:s22+$0x2370];
	v5 =	vsub.f32 v8, v5  }
0x42a: {  	v7 =	vadd.f32 v39, v42;
	v10 =	vmul.f32 v38, v10;
	v11 =	vadd.f32 v11, v12  }
0x42b: {  	v4 =	vsub.f32 v6, v4;
	v46 =	vld [tilespmem:s22+$0x3370]  }
0x42c: {  	v5 =	vadd.f32 v41, v5;
	v7 =	vmul.f32 v40, v7;
	v45 =	vadd.f32 v10, v11;
	_ =	sdelay $0x1  }
0x42d: {  	v4 =	vadd.f32 v44, v4;
	v5 =	vmul.f32 v43, v5;
	v47 =	vadd.f32 v7, v45;
	_ =	sdelay $0x1  }
0x42e: {  	v4 =	vmul.f32 v46, v4;
	v5 =	vadd.f32 v5, v47;
	_ =	sdelay $0x1  }
0x42f: {  	v4 =	vadd.f32 v4, v5;
	_ =	sdelay $0x1  }
0x430: {  	[tilespmem:$0x15380] =	vst v4  }
0x431: {  	v5 =	vld.idx.msk [tilespmem:v0+s29+$0x0], $0xffff;
	_ =	sdelay $0x4  }
0x432: {  	v4 =	vadd.f32 v5, v4;
	_ =	sdelay $0x1  }
0x433: {  	[tilespmem:$0x15380] =	vst v4  }
0x434: {  	v48 =	vmul.f32 v57, v57;
	v49 =	vmul.f32 v62, v62;
	v5 =	vld.idx.msk [tilespmem:v1+s29+$0x0], $0xffff;
	_ =	sdelay $0x1  }
0x435: {  	v6 =	vadd.f32 v49, v48;
	v50 =	vmul.f32 v33, v33;
	_ =	sdelay $0x1  }
0x436: {  	v51 =	vmul.f32 v35, v35;
	v6 =	vadd.f32 v50, v6  }
0x437: {  	v4 =	vadd.f32 v5, v4  }
0x438: {  	v52 =	vmul.f32 v38, v38;
	v5 =	vadd.f32 v51, v6  }
0x439: {  	[tilespmem:$0x15380] =	vst v4  }
0x43a: {  	v54 =	vmul.f32 v40, v40;
	v5 =	vadd.f32 v52, v5;
	v53 =	vld.idx.msk [tilespmem:v2+s29+$0x0], $0xffff;
	_ =	sdelay $0x1  }
0x43b: {  	v55 =	vmul.f32 v43, v43;
	v5 =	vadd.f32 v54, v5;
	_ =	sdelay $0x1  }
0x43c: {  	v56 =	vmul.f32 v46, v46;
	v5 =	vadd.f32 v55, v5  }
0x43d: {  	v4 =	vadd.f32 v53, v4  }
0x43e: {  	v5 =	vadd.f32 v56, v5  }
0x43f: {  	[tilespmem:$0x15380] =	vst v4  }
0x440: {  	v57 =	vld.idx.msk [tilespmem:v3+s29+$0x0], $0xffff;
	[tilespmem:$0x15380] =	vst v5  }
0x441: {  	v58 =	vld.idx.msk [tilespmem:v0+s29+$0x0], $0xffff;
	_ =	sdelay $0x4  }
0x442: {  	v5 =	vadd.f32 v58, v5;
	_ =	sdelay $0x1  }
0x443: {  	[tilespmem:$0x15380] =	vst v5  }
0x444: {  	v59 =	vld.idx.msk [tilespmem:v1+s29+$0x0], $0xffff;
	_ =	sdelay $0x4  }
0x445: {  	v5 =	vadd.f32 v59, v5;
	_ =	sdelay $0x1  }
0x446: {  	[tilespmem:$0x15380] =	vst v5  }
0x447: {  	v60 =	vld.idx.msk [tilespmem:v2+s29+$0x0], $0xffff;
	_ =	sdelay $0x4  }
0x448: {  	v5 =	vadd.f32 v60, v5;
	_ =	sdelay $0x1  }
0x449: {  	[tilespmem:$0x15380] =	vst v5  }
0x44a: {  	v61 =	vld.idx.msk [tilespmem:v3+s29+$0x0], $0xffff;
	_ =	sdelay $0x4  }
0x44b: {  	v5 =	vadd.f32 v61, v5;
	_ =	sdelay $0x1  }
0x44c: {  	v5 =	vmax.f32 v5, $1.000000000e-30  }
0x44d: {  	v62 =	vshrl.u32 v5, $0x1;
	v5 =	vmul.f32 $5.000000000e-01, v5  }
0x44e: {  	v7 =	vsub.s32 $0x5F3759DF, v62  }
0x44f: {  	v63 =	vmul.f32 v7, v5;
	_ =	sdelay $0x1  }
0x450: {  	v8 =	vmul.f32 v7, v63;
	_ =	sdelay $0x1  }
0x451: {  	v8 =	vsub.f32 $1.500000000e+00, v8;
	_ =	sdelay $0x1  }
0x452: {  	v7 =	vmul.f32 v7, v8;
	_ =	sdelay $0x1  }
0x453: {  	v8 =	vmul.f32 v7, v5;
	_ =	sdelay $0x1  }
0x454: {  	v8 =	vmul.f32 v8, v7;
	_ =	sdelay $0x1  }
0x455: {  	v8 =	vsub.f32 $1.500000000e+00, v8;
	_ =	sdelay $0x1  }
0x456: {  	v7 =	vmul.f32 v8, v7;
	_ =	sdelay $0x1  }
0x457: {  	v5 =	vmul.f32 v7, v5;
	_ =	sdelay $0x1  }
0x458: {  	v5 =	vmul.f32 v5, v7;
	_ =	sdelay $0x1  }
0x459: {  	v5 =	vsub.f32 $1.500000000e+00, v5;
	_ =	sdelay $0x1  }
0x45a: {  	v5 =	vmul.f32 v5, v7  }
0x45b: {  	v4 =	vadd.f32 v57, v4  }
0x45c: {  	v5 =	vmin.f32 v5, $1.000000000e+00  }
0x45d: {  	v4 =	vmul.f32 v5, v4;
	_ =	sdelay $0x1  }
0x45e: {  	v4 =	vsub.f32 $0.0e+00, v4;
	_ =	sdelay $0x1  }
0x45f: {  	v4 =	vmul.f32 $1.442695020e+00, v4;
	_ =	sdelay $0x1  }
0x460: {  	(erf) = vpow2.f32 v4;
	_ =	sdelay $0x8  }
0x461: {  	v4 =	vpop (erf)  }
0x462: {  	v4 =	vadd.f32 $1.000000000e+00, v4;
	_ =	sdelay $0x1  }
0x463: {  	(erf) = vrcp.f32 v4;
	_ =	sdelay $0x3  }
0x464: {  	s2 =	sadd.s32 $0x1, s2  }
0x465: {  	p0 =	sne.s32 s2, $0x10;
	v4 =	vmov s1  }
.Ltmp2:
0x466: {  	_ = 	snop;
	(pc) =	sbr.rel @p0 .LBB2_2-.Ltmp2, $3  }
0x467: {  	_ =	sdelay $0x1  }
0x468: {  	v5 =	vpop (erf)  }
0x469: {  	[tilespmem:v4+s30+$0x0] =	vst.idx.msk $0x1, v5  }
0x46a: {  	s0 =	sadd.s32 $0x1, s0  }
0x46b: {  	p0 =	sne.s32 s0, s10  }
.Ltmp3:
0x46c: {  	_ = 	snop;
	(pc) =	sbr.rel @p0 .LBB2_1-.Ltmp3, $4  }
0x46d: {  	[hbm4b:s9+s3] =	stream.linear.scatter [tilespmem:s30], [sflag:$0x4], $0x20, $0x38;
	[tilespmem:$0x15400] =	vst v63  }
0x46e: {  	_ =	swait.ge [sflag:s11], $0x20  }
0x46f: {  	[sflag:s11] =	ssyncset.done $0x0  }
0x470: {  	[sflag:s11] =	ssyncadd.s32 $0xFFFFFFE0  }
0x471: {  	_ =	sfence.sel $0x180000  }
0x472: {  	[bflag:$0x0] =	sbarrier.arrive $0xFFFF  }
0x473: {  	_ =	strace $0x90000047  }
0x474: {  	s0 =	stileid.u32;
	[bflag:$0x2] =	sbarrier.arrive $0xFFFF  }
0x475: {  	p0 =	sne.s32 s0, $0x0;
	s0 =	rddreg [dreg:$0x5]  }
0x476: {  	s0 =	sadd.s32 @!p0 $0x100000, s0  }
0x477: {  	[sflag:s0] =	ssyncadd.tile.s32 @!p0 $0x1;
	_ =	shalt  }
.Lfunc_end2:
_tile_overlayer_lowered:
.L_overlay_start_2:
0x478: {  	(tag) =	ssettag $0x2  }
0x479: {  	s0 =	rddreg [dreg:$0x0];
	s2 =	stileid.u32  }
0x47a: {  	s1 =	rddreg [dreg:$0x1];
	p0 =	sne.s32 s2, $0x0  }
0x47b: {  	s3 =	rddreg [dreg:$0x2];
	[bflag:$0x3] =	sbarrier.arrive $0xFFFF;
	s2 =	simm.s32 @!p0 $0x1C04  }
0x47c: {  	[timem:s3], [sflag:s2] =	dma.local @!p0 [hbm:s0], s1  }
0x47d: {  	s0 =	simm.s32 @!p0 $0x4  }
0x47e: {  	_ =	swait.ge @!p0 [sflag:s0], s1  }
0x47f: {  	s1 =	ssub.s32 @!p0 $0x0, s1;
	[sflag:s0] =	ssyncset.done @!p0 $0x0  }
0x480: {  	[sflag:s0] =	ssyncadd.s32 @!p0 s1  }
0x481: {  	[bflag:$0x3] =	sbarrier.arrive $0xFFFF  }
0x482: {  	_ =	shalt  }

</sc_bundles>
